<compile_context>
chip_gen: v7x
topology: tpu7x:2x2x1
jax: 0.10.2.dev20260603
libtpu: 0.0.44.dev20260713+nightly
codegen_flags: <defaults>
</compile_context>

<pallas_src>
import jax
import jax.numpy as jnp
import numpy as np
from jax import lax
from jax.experimental import pallas as pl
from jax.experimental.pallas import tpu as pltpu
from jax.experimental.pallas import tpu_sc as plsc

H, W, K, N_ITERS = 224, 224, 64, 5
NC = 2
NS = 16
ROWS_PER = H // (NC * NS)
ACC = 2 * K * 16

_MAGIC = np.int32(0x5F3759DF)


def _rsqrt(x):
    i = plsc.bitcast(x, jnp.int32)
    y = plsc.bitcast(_MAGIC - (i >> 1), jnp.float32)
    for _ in range(2):
        y = y * (jnp.float32(1.5) - jnp.float32(0.5) * x * y * y)
    return y


def _bcast(v, j):
    return v.at[jnp.full((16,), j, jnp.int32)].get(mode="promise_in_bounds")


def _body(cl_hbm, hm_hbm, out_hbm, part_hbm, flag_hbm,
          hm_v, cl_v, acc_v, big_v, ncl_v, fl_v, both_v, stage_s, ncl_s, sem):
    cid = lax.axis_index("c")
    sid = lax.axis_index("s")
    tid = cid * NS + sid
    lane = lax.iota(jnp.int32, 16)

    @pl.when(sid == 0)
    def _():
        fl_v[...] = jnp.zeros((16,), jnp.int32)
        pltpu.sync_copy(fl_v, flag_hbm.at[cid])

    pltpu.sync_copy(hm_hbm.at[pl.ds(tid * (ROWS_PER * W), ROWS_PER * W)],
                    hm_v)

    pltpu.sync_copy(cl_hbm, ncl_v)
    for g in range(4):
        idx = (lane + 16 * g) * 2
        cl_v[pl.ds(16 * g, 16)] = plsc.load_gather(ncl_v, [idx])
        cl_v[pl.ds(K + 16 * g, 16)] = plsc.load_gather(ncl_v, [idx + 1])

    def iteration(it, carry):
        def zero_body(j, c):
            acc_v[pl.ds(j * 16, 16)] = jnp.zeros((16,), jnp.float32)
            return c
        lax.fori_loop(0, ACC // 16, zero_body, 0)

        crow = [cl_v[pl.ds(16 * g, 16)] for g in range(4)]
        ccol = [cl_v[pl.ds(K + 16 * g, 16)] for g in range(4)]

        NB = 7

        def row_body(r, c):
            rf = (tid * ROWS_PER + r).astype(jnp.float32)
            rvec = jnp.full((16,), rf, jnp.float32)
            a2 = [(rvec - crow[g]) * (rvec - crow[g]) for g in range(4)]

            for blk in range(2):
                ccs = [((blk * NB + i) * 16 + lane).astype(jnp.float32)
                       for i in range(NB)]
                best = [jnp.full((16,), jnp.inf, jnp.float32)
                        for _ in range(NB)]
                bk = [jnp.zeros((16,), jnp.int32) for _ in range(NB)]
                for g in range(4):
                    def jbody(j, carry2, g=g):
                        b = list(carry2[:NB])
                        kk = list(carry2[NB:])
                        a2b = _bcast(a2[g], j)
                        ccb = _bcast(ccol[g], j)
                        kv = jnp.full((16,), j + 16 * g, jnp.int32)
                        for i in range(NB):
                            dc = ccs[i] - ccb
                            e2 = jnp.maximum(jnp.float32(1.0),
                                             dc * dc + a2b)
                            m = e2 < b[i]
                            b[i] = jnp.where(m, e2, b[i])
                            kk[i] = jnp.where(m, kv, kk[i])
                        return (*b, *kk)
                    out = lax.fori_loop(0, 16, jbody, (*best, *bk),
                                        unroll=2)
                    best = list(out[:NB])
                    bk = list(out[NB:])
                for i in range(NB):
                    px = (blk * NB + i) * 16
                    hmv = hm_v[pl.ds(r * W + px, 16)]
                    w = hmv * _rsqrt(best[i])
                    idx_r = bk[i] * 16 + lane
                    plsc.addupdate_scatter(acc_v, [idx_r], rvec * w)
                    plsc.addupdate_scatter(acc_v, [idx_r + K * 16],
                                           ccs[i] * w)
            return c
        lax.fori_loop(0, ROWS_PER, row_body, 0)

        pltpu.sync_copy(acc_v, stage_s.at[pl.ds(sid * ACC, ACC)])
        plsc.subcore_barrier()

        @pl.when(sid < 8)
        def _():
            descs = []
            for s in range(NS):
                d = pltpu.make_async_copy(
                    stage_s.at[pl.ds(s * ACC + sid * 256, 256)],
                    big_v.at[pl.ds(s * 256, 256)], sem)
                d.start()
                descs.append(d)
            for d in descs:
                d.wait()

            def red_body(t, c):
                v = big_v[pl.ds(t * 16, 16)]
                for s in range(1, NS):
                    v = v + big_v[pl.ds(s * 256 + t * 16, 16)]
                for sh in (8, 4, 2, 1):
                    v = v + v.at[lane ^ sh].get(mode="promise_in_bounds")
                plsc.store_scatter(
                    ncl_v, [jnp.full((16,), 16, jnp.int32) * sid + t], v,
                    mask=lane == 0)
                return c
            lax.fori_loop(0, 16, red_body, 0)
            pltpu.sync_copy(ncl_v.at[pl.ds(sid * 16, 16)],
                            ncl_s.at[pl.ds(sid * 16, 16)])

        plsc.subcore_barrier()

        @pl.when(sid == 0)
        def _():
            pltpu.sync_copy(ncl_s, part_hbm.at[cid])
            fl_v[...] = jnp.full((16,), it + 1, jnp.int32)
            pltpu.sync_copy(fl_v, flag_hbm.at[cid])

            def cond(seen):
                return seen < it + 1

            def poll(seen):
                pltpu.sync_copy(flag_hbm.at[1 - cid], fl_v)
                v = fl_v[...]
                return v[0]
            lax.while_loop(cond, poll, jnp.int32(-1))
            pltpu.sync_copy(part_hbm, both_v)
            for g in range(8):
                s0 = both_v[0, pl.ds(16 * g, 16)]
                s1 = both_v[1, pl.ds(16 * g, 16)]
                ncl_v[pl.ds(16 * g, 16)] = s0 + s1
            pltpu.sync_copy(ncl_v, ncl_s)

        plsc.subcore_barrier()
        pltpu.sync_copy(ncl_s, cl_v)
        return carry
    lax.fori_loop(0, N_ITERS, iteration, 0)

    @pl.when(tid == 0)
    def _():
        for g in range(4):
            idx = (lane + 16 * g) * 2
            plsc.store_scatter(ncl_v, [idx], cl_v[pl.ds(16 * g, 16)])
            plsc.store_scatter(ncl_v, [idx + 1], cl_v[pl.ds(K + 16 * g, 16)])
        pltpu.sync_copy(ncl_v, out_hbm)


@jax.jit
def _run(cl_flat, hm_flat):
    mesh = plsc.VectorSubcoreMesh(core_axis_name="c", subcore_axis_name="s")
    fn = pl.kernel(
        _body,
        out_type=(jax.ShapeDtypeStruct((2 * K,), jnp.float32),
                  jax.ShapeDtypeStruct((NC, 2 * K), jnp.float32),
                  jax.ShapeDtypeStruct((NC, 16), jnp.int32)),
        mesh=mesh,
        compiler_params=pltpu.CompilerParams(needs_layout_passes=False),
        scratch_types=[
            pltpu.VMEM((ROWS_PER * W,), jnp.float32),
            pltpu.VMEM((2 * K,), jnp.float32),
            pltpu.VMEM((ACC,), jnp.float32),
            pltpu.VMEM((NS * 256,), jnp.float32),
            pltpu.VMEM((2 * K,), jnp.float32),
            pltpu.VMEM((16,), jnp.int32),
            pltpu.VMEM((NC, 2 * K), jnp.float32),
            pltpu.VMEM_SHARED((NS * ACC,), jnp.float32),
            pltpu.VMEM_SHARED((2 * K,), jnp.float32),
            pltpu.SemaphoreType.DMA,
        ],
    )
    out, _, _ = fn(cl_flat, hm_flat)
    return out


def kernel(clusters, heatmap):
    hm = heatmap
    if hm.ndim == 3:
        hm = hm[0]
    out = _run(clusters.reshape(-1).astype(jnp.float32),
               hm.reshape(-1).astype(jnp.float32))
    return out.reshape(K, 2)

# --- scband reference (transcript-rebuilt; emitter-appended) ---
"""Pipeline reference for scband-kmeans-prob-sampler-11184094839231 (READ-ONLY COPY).

The authoritative reference and input builder live on the scoring server;
editing this copy changes nothing except your own understanding.
"""

import jax, jax.numpy as jnp
import numpy as np

H, W, K, N_ITERS = 224, 224, 64, 5


def setup_inputs(seed: int = 0) -> dict:
    key = jax.random.key(seed)
    k1, k2 = jax.random.split(key)
    # clusters are (row, col) coordinates; scale uniform into the image plane
    clusters = jax.random.uniform(k1, (K, 2), dtype=jnp.float32, minval=0.0, maxval=float(H))
    heatmap = jax.random.uniform(k2, (H, W), dtype=jnp.float32)
    return {"clusters": clusters, "heatmap": heatmap}


def _update_clusters(clusters, hm):
    n_rows, n_cols = hm.shape
    rows = jnp.arange(n_rows, dtype=jnp.float32)
    cols = jnp.arange(n_cols, dtype=jnp.float32)
    rr, cc = jnp.meshgrid(rows, cols, indexing='ij')
    coords = jnp.stack([rr.reshape(-1), cc.reshape(-1)], axis=1)  # [HW, 2]
    # pairwise distances pixel -> cluster, clamped below at 1 (as in the loop)
    diff = coords[:, None, :] - clusters[None, :, :]               # [HW, K, 2]
    dist = jnp.sqrt(jnp.sum(diff * diff, axis=-1))                 # [HW, K]
    dist = jnp.maximum(1.0, dist)
    # strict '<' in the loop => first index wins ties, matching jnp.argmin
    best = jnp.argmin(dist, axis=1)                                # [HW]
    best_dist = jnp.min(dist, axis=1)                              # [HW]
    w = hm.reshape(-1) / best_dist                                 # [HW]
    contrib = coords * w[:, None]                                  # [HW, 2]
    new_clusters = jnp.zeros_like(clusters).at[best].add(contrib)  # scatter-add
    return new_clusters


def reference(clusters, heatmap):
    hm = heatmap
    if hm.ndim == 3:
        hm = hm[0]
    cs = clusters
    for _ in range(N_ITERS):
        cs = _update_clusters(cs, hm)
    return cs.astype(jnp.float32)

if __name__ == "__main__":
    import jax
    _d = setup_inputs()
    print(jax.jit(kernel)(*tuple(_d.values())))

</pallas_src>

<mosaic_0001>
#map = affine_map<(d0, d1) -> (0)>
#map1 = affine_map<(d0, d1) -> (0, 0)>
module attributes {stable_mosaic.version = 14 : i64} {
  func.func @_body(%arg0: i32, %arg1: i32, %arg2: memref<128xf32, #tpu.memory_space<hbm>>, %arg3: memref<50176xf32, #tpu.memory_space<hbm>>, %arg4: memref<128xf32, #tpu.memory_space<hbm>>, %arg5: memref<2x128xf32, #tpu.memory_space<hbm>>, %arg6: memref<2x16xi32, #tpu.memory_space<hbm>>, %arg7: memref<1568xf32, #tpu.memory_space<vmem>>, %arg8: memref<128xf32, #tpu.memory_space<vmem>>, %arg9: memref<2048xf32, #tpu.memory_space<vmem>>, %arg10: memref<4096xf32, #tpu.memory_space<vmem>>, %arg11: memref<128xf32, #tpu.memory_space<vmem>>, %arg12: memref<16xi32, #tpu.memory_space<vmem>>, %arg13: memref<2x128xf32, #tpu.memory_space<vmem>>, %arg14: memref<32768xf32, #tpu.memory_space<vmem_shared>>, %arg15: memref<128xf32, #tpu.memory_space<vmem_shared>>, %arg16: memref<!tpu.dma_semaphore, #tpu.memory_space<semaphore_mem>>) attributes {dimension_semantics = [#tpu.dimension_semantics<core_parallel>, #tpu.dimension_semantics<subcore_parallel>], iteration_bounds = array<i64: 2, 16>, scalar_prefetch = 0 : i64, scratch_operands = 10 : i64, tpu.core_type = #tpu.core_type<sc_vector_subcore>, window_params = [{transform_indices = #map}, {transform_indices = #map}, {transform_indices = #map}, {transform_indices = #map1}, {transform_indices = #map1}]} {
    %mul3A = arith.constant 16 : i32
    %mul3A_0 = arith.muli %arg0, %mul3A : i32
    %add3A = arith.addi %mul3A_0, %arg1 : i32
    %iota3A = tpu.iota {dimensions = array<i32: 0>} : vector<16xi32>
    %eq3A = arith.constant 0 : i32
    %eq3A_1 = arith.cmpi eq, %arg1, %eq3A : i32
    %convert_element_type3A = arith.extui %eq3A_1 : i1 to i32
    %cond3A = arith.constant 0 : i32
    %cond3A_2 = arith.cmpi ne, %convert_element_type3A, %cond3A : i32
    scf.if %cond3A_2 {
      %broadcast_in_dim3A = arith.constant 0 : i32
      %broadcast_in_dim3A_73 = vector.broadcast %broadcast_in_dim3A : i32 to vector<16xi32>
      %swap3A_74 = arith.constant 0 : index
      %swap3A_75 = tpu.vector_load %arg12[%swap3A_74] {strides = array<i32>} : memref<16xi32, #tpu.memory_space<vmem>>, vector<16xi32>,
      tpu.vector_store %arg12[%swap3A_74], %broadcast_in_dim3A_73 {strides = array<i32>} : memref<16xi32, #tpu.memory_space<vmem>>, vector<16xi32>,
      "tpu.region"() ({
        %run_scoped3A = tpu.sem_alloc : memref<!tpu.dma_semaphore, #tpu.memory_space<semaphore_mem>>
        %dma_start3A = arith.constant 0 : i32
        %dma_start3A_76 = tpu.memref_slice %arg6[%arg0, %dma_start3A] : memref<2x16xi32, #tpu.memory_space<hbm>> -> memref<1x16xi32, #tpu.memory_space<hbm>>
        %dma_start3A_77 = tpu.memref_squeeze %dma_start3A_76 : memref<1x16xi32, #tpu.memory_space<hbm>> -> memref<16xi32, #tpu.memory_space<hbm>>
        %dma_start3A_78 = arith.constant 0 : i32
        %dma_start3A_79 = tpu.memref_slice %arg6[%arg0, %dma_start3A_78] : memref<2x16xi32, #tpu.memory_space<hbm>> -> memref<1x16xi32, #tpu.memory_space<hbm>>
        %dma_start3A_80 = tpu.memref_squeeze %dma_start3A_79 : memref<1x16xi32, #tpu.memory_space<hbm>> -> memref<16xi32, #tpu.memory_space<hbm>>
        tpu.enqueue_dma source(%arg12 : memref<16xi32, #tpu.memory_space<vmem>>) target(%dma_start3A_80 : memref<16xi32, #tpu.memory_space<hbm>>) target_semaphore(%run_scoped3A : memref<!tpu.dma_semaphore, #tpu.memory_space<semaphore_mem>>)
        %dma_wait3A = arith.constant 0 : i32
        %dma_wait3A_81 = tpu.memref_slice %arg6[%arg0, %dma_wait3A] : memref<2x16xi32, #tpu.memory_space<hbm>> -> memref<1x16xi32, #tpu.memory_space<hbm>>
        %dma_wait3A_82 = tpu.memref_squeeze %dma_wait3A_81 : memref<1x16xi32, #tpu.memory_space<hbm>> -> memref<16xi32, #tpu.memory_space<hbm>>
        %dma_wait3A_83 = arith.constant 0 : i32
        %dma_wait3A_84 = tpu.memref_slice %arg6[%arg0, %dma_wait3A_83] : memref<2x16xi32, #tpu.memory_space<hbm>> -> memref<1x16xi32, #tpu.memory_space<hbm>>
        %dma_wait3A_85 = tpu.memref_squeeze %dma_wait3A_84 : memref<1x16xi32, #tpu.memory_space<hbm>> -> memref<16xi32, #tpu.memory_space<hbm>>
        tpu.wait_dma2 semaphore(%run_scoped3A : memref<!tpu.dma_semaphore, #tpu.memory_space<semaphore_mem>>) src(%arg12 : memref<16xi32, #tpu.memory_space<vmem>>) dst(%dma_wait3A_85 : memref<16xi32, #tpu.memory_space<hbm>>)
        tpu.yield
      }) : () -> ()
    } else {
    }
    %mul3A_3 = arith.constant 1568 : i32
    %mul3A_4 = arith.muli %add3A, %mul3A_3 : i32
    "tpu.region"() ({
      %run_scoped3A = tpu.sem_alloc : memref<!tpu.dma_semaphore, #tpu.memory_space<semaphore_mem>>
      %dma_start3A = tpu.memref_slice %arg3[%mul3A_4] : memref<50176xf32, #tpu.memory_space<hbm>> -> memref<1568xf32, #tpu.memory_space<hbm>>
      %dma_start3A_73 = tpu.memref_slice %arg3[%mul3A_4] : memref<50176xf32, #tpu.memory_space<hbm>> -> memref<1568xf32, #tpu.memory_space<hbm>>
      tpu.enqueue_dma source(%dma_start3A_73 : memref<1568xf32, #tpu.memory_space<hbm>>) target(%arg7 : memref<1568xf32, #tpu.memory_space<vmem>>) target_semaphore(%run_scoped3A : memref<!tpu.dma_semaphore, #tpu.memory_space<semaphore_mem>>)
      %dma_wait3A = tpu.memref_slice %arg3[%mul3A_4] : memref<50176xf32, #tpu.memory_space<hbm>> -> memref<1568xf32, #tpu.memory_space<hbm>>
      %dma_wait3A_74 = tpu.memref_slice %arg3[%mul3A_4] : memref<50176xf32, #tpu.memory_space<hbm>> -> memref<1568xf32, #tpu.memory_space<hbm>>
      tpu.wait_dma2 semaphore(%run_scoped3A : memref<!tpu.dma_semaphore, #tpu.memory_space<semaphore_mem>>) src(%dma_wait3A_74 : memref<1568xf32, #tpu.memory_space<hbm>>) dst(%arg7 : memref<1568xf32, #tpu.memory_space<vmem>>)
      tpu.yield
    }) : () -> ()
    "tpu.region"() ({
      %run_scoped3A = tpu.sem_alloc : memref<!tpu.dma_semaphore, #tpu.memory_space<semaphore_mem>>
      tpu.enqueue_dma source(%arg2 : memref<128xf32, #tpu.memory_space<hbm>>) target(%arg11 : memref<128xf32, #tpu.memory_space<vmem>>) target_semaphore(%run_scoped3A : memref<!tpu.dma_semaphore, #tpu.memory_space<semaphore_mem>>)
      tpu.wait_dma2 semaphore(%run_scoped3A : memref<!tpu.dma_semaphore, #tpu.memory_space<semaphore_mem>>) src(%arg2 : memref<128xf32, #tpu.memory_space<hbm>>) dst(%arg11 : memref<128xf32, #tpu.memory_space<vmem>>)
      tpu.yield
    }) : () -> ()
    %add3A_5 = arith.constant 0 : i32
    %add3A_6 = vector.broadcast %add3A_5 : i32 to vector<16xi32>
    %add3A_7 = arith.addi %iota3A, %add3A_6 : vector<16xi32>
    %mul3A_8 = arith.constant 2 : i32
    %mul3A_9 = vector.broadcast %mul3A_8 : i32 to vector<16xi32>
    %mul3A_10 = arith.muli %add3A_7, %mul3A_9 : vector<16xi32>
    %gather3A = tpu.vector_load_idx %arg11[%mul3A_10] : memref<128xf32, #tpu.memory_space<vmem>>[vector<16xi32>], vector<16xf32>,
    %swap3A = arith.constant 0 : index
    %swap3A_11 = tpu.vector_load %arg8[%swap3A] {strides = array<i32>} : memref<128xf32, #tpu.memory_space<vmem>>, vector<16xf32>,
    tpu.vector_store %arg8[%swap3A], %gather3A {strides = array<i32>} : memref<128xf32, #tpu.memory_space<vmem>>, vector<16xf32>,
    %add3A_12 = arith.constant 1 : i32
    %add3A_13 = vector.broadcast %add3A_12 : i32 to vector<16xi32>
    %add3A_14 = arith.addi %mul3A_10, %add3A_13 : vector<16xi32>
    %gather3A_15 = tpu.vector_load_idx %arg11[%add3A_14] : memref<128xf32, #tpu.memory_space<vmem>>[vector<16xi32>], vector<16xf32>,
    %swap3A_16 = arith.constant 64 : index
    %swap3A_17 = tpu.vector_load %arg8[%swap3A_16] {strides = array<i32>} : memref<128xf32, #tpu.memory_space<vmem>>, vector<16xf32>,
    tpu.vector_store %arg8[%swap3A_16], %gather3A_15 {strides = array<i32>} : memref<128xf32, #tpu.memory_space<vmem>>, vector<16xf32>,
    %add3A_18 = arith.constant 16 : i32
    %add3A_19 = vector.broadcast %add3A_18 : i32 to vector<16xi32>
    %add3A_20 = arith.addi %iota3A, %add3A_19 : vector<16xi32>
    %mul3A_21 = arith.constant 2 : i32
    %mul3A_22 = vector.broadcast %mul3A_21 : i32 to vector<16xi32>
    %mul3A_23 = arith.muli %add3A_20, %mul3A_22 : vector<16xi32>
    %gather3A_24 = tpu.vector_load_idx %arg11[%mul3A_23] : memref<128xf32, #tpu.memory_space<vmem>>[vector<16xi32>], vector<16xf32>,
    %swap3A_25 = arith.constant 16 : index
    %swap3A_26 = tpu.vector_load %arg8[%swap3A_25] {strides = array<i32>} : memref<128xf32, #tpu.memory_space<vmem>>, vector<16xf32>,
    tpu.vector_store %arg8[%swap3A_25], %gather3A_24 {strides = array<i32>} : memref<128xf32, #tpu.memory_space<vmem>>, vector<16xf32>,
    %add3A_27 = arith.constant 1 : i32
    %add3A_28 = vector.broadcast %add3A_27 : i32 to vector<16xi32>
    %add3A_29 = arith.addi %mul3A_23, %add3A_28 : vector<16xi32>
    %gather3A_30 = tpu.vector_load_idx %arg11[%add3A_29] : memref<128xf32, #tpu.memory_space<vmem>>[vector<16xi32>], vector<16xf32>,
    %swap3A_31 = arith.constant 80 : index
    %swap3A_32 = tpu.vector_load %arg8[%swap3A_31] {strides = array<i32>} : memref<128xf32, #tpu.memory_space<vmem>>, vector<16xf32>,
    tpu.vector_store %arg8[%swap3A_31], %gather3A_30 {strides = array<i32>} : memref<128xf32, #tpu.memory_space<vmem>>, vector<16xf32>,
    %add3A_33 = arith.constant 32 : i32
    %add3A_34 = vector.broadcast %add3A_33 : i32 to vector<16xi32>
    %add3A_35 = arith.addi %iota3A, %add3A_34 : vector<16xi32>
    %mul3A_36 = arith.constant 2 : i32
    %mul3A_37 = vector.broadcast %mul3A_36 : i32 to vector<16xi32>
    %mul3A_38 = arith.muli %add3A_35, %mul3A_37 : vector<16xi32>
    %gather3A_39 = tpu.vector_load_idx %arg11[%mul3A_38] : memref<128xf32, #tpu.memory_space<vmem>>[vector<16xi32>], vector<16xf32>,
    %swap3A_40 = arith.constant 32 : index
    %swap3A_41 = tpu.vector_load %arg8[%swap3A_40] {strides = array<i32>} : memref<128xf32, #tpu.memory_space<vmem>>, vector<16xf32>,
    tpu.vector_store %arg8[%swap3A_40], %gather3A_39 {strides = array<i32>} : memref<128xf32, #tpu.memory_space<vmem>>, vector<16xf32>,
    %add3A_42 = arith.constant 1 : i32
    %add3A_43 = vector.broadcast %add3A_42 : i32 to vector<16xi32>
    %add3A_44 = arith.addi %mul3A_38, %add3A_43 : vector<16xi32>
    %gather3A_45 = tpu.vector_load_idx %arg11[%add3A_44] : memref<128xf32, #tpu.memory_space<vmem>>[vector<16xi32>], vector<16xf32>,
    %swap3A_46 = arith.constant 96 : index
    %swap3A_47 = tpu.vector_load %arg8[%swap3A_46] {strides = array<i32>} : memref<128xf32, #tpu.memory_space<vmem>>, vector<16xf32>,
    tpu.vector_store %arg8[%swap3A_46], %gather3A_45 {strides = array<i32>} : memref<128xf32, #tpu.memory_space<vmem>>, vector<16xf32>,
    %add3A_48 = arith.constant 48 : i32
    %add3A_49 = vector.broadcast %add3A_48 : i32 to vector<16xi32>
    %add3A_50 = arith.addi %iota3A, %add3A_49 : vector<16xi32>
    %mul3A_51 = arith.constant 2 : i32
    %mul3A_52 = vector.broadcast %mul3A_51 : i32 to vector<16xi32>
    %mul3A_53 = arith.muli %add3A_50, %mul3A_52 : vector<16xi32>
    %gather3A_54 = tpu.vector_load_idx %arg11[%mul3A_53] : memref<128xf32, #tpu.memory_space<vmem>>[vector<16xi32>], vector<16xf32>,
    %swap3A_55 = arith.constant 48 : index
    %swap3A_56 = tpu.vector_load %arg8[%swap3A_55] {strides = array<i32>} : memref<128xf32, #tpu.memory_space<vmem>>, vector<16xf32>,
    tpu.vector_store %arg8[%swap3A_55], %gather3A_54 {strides = array<i32>} : memref<128xf32, #tpu.memory_space<vmem>>, vector<16xf32>,
    %add3A_57 = arith.constant 1 : i32
    %add3A_58 = vector.broadcast %add3A_57 : i32 to vector<16xi32>
    %add3A_59 = arith.addi %mul3A_53, %add3A_58 : vector<16xi32>
    %gather3A_60 = tpu.vector_load_idx %arg11[%add3A_59] : memref<128xf32, #tpu.memory_space<vmem>>[vector<16xi32>], vector<16xf32>,
    %swap3A_61 = arith.constant 112 : index
    %swap3A_62 = tpu.vector_load %arg8[%swap3A_61] {strides = array<i32>} : memref<128xf32, #tpu.memory_space<vmem>>, vector<16xf32>,
    tpu.vector_store %arg8[%swap3A_61], %gather3A_60 {strides = array<i32>} : memref<128xf32, #tpu.memory_space<vmem>>, vector<16xf32>,
    %scan3A = arith.constant 0 : i32
    %scan3A_63 = arith.constant 0 : i32
    %scan3A_64 = arith.constant 5 : i32
    %scan3A_65 = arith.addi %scan3A_63, %scan3A_64 : i32
    %scan3A_66 = arith.constant 1 : i32
    scf.for %scan3A_73 = %scan3A_63 to %scan3A_65 step %scan3A_66  : i32 {
      %scan3A_74 = arith.constant 0 : i32
      %scan3A_75 = arith.constant 0 : i32
      %scan3A_76 = arith.constant 128 : i32
      %scan3A_77 = arith.addi %scan3A_75, %scan3A_76 : i32
      %scan3A_78 = arith.constant 1 : i32
      scf.for %scan3A_114 = %scan3A_75 to %scan3A_77 step %scan3A_78  : i32 {
        %broadcast_in_dim3A = arith.constant 0.000000e+00 : f32
        %broadcast_in_dim3A_115 = vector.broadcast %broadcast_in_dim3A : f32 to vector<16xf32>
        %mul3A_116 = arith.constant 16 : i32
        %mul3A_117 = arith.muli %scan3A_114, %mul3A_116 : i32
        %swap3A_118 = arith.index_cast %mul3A_117 : i32 to index
        %swap3A_119 = tpu.vector_load %arg9[%swap3A_118] {strides = array<i32>} : memref<2048xf32, #tpu.memory_space<vmem>>, vector<16xf32>,
        tpu.vector_store %arg9[%swap3A_118], %broadcast_in_dim3A_115 {strides = array<i32>} : memref<2048xf32, #tpu.memory_space<vmem>>, vector<16xf32>,
      }
      %scan3A_79 = arith.constant 128 : i32
      %get3A = arith.constant 0 : index
      %get3A_80 = tpu.vector_load %arg8[%get3A] {strides = array<i32>} : memref<128xf32, #tpu.memory_space<vmem>>, vector<16xf32>,
      %get3A_81 = arith.constant 16 : index
      %get3A_82 = tpu.vector_load %arg8[%get3A_81] {strides = array<i32>} : memref<128xf32, #tpu.memory_space<vmem>>, vector<16xf32>,
      %get3A_83 = arith.constant 32 : index
      %get3A_84 = tpu.vector_load %arg8[%get3A_83] {strides = array<i32>} : memref<128xf32, #tpu.memory_space<vmem>>, vector<16xf32>,
      %get3A_85 = arith.constant 48 : index
      %get3A_86 = tpu.vector_load %arg8[%get3A_85] {strides = array<i32>} : memref<128xf32, #tpu.memory_space<vmem>>, vector<16xf32>,
      %get3A_87 = arith.constant 64 : index
      %get3A_88 = tpu.vector_load %arg8[%get3A_87] {strides = array<i32>} : memref<128xf32, #tpu.memory_space<vmem>>, vector<16xf32>,
      %get3A_89 = arith.constant 80 : index
      %get3A_90 = tpu.vector_load %arg8[%get3A_89] {strides = array<i32>} : memref<128xf32, #tpu.memory_space<vmem>>, vector<16xf32>,
      %get3A_91 = arith.constant 96 : index
      %get3A_92 = tpu.vector_load %arg8[%get3A_91] {strides = array<i32>} : memref<128xf32, #tpu.memory_space<vmem>>, vector<16xf32>,
      %get3A_93 = arith.constant 112 : index
      %get3A_94 = tpu.vector_load %arg8[%get3A_93] {strides = array<i32>} : memref<128xf32, #tpu.memory_space<vmem>>, vector<16xf32>,
      %scan3A_95 = arith.constant 0 : i32
      %scan3A_96 = arith.constant 0 : i32
      %scan3A_97 = arith.constant 7 : i32
      %scan3A_98 = arith.addi %scan3A_96, %scan3A_97 : i32
      %scan3A_99 = arith.constant 1 : i32
      scf.for %scan3A_114 = %scan3A_96 to %scan3A_98 step %scan3A_99  : i32 {
        %mul3A_115 = arith.constant 7 : i32
        %mul3A_116 = arith.muli %add3A, %mul3A_115 : i32
        %add3A_117 = arith.addi %mul3A_116, %scan3A_114 : i32
        %convert_element_type3A_118 = arith.sitofp %add3A_117 : i32 to f32
        %broadcast_in_dim3A = vector.broadcast %convert_element_type3A_118 : f32 to vector<16xf32>
        %sub3A = arith.subf %broadcast_in_dim3A, %get3A_80 : vector<16xf32>
        %sub3A_119 = arith.subf %broadcast_in_dim3A, %get3A_80 : vector<16xf32>
        %mul3A_120 = arith.mulf %sub3A, %sub3A_119 : vector<16xf32>
        %sub3A_121 = arith.subf %broadcast_in_dim3A, %get3A_82 : vector<16xf32>
        %sub3A_122 = arith.subf %broadcast_in_dim3A, %get3A_82 : vector<16xf32>
        %mul3A_123 = arith.mulf %sub3A_121, %sub3A_122 : vector<16xf32>
        %sub3A_124 = arith.subf %broadcast_in_dim3A, %get3A_84 : vector<16xf32>
        %sub3A_125 = arith.subf %broadcast_in_dim3A, %get3A_84 : vector<16xf32>
        %mul3A_126 = arith.mulf %sub3A_124, %sub3A_125 : vector<16xf32>
        %sub3A_127 = arith.subf %broadcast_in_dim3A, %get3A_86 : vector<16xf32>
        %sub3A_128 = arith.subf %broadcast_in_dim3A, %get3A_86 : vector<16xf32>
        %mul3A_129 = arith.mulf %sub3A_127, %sub3A_128 : vector<16xf32>
        %add3A_130 = arith.constant 0 : i32
        %add3A_131 = vector.broadcast %add3A_130 : i32 to vector<16xi32>
        %add3A_132 = arith.addi %add3A_131, %iota3A : vector<16xi32>
        %convert_element_type3A_133 = arith.sitofp %add3A_132 : vector<16xi32> to vector<16xf32>
        %add3A_134 = arith.constant 16 : i32
        %add3A_135 = vector.broadcast %add3A_134 : i32 to vector<16xi32>
        %add3A_136 = arith.addi %add3A_135, %iota3A : vector<16xi32>
        %convert_element_type3A_137 = arith.sitofp %add3A_136 : vector<16xi32> to vector<16xf32>
        %add3A_138 = arith.constant 32 : i32
        %add3A_139 = vector.broadcast %add3A_138 : i32 to vector<16xi32>
        %add3A_140 = arith.addi %add3A_139, %iota3A : vector<16xi32>
        %convert_element_type3A_141 = arith.sitofp %add3A_140 : vector<16xi32> to vector<16xf32>
        %add3A_142 = arith.constant 48 : i32
        %add3A_143 = vector.broadcast %add3A_142 : i32 to vector<16xi32>
        %add3A_144 = arith.addi %add3A_143, %iota3A : vector<16xi32>
        %convert_element_type3A_145 = arith.sitofp %add3A_144 : vector<16xi32> to vector<16xf32>
        %add3A_146 = arith.constant 64 : i32
        %add3A_147 = vector.broadcast %add3A_146 : i32 to vector<16xi32>
        %add3A_148 = arith.addi %add3A_147, %iota3A : vector<16xi32>
        %convert_element_type3A_149 = arith.sitofp %add3A_148 : vector<16xi32> to vector<16xf32>
        %add3A_150 = arith.constant 80 : i32
        %add3A_151 = vector.broadcast %add3A_150 : i32 to vector<16xi32>
        %add3A_152 = arith.addi %add3A_151, %iota3A : vector<16xi32>
        %convert_element_type3A_153 = arith.sitofp %add3A_152 : vector<16xi32> to vector<16xf32>
        %add3A_154 = arith.constant 96 : i32
        %add3A_155 = vector.broadcast %add3A_154 : i32 to vector<16xi32>
        %add3A_156 = arith.addi %add3A_155, %iota3A : vector<16xi32>
        %convert_element_type3A_157 = arith.sitofp %add3A_156 : vector<16xi32> to vector<16xf32>
        %broadcast_in_dim3A_158 = arith.constant 0x7F800000 : f32
        %broadcast_in_dim3A_159 = vector.broadcast %broadcast_in_dim3A_158 : f32 to vector<16xf32>
        %broadcast_in_dim3A_160 = arith.constant 0x7F800000 : f32
        %broadcast_in_dim3A_161 = vector.broadcast %broadcast_in_dim3A_160 : f32 to vector<16xf32>
        %broadcast_in_dim3A_162 = arith.constant 0x7F800000 : f32
        %broadcast_in_dim3A_163 = vector.broadcast %broadcast_in_dim3A_162 : f32 to vector<16xf32>
        %broadcast_in_dim3A_164 = arith.constant 0x7F800000 : f32
        %broadcast_in_dim3A_165 = vector.broadcast %broadcast_in_dim3A_164 : f32 to vector<16xf32>
        %broadcast_in_dim3A_166 = arith.constant 0x7F800000 : f32
        %broadcast_in_dim3A_167 = vector.broadcast %broadcast_in_dim3A_166 : f32 to vector<16xf32>
        %broadcast_in_dim3A_168 = arith.constant 0x7F800000 : f32
        %broadcast_in_dim3A_169 = vector.broadcast %broadcast_in_dim3A_168 : f32 to vector<16xf32>
        %broadcast_in_dim3A_170 = arith.constant 0x7F800000 : f32
        %broadcast_in_dim3A_171 = vector.broadcast %broadcast_in_dim3A_170 : f32 to vector<16xf32>
        %broadcast_in_dim3A_172 = arith.constant 0 : i32
        %broadcast_in_dim3A_173 = vector.broadcast %broadcast_in_dim3A_172 : i32 to vector<16xi32>
        %broadcast_in_dim3A_174 = arith.constant 0 : i32
        %broadcast_in_dim3A_175 = vector.broadcast %broadcast_in_dim3A_174 : i32 to vector<16xi32>
        %broadcast_in_dim3A_176 = arith.constant 0 : i32
        %broadcast_in_dim3A_177 = vector.broadcast %broadcast_in_dim3A_176 : i32 to vector<16xi32>
        %broadcast_in_dim3A_178 = arith.constant 0 : i32
        %broadcast_in_dim3A_179 = vector.broadcast %broadcast_in_dim3A_178 : i32 to vector<16xi32>
        %broadcast_in_dim3A_180 = arith.constant 0 : i32
        %broadcast_in_dim3A_181 = vector.broadcast %broadcast_in_dim3A_180 : i32 to vector<16xi32>
        %broadcast_in_dim3A_182 = arith.constant 0 : i32
        %broadcast_in_dim3A_183 = vector.broadcast %broadcast_in_dim3A_182 : i32 to vector<16xi32>
        %broadcast_in_dim3A_184 = arith.constant 0 : i32
        %broadcast_in_dim3A_185 = vector.broadcast %broadcast_in_dim3A_184 : i32 to vector<16xi32>
        %scan3A_186 = arith.constant 0 : i32
        %scan3A_187 = arith.constant 16 : i32
        %scan3A_188 = arith.addi %scan3A_186, %scan3A_187 : i32
        %scan3A_189 = arith.constant 2 : i32
        %scan3A_190:14 = scf.for %scan3A_876 = %scan3A_186 to %scan3A_188 step %scan3A_189 iter_args(%scan3A_877 = %broadcast_in_dim3A_159, %scan3A_878 = %broadcast_in_dim3A_161, %scan3A_879 = %broadcast_in_dim3A_163, %scan3A_880 = %broadcast_in_dim3A_165, %scan3A_881 = %broadcast_in_dim3A_167, %scan3A_882 = %broadcast_in_dim3A_169, %scan3A_883 = %broadcast_in_dim3A_171, %scan3A_884 = %broadcast_in_dim3A_173, %scan3A_885 = %broadcast_in_dim3A_175, %scan3A_886 = %broadcast_in_dim3A_177, %scan3A_887 = %broadcast_in_dim3A_179, %scan3A_888 = %broadcast_in_dim3A_181, %scan3A_889 = %broadcast_in_dim3A_183, %scan3A_890 = %broadcast_in_dim3A_185) -> (vector<16xf32>, vector<16xf32>, vector<16xf32>, vector<16xf32>, vector<16xf32>, vector<16xf32>, vector<16xf32>, vector<16xi32>, vector<16xi32>, vector<16xi32>, vector<16xi32>, vector<16xi32>, vector<16xi32>, vector<16xi32>)  : i32 {
          %broadcast_in_dim3A_891 = vector.broadcast %scan3A_876 : i32 to vector<16xi32>
          %lt3A_892 = arith.constant 0 : i32
          %lt3A_893 = vector.broadcast %lt3A_892 : i32 to vector<16xi32>
          %lt3A_894 = arith.cmpi slt, %broadcast_in_dim3A_891, %lt3A_893 : vector<16xi32>
          %add3A_895 = arith.constant 16 : i32
          %add3A_896 = vector.broadcast %add3A_895 : i32 to vector<16xi32>
          %add3A_897 = arith.addi %broadcast_in_dim3A_891, %add3A_896 : vector<16xi32>
          %select_n3A = arith.select %lt3A_894, %add3A_897, %broadcast_in_dim3A_891 : vector<16xi1>, vector<16xi32>
          %broadcast_in_dim3A_898 = vector.shape_cast %select_n3A : vector<16xi32> to vector<16x1xi32>
          %gather3A_899 = vector.shape_cast %broadcast_in_dim3A_898 : vector<16x1xi32> to vector<16xi32>
          %gather3A_900 = tpu.dynamic_gather %mul3A_120[%gather3A_899] in [0] : vector<16xf32>, vector<16xi32> -> vector<16xf32>
          %broadcast_in_dim3A_901 = vector.broadcast %scan3A_876 : i32 to vector<16xi32>
          %lt3A_902 = arith.constant 0 : i32
          %lt3A_903 = vector.broadcast %lt3A_902 : i32 to vector<16xi32>
          %lt3A_904 = arith.cmpi slt, %broadcast_in_dim3A_901, %lt3A_903 : vector<16xi32>
          %add3A_905 = arith.constant 16 : i32
          %add3A_906 = vector.broadcast %add3A_905 : i32 to vector<16xi32>
          %add3A_907 = arith.addi %broadcast_in_dim3A_901, %add3A_906 : vector<16xi32>
          %select_n3A_908 = arith.select %lt3A_904, %add3A_907, %broadcast_in_dim3A_901 : vector<16xi1>, vector<16xi32>
          %broadcast_in_dim3A_909 = vector.shape_cast %select_n3A_908 : vector<16xi32> to vector<16x1xi32>
          %gather3A_910 = vector.shape_cast %broadcast_in_dim3A_909 : vector<16x1xi32> to vector<16xi32>
          %gather3A_911 = tpu.dynamic_gather %get3A_88[%gather3A_910] in [0] : vector<16xf32>, vector<16xi32> -> vector<16xf32>
          %add3A_912 = arith.constant 0 : i32
          %add3A_913 = arith.addi %scan3A_876, %add3A_912 : i32
          %broadcast_in_dim3A_914 = vector.broadcast %add3A_913 : i32 to vector<16xi32>
          %sub3A_915 = arith.subf %convert_element_type3A_133, %gather3A_911 : vector<16xf32>
          %mul3A_916 = arith.mulf %sub3A_915, %sub3A_915 : vector<16xf32>
          %add3A_917 = arith.addf %mul3A_916, %gather3A_900 : vector<16xf32>
          %max3A = arith.constant 1.000000e+00 : f32
          %max3A_918 = vector.broadcast %max3A : f32 to vector<16xf32>
          %max3A_919 = arith.maximumf %max3A_918, %add3A_917 : vector<16xf32>
          %lt3A_920 = arith.cmpf olt, %max3A_919, %scan3A_877 : vector<16xf32>
          %select_n3A_921 = arith.select %lt3A_920, %max3A_919, %scan3A_877 : vector<16xi1>, vector<16xf32>
          %select_n3A_922 = arith.select %lt3A_920, %broadcast_in_dim3A_914, %scan3A_884 : vector<16xi1>, vector<16xi32>
          %sub3A_923 = arith.subf %convert_element_type3A_137, %gather3A_911 : vector<16xf32>
          %mul3A_924 = arith.mulf %sub3A_923, %sub3A_923 : vector<16xf32>
          %add3A_925 = arith.addf %mul3A_924, %gather3A_900 : vector<16xf32>
          %max3A_926 = arith.constant 1.000000e+00 : f32
          %max3A_927 = vector.broadcast %max3A_926 : f32 to vector<16xf32>
          %max3A_928 = arith.maximumf %max3A_927, %add3A_925 : vector<16xf32>
          %lt3A_929 = arith.cmpf olt, %max3A_928, %scan3A_878 : vector<16xf32>
          %select_n3A_930 = arith.select %lt3A_929, %max3A_928, %scan3A_878 : vector<16xi1>, vector<16xf32>
          %select_n3A_931 = arith.select %lt3A_929, %broadcast_in_dim3A_914, %scan3A_885 : vector<16xi1>, vector<16xi32>
          %sub3A_932 = arith.subf %convert_element_type3A_141, %gather3A_911 : vector<16xf32>
          %mul3A_933 = arith.mulf %sub3A_932, %sub3A_932 : vector<16xf32>
          %add3A_934 = arith.addf %mul3A_933, %gather3A_900 : vector<16xf32>
          %max3A_935 = arith.constant 1.000000e+00 : f32
          %max3A_936 = vector.broadcast %max3A_935 : f32 to vector<16xf32>
          %max3A_937 = arith.maximumf %max3A_936, %add3A_934 : vector<16xf32>
          %lt3A_938 = arith.cmpf olt, %max3A_937, %scan3A_879 : vector<16xf32>
          %select_n3A_939 = arith.select %lt3A_938, %max3A_937, %scan3A_879 : vector<16xi1>, vector<16xf32>
          %select_n3A_940 = arith.select %lt3A_938, %broadcast_in_dim3A_914, %scan3A_886 : vector<16xi1>, vector<16xi32>
          %sub3A_941 = arith.subf %convert_element_type3A_145, %gather3A_911 : vector<16xf32>
          %mul3A_942 = arith.mulf %sub3A_941, %sub3A_941 : vector<16xf32>
          %add3A_943 = arith.addf %mul3A_942, %gather3A_900 : vector<16xf32>
          %max3A_944 = arith.constant 1.000000e+00 : f32
          %max3A_945 = vector.broadcast %max3A_944 : f32 to vector<16xf32>
          %max3A_946 = arith.maximumf %max3A_945, %add3A_943 : vector<16xf32>
          %lt3A_947 = arith.cmpf olt, %max3A_946, %scan3A_880 : vector<16xf32>
          %select_n3A_948 = arith.select %lt3A_947, %max3A_946, %scan3A_880 : vector<16xi1>, vector<16xf32>
          %select_n3A_949 = arith.select %lt3A_947, %broadcast_in_dim3A_914, %scan3A_887 : vector<16xi1>, vector<16xi32>
          %sub3A_950 = arith.subf %convert_element_type3A_149, %gather3A_911 : vector<16xf32>
          %mul3A_951 = arith.mulf %sub3A_950, %sub3A_950 : vector<16xf32>
          %add3A_952 = arith.addf %mul3A_951, %gather3A_900 : vector<16xf32>
          %max3A_953 = arith.constant 1.000000e+00 : f32
          %max3A_954 = vector.broadcast %max3A_953 : f32 to vector<16xf32>
          %max3A_955 = arith.maximumf %max3A_954, %add3A_952 : vector<16xf32>
          %lt3A_956 = arith.cmpf olt, %max3A_955, %scan3A_881 : vector<16xf32>
          %select_n3A_957 = arith.select %lt3A_956, %max3A_955, %scan3A_881 : vector<16xi1>, vector<16xf32>
          %select_n3A_958 = arith.select %lt3A_956, %broadcast_in_dim3A_914, %scan3A_888 : vector<16xi1>, vector<16xi32>
          %sub3A_959 = arith.subf %convert_element_type3A_153, %gather3A_911 : vector<16xf32>
          %mul3A_960 = arith.mulf %sub3A_959, %sub3A_959 : vector<16xf32>
          %add3A_961 = arith.addf %mul3A_960, %gather3A_900 : vector<16xf32>
          %max3A_962 = arith.constant 1.000000e+00 : f32
          %max3A_963 = vector.broadcast %max3A_962 : f32 to vector<16xf32>
          %max3A_964 = arith.maximumf %max3A_963, %add3A_961 : vector<16xf32>
          %lt3A_965 = arith.cmpf olt, %max3A_964, %scan3A_882 : vector<16xf32>
          %select_n3A_966 = arith.select %lt3A_965, %max3A_964, %scan3A_882 : vector<16xi1>, vector<16xf32>
          %select_n3A_967 = arith.select %lt3A_965, %broadcast_in_dim3A_914, %scan3A_889 : vector<16xi1>, vector<16xi32>
          %sub3A_968 = arith.subf %convert_element_type3A_157, %gather3A_911 : vector<16xf32>
          %mul3A_969 = arith.mulf %sub3A_968, %sub3A_968 : vector<16xf32>
          %add3A_970 = arith.addf %mul3A_969, %gather3A_900 : vector<16xf32>
          %max3A_971 = arith.constant 1.000000e+00 : f32
          %max3A_972 = vector.broadcast %max3A_971 : f32 to vector<16xf32>
          %max3A_973 = arith.maximumf %max3A_972, %add3A_970 : vector<16xf32>
          %lt3A_974 = arith.cmpf olt, %max3A_973, %scan3A_883 : vector<16xf32>
          %select_n3A_975 = arith.select %lt3A_974, %max3A_973, %scan3A_883 : vector<16xi1>, vector<16xf32>
          %select_n3A_976 = arith.select %lt3A_974, %broadcast_in_dim3A_914, %scan3A_890 : vector<16xi1>, vector<16xi32>
          %scan3A_977 = arith.constant 1 : i32
          %scan3A_978 = arith.addi %scan3A_876, %scan3A_977 : i32
          %broadcast_in_dim3A_979 = vector.broadcast %scan3A_978 : i32 to vector<16xi32>
          %lt3A_980 = arith.constant 0 : i32
          %lt3A_981 = vector.broadcast %lt3A_980 : i32 to vector<16xi32>
          %lt3A_982 = arith.cmpi slt, %broadcast_in_dim3A_979, %lt3A_981 : vector<16xi32>
          %add3A_983 = arith.constant 16 : i32
          %add3A_984 = vector.broadcast %add3A_983 : i32 to vector<16xi32>
          %add3A_985 = arith.addi %broadcast_in_dim3A_979, %add3A_984 : vector<16xi32>
          %select_n3A_986 = arith.select %lt3A_982, %add3A_985, %broadcast_in_dim3A_979 : vector<16xi1>, vector<16xi32>
          %broadcast_in_dim3A_987 = vector.shape_cast %select_n3A_986 : vector<16xi32> to vector<16x1xi32>
          %gather3A_988 = vector.shape_cast %broadcast_in_dim3A_987 : vector<16x1xi32> to vector<16xi32>
          %gather3A_989 = tpu.dynamic_gather %mul3A_120[%gather3A_988] in [0] : vector<16xf32>, vector<16xi32> -> vector<16xf32>
          %broadcast_in_dim3A_990 = vector.broadcast %scan3A_978 : i32 to vector<16xi32>
          %lt3A_991 = arith.constant 0 : i32
          %lt3A_992 = vector.broadcast %lt3A_991 : i32 to vector<16xi32>
          %lt3A_993 = arith.cmpi slt, %broadcast_in_dim3A_990, %lt3A_992 : vector<16xi32>
          %add3A_994 = arith.constant 16 : i32
          %add3A_995 = vector.broadcast %add3A_994 : i32 to vector<16xi32>
          %add3A_996 = arith.addi %broadcast_in_dim3A_990, %add3A_995 : vector<16xi32>
          %select_n3A_997 = arith.select %lt3A_993, %add3A_996, %broadcast_in_dim3A_990 : vector<16xi1>, vector<16xi32>
          %broadcast_in_dim3A_998 = vector.shape_cast %select_n3A_997 : vector<16xi32> to vector<16x1xi32>
          %gather3A_999 = vector.shape_cast %broadcast_in_dim3A_998 : vector<16x1xi32> to vector<16xi32>
          %gather3A_1000 = tpu.dynamic_gather %get3A_88[%gather3A_999] in [0] : vector<16xf32>, vector<16xi32> -> vector<16xf32>
          %add3A_1001 = arith.constant 0 : i32
          %add3A_1002 = arith.addi %scan3A_978, %add3A_1001 : i32
          %broadcast_in_dim3A_1003 = vector.broadcast %add3A_1002 : i32 to vector<16xi32>
          %sub3A_1004 = arith.subf %convert_element_type3A_133, %gather3A_1000 : vector<16xf32>
          %mul3A_1005 = arith.mulf %sub3A_1004, %sub3A_1004 : vector<16xf32>
          %add3A_1006 = arith.addf %mul3A_1005, %gather3A_989 : vector<16xf32>
          %max3A_1007 = arith.constant 1.000000e+00 : f32
          %max3A_1008 = vector.broadcast %max3A_1007 : f32 to vector<16xf32>
          %max3A_1009 = arith.maximumf %max3A_1008, %add3A_1006 : vector<16xf32>
          %lt3A_1010 = arith.cmpf olt, %max3A_1009, %select_n3A_921 : vector<16xf32>
          %select_n3A_1011 = arith.select %lt3A_1010, %max3A_1009, %select_n3A_921 : vector<16xi1>, vector<16xf32>
          %select_n3A_1012 = arith.select %lt3A_1010, %broadcast_in_dim3A_1003, %select_n3A_922 : vector<16xi1>, vector<16xi32>
          %sub3A_1013 = arith.subf %convert_element_type3A_137, %gather3A_1000 : vector<16xf32>
          %mul3A_1014 = arith.mulf %sub3A_1013, %sub3A_1013 : vector<16xf32>
          %add3A_1015 = arith.addf %mul3A_1014, %gather3A_989 : vector<16xf32>
          %max3A_1016 = arith.constant 1.000000e+00 : f32
          %max3A_1017 = vector.broadcast %max3A_1016 : f32 to vector<16xf32>
          %max3A_1018 = arith.maximumf %max3A_1017, %add3A_1015 : vector<16xf32>
          %lt3A_1019 = arith.cmpf olt, %max3A_1018, %select_n3A_930 : vector<16xf32>
          %select_n3A_1020 = arith.select %lt3A_1019, %max3A_1018, %select_n3A_930 : vector<16xi1>, vector<16xf32>
          %select_n3A_1021 = arith.select %lt3A_1019, %broadcast_in_dim3A_1003, %select_n3A_931 : vector<16xi1>, vector<16xi32>
          %sub3A_1022 = arith.subf %convert_element_type3A_141, %gather3A_1000 : vector<16xf32>
          %mul3A_1023 = arith.mulf %sub3A_1022, %sub3A_1022 : vector<16xf32>
          %add3A_1024 = arith.addf %mul3A_1023, %gather3A_989 : vector<16xf32>
          %max3A_1025 = arith.constant 1.000000e+00 : f32
          %max3A_1026 = vector.broadcast %max3A_1025 : f32 to vector<16xf32>
          %max3A_1027 = arith.maximumf %max3A_1026, %add3A_1024 : vector<16xf32>
          %lt3A_1028 = arith.cmpf olt, %max3A_1027, %select_n3A_939 : vector<16xf32>
          %select_n3A_1029 = arith.select %lt3A_1028, %max3A_1027, %select_n3A_939 : vector<16xi1>, vector<16xf32>
          %select_n3A_1030 = arith.select %lt3A_1028, %broadcast_in_dim3A_1003, %select_n3A_940 : vector<16xi1>, vector<16xi32>
          %sub3A_1031 = arith.subf %convert_element_type3A_145, %gather3A_1000 : vector<16xf32>
          %mul3A_1032 = arith.mulf %sub3A_1031, %sub3A_1031 : vector<16xf32>
          %add3A_1033 = arith.addf %mul3A_1032, %gather3A_989 : vector<16xf32>
          %max3A_1034 = arith.constant 1.000000e+00 : f32
          %max3A_1035 = vector.broadcast %max3A_1034 : f32 to vector<16xf32>
          %max3A_1036 = arith.maximumf %max3A_1035, %add3A_1033 : vector<16xf32>
          %lt3A_1037 = arith.cmpf olt, %max3A_1036, %select_n3A_948 : vector<16xf32>
          %select_n3A_1038 = arith.select %lt3A_1037, %max3A_1036, %select_n3A_948 : vector<16xi1>, vector<16xf32>
          %select_n3A_1039 = arith.select %lt3A_1037, %broadcast_in_dim3A_1003, %select_n3A_949 : vector<16xi1>, vector<16xi32>
          %sub3A_1040 = arith.subf %convert_element_type3A_149, %gather3A_1000 : vector<16xf32>
          %mul3A_1041 = arith.mulf %sub3A_1040, %sub3A_1040 : vector<16xf32>
          %add3A_1042 = arith.addf %mul3A_1041, %gather3A_989 : vector<16xf32>
          %max3A_1043 = arith.constant 1.000000e+00 : f32
          %max3A_1044 = vector.broadcast %max3A_1043 : f32 to vector<16xf32>
          %max3A_1045 = arith.maximumf %max3A_1044, %add3A_1042 : vector<16xf32>
          %lt3A_1046 = arith.cmpf olt, %max3A_1045, %select_n3A_957 : vector<16xf32>
          %select_n3A_1047 = arith.select %lt3A_1046, %max3A_1045, %select_n3A_957 : vector<16xi1>, vector<16xf32>
          %select_n3A_1048 = arith.select %lt3A_1046, %broadcast_in_dim3A_1003, %select_n3A_958 : vector<16xi1>, vector<16xi32>
          %sub3A_1049 = arith.subf %convert_element_type3A_153, %gather3A_1000 : vector<16xf32>
          %mul3A_1050 = arith.mulf %sub3A_1049, %sub3A_1049 : vector<16xf32>
          %add3A_1051 = arith.addf %mul3A_1050, %gather3A_989 : vector<16xf32>
          %max3A_1052 = arith.constant 1.000000e+00 : f32
          %max3A_1053 = vector.broadcast %max3A_1052 : f32 to vector<16xf32>
          %max3A_1054 = arith.maximumf %max3A_1053, %add3A_1051 : vector<16xf32>
          %lt3A_1055 = arith.cmpf olt, %max3A_1054, %select_n3A_966 : vector<16xf32>
          %select_n3A_1056 = arith.select %lt3A_1055, %max3A_1054, %select_n3A_966 : vector<16xi1>, vector<16xf32>
          %select_n3A_1057 = arith.select %lt3A_1055, %broadcast_in_dim3A_1003, %select_n3A_967 : vector<16xi1>, vector<16xi32>
          %sub3A_1058 = arith.subf %convert_element_type3A_157, %gather3A_1000 : vector<16xf32>
          %mul3A_1059 = arith.mulf %sub3A_1058, %sub3A_1058 : vector<16xf32>
          %add3A_1060 = arith.addf %mul3A_1059, %gather3A_989 : vector<16xf32>
          %max3A_1061 = arith.constant 1.000000e+00 : f32
          %max3A_1062 = vector.broadcast %max3A_1061 : f32 to vector<16xf32>
          %max3A_1063 = arith.maximumf %max3A_1062, %add3A_1060 : vector<16xf32>
          %lt3A_1064 = arith.cmpf olt, %max3A_1063, %select_n3A_975 : vector<16xf32>
          %select_n3A_1065 = arith.select %lt3A_1064, %max3A_1063, %select_n3A_975 : vector<16xi1>, vector<16xf32>
          %select_n3A_1066 = arith.select %lt3A_1064, %broadcast_in_dim3A_1003, %select_n3A_976 : vector<16xi1>, vector<16xi32>
          scf.yield %select_n3A_1011, %select_n3A_1020, %select_n3A_1029, %select_n3A_1038, %select_n3A_1047, %select_n3A_1056, %select_n3A_1065, %select_n3A_1012, %select_n3A_1021, %select_n3A_1030, %select_n3A_1039, %select_n3A_1048, %select_n3A_1057, %select_n3A_1066 : vector<16xf32>, vector<16xf32>, vector<16xf32>, vector<16xf32>, vector<16xf32>, vector<16xf32>, vector<16xf32>, vector<16xi32>, vector<16xi32>, vector<16xi32>, vector<16xi32>, vector<16xi32>, vector<16xi32>, vector<16xi32>
        }
        %scan3A_191 = arith.constant 16 : i32
        %scan3A_192 = arith.constant 0 : i32
        %scan3A_193 = arith.constant 16 : i32
        %scan3A_194 = arith.addi %scan3A_192, %scan3A_193 : i32
        %scan3A_195 = arith.constant 2 : i32
        %scan3A_196:14 = scf.for %scan3A_876 = %scan3A_192 to %scan3A_194 step %scan3A_195 iter_args(%scan3A_877 = %scan3A_190#0, %scan3A_878 = %scan3A_190#1, %scan3A_879 = %scan3A_190#2, %scan3A_880 = %scan3A_190#3, %scan3A_881 = %scan3A_190#4, %scan3A_882 = %scan3A_190#5, %scan3A_883 = %scan3A_190#6, %scan3A_884 = %scan3A_190#7, %scan3A_885 = %scan3A_190#8, %scan3A_886 = %scan3A_190#9, %scan3A_887 = %scan3A_190#10, %scan3A_888 = %scan3A_190#11, %scan3A_889 = %scan3A_190#12, %scan3A_890 = %scan3A_190#13) -> (vector<16xf32>, vector<16xf32>, vector<16xf32>, vector<16xf32>, vector<16xf32>, vector<16xf32>, vector<16xf32>, vector<16xi32>, vector<16xi32>, vector<16xi32>, vector<16xi32>, vector<16xi32>, vector<16xi32>, vector<16xi32>)  : i32 {
          %broadcast_in_dim3A_891 = vector.broadcast %scan3A_876 : i32 to vector<16xi32>
          %lt3A_892 = arith.constant 0 : i32
          %lt3A_893 = vector.broadcast %lt3A_892 : i32 to vector<16xi32>
          %lt3A_894 = arith.cmpi slt, %broadcast_in_dim3A_891, %lt3A_893 : vector<16xi32>
          %add3A_895 = arith.constant 16 : i32
          %add3A_896 = vector.broadcast %add3A_895 : i32 to vector<16xi32>
          %add3A_897 = arith.addi %broadcast_in_dim3A_891, %add3A_896 : vector<16xi32>
          %select_n3A = arith.select %lt3A_894, %add3A_897, %broadcast_in_dim3A_891 : vector<16xi1>, vector<16xi32>
          %broadcast_in_dim3A_898 = vector.shape_cast %select_n3A : vector<16xi32> to vector<16x1xi32>
          %gather3A_899 = vector.shape_cast %broadcast_in_dim3A_898 : vector<16x1xi32> to vector<16xi32>
          %gather3A_900 = tpu.dynamic_gather %mul3A_123[%gather3A_899] in [0] : vector<16xf32>, vector<16xi32> -> vector<16xf32>
          %broadcast_in_dim3A_901 = vector.broadcast %scan3A_876 : i32 to vector<16xi32>
          %lt3A_902 = arith.constant 0 : i32
          %lt3A_903 = vector.broadcast %lt3A_902 : i32 to vector<16xi32>
          %lt3A_904 = arith.cmpi slt, %broadcast_in_dim3A_901, %lt3A_903 : vector<16xi32>
          %add3A_905 = arith.constant 16 : i32
          %add3A_906 = vector.broadcast %add3A_905 : i32 to vector<16xi32>
          %add3A_907 = arith.addi %broadcast_in_dim3A_901, %add3A_906 : vector<16xi32>
          %select_n3A_908 = arith.select %lt3A_904, %add3A_907, %broadcast_in_dim3A_901 : vector<16xi1>, vector<16xi32>
          %broadcast_in_dim3A_909 = vector.shape_cast %select_n3A_908 : vector<16xi32> to vector<16x1xi32>
          %gather3A_910 = vector.shape_cast %broadcast_in_dim3A_909 : vector<16x1xi32> to vector<16xi32>
          %gather3A_911 = tpu.dynamic_gather %get3A_90[%gather3A_910] in [0] : vector<16xf32>, vector<16xi32> -> vector<16xf32>
          %add3A_912 = arith.constant 16 : i32
          %add3A_913 = arith.addi %scan3A_876, %add3A_912 : i32
          %broadcast_in_dim3A_914 = vector.broadcast %add3A_913 : i32 to vector<16xi32>
          %sub3A_915 = arith.subf %convert_element_type3A_133, %gather3A_911 : vector<16xf32>
          %mul3A_916 = arith.mulf %sub3A_915, %sub3A_915 : vector<16xf32>
          %add3A_917 = arith.addf %mul3A_916, %gather3A_900 : vector<16xf32>
          %max3A = arith.constant 1.000000e+00 : f32
          %max3A_918 = vector.broadcast %max3A : f32 to vector<16xf32>
          %max3A_919 = arith.maximumf %max3A_918, %add3A_917 : vector<16xf32>
          %lt3A_920 = arith.cmpf olt, %max3A_919, %scan3A_877 : vector<16xf32>
          %select_n3A_921 = arith.select %lt3A_920, %max3A_919, %scan3A_877 : vector<16xi1>, vector<16xf32>
          %select_n3A_922 = arith.select %lt3A_920, %broadcast_in_dim3A_914, %scan3A_884 : vector<16xi1>, vector<16xi32>
          %sub3A_923 = arith.subf %convert_element_type3A_137, %gather3A_911 : vector<16xf32>
          %mul3A_924 = arith.mulf %sub3A_923, %sub3A_923 : vector<16xf32>
          %add3A_925 = arith.addf %mul3A_924, %gather3A_900 : vector<16xf32>
          %max3A_926 = arith.constant 1.000000e+00 : f32
          %max3A_927 = vector.broadcast %max3A_926 : f32 to vector<16xf32>
          %max3A_928 = arith.maximumf %max3A_927, %add3A_925 : vector<16xf32>
          %lt3A_929 = arith.cmpf olt, %max3A_928, %scan3A_878 : vector<16xf32>
          %select_n3A_930 = arith.select %lt3A_929, %max3A_928, %scan3A_878 : vector<16xi1>, vector<16xf32>
          %select_n3A_931 = arith.select %lt3A_929, %broadcast_in_dim3A_914, %scan3A_885 : vector<16xi1>, vector<16xi32>
          %sub3A_932 = arith.subf %convert_element_type3A_141, %gather3A_911 : vector<16xf32>
          %mul3A_933 = arith.mulf %sub3A_932, %sub3A_932 : vector<16xf32>
          %add3A_934 = arith.addf %mul3A_933, %gather3A_900 : vector<16xf32>
          %max3A_935 = arith.constant 1.000000e+00 : f32
          %max3A_936 = vector.broadcast %max3A_935 : f32 to vector<16xf32>
          %max3A_937 = arith.maximumf %max3A_936, %add3A_934 : vector<16xf32>
          %lt3A_938 = arith.cmpf olt, %max3A_937, %scan3A_879 : vector<16xf32>
          %select_n3A_939 = arith.select %lt3A_938, %max3A_937, %scan3A_879 : vector<16xi1>, vector<16xf32>
          %select_n3A_940 = arith.select %lt3A_938, %broadcast_in_dim3A_914, %scan3A_886 : vector<16xi1>, vector<16xi32>
          %sub3A_941 = arith.subf %convert_element_type3A_145, %gather3A_911 : vector<16xf32>
          %mul3A_942 = arith.mulf %sub3A_941, %sub3A_941 : vector<16xf32>
          %add3A_943 = arith.addf %mul3A_942, %gather3A_900 : vector<16xf32>
          %max3A_944 = arith.constant 1.000000e+00 : f32
          %max3A_945 = vector.broadcast %max3A_944 : f32 to vector<16xf32>
          %max3A_946 = arith.maximumf %max3A_945, %add3A_943 : vector<16xf32>
          %lt3A_947 = arith.cmpf olt, %max3A_946, %scan3A_880 : vector<16xf32>
          %select_n3A_948 = arith.select %lt3A_947, %max3A_946, %scan3A_880 : vector<16xi1>, vector<16xf32>
          %select_n3A_949 = arith.select %lt3A_947, %broadcast_in_dim3A_914, %scan3A_887 : vector<16xi1>, vector<16xi32>
          %sub3A_950 = arith.subf %convert_element_type3A_149, %gather3A_911 : vector<16xf32>
          %mul3A_951 = arith.mulf %sub3A_950, %sub3A_950 : vector<16xf32>
          %add3A_952 = arith.addf %mul3A_951, %gather3A_900 : vector<16xf32>
          %max3A_953 = arith.constant 1.000000e+00 : f32
          %max3A_954 = vector.broadcast %max3A_953 : f32 to vector<16xf32>
          %max3A_955 = arith.maximumf %max3A_954, %add3A_952 : vector<16xf32>
          %lt3A_956 = arith.cmpf olt, %max3A_955, %scan3A_881 : vector<16xf32>
          %select_n3A_957 = arith.select %lt3A_956, %max3A_955, %scan3A_881 : vector<16xi1>, vector<16xf32>
          %select_n3A_958 = arith.select %lt3A_956, %broadcast_in_dim3A_914, %scan3A_888 : vector<16xi1>, vector<16xi32>
          %sub3A_959 = arith.subf %convert_element_type3A_153, %gather3A_911 : vector<16xf32>
          %mul3A_960 = arith.mulf %sub3A_959, %sub3A_959 : vector<16xf32>
          %add3A_961 = arith.addf %mul3A_960, %gather3A_900 : vector<16xf32>
          %max3A_962 = arith.constant 1.000000e+00 : f32
          %max3A_963 = vector.broadcast %max3A_962 : f32 to vector<16xf32>
          %max3A_964 = arith.maximumf %max3A_963, %add3A_961 : vector<16xf32>
          %lt3A_965 = arith.cmpf olt, %max3A_964, %scan3A_882 : vector<16xf32>
          %select_n3A_966 = arith.select %lt3A_965, %max3A_964, %scan3A_882 : vector<16xi1>, vector<16xf32>
          %select_n3A_967 = arith.select %lt3A_965, %broadcast_in_dim3A_914, %scan3A_889 : vector<16xi1>, vector<16xi32>
          %sub3A_968 = arith.subf %convert_element_type3A_157, %gather3A_911 : vector<16xf32>
          %mul3A_969 = arith.mulf %sub3A_968, %sub3A_968 : vector<16xf32>
          %add3A_970 = arith.addf %mul3A_969, %gather3A_900 : vector<16xf32>
          %max3A_971 = arith.constant 1.000000e+00 : f32
          %max3A_972 = vector.broadcast %max3A_971 : f32 to vector<16xf32>
          %max3A_973 = arith.maximumf %max3A_972, %add3A_970 : vector<16xf32>
          %lt3A_974 = arith.cmpf olt, %max3A_973, %scan3A_883 : vector<16xf32>
          %select_n3A_975 = arith.select %lt3A_974, %max3A_973, %scan3A_883 : vector<16xi1>, vector<16xf32>
          %select_n3A_976 = arith.select %lt3A_974, %broadcast_in_dim3A_914, %scan3A_890 : vector<16xi1>, vector<16xi32>
          %scan3A_977 = arith.constant 1 : i32
          %scan3A_978 = arith.addi %scan3A_876, %scan3A_977 : i32
          %broadcast_in_dim3A_979 = vector.broadcast %scan3A_978 : i32 to vector<16xi32>
          %lt3A_980 = arith.constant 0 : i32
          %lt3A_981 = vector.broadcast %lt3A_980 : i32 to vector<16xi32>
          %lt3A_982 = arith.cmpi slt, %broadcast_in_dim3A_979, %lt3A_981 : vector<16xi32>
          %add3A_983 = arith.constant 16 : i32
          %add3A_984 = vector.broadcast %add3A_983 : i32 to vector<16xi32>
          %add3A_985 = arith.addi %broadcast_in_dim3A_979, %add3A_984 : vector<16xi32>
          %select_n3A_986 = arith.select %lt3A_982, %add3A_985, %broadcast_in_dim3A_979 : vector<16xi1>, vector<16xi32>
          %broadcast_in_dim3A_987 = vector.shape_cast %select_n3A_986 : vector<16xi32> to vector<16x1xi32>
          %gather3A_988 = vector.shape_cast %broadcast_in_dim3A_987 : vector<16x1xi32> to vector<16xi32>
          %gather3A_989 = tpu.dynamic_gather %mul3A_123[%gather3A_988] in [0] : vector<16xf32>, vector<16xi32> -> vector<16xf32>
          %broadcast_in_dim3A_990 = vector.broadcast %scan3A_978 : i32 to vector<16xi32>
          %lt3A_991 = arith.constant 0 : i32
          %lt3A_992 = vector.broadcast %lt3A_991 : i32 to vector<16xi32>
          %lt3A_993 = arith.cmpi slt, %broadcast_in_dim3A_990, %lt3A_992 : vector<16xi32>
          %add3A_994 = arith.constant 16 : i32
          %add3A_995 = vector.broadcast %add3A_994 : i32 to vector<16xi32>
          %add3A_996 = arith.addi %broadcast_in_dim3A_990, %add3A_995 : vector<16xi32>
          %select_n3A_997 = arith.select %lt3A_993, %add3A_996, %broadcast_in_dim3A_990 : vector<16xi1>, vector<16xi32>
          %broadcast_in_dim3A_998 = vector.shape_cast %select_n3A_997 : vector<16xi32> to vector<16x1xi32>
          %gather3A_999 = vector.shape_cast %broadcast_in_dim3A_998 : vector<16x1xi32> to vector<16xi32>
          %gather3A_1000 = tpu.dynamic_gather %get3A_90[%gather3A_999] in [0] : vector<16xf32>, vector<16xi32> -> vector<16xf32>
          %add3A_1001 = arith.constant 16 : i32
          %add3A_1002 = arith.addi %scan3A_978, %add3A_1001 : i32
          %broadcast_in_dim3A_1003 = vector.broadcast %add3A_1002 : i32 to vector<16xi32>
          %sub3A_1004 = arith.subf %convert_element_type3A_133, %gather3A_1000 : vector<16xf32>
          %mul3A_1005 = arith.mulf %sub3A_1004, %sub3A_1004 : vector<16xf32>
          %add3A_1006 = arith.addf %mul3A_1005, %gather3A_989 : vector<16xf32>
          %max3A_1007 = arith.constant 1.000000e+00 : f32
          %max3A_1008 = vector.broadcast %max3A_1007 : f32 to vector<16xf32>
          %max3A_1009 = arith.maximumf %max3A_1008, %add3A_1006 : vector<16xf32>
          %lt3A_1010 = arith.cmpf olt, %max3A_1009, %select_n3A_921 : vector<16xf32>
          %select_n3A_1011 = arith.select %lt3A_1010, %max3A_1009, %select_n3A_921 : vector<16xi1>, vector<16xf32>
          %select_n3A_1012 = arith.select %lt3A_1010, %broadcast_in_dim3A_1003, %select_n3A_922 : vector<16xi1>, vector<16xi32>
          %sub3A_1013 = arith.subf %convert_element_type3A_137, %gather3A_1000 : vector<16xf32>
          %mul3A_1014 = arith.mulf %sub3A_1013, %sub3A_1013 : vector<16xf32>
          %add3A_1015 = arith.addf %mul3A_1014, %gather3A_989 : vector<16xf32>
          %max3A_1016 = arith.constant 1.000000e+00 : f32
          %max3A_1017 = vector.broadcast %max3A_1016 : f32 to vector<16xf32>
          %max3A_1018 = arith.maximumf %max3A_1017, %add3A_1015 : vector<16xf32>
          %lt3A_1019 = arith.cmpf olt, %max3A_1018, %select_n3A_930 : vector<16xf32>
          %select_n3A_1020 = arith.select %lt3A_1019, %max3A_1018, %select_n3A_930 : vector<16xi1>, vector<16xf32>
          %select_n3A_1021 = arith.select %lt3A_1019, %broadcast_in_dim3A_1003, %select_n3A_931 : vector<16xi1>, vector<16xi32>
          %sub3A_1022 = arith.subf %convert_element_type3A_141, %gather3A_1000 : vector<16xf32>
          %mul3A_1023 = arith.mulf %sub3A_1022, %sub3A_1022 : vector<16xf32>
          %add3A_1024 = arith.addf %mul3A_1023, %gather3A_989 : vector<16xf32>
          %max3A_1025 = arith.constant 1.000000e+00 : f32
          %max3A_1026 = vector.broadcast %max3A_1025 : f32 to vector<16xf32>
          %max3A_1027 = arith.maximumf %max3A_1026, %add3A_1024 : vector<16xf32>
          %lt3A_1028 = arith.cmpf olt, %max3A_1027, %select_n3A_939 : vector<16xf32>
          %select_n3A_1029 = arith.select %lt3A_1028, %max3A_1027, %select_n3A_939 : vector<16xi1>, vector<16xf32>
          %select_n3A_1030 = arith.select %lt3A_1028, %broadcast_in_dim3A_1003, %select_n3A_940 : vector<16xi1>, vector<16xi32>
          %sub3A_1031 = arith.subf %convert_element_type3A_145, %gather3A_1000 : vector<16xf32>
          %mul3A_1032 = arith.mulf %sub3A_1031, %sub3A_1031 : vector<16xf32>
          %add3A_1033 = arith.addf %mul3A_1032, %gather3A_989 : vector<16xf32>
          %max3A_1034 = arith.constant 1.000000e+00 : f32
          %max3A_1035 = vector.broadcast %max3A_1034 : f32 to vector<16xf32>
          %max3A_1036 = arith.maximumf %max3A_1035, %add3A_1033 : vector<16xf32>
          %lt3A_1037 = arith.cmpf olt, %max3A_1036, %select_n3A_948 : vector<16xf32>
          %select_n3A_1038 = arith.select %lt3A_1037, %max3A_1036, %select_n3A_948 : vector<16xi1>, vector<16xf32>
          %select_n3A_1039 = arith.select %lt3A_1037, %broadcast_in_dim3A_1003, %select_n3A_949 : vector<16xi1>, vector<16xi32>
          %sub3A_1040 = arith.subf %convert_element_type3A_149, %gather3A_1000 : vector<16xf32>
          %mul3A_1041 = arith.mulf %sub3A_1040, %sub3A_1040 : vector<16xf32>
          %add3A_1042 = arith.addf %mul3A_1041, %gather3A_989 : vector<16xf32>
          %max3A_1043 = arith.constant 1.000000e+00 : f32
          %max3A_1044 = vector.broadcast %max3A_1043 : f32 to vector<16xf32>
          %max3A_1045 = arith.maximumf %max3A_1044, %add3A_1042 : vector<16xf32>
          %lt3A_1046 = arith.cmpf olt, %max3A_1045, %select_n3A_957 : vector<16xf32>
          %select_n3A_1047 = arith.select %lt3A_1046, %max3A_1045, %select_n3A_957 : vector<16xi1>, vector<16xf32>
          %select_n3A_1048 = arith.select %lt3A_1046, %broadcast_in_dim3A_1003, %select_n3A_958 : vector<16xi1>, vector<16xi32>
          %sub3A_1049 = arith.subf %convert_element_type3A_153, %gather3A_1000 : vector<16xf32>
          %mul3A_1050 = arith.mulf %sub3A_1049, %sub3A_1049 : vector<16xf32>
          %add3A_1051 = arith.addf %mul3A_1050, %gather3A_989 : vector<16xf32>
          %max3A_1052 = arith.constant 1.000000e+00 : f32
          %max3A_1053 = vector.broadcast %max3A_1052 : f32 to vector<16xf32>
          %max3A_1054 = arith.maximumf %max3A_1053, %add3A_1051 : vector<16xf32>
          %lt3A_1055 = arith.cmpf olt, %max3A_1054, %select_n3A_966 : vector<16xf32>
          %select_n3A_1056 = arith.select %lt3A_1055, %max3A_1054, %select_n3A_966 : vector<16xi1>, vector<16xf32>
          %select_n3A_1057 = arith.select %lt3A_1055, %broadcast_in_dim3A_1003, %select_n3A_967 : vector<16xi1>, vector<16xi32>
          %sub3A_1058 = arith.subf %convert_element_type3A_157, %gather3A_1000 : vector<16xf32>
          %mul3A_1059 = arith.mulf %sub3A_1058, %sub3A_1058 : vector<16xf32>
          %add3A_1060 = arith.addf %mul3A_1059, %gather3A_989 : vector<16xf32>
          %max3A_1061 = arith.constant 1.000000e+00 : f32
          %max3A_1062 = vector.broadcast %max3A_1061 : f32 to vector<16xf32>
          %max3A_1063 = arith.maximumf %max3A_1062, %add3A_1060 : vector<16xf32>
          %lt3A_1064 = arith.cmpf olt, %max3A_1063, %select_n3A_975 : vector<16xf32>
          %select_n3A_1065 = arith.select %lt3A_1064, %max3A_1063, %select_n3A_975 : vector<16xi1>, vector<16xf32>
          %select_n3A_1066 = arith.select %lt3A_1064, %broadcast_in_dim3A_1003, %select_n3A_976 : vector<16xi1>, vector<16xi32>
          scf.yield %select_n3A_1011, %select_n3A_1020, %select_n3A_1029, %select_n3A_1038, %select_n3A_1047, %select_n3A_1056, %select_n3A_1065, %select_n3A_1012, %select_n3A_1021, %select_n3A_1030, %select_n3A_1039, %select_n3A_1048, %select_n3A_1057, %select_n3A_1066 : vector<16xf32>, vector<16xf32>, vector<16xf32>, vector<16xf32>, vector<16xf32>, vector<16xf32>, vector<16xf32>, vector<16xi32>, vector<16xi32>, vector<16xi32>, vector<16xi32>, vector<16xi32>, vector<16xi32>, vector<16xi32>
        }
        %scan3A_197 = arith.constant 16 : i32
        %scan3A_198 = arith.constant 0 : i32
        %scan3A_199 = arith.constant 16 : i32
        %scan3A_200 = arith.addi %scan3A_198, %scan3A_199 : i32
        %scan3A_201 = arith.constant 2 : i32
        %scan3A_202:14 = scf.for %scan3A_876 = %scan3A_198 to %scan3A_200 step %scan3A_201 iter_args(%scan3A_877 = %scan3A_196#0, %scan3A_878 = %scan3A_196#1, %scan3A_879 = %scan3A_196#2, %scan3A_880 = %scan3A_196#3, %scan3A_881 = %scan3A_196#4, %scan3A_882 = %scan3A_196#5, %scan3A_883 = %scan3A_196#6, %scan3A_884 = %scan3A_196#7, %scan3A_885 = %scan3A_196#8, %scan3A_886 = %scan3A_196#9, %scan3A_887 = %scan3A_196#10, %scan3A_888 = %scan3A_196#11, %scan3A_889 = %scan3A_196#12, %scan3A_890 = %scan3A_196#13) -> (vector<16xf32>, vector<16xf32>, vector<16xf32>, vector<16xf32>, vector<16xf32>, vector<16xf32>, vector<16xf32>, vector<16xi32>, vector<16xi32>, vector<16xi32>, vector<16xi32>, vector<16xi32>, vector<16xi32>, vector<16xi32>)  : i32 {
          %broadcast_in_dim3A_891 = vector.broadcast %scan3A_876 : i32 to vector<16xi32>
          %lt3A_892 = arith.constant 0 : i32
          %lt3A_893 = vector.broadcast %lt3A_892 : i32 to vector<16xi32>
          %lt3A_894 = arith.cmpi slt, %broadcast_in_dim3A_891, %lt3A_893 : vector<16xi32>
          %add3A_895 = arith.constant 16 : i32
          %add3A_896 = vector.broadcast %add3A_895 : i32 to vector<16xi32>
          %add3A_897 = arith.addi %broadcast_in_dim3A_891, %add3A_896 : vector<16xi32>
          %select_n3A = arith.select %lt3A_894, %add3A_897, %broadcast_in_dim3A_891 : vector<16xi1>, vector<16xi32>
          %broadcast_in_dim3A_898 = vector.shape_cast %select_n3A : vector<16xi32> to vector<16x1xi32>
          %gather3A_899 = vector.shape_cast %broadcast_in_dim3A_898 : vector<16x1xi32> to vector<16xi32>
          %gather3A_900 = tpu.dynamic_gather %mul3A_126[%gather3A_899] in [0] : vector<16xf32>, vector<16xi32> -> vector<16xf32>
          %broadcast_in_dim3A_901 = vector.broadcast %scan3A_876 : i32 to vector<16xi32>
          %lt3A_902 = arith.constant 0 : i32
          %lt3A_903 = vector.broadcast %lt3A_902 : i32 to vector<16xi32>
          %lt3A_904 = arith.cmpi slt, %broadcast_in_dim3A_901, %lt3A_903 : vector<16xi32>
          %add3A_905 = arith.constant 16 : i32
          %add3A_906 = vector.broadcast %add3A_905 : i32 to vector<16xi32>
          %add3A_907 = arith.addi %broadcast_in_dim3A_901, %add3A_906 : vector<16xi32>
          %select_n3A_908 = arith.select %lt3A_904, %add3A_907, %broadcast_in_dim3A_901 : vector<16xi1>, vector<16xi32>
          %broadcast_in_dim3A_909 = vector.shape_cast %select_n3A_908 : vector<16xi32> to vector<16x1xi32>
          %gather3A_910 = vector.shape_cast %broadcast_in_dim3A_909 : vector<16x1xi32> to vector<16xi32>
          %gather3A_911 = tpu.dynamic_gather %get3A_92[%gather3A_910] in [0] : vector<16xf32>, vector<16xi32> -> vector<16xf32>
          %add3A_912 = arith.constant 32 : i32
          %add3A_913 = arith.addi %scan3A_876, %add3A_912 : i32
          %broadcast_in_dim3A_914 = vector.broadcast %add3A_913 : i32 to vector<16xi32>
          %sub3A_915 = arith.subf %convert_element_type3A_133, %gather3A_911 : vector<16xf32>
          %mul3A_916 = arith.mulf %sub3A_915, %sub3A_915 : vector<16xf32>
          %add3A_917 = arith.addf %mul3A_916, %gather3A_900 : vector<16xf32>
          %max3A = arith.constant 1.000000e+00 : f32
          %max3A_918 = vector.broadcast %max3A : f32 to vector<16xf32>
          %max3A_919 = arith.maximumf %max3A_918, %add3A_917 : vector<16xf32>
          %lt3A_920 = arith.cmpf olt, %max3A_919, %scan3A_877 : vector<16xf32>
          %select_n3A_921 = arith.select %lt3A_920, %max3A_919, %scan3A_877 : vector<16xi1>, vector<16xf32>
          %select_n3A_922 = arith.select %lt3A_920, %broadcast_in_dim3A_914, %scan3A_884 : vector<16xi1>, vector<16xi32>
          %sub3A_923 = arith.subf %convert_element_type3A_137, %gather3A_911 : vector<16xf32>
          %mul3A_924 = arith.mulf %sub3A_923, %sub3A_923 : vector<16xf32>
          %add3A_925 = arith.addf %mul3A_924, %gather3A_900 : vector<16xf32>
          %max3A_926 = arith.constant 1.000000e+00 : f32
          %max3A_927 = vector.broadcast %max3A_926 : f32 to vector<16xf32>
          %max3A_928 = arith.maximumf %max3A_927, %add3A_925 : vector<16xf32>
          %lt3A_929 = arith.cmpf olt, %max3A_928, %scan3A_878 : vector<16xf32>
          %select_n3A_930 = arith.select %lt3A_929, %max3A_928, %scan3A_878 : vector<16xi1>, vector<16xf32>
          %select_n3A_931 = arith.select %lt3A_929, %broadcast_in_dim3A_914, %scan3A_885 : vector<16xi1>, vector<16xi32>
          %sub3A_932 = arith.subf %convert_element_type3A_141, %gather3A_911 : vector<16xf32>
          %mul3A_933 = arith.mulf %sub3A_932, %sub3A_932 : vector<16xf32>
          %add3A_934 = arith.addf %mul3A_933, %gather3A_900 : vector<16xf32>
          %max3A_935 = arith.constant 1.000000e+00 : f32
          %max3A_936 = vector.broadcast %max3A_935 : f32 to vector<16xf32>
          %max3A_937 = arith.maximumf %max3A_936, %add3A_934 : vector<16xf32>
          %lt3A_938 = arith.cmpf olt, %max3A_937, %scan3A_879 : vector<16xf32>
          %select_n3A_939 = arith.select %lt3A_938, %max3A_937, %scan3A_879 : vector<16xi1>, vector<16xf32>
          %select_n3A_940 = arith.select %lt3A_938, %broadcast_in_dim3A_914, %scan3A_886 : vector<16xi1>, vector<16xi32>
          %sub3A_941 = arith.subf %convert_element_type3A_145, %gather3A_911 : vector<16xf32>
          %mul3A_942 = arith.mulf %sub3A_941, %sub3A_941 : vector<16xf32>
          %add3A_943 = arith.addf %mul3A_942, %gather3A_900 : vector<16xf32>
          %max3A_944 = arith.constant 1.000000e+00 : f32
          %max3A_945 = vector.broadcast %max3A_944 : f32 to vector<16xf32>
          %max3A_946 = arith.maximumf %max3A_945, %add3A_943 : vector<16xf32>
          %lt3A_947 = arith.cmpf olt, %max3A_946, %scan3A_880 : vector<16xf32>
          %select_n3A_948 = arith.select %lt3A_947, %max3A_946, %scan3A_880 : vector<16xi1>, vector<16xf32>
          %select_n3A_949 = arith.select %lt3A_947, %broadcast_in_dim3A_914, %scan3A_887 : vector<16xi1>, vector<16xi32>
          %sub3A_950 = arith.subf %convert_element_type3A_149, %gather3A_911 : vector<16xf32>
          %mul3A_951 = arith.mulf %sub3A_950, %sub3A_950 : vector<16xf32>
          %add3A_952 = arith.addf %mul3A_951, %gather3A_900 : vector<16xf32>
          %max3A_953 = arith.constant 1.000000e+00 : f32
          %max3A_954 = vector.broadcast %max3A_953 : f32 to vector<16xf32>
          %max3A_955 = arith.maximumf %max3A_954, %add3A_952 : vector<16xf32>
          %lt3A_956 = arith.cmpf olt, %max3A_955, %scan3A_881 : vector<16xf32>
          %select_n3A_957 = arith.select %lt3A_956, %max3A_955, %scan3A_881 : vector<16xi1>, vector<16xf32>
          %select_n3A_958 = arith.select %lt3A_956, %broadcast_in_dim3A_914, %scan3A_888 : vector<16xi1>, vector<16xi32>
          %sub3A_959 = arith.subf %convert_element_type3A_153, %gather3A_911 : vector<16xf32>
          %mul3A_960 = arith.mulf %sub3A_959, %sub3A_959 : vector<16xf32>
          %add3A_961 = arith.addf %mul3A_960, %gather3A_900 : vector<16xf32>
          %max3A_962 = arith.constant 1.000000e+00 : f32
          %max3A_963 = vector.broadcast %max3A_962 : f32 to vector<16xf32>
          %max3A_964 = arith.maximumf %max3A_963, %add3A_961 : vector<16xf32>
          %lt3A_965 = arith.cmpf olt, %max3A_964, %scan3A_882 : vector<16xf32>
          %select_n3A_966 = arith.select %lt3A_965, %max3A_964, %scan3A_882 : vector<16xi1>, vector<16xf32>
          %select_n3A_967 = arith.select %lt3A_965, %broadcast_in_dim3A_914, %scan3A_889 : vector<16xi1>, vector<16xi32>
          %sub3A_968 = arith.subf %convert_element_type3A_157, %gather3A_911 : vector<16xf32>
          %mul3A_969 = arith.mulf %sub3A_968, %sub3A_968 : vector<16xf32>
          %add3A_970 = arith.addf %mul3A_969, %gather3A_900 : vector<16xf32>
          %max3A_971 = arith.constant 1.000000e+00 : f32
          %max3A_972 = vector.broadcast %max3A_971 : f32 to vector<16xf32>
          %max3A_973 = arith.maximumf %max3A_972, %add3A_970 : vector<16xf32>
          %lt3A_974 = arith.cmpf olt, %max3A_973, %scan3A_883 : vector<16xf32>
          %select_n3A_975 = arith.select %lt3A_974, %max3A_973, %scan3A_883 : vector<16xi1>, vector<16xf32>
          %select_n3A_976 = arith.select %lt3A_974, %broadcast_in_dim3A_914, %scan3A_890 : vector<16xi1>, vector<16xi32>
          %scan3A_977 = arith.constant 1 : i32
          %scan3A_978 = arith.addi %scan3A_876, %scan3A_977 : i32
          %broadcast_in_dim3A_979 = vector.broadcast %scan3A_978 : i32 to vector<16xi32>
          %lt3A_980 = arith.constant 0 : i32
          %lt3A_981 = vector.broadcast %lt3A_980 : i32 to vector<16xi32>
          %lt3A_982 = arith.cmpi slt, %broadcast_in_dim3A_979, %lt3A_981 : vector<16xi32>
          %add3A_983 = arith.constant 16 : i32
          %add3A_984 = vector.broadcast %add3A_983 : i32 to vector<16xi32>
          %add3A_985 = arith.addi %broadcast_in_dim3A_979, %add3A_984 : vector<16xi32>
          %select_n3A_986 = arith.select %lt3A_982, %add3A_985, %broadcast_in_dim3A_979 : vector<16xi1>, vector<16xi32>
          %broadcast_in_dim3A_987 = vector.shape_cast %select_n3A_986 : vector<16xi32> to vector<16x1xi32>
          %gather3A_988 = vector.shape_cast %broadcast_in_dim3A_987 : vector<16x1xi32> to vector<16xi32>
          %gather3A_989 = tpu.dynamic_gather %mul3A_126[%gather3A_988] in [0] : vector<16xf32>, vector<16xi32> -> vector<16xf32>
          %broadcast_in_dim3A_990 = vector.broadcast %scan3A_978 : i32 to vector<16xi32>
          %lt3A_991 = arith.constant 0 : i32
          %lt3A_992 = vector.broadcast %lt3A_991 : i32 to vector<16xi32>
          %lt3A_993 = arith.cmpi slt, %broadcast_in_dim3A_990, %lt3A_992 : vector<16xi32>
          %add3A_994 = arith.constant 16 : i32
          %add3A_995 = vector.broadcast %add3A_994 : i32 to vector<16xi32>
          %add3A_996 = arith.addi %broadcast_in_dim3A_990, %add3A_995 : vector<16xi32>
          %select_n3A_997 = arith.select %lt3A_993, %add3A_996, %broadcast_in_dim3A_990 : vector<16xi1>, vector<16xi32>
          %broadcast_in_dim3A_998 = vector.shape_cast %select_n3A_997 : vector<16xi32> to vector<16x1xi32>
          %gather3A_999 = vector.shape_cast %broadcast_in_dim3A_998 : vector<16x1xi32> to vector<16xi32>
          %gather3A_1000 = tpu.dynamic_gather %get3A_92[%gather3A_999] in [0] : vector<16xf32>, vector<16xi32> -> vector<16xf32>
          %add3A_1001 = arith.constant 32 : i32
          %add3A_1002 = arith.addi %scan3A_978, %add3A_1001 : i32
          %broadcast_in_dim3A_1003 = vector.broadcast %add3A_1002 : i32 to vector<16xi32>
          %sub3A_1004 = arith.subf %convert_element_type3A_133, %gather3A_1000 : vector<16xf32>
          %mul3A_1005 = arith.mulf %sub3A_1004, %sub3A_1004 : vector<16xf32>
          %add3A_1006 = arith.addf %mul3A_1005, %gather3A_989 : vector<16xf32>
          %max3A_1007 = arith.constant 1.000000e+00 : f32
          %max3A_1008 = vector.broadcast %max3A_1007 : f32 to vector<16xf32>
          %max3A_1009 = arith.maximumf %max3A_1008, %add3A_1006 : vector<16xf32>
          %lt3A_1010 = arith.cmpf olt, %max3A_1009, %select_n3A_921 : vector<16xf32>
          %select_n3A_1011 = arith.select %lt3A_1010, %max3A_1009, %select_n3A_921 : vector<16xi1>, vector<16xf32>
          %select_n3A_1012 = arith.select %lt3A_1010, %broadcast_in_dim3A_1003, %select_n3A_922 : vector<16xi1>, vector<16xi32>
          %sub3A_1013 = arith.subf %convert_element_type3A_137, %gather3A_1000 : vector<16xf32>
          %mul3A_1014 = arith.mulf %sub3A_1013, %sub3A_1013 : vector<16xf32>
          %add3A_1015 = arith.addf %mul3A_1014, %gather3A_989 : vector<16xf32>
          %max3A_1016 = arith.constant 1.000000e+00 : f32
          %max3A_1017 = vector.broadcast %max3A_1016 : f32 to vector<16xf32>
          %max3A_1018 = arith.maximumf %max3A_1017, %add3A_1015 : vector<16xf32>
          %lt3A_1019 = arith.cmpf olt, %max3A_1018, %select_n3A_930 : vector<16xf32>
          %select_n3A_1020 = arith.select %lt3A_1019, %max3A_1018, %select_n3A_930 : vector<16xi1>, vector<16xf32>
          %select_n3A_1021 = arith.select %lt3A_1019, %broadcast_in_dim3A_1003, %select_n3A_931 : vector<16xi1>, vector<16xi32>
          %sub3A_1022 = arith.subf %convert_element_type3A_141, %gather3A_1000 : vector<16xf32>
          %mul3A_1023 = arith.mulf %sub3A_1022, %sub3A_1022 : vector<16xf32>
          %add3A_1024 = arith.addf %mul3A_1023, %gather3A_989 : vector<16xf32>
          %max3A_1025 = arith.constant 1.000000e+00 : f32
          %max3A_1026 = vector.broadcast %max3A_1025 : f32 to vector<16xf32>
          %max3A_1027 = arith.maximumf %max3A_1026, %add3A_1024 : vector<16xf32>
          %lt3A_1028 = arith.cmpf olt, %max3A_1027, %select_n3A_939 : vector<16xf32>
          %select_n3A_1029 = arith.select %lt3A_1028, %max3A_1027, %select_n3A_939 : vector<16xi1>, vector<16xf32>
          %select_n3A_1030 = arith.select %lt3A_1028, %broadcast_in_dim3A_1003, %select_n3A_940 : vector<16xi1>, vector<16xi32>
          %sub3A_1031 = arith.subf %convert_element_type3A_145, %gather3A_1000 : vector<16xf32>
          %mul3A_1032 = arith.mulf %sub3A_1031, %sub3A_1031 : vector<16xf32>
          %add3A_1033 = arith.addf %mul3A_1032, %gather3A_989 : vector<16xf32>
          %max3A_1034 = arith.constant 1.000000e+00 : f32
          %max3A_1035 = vector.broadcast %max3A_1034 : f32 to vector<16xf32>
          %max3A_1036 = arith.maximumf %max3A_1035, %add3A_1033 : vector<16xf32>
          %lt3A_1037 = arith.cmpf olt, %max3A_1036, %select_n3A_948 : vector<16xf32>
          %select_n3A_1038 = arith.select %lt3A_1037, %max3A_1036, %select_n3A_948 : vector<16xi1>, vector<16xf32>
          %select_n3A_1039 = arith.select %lt3A_1037, %broadcast_in_dim3A_1003, %select_n3A_949 : vector<16xi1>, vector<16xi32>
          %sub3A_1040 = arith.subf %convert_element_type3A_149, %gather3A_1000 : vector<16xf32>
          %mul3A_1041 = arith.mulf %sub3A_1040, %sub3A_1040 : vector<16xf32>
          %add3A_1042 = arith.addf %mul3A_1041, %gather3A_989 : vector<16xf32>
          %max3A_1043 = arith.constant 1.000000e+00 : f32
          %max3A_1044 = vector.broadcast %max3A_1043 : f32 to vector<16xf32>
          %max3A_1045 = arith.maximumf %max3A_1044, %add3A_1042 : vector<16xf32>
          %lt3A_1046 = arith.cmpf olt, %max3A_1045, %select_n3A_957 : vector<16xf32>
          %select_n3A_1047 = arith.select %lt3A_1046, %max3A_1045, %select_n3A_957 : vector<16xi1>, vector<16xf32>
          %select_n3A_1048 = arith.select %lt3A_1046, %broadcast_in_dim3A_1003, %select_n3A_958 : vector<16xi1>, vector<16xi32>
          %sub3A_1049 = arith.subf %convert_element_type3A_153, %gather3A_1000 : vector<16xf32>
          %mul3A_1050 = arith.mulf %sub3A_1049, %sub3A_1049 : vector<16xf32>
          %add3A_1051 = arith.addf %mul3A_1050, %gather3A_989 : vector<16xf32>
          %max3A_1052 = arith.constant 1.000000e+00 : f32
          %max3A_1053 = vector.broadcast %max3A_1052 : f32 to vector<16xf32>
          %max3A_1054 = arith.maximumf %max3A_1053, %add3A_1051 : vector<16xf32>
          %lt3A_1055 = arith.cmpf olt, %max3A_1054, %select_n3A_966 : vector<16xf32>
          %select_n3A_1056 = arith.select %lt3A_1055, %max3A_1054, %select_n3A_966 : vector<16xi1>, vector<16xf32>
          %select_n3A_1057 = arith.select %lt3A_1055, %broadcast_in_dim3A_1003, %select_n3A_967 : vector<16xi1>, vector<16xi32>
          %sub3A_1058 = arith.subf %convert_element_type3A_157, %gather3A_1000 : vector<16xf32>
          %mul3A_1059 = arith.mulf %sub3A_1058, %sub3A_1058 : vector<16xf32>
          %add3A_1060 = arith.addf %mul3A_1059, %gather3A_989 : vector<16xf32>
          %max3A_1061 = arith.constant 1.000000e+00 : f32
          %max3A_1062 = vector.broadcast %max3A_1061 : f32 to vector<16xf32>
          %max3A_1063 = arith.maximumf %max3A_1062, %add3A_1060 : vector<16xf32>
          %lt3A_1064 = arith.cmpf olt, %max3A_1063, %select_n3A_975 : vector<16xf32>
          %select_n3A_1065 = arith.select %lt3A_1064, %max3A_1063, %select_n3A_975 : vector<16xi1>, vector<16xf32>
          %select_n3A_1066 = arith.select %lt3A_1064, %broadcast_in_dim3A_1003, %select_n3A_976 : vector<16xi1>, vector<16xi32>
          scf.yield %select_n3A_1011, %select_n3A_1020, %select_n3A_1029, %select_n3A_1038, %select_n3A_1047, %select_n3A_1056, %select_n3A_1065, %select_n3A_1012, %select_n3A_1021, %select_n3A_1030, %select_n3A_1039, %select_n3A_1048, %select_n3A_1057, %select_n3A_1066 : vector<16xf32>, vector<16xf32>, vector<16xf32>, vector<16xf32>, vector<16xf32>, vector<16xf32>, vector<16xf32>, vector<16xi32>, vector<16xi32>, vector<16xi32>, vector<16xi32>, vector<16xi32>, vector<16xi32>, vector<16xi32>
        }
        %scan3A_203 = arith.constant 16 : i32
        %scan3A_204 = arith.constant 0 : i32
        %scan3A_205 = arith.constant 16 : i32
        %scan3A_206 = arith.addi %scan3A_204, %scan3A_205 : i32
        %scan3A_207 = arith.constant 2 : i32
        %scan3A_208:14 = scf.for %scan3A_876 = %scan3A_204 to %scan3A_206 step %scan3A_207 iter_args(%scan3A_877 = %scan3A_202#0, %scan3A_878 = %scan3A_202#1, %scan3A_879 = %scan3A_202#2, %scan3A_880 = %scan3A_202#3, %scan3A_881 = %scan3A_202#4, %scan3A_882 = %scan3A_202#5, %scan3A_883 = %scan3A_202#6, %scan3A_884 = %scan3A_202#7, %scan3A_885 = %scan3A_202#8, %scan3A_886 = %scan3A_202#9, %scan3A_887 = %scan3A_202#10, %scan3A_888 = %scan3A_202#11, %scan3A_889 = %scan3A_202#12, %scan3A_890 = %scan3A_202#13) -> (vector<16xf32>, vector<16xf32>, vector<16xf32>, vector<16xf32>, vector<16xf32>, vector<16xf32>, vector<16xf32>, vector<16xi32>, vector<16xi32>, vector<16xi32>, vector<16xi32>, vector<16xi32>, vector<16xi32>, vector<16xi32>)  : i32 {
          %broadcast_in_dim3A_891 = vector.broadcast %scan3A_876 : i32 to vector<16xi32>
          %lt3A_892 = arith.constant 0 : i32
          %lt3A_893 = vector.broadcast %lt3A_892 : i32 to vector<16xi32>
          %lt3A_894 = arith.cmpi slt, %broadcast_in_dim3A_891, %lt3A_893 : vector<16xi32>
          %add3A_895 = arith.constant 16 : i32
          %add3A_896 = vector.broadcast %add3A_895 : i32 to vector<16xi32>
          %add3A_897 = arith.addi %broadcast_in_dim3A_891, %add3A_896 : vector<16xi32>
          %select_n3A = arith.select %lt3A_894, %add3A_897, %broadcast_in_dim3A_891 : vector<16xi1>, vector<16xi32>
          %broadcast_in_dim3A_898 = vector.shape_cast %select_n3A : vector<16xi32> to vector<16x1xi32>
          %gather3A_899 = vector.shape_cast %broadcast_in_dim3A_898 : vector<16x1xi32> to vector<16xi32>
          %gather3A_900 = tpu.dynamic_gather %mul3A_129[%gather3A_899] in [0] : vector<16xf32>, vector<16xi32> -> vector<16xf32>
          %broadcast_in_dim3A_901 = vector.broadcast %scan3A_876 : i32 to vector<16xi32>
          %lt3A_902 = arith.constant 0 : i32
          %lt3A_903 = vector.broadcast %lt3A_902 : i32 to vector<16xi32>
          %lt3A_904 = arith.cmpi slt, %broadcast_in_dim3A_901, %lt3A_903 : vector<16xi32>
          %add3A_905 = arith.constant 16 : i32
          %add3A_906 = vector.broadcast %add3A_905 : i32 to vector<16xi32>
          %add3A_907 = arith.addi %broadcast_in_dim3A_901, %add3A_906 : vector<16xi32>
          %select_n3A_908 = arith.select %lt3A_904, %add3A_907, %broadcast_in_dim3A_901 : vector<16xi1>, vector<16xi32>
          %broadcast_in_dim3A_909 = vector.shape_cast %select_n3A_908 : vector<16xi32> to vector<16x1xi32>
          %gather3A_910 = vector.shape_cast %broadcast_in_dim3A_909 : vector<16x1xi32> to vector<16xi32>
          %gather3A_911 = tpu.dynamic_gather %get3A_94[%gather3A_910] in [0] : vector<16xf32>, vector<16xi32> -> vector<16xf32>
          %add3A_912 = arith.constant 48 : i32
          %add3A_913 = arith.addi %scan3A_876, %add3A_912 : i32
          %broadcast_in_dim3A_914 = vector.broadcast %add3A_913 : i32 to vector<16xi32>
          %sub3A_915 = arith.subf %convert_element_type3A_133, %gather3A_911 : vector<16xf32>
          %mul3A_916 = arith.mulf %sub3A_915, %sub3A_915 : vector<16xf32>
          %add3A_917 = arith.addf %mul3A_916, %gather3A_900 : vector<16xf32>
          %max3A = arith.constant 1.000000e+00 : f32
          %max3A_918 = vector.broadcast %max3A : f32 to vector<16xf32>
          %max3A_919 = arith.maximumf %max3A_918, %add3A_917 : vector<16xf32>
          %lt3A_920 = arith.cmpf olt, %max3A_919, %scan3A_877 : vector<16xf32>
          %select_n3A_921 = arith.select %lt3A_920, %max3A_919, %scan3A_877 : vector<16xi1>, vector<16xf32>
          %select_n3A_922 = arith.select %lt3A_920, %broadcast_in_dim3A_914, %scan3A_884 : vector<16xi1>, vector<16xi32>
          %sub3A_923 = arith.subf %convert_element_type3A_137, %gather3A_911 : vector<16xf32>
          %mul3A_924 = arith.mulf %sub3A_923, %sub3A_923 : vector<16xf32>
          %add3A_925 = arith.addf %mul3A_924, %gather3A_900 : vector<16xf32>
          %max3A_926 = arith.constant 1.000000e+00 : f32
          %max3A_927 = vector.broadcast %max3A_926 : f32 to vector<16xf32>
          %max3A_928 = arith.maximumf %max3A_927, %add3A_925 : vector<16xf32>
          %lt3A_929 = arith.cmpf olt, %max3A_928, %scan3A_878 : vector<16xf32>
          %select_n3A_930 = arith.select %lt3A_929, %max3A_928, %scan3A_878 : vector<16xi1>, vector<16xf32>
          %select_n3A_931 = arith.select %lt3A_929, %broadcast_in_dim3A_914, %scan3A_885 : vector<16xi1>, vector<16xi32>
          %sub3A_932 = arith.subf %convert_element_type3A_141, %gather3A_911 : vector<16xf32>
          %mul3A_933 = arith.mulf %sub3A_932, %sub3A_932 : vector<16xf32>
          %add3A_934 = arith.addf %mul3A_933, %gather3A_900 : vector<16xf32>
          %max3A_935 = arith.constant 1.000000e+00 : f32
          %max3A_936 = vector.broadcast %max3A_935 : f32 to vector<16xf32>
          %max3A_937 = arith.maximumf %max3A_936, %add3A_934 : vector<16xf32>
          %lt3A_938 = arith.cmpf olt, %max3A_937, %scan3A_879 : vector<16xf32>
          %select_n3A_939 = arith.select %lt3A_938, %max3A_937, %scan3A_879 : vector<16xi1>, vector<16xf32>
          %select_n3A_940 = arith.select %lt3A_938, %broadcast_in_dim3A_914, %scan3A_886 : vector<16xi1>, vector<16xi32>
          %sub3A_941 = arith.subf %convert_element_type3A_145, %gather3A_911 : vector<16xf32>
          %mul3A_942 = arith.mulf %sub3A_941, %sub3A_941 : vector<16xf32>
          %add3A_943 = arith.addf %mul3A_942, %gather3A_900 : vector<16xf32>
          %max3A_944 = arith.constant 1.000000e+00 : f32
          %max3A_945 = vector.broadcast %max3A_944 : f32 to vector<16xf32>
          %max3A_946 = arith.maximumf %max3A_945, %add3A_943 : vector<16xf32>
          %lt3A_947 = arith.cmpf olt, %max3A_946, %scan3A_880 : vector<16xf32>
          %select_n3A_948 = arith.select %lt3A_947, %max3A_946, %scan3A_880 : vector<16xi1>, vector<16xf32>
          %select_n3A_949 = arith.select %lt3A_947, %broadcast_in_dim3A_914, %scan3A_887 : vector<16xi1>, vector<16xi32>
          %sub3A_950 = arith.subf %convert_element_type3A_149, %gather3A_911 : vector<16xf32>
          %mul3A_951 = arith.mulf %sub3A_950, %sub3A_950 : vector<16xf32>
          %add3A_952 = arith.addf %mul3A_951, %gather3A_900 : vector<16xf32>
          %max3A_953 = arith.constant 1.000000e+00 : f32
          %max3A_954 = vector.broadcast %max3A_953 : f32 to vector<16xf32>
          %max3A_955 = arith.maximumf %max3A_954, %add3A_952 : vector<16xf32>
          %lt3A_956 = arith.cmpf olt, %max3A_955, %scan3A_881 : vector<16xf32>
          %select_n3A_957 = arith.select %lt3A_956, %max3A_955, %scan3A_881 : vector<16xi1>, vector<16xf32>
          %select_n3A_958 = arith.select %lt3A_956, %broadcast_in_dim3A_914, %scan3A_888 : vector<16xi1>, vector<16xi32>
          %sub3A_959 = arith.subf %convert_element_type3A_153, %gather3A_911 : vector<16xf32>
          %mul3A_960 = arith.mulf %sub3A_959, %sub3A_959 : vector<16xf32>
          %add3A_961 = arith.addf %mul3A_960, %gather3A_900 : vector<16xf32>
          %max3A_962 = arith.constant 1.000000e+00 : f32
          %max3A_963 = vector.broadcast %max3A_962 : f32 to vector<16xf32>
          %max3A_964 = arith.maximumf %max3A_963, %add3A_961 : vector<16xf32>
          %lt3A_965 = arith.cmpf olt, %max3A_964, %scan3A_882 : vector<16xf32>
          %select_n3A_966 = arith.select %lt3A_965, %max3A_964, %scan3A_882 : vector<16xi1>, vector<16xf32>
          %select_n3A_967 = arith.select %lt3A_965, %broadcast_in_dim3A_914, %scan3A_889 : vector<16xi1>, vector<16xi32>
          %sub3A_968 = arith.subf %convert_element_type3A_157, %gather3A_911 : vector<16xf32>
          %mul3A_969 = arith.mulf %sub3A_968, %sub3A_968 : vector<16xf32>
          %add3A_970 = arith.addf %mul3A_969, %gather3A_900 : vector<16xf32>
          %max3A_971 = arith.constant 1.000000e+00 : f32
          %max3A_972 = vector.broadcast %max3A_971 : f32 to vector<16xf32>
          %max3A_973 = arith.maximumf %max3A_972, %add3A_970 : vector<16xf32>
          %lt3A_974 = arith.cmpf olt, %max3A_973, %scan3A_883 : vector<16xf32>
          %select_n3A_975 = arith.select %lt3A_974, %max3A_973, %scan3A_883 : vector<16xi1>, vector<16xf32>
          %select_n3A_976 = arith.select %lt3A_974, %broadcast_in_dim3A_914, %scan3A_890 : vector<16xi1>, vector<16xi32>
          %scan3A_977 = arith.constant 1 : i32
          %scan3A_978 = arith.addi %scan3A_876, %scan3A_977 : i32
          %broadcast_in_dim3A_979 = vector.broadcast %scan3A_978 : i32 to vector<16xi32>
          %lt3A_980 = arith.constant 0 : i32
          %lt3A_981 = vector.broadcast %lt3A_980 : i32 to vector<16xi32>
          %lt3A_982 = arith.cmpi slt, %broadcast_in_dim3A_979, %lt3A_981 : vector<16xi32>
          %add3A_983 = arith.constant 16 : i32
          %add3A_984 = vector.broadcast %add3A_983 : i32 to vector<16xi32>
          %add3A_985 = arith.addi %broadcast_in_dim3A_979, %add3A_984 : vector<16xi32>
          %select_n3A_986 = arith.select %lt3A_982, %add3A_985, %broadcast_in_dim3A_979 : vector<16xi1>, vector<16xi32>
          %broadcast_in_dim3A_987 = vector.shape_cast %select_n3A_986 : vector<16xi32> to vector<16x1xi32>
          %gather3A_988 = vector.shape_cast %broadcast_in_dim3A_987 : vector<16x1xi32> to vector<16xi32>
          %gather3A_989 = tpu.dynamic_gather %mul3A_129[%gather3A_988] in [0] : vector<16xf32>, vector<16xi32> -> vector<16xf32>
          %broadcast_in_dim3A_990 = vector.broadcast %scan3A_978 : i32 to vector<16xi32>
          %lt3A_991 = arith.constant 0 : i32
          %lt3A_992 = vector.broadcast %lt3A_991 : i32 to vector<16xi32>
          %lt3A_993 = arith.cmpi slt, %broadcast_in_dim3A_990, %lt3A_992 : vector<16xi32>
          %add3A_994 = arith.constant 16 : i32
          %add3A_995 = vector.broadcast %add3A_994 : i32 to vector<16xi32>
          %add3A_996 = arith.addi %broadcast_in_dim3A_990, %add3A_995 : vector<16xi32>
          %select_n3A_997 = arith.select %lt3A_993, %add3A_996, %broadcast_in_dim3A_990 : vector<16xi1>, vector<16xi32>
          %broadcast_in_dim3A_998 = vector.shape_cast %select_n3A_997 : vector<16xi32> to vector<16x1xi32>
          %gather3A_999 = vector.shape_cast %broadcast_in_dim3A_998 : vector<16x1xi32> to vector<16xi32>
          %gather3A_1000 = tpu.dynamic_gather %get3A_94[%gather3A_999] in [0] : vector<16xf32>, vector<16xi32> -> vector<16xf32>
          %add3A_1001 = arith.constant 48 : i32
          %add3A_1002 = arith.addi %scan3A_978, %add3A_1001 : i32
          %broadcast_in_dim3A_1003 = vector.broadcast %add3A_1002 : i32 to vector<16xi32>
          %sub3A_1004 = arith.subf %convert_element_type3A_133, %gather3A_1000 : vector<16xf32>
          %mul3A_1005 = arith.mulf %sub3A_1004, %sub3A_1004 : vector<16xf32>
          %add3A_1006 = arith.addf %mul3A_1005, %gather3A_989 : vector<16xf32>
          %max3A_1007 = arith.constant 1.000000e+00 : f32
          %max3A_1008 = vector.broadcast %max3A_1007 : f32 to vector<16xf32>
          %max3A_1009 = arith.maximumf %max3A_1008, %add3A_1006 : vector<16xf32>
          %lt3A_1010 = arith.cmpf olt, %max3A_1009, %select_n3A_921 : vector<16xf32>
          %select_n3A_1011 = arith.select %lt3A_1010, %max3A_1009, %select_n3A_921 : vector<16xi1>, vector<16xf32>
          %select_n3A_1012 = arith.select %lt3A_1010, %broadcast_in_dim3A_1003, %select_n3A_922 : vector<16xi1>, vector<16xi32>
          %sub3A_1013 = arith.subf %convert_element_type3A_137, %gather3A_1000 : vector<16xf32>
          %mul3A_1014 = arith.mulf %sub3A_1013, %sub3A_1013 : vector<16xf32>
          %add3A_1015 = arith.addf %mul3A_1014, %gather3A_989 : vector<16xf32>
          %max3A_1016 = arith.constant 1.000000e+00 : f32
          %max3A_1017 = vector.broadcast %max3A_1016 : f32 to vector<16xf32>
          %max3A_1018 = arith.maximumf %max3A_1017, %add3A_1015 : vector<16xf32>
          %lt3A_1019 = arith.cmpf olt, %max3A_1018, %select_n3A_930 : vector<16xf32>
          %select_n3A_1020 = arith.select %lt3A_1019, %max3A_1018, %select_n3A_930 : vector<16xi1>, vector<16xf32>
          %select_n3A_1021 = arith.select %lt3A_1019, %broadcast_in_dim3A_1003, %select_n3A_931 : vector<16xi1>, vector<16xi32>
          %sub3A_1022 = arith.subf %convert_element_type3A_141, %gather3A_1000 : vector<16xf32>
          %mul3A_1023 = arith.mulf %sub3A_1022, %sub3A_1022 : vector<16xf32>
          %add3A_1024 = arith.addf %mul3A_1023, %gather3A_989 : vector<16xf32>
          %max3A_1025 = arith.constant 1.000000e+00 : f32
          %max3A_1026 = vector.broadcast %max3A_1025 : f32 to vector<16xf32>
          %max3A_1027 = arith.maximumf %max3A_1026, %add3A_1024 : vector<16xf32>
          %lt3A_1028 = arith.cmpf olt, %max3A_1027, %select_n3A_939 : vector<16xf32>
          %select_n3A_1029 = arith.select %lt3A_1028, %max3A_1027, %select_n3A_939 : vector<16xi1>, vector<16xf32>
          %select_n3A_1030 = arith.select %lt3A_1028, %broadcast_in_dim3A_1003, %select_n3A_940 : vector<16xi1>, vector<16xi32>
          %sub3A_1031 = arith.subf %convert_element_type3A_145, %gather3A_1000 : vector<16xf32>
          %mul3A_1032 = arith.mulf %sub3A_1031, %sub3A_1031 : vector<16xf32>
          %add3A_1033 = arith.addf %mul3A_1032, %gather3A_989 : vector<16xf32>
          %max3A_1034 = arith.constant 1.000000e+00 : f32
          %max3A_1035 = vector.broadcast %max3A_1034 : f32 to vector<16xf32>
          %max3A_1036 = arith.maximumf %max3A_1035, %add3A_1033 : vector<16xf32>
          %lt3A_1037 = arith.cmpf olt, %max3A_1036, %select_n3A_948 : vector<16xf32>
          %select_n3A_1038 = arith.select %lt3A_1037, %max3A_1036, %select_n3A_948 : vector<16xi1>, vector<16xf32>
          %select_n3A_1039 = arith.select %lt3A_1037, %broadcast_in_dim3A_1003, %select_n3A_949 : vector<16xi1>, vector<16xi32>
          %sub3A_1040 = arith.subf %convert_element_type3A_149, %gather3A_1000 : vector<16xf32>
          %mul3A_1041 = arith.mulf %sub3A_1040, %sub3A_1040 : vector<16xf32>
          %add3A_1042 = arith.addf %mul3A_1041, %gather3A_989 : vector<16xf32>
          %max3A_1043 = arith.constant 1.000000e+00 : f32
          %max3A_1044 = vector.broadcast %max3A_1043 : f32 to vector<16xf32>
          %max3A_1045 = arith.maximumf %max3A_1044, %add3A_1042 : vector<16xf32>
          %lt3A_1046 = arith.cmpf olt, %max3A_1045, %select_n3A_957 : vector<16xf32>
          %select_n3A_1047 = arith.select %lt3A_1046, %max3A_1045, %select_n3A_957 : vector<16xi1>, vector<16xf32>
          %select_n3A_1048 = arith.select %lt3A_1046, %broadcast_in_dim3A_1003, %select_n3A_958 : vector<16xi1>, vector<16xi32>
          %sub3A_1049 = arith.subf %convert_element_type3A_153, %gather3A_1000 : vector<16xf32>
          %mul3A_1050 = arith.mulf %sub3A_1049, %sub3A_1049 : vector<16xf32>
          %add3A_1051 = arith.addf %mul3A_1050, %gather3A_989 : vector<16xf32>
          %max3A_1052 = arith.constant 1.000000e+00 : f32
          %max3A_1053 = vector.broadcast %max3A_1052 : f32 to vector<16xf32>
          %max3A_1054 = arith.maximumf %max3A_1053, %add3A_1051 : vector<16xf32>
          %lt3A_1055 = arith.cmpf olt, %max3A_1054, %select_n3A_966 : vector<16xf32>
          %select_n3A_1056 = arith.select %lt3A_1055, %max3A_1054, %select_n3A_966 : vector<16xi1>, vector<16xf32>
          %select_n3A_1057 = arith.select %lt3A_1055, %broadcast_in_dim3A_1003, %select_n3A_967 : vector<16xi1>, vector<16xi32>
          %sub3A_1058 = arith.subf %convert_element_type3A_157, %gather3A_1000 : vector<16xf32>
          %mul3A_1059 = arith.mulf %sub3A_1058, %sub3A_1058 : vector<16xf32>
          %add3A_1060 = arith.addf %mul3A_1059, %gather3A_989 : vector<16xf32>
          %max3A_1061 = arith.constant 1.000000e+00 : f32
          %max3A_1062 = vector.broadcast %max3A_1061 : f32 to vector<16xf32>
          %max3A_1063 = arith.maximumf %max3A_1062, %add3A_1060 : vector<16xf32>
          %lt3A_1064 = arith.cmpf olt, %max3A_1063, %select_n3A_975 : vector<16xf32>
          %select_n3A_1065 = arith.select %lt3A_1064, %max3A_1063, %select_n3A_975 : vector<16xi1>, vector<16xf32>
          %select_n3A_1066 = arith.select %lt3A_1064, %broadcast_in_dim3A_1003, %select_n3A_976 : vector<16xi1>, vector<16xi32>
          scf.yield %select_n3A_1011, %select_n3A_1020, %select_n3A_1029, %select_n3A_1038, %select_n3A_1047, %select_n3A_1056, %select_n3A_1065, %select_n3A_1012, %select_n3A_1021, %select_n3A_1030, %select_n3A_1039, %select_n3A_1048, %select_n3A_1057, %select_n3A_1066 : vector<16xf32>, vector<16xf32>, vector<16xf32>, vector<16xf32>, vector<16xf32>, vector<16xf32>, vector<16xf32>, vector<16xi32>, vector<16xi32>, vector<16xi32>, vector<16xi32>, vector<16xi32>, vector<16xi32>, vector<16xi32>
        }
        %scan3A_209 = arith.constant 16 : i32
        %mul3A_210 = arith.constant 224 : i32
        %mul3A_211 = arith.muli %scan3A_114, %mul3A_210 : i32
        %add3A_212 = arith.constant 0 : i32
        %add3A_213 = arith.addi %mul3A_211, %add3A_212 : i32
        %get3A_214 = arith.index_cast %add3A_213 : i32 to index
        %get3A_215 = tpu.vector_load %arg7[%get3A_214] {strides = array<i32>} : memref<1568xf32, #tpu.memory_space<vmem>>, vector<16xf32>,
        %bitcast3A = vector.bitcast %scan3A_208#0 : vector<16xf32> to vector<16xi32>
        %shift_right_arithmetic3A = arith.constant 1 : i32
        %shift_right_arithmetic3A_216 = vector.broadcast %shift_right_arithmetic3A : i32 to vector<16xi32>
        %shift_right_arithmetic3A_217 = arith.shrsi %bitcast3A, %shift_right_arithmetic3A_216 : vector<16xi32>
        %sub3A_218 = arith.constant 1597463007 : i32
        %sub3A_219 = vector.broadcast %sub3A_218 : i32 to vector<16xi32>
        %sub3A_220 = arith.subi %sub3A_219, %shift_right_arithmetic3A_217 : vector<16xi32>
        %bitcast3A_221 = vector.bitcast %sub3A_220 : vector<16xi32> to vector<16xf32>
        %mul3A_222 = arith.constant 5.000000e-01 : f32
        %mul3A_223 = vector.broadcast %mul3A_222 : f32 to vector<16xf32>
        %mul3A_224 = arith.mulf %mul3A_223, %scan3A_208#0 : vector<16xf32>
        %mul3A_225 = arith.mulf %mul3A_224, %bitcast3A_221 : vector<16xf32>
        %mul3A_226 = arith.mulf %mul3A_225, %bitcast3A_221 : vector<16xf32>
        %sub3A_227 = arith.constant 1.500000e+00 : f32
        %sub3A_228 = vector.broadcast %sub3A_227 : f32 to vector<16xf32>
        %sub3A_229 = arith.subf %sub3A_228, %mul3A_226 : vector<16xf32>
        %mul3A_230 = arith.mulf %bitcast3A_221, %sub3A_229 : vector<16xf32>
        %mul3A_231 = arith.constant 5.000000e-01 : f32
        %mul3A_232 = vector.broadcast %mul3A_231 : f32 to vector<16xf32>
        %mul3A_233 = arith.mulf %mul3A_232, %scan3A_208#0 : vector<16xf32>
        %mul3A_234 = arith.mulf %mul3A_233, %mul3A_230 : vector<16xf32>
        %mul3A_235 = arith.mulf %mul3A_234, %mul3A_230 : vector<16xf32>
        %sub3A_236 = arith.constant 1.500000e+00 : f32
        %sub3A_237 = vector.broadcast %sub3A_236 : f32 to vector<16xf32>
        %sub3A_238 = arith.subf %sub3A_237, %mul3A_235 : vector<16xf32>
        %mul3A_239 = arith.mulf %mul3A_230, %sub3A_238 : vector<16xf32>
        %mul3A_240 = arith.mulf %get3A_215, %mul3A_239 : vector<16xf32>
        %mul3A_241 = arith.constant 16 : i32
        %mul3A_242 = vector.broadcast %mul3A_241 : i32 to vector<16xi32>
        %mul3A_243 = arith.muli %scan3A_208#7, %mul3A_242 : vector<16xi32>
        %add3A_244 = arith.addi %mul3A_243, %iota3A : vector<16xi32>
        %mul3A_245 = arith.mulf %broadcast_in_dim3A, %mul3A_240 : vector<16xf32>
        tpu.vector_store_idx %arg9[%add3A_244], %mul3A_245 {add = true} : memref<2048xf32, #tpu.memory_space<vmem>>[vector<16xi32>], vector<16xf32>,
        %add3A_246 = arith.constant 1024 : i32
        %add3A_247 = vector.broadcast %add3A_246 : i32 to vector<16xi32>
        %add3A_248 = arith.addi %add3A_244, %add3A_247 : vector<16xi32>
        %mul3A_249 = arith.mulf %convert_element_type3A_133, %mul3A_240 : vector<16xf32>
        tpu.vector_store_idx %arg9[%add3A_248], %mul3A_249 {add = true} : memref<2048xf32, #tpu.memory_space<vmem>>[vector<16xi32>], vector<16xf32>,
        %mul3A_250 = arith.constant 224 : i32
        %mul3A_251 = arith.muli %scan3A_114, %mul3A_250 : i32
        %add3A_252 = arith.constant 16 : i32
        %add3A_253 = arith.addi %mul3A_251, %add3A_252 : i32
        %get3A_254 = arith.index_cast %add3A_253 : i32 to index
        %get3A_255 = tpu.vector_load %arg7[%get3A_254] {strides = array<i32>} : memref<1568xf32, #tpu.memory_space<vmem>>, vector<16xf32>,
        %bitcast3A_256 = vector.bitcast %scan3A_208#1 : vector<16xf32> to vector<16xi32>
        %shift_right_arithmetic3A_257 = arith.constant 1 : i32
        %shift_right_arithmetic3A_258 = vector.broadcast %shift_right_arithmetic3A_257 : i32 to vector<16xi32>
        %shift_right_arithmetic3A_259 = arith.shrsi %bitcast3A_256, %shift_right_arithmetic3A_258 : vector<16xi32>
        %sub3A_260 = arith.constant 1597463007 : i32
        %sub3A_261 = vector.broadcast %sub3A_260 : i32 to vector<16xi32>
        %sub3A_262 = arith.subi %sub3A_261, %shift_right_arithmetic3A_259 : vector<16xi32>
        %bitcast3A_263 = vector.bitcast %sub3A_262 : vector<16xi32> to vector<16xf32>
        %mul3A_264 = arith.constant 5.000000e-01 : f32
        %mul3A_265 = vector.broadcast %mul3A_264 : f32 to vector<16xf32>
        %mul3A_266 = arith.mulf %mul3A_265, %scan3A_208#1 : vector<16xf32>
        %mul3A_267 = arith.mulf %mul3A_266, %bitcast3A_263 : vector<16xf32>
        %mul3A_268 = arith.mulf %mul3A_267, %bitcast3A_263 : vector<16xf32>
        %sub3A_269 = arith.constant 1.500000e+00 : f32
        %sub3A_270 = vector.broadcast %sub3A_269 : f32 to vector<16xf32>
        %sub3A_271 = arith.subf %sub3A_270, %mul3A_268 : vector<16xf32>
        %mul3A_272 = arith.mulf %bitcast3A_263, %sub3A_271 : vector<16xf32>
        %mul3A_273 = arith.constant 5.000000e-01 : f32
        %mul3A_274 = vector.broadcast %mul3A_273 : f32 to vector<16xf32>
        %mul3A_275 = arith.mulf %mul3A_274, %scan3A_208#1 : vector<16xf32>
        %mul3A_276 = arith.mulf %mul3A_275, %mul3A_272 : vector<16xf32>
        %mul3A_277 = arith.mulf %mul3A_276, %mul3A_272 : vector<16xf32>
        %sub3A_278 = arith.constant 1.500000e+00 : f32
        %sub3A_279 = vector.broadcast %sub3A_278 : f32 to vector<16xf32>
        %sub3A_280 = arith.subf %sub3A_279, %mul3A_277 : vector<16xf32>
        %mul3A_281 = arith.mulf %mul3A_272, %sub3A_280 : vector<16xf32>
        %mul3A_282 = arith.mulf %get3A_255, %mul3A_281 : vector<16xf32>
        %mul3A_283 = arith.constant 16 : i32
        %mul3A_284 = vector.broadcast %mul3A_283 : i32 to vector<16xi32>
        %mul3A_285 = arith.muli %scan3A_208#8, %mul3A_284 : vector<16xi32>
        %add3A_286 = arith.addi %mul3A_285, %iota3A : vector<16xi32>
        %mul3A_287 = arith.mulf %broadcast_in_dim3A, %mul3A_282 : vector<16xf32>
        tpu.vector_store_idx %arg9[%add3A_286], %mul3A_287 {add = true} : memref<2048xf32, #tpu.memory_space<vmem>>[vector<16xi32>], vector<16xf32>,
        %add3A_288 = arith.constant 1024 : i32
        %add3A_289 = vector.broadcast %add3A_288 : i32 to vector<16xi32>
        %add3A_290 = arith.addi %add3A_286, %add3A_289 : vector<16xi32>
        %mul3A_291 = arith.mulf %convert_element_type3A_137, %mul3A_282 : vector<16xf32>
        tpu.vector_store_idx %arg9[%add3A_290], %mul3A_291 {add = true} : memref<2048xf32, #tpu.memory_space<vmem>>[vector<16xi32>], vector<16xf32>,
        %mul3A_292 = arith.constant 224 : i32
        %mul3A_293 = arith.muli %scan3A_114, %mul3A_292 : i32
        %add3A_294 = arith.constant 32 : i32
        %add3A_295 = arith.addi %mul3A_293, %add3A_294 : i32
        %get3A_296 = arith.index_cast %add3A_295 : i32 to index
        %get3A_297 = tpu.vector_load %arg7[%get3A_296] {strides = array<i32>} : memref<1568xf32, #tpu.memory_space<vmem>>, vector<16xf32>,
        %bitcast3A_298 = vector.bitcast %scan3A_208#2 : vector<16xf32> to vector<16xi32>
        %shift_right_arithmetic3A_299 = arith.constant 1 : i32
        %shift_right_arithmetic3A_300 = vector.broadcast %shift_right_arithmetic3A_299 : i32 to vector<16xi32>
        %shift_right_arithmetic3A_301 = arith.shrsi %bitcast3A_298, %shift_right_arithmetic3A_300 : vector<16xi32>
        %sub3A_302 = arith.constant 1597463007 : i32
        %sub3A_303 = vector.broadcast %sub3A_302 : i32 to vector<16xi32>
        %sub3A_304 = arith.subi %sub3A_303, %shift_right_arithmetic3A_301 : vector<16xi32>
        %bitcast3A_305 = vector.bitcast %sub3A_304 : vector<16xi32> to vector<16xf32>
        %mul3A_306 = arith.constant 5.000000e-01 : f32
        %mul3A_307 = vector.broadcast %mul3A_306 : f32 to vector<16xf32>
        %mul3A_308 = arith.mulf %mul3A_307, %scan3A_208#2 : vector<16xf32>
        %mul3A_309 = arith.mulf %mul3A_308, %bitcast3A_305 : vector<16xf32>
        %mul3A_310 = arith.mulf %mul3A_309, %bitcast3A_305 : vector<16xf32>
        %sub3A_311 = arith.constant 1.500000e+00 : f32
        %sub3A_312 = vector.broadcast %sub3A_311 : f32 to vector<16xf32>
        %sub3A_313 = arith.subf %sub3A_312, %mul3A_310 : vector<16xf32>
        %mul3A_314 = arith.mulf %bitcast3A_305, %sub3A_313 : vector<16xf32>
        %mul3A_315 = arith.constant 5.000000e-01 : f32
        %mul3A_316 = vector.broadcast %mul3A_315 : f32 to vector<16xf32>
        %mul3A_317 = arith.mulf %mul3A_316, %scan3A_208#2 : vector<16xf32>
        %mul3A_318 = arith.mulf %mul3A_317, %mul3A_314 : vector<16xf32>
        %mul3A_319 = arith.mulf %mul3A_318, %mul3A_314 : vector<16xf32>
        %sub3A_320 = arith.constant 1.500000e+00 : f32
        %sub3A_321 = vector.broadcast %sub3A_320 : f32 to vector<16xf32>
        %sub3A_322 = arith.subf %sub3A_321, %mul3A_319 : vector<16xf32>
        %mul3A_323 = arith.mulf %mul3A_314, %sub3A_322 : vector<16xf32>
        %mul3A_324 = arith.mulf %get3A_297, %mul3A_323 : vector<16xf32>
        %mul3A_325 = arith.constant 16 : i32
        %mul3A_326 = vector.broadcast %mul3A_325 : i32 to vector<16xi32>
        %mul3A_327 = arith.muli %scan3A_208#9, %mul3A_326 : vector<16xi32>
        %add3A_328 = arith.addi %mul3A_327, %iota3A : vector<16xi32>
        %mul3A_329 = arith.mulf %broadcast_in_dim3A, %mul3A_324 : vector<16xf32>
        tpu.vector_store_idx %arg9[%add3A_328], %mul3A_329 {add = true} : memref<2048xf32, #tpu.memory_space<vmem>>[vector<16xi32>], vector<16xf32>,
        %add3A_330 = arith.constant 1024 : i32
        %add3A_331 = vector.broadcast %add3A_330 : i32 to vector<16xi32>
        %add3A_332 = arith.addi %add3A_328, %add3A_331 : vector<16xi32>
        %mul3A_333 = arith.mulf %convert_element_type3A_141, %mul3A_324 : vector<16xf32>
        tpu.vector_store_idx %arg9[%add3A_332], %mul3A_333 {add = true} : memref<2048xf32, #tpu.memory_space<vmem>>[vector<16xi32>], vector<16xf32>,
        %mul3A_334 = arith.constant 224 : i32
        %mul3A_335 = arith.muli %scan3A_114, %mul3A_334 : i32
        %add3A_336 = arith.constant 48 : i32
        %add3A_337 = arith.addi %mul3A_335, %add3A_336 : i32
        %get3A_338 = arith.index_cast %add3A_337 : i32 to index
        %get3A_339 = tpu.vector_load %arg7[%get3A_338] {strides = array<i32>} : memref<1568xf32, #tpu.memory_space<vmem>>, vector<16xf32>,
        %bitcast3A_340 = vector.bitcast %scan3A_208#3 : vector<16xf32> to vector<16xi32>
        %shift_right_arithmetic3A_341 = arith.constant 1 : i32
        %shift_right_arithmetic3A_342 = vector.broadcast %shift_right_arithmetic3A_341 : i32 to vector<16xi32>
        %shift_right_arithmetic3A_343 = arith.shrsi %bitcast3A_340, %shift_right_arithmetic3A_342 : vector<16xi32>
        %sub3A_344 = arith.constant 1597463007 : i32
        %sub3A_345 = vector.broadcast %sub3A_344 : i32 to vector<16xi32>
        %sub3A_346 = arith.subi %sub3A_345, %shift_right_arithmetic3A_343 : vector<16xi32>
        %bitcast3A_347 = vector.bitcast %sub3A_346 : vector<16xi32> to vector<16xf32>
        %mul3A_348 = arith.constant 5.000000e-01 : f32
        %mul3A_349 = vector.broadcast %mul3A_348 : f32 to vector<16xf32>
        %mul3A_350 = arith.mulf %mul3A_349, %scan3A_208#3 : vector<16xf32>
        %mul3A_351 = arith.mulf %mul3A_350, %bitcast3A_347 : vector<16xf32>
        %mul3A_352 = arith.mulf %mul3A_351, %bitcast3A_347 : vector<16xf32>
        %sub3A_353 = arith.constant 1.500000e+00 : f32
        %sub3A_354 = vector.broadcast %sub3A_353 : f32 to vector<16xf32>
        %sub3A_355 = arith.subf %sub3A_354, %mul3A_352 : vector<16xf32>
        %mul3A_356 = arith.mulf %bitcast3A_347, %sub3A_355 : vector<16xf32>
        %mul3A_357 = arith.constant 5.000000e-01 : f32
        %mul3A_358 = vector.broadcast %mul3A_357 : f32 to vector<16xf32>
        %mul3A_359 = arith.mulf %mul3A_358, %scan3A_208#3 : vector<16xf32>
        %mul3A_360 = arith.mulf %mul3A_359, %mul3A_356 : vector<16xf32>
        %mul3A_361 = arith.mulf %mul3A_360, %mul3A_356 : vector<16xf32>
        %sub3A_362 = arith.constant 1.500000e+00 : f32
        %sub3A_363 = vector.broadcast %sub3A_362 : f32 to vector<16xf32>
        %sub3A_364 = arith.subf %sub3A_363, %mul3A_361 : vector<16xf32>
        %mul3A_365 = arith.mulf %mul3A_356, %sub3A_364 : vector<16xf32>
        %mul3A_366 = arith.mulf %get3A_339, %mul3A_365 : vector<16xf32>
        %mul3A_367 = arith.constant 16 : i32
        %mul3A_368 = vector.broadcast %mul3A_367 : i32 to vector<16xi32>
        %mul3A_369 = arith.muli %scan3A_208#10, %mul3A_368 : vector<16xi32>
        %add3A_370 = arith.addi %mul3A_369, %iota3A : vector<16xi32>
        %mul3A_371 = arith.mulf %broadcast_in_dim3A, %mul3A_366 : vector<16xf32>
        tpu.vector_store_idx %arg9[%add3A_370], %mul3A_371 {add = true} : memref<2048xf32, #tpu.memory_space<vmem>>[vector<16xi32>], vector<16xf32>,
        %add3A_372 = arith.constant 1024 : i32
        %add3A_373 = vector.broadcast %add3A_372 : i32 to vector<16xi32>
        %add3A_374 = arith.addi %add3A_370, %add3A_373 : vector<16xi32>
        %mul3A_375 = arith.mulf %convert_element_type3A_145, %mul3A_366 : vector<16xf32>
        tpu.vector_store_idx %arg9[%add3A_374], %mul3A_375 {add = true} : memref<2048xf32, #tpu.memory_space<vmem>>[vector<16xi32>], vector<16xf32>,
        %mul3A_376 = arith.constant 224 : i32
        %mul3A_377 = arith.muli %scan3A_114, %mul3A_376 : i32
        %add3A_378 = arith.constant 64 : i32
        %add3A_379 = arith.addi %mul3A_377, %add3A_378 : i32
        %get3A_380 = arith.index_cast %add3A_379 : i32 to index
        %get3A_381 = tpu.vector_load %arg7[%get3A_380] {strides = array<i32>} : memref<1568xf32, #tpu.memory_space<vmem>>, vector<16xf32>,
        %bitcast3A_382 = vector.bitcast %scan3A_208#4 : vector<16xf32> to vector<16xi32>
        %shift_right_arithmetic3A_383 = arith.constant 1 : i32
        %shift_right_arithmetic3A_384 = vector.broadcast %shift_right_arithmetic3A_383 : i32 to vector<16xi32>
        %shift_right_arithmetic3A_385 = arith.shrsi %bitcast3A_382, %shift_right_arithmetic3A_384 : vector<16xi32>
        %sub3A_386 = arith.constant 1597463007 : i32
        %sub3A_387 = vector.broadcast %sub3A_386 : i32 to vector<16xi32>
        %sub3A_388 = arith.subi %sub3A_387, %shift_right_arithmetic3A_385 : vector<16xi32>
        %bitcast3A_389 = vector.bitcast %sub3A_388 : vector<16xi32> to vector<16xf32>
        %mul3A_390 = arith.constant 5.000000e-01 : f32
        %mul3A_391 = vector.broadcast %mul3A_390 : f32 to vector<16xf32>
        %mul3A_392 = arith.mulf %mul3A_391, %scan3A_208#4 : vector<16xf32>
        %mul3A_393 = arith.mulf %mul3A_392, %bitcast3A_389 : vector<16xf32>
        %mul3A_394 = arith.mulf %mul3A_393, %bitcast3A_389 : vector<16xf32>
        %sub3A_395 = arith.constant 1.500000e+00 : f32
        %sub3A_396 = vector.broadcast %sub3A_395 : f32 to vector<16xf32>
        %sub3A_397 = arith.subf %sub3A_396, %mul3A_394 : vector<16xf32>
        %mul3A_398 = arith.mulf %bitcast3A_389, %sub3A_397 : vector<16xf32>
        %mul3A_399 = arith.constant 5.000000e-01 : f32
        %mul3A_400 = vector.broadcast %mul3A_399 : f32 to vector<16xf32>
        %mul3A_401 = arith.mulf %mul3A_400, %scan3A_208#4 : vector<16xf32>
        %mul3A_402 = arith.mulf %mul3A_401, %mul3A_398 : vector<16xf32>
        %mul3A_403 = arith.mulf %mul3A_402, %mul3A_398 : vector<16xf32>
        %sub3A_404 = arith.constant 1.500000e+00 : f32
        %sub3A_405 = vector.broadcast %sub3A_404 : f32 to vector<16xf32>
        %sub3A_406 = arith.subf %sub3A_405, %mul3A_403 : vector<16xf32>
        %mul3A_407 = arith.mulf %mul3A_398, %sub3A_406 : vector<16xf32>
        %mul3A_408 = arith.mulf %get3A_381, %mul3A_407 : vector<16xf32>
        %mul3A_409 = arith.constant 16 : i32
        %mul3A_410 = vector.broadcast %mul3A_409 : i32 to vector<16xi32>
        %mul3A_411 = arith.muli %scan3A_208#11, %mul3A_410 : vector<16xi32>
        %add3A_412 = arith.addi %mul3A_411, %iota3A : vector<16xi32>
        %mul3A_413 = arith.mulf %broadcast_in_dim3A, %mul3A_408 : vector<16xf32>
        tpu.vector_store_idx %arg9[%add3A_412], %mul3A_413 {add = true} : memref<2048xf32, #tpu.memory_space<vmem>>[vector<16xi32>], vector<16xf32>,
        %add3A_414 = arith.constant 1024 : i32
        %add3A_415 = vector.broadcast %add3A_414 : i32 to vector<16xi32>
        %add3A_416 = arith.addi %add3A_412, %add3A_415 : vector<16xi32>
        %mul3A_417 = arith.mulf %convert_element_type3A_149, %mul3A_408 : vector<16xf32>
        tpu.vector_store_idx %arg9[%add3A_416], %mul3A_417 {add = true} : memref<2048xf32, #tpu.memory_space<vmem>>[vector<16xi32>], vector<16xf32>,
        %mul3A_418 = arith.constant 224 : i32
        %mul3A_419 = arith.muli %scan3A_114, %mul3A_418 : i32
        %add3A_420 = arith.constant 80 : i32
        %add3A_421 = arith.addi %mul3A_419, %add3A_420 : i32
        %get3A_422 = arith.index_cast %add3A_421 : i32 to index
        %get3A_423 = tpu.vector_load %arg7[%get3A_422] {strides = array<i32>} : memref<1568xf32, #tpu.memory_space<vmem>>, vector<16xf32>,
        %bitcast3A_424 = vector.bitcast %scan3A_208#5 : vector<16xf32> to vector<16xi32>
        %shift_right_arithmetic3A_425 = arith.constant 1 : i32
        %shift_right_arithmetic3A_426 = vector.broadcast %shift_right_arithmetic3A_425 : i32 to vector<16xi32>
        %shift_right_arithmetic3A_427 = arith.shrsi %bitcast3A_424, %shift_right_arithmetic3A_426 : vector<16xi32>
        %sub3A_428 = arith.constant 1597463007 : i32
        %sub3A_429 = vector.broadcast %sub3A_428 : i32 to vector<16xi32>
        %sub3A_430 = arith.subi %sub3A_429, %shift_right_arithmetic3A_427 : vector<16xi32>
        %bitcast3A_431 = vector.bitcast %sub3A_430 : vector<16xi32> to vector<16xf32>
        %mul3A_432 = arith.constant 5.000000e-01 : f32
        %mul3A_433 = vector.broadcast %mul3A_432 : f32 to vector<16xf32>
        %mul3A_434 = arith.mulf %mul3A_433, %scan3A_208#5 : vector<16xf32>
        %mul3A_435 = arith.mulf %mul3A_434, %bitcast3A_431 : vector<16xf32>
        %mul3A_436 = arith.mulf %mul3A_435, %bitcast3A_431 : vector<16xf32>
        %sub3A_437 = arith.constant 1.500000e+00 : f32
        %sub3A_438 = vector.broadcast %sub3A_437 : f32 to vector<16xf32>
        %sub3A_439 = arith.subf %sub3A_438, %mul3A_436 : vector<16xf32>
        %mul3A_440 = arith.mulf %bitcast3A_431, %sub3A_439 : vector<16xf32>
        %mul3A_441 = arith.constant 5.000000e-01 : f32
        %mul3A_442 = vector.broadcast %mul3A_441 : f32 to vector<16xf32>
        %mul3A_443 = arith.mulf %mul3A_442, %scan3A_208#5 : vector<16xf32>
        %mul3A_444 = arith.mulf %mul3A_443, %mul3A_440 : vector<16xf32>
        %mul3A_445 = arith.mulf %mul3A_444, %mul3A_440 : vector<16xf32>
        %sub3A_446 = arith.constant 1.500000e+00 : f32
        %sub3A_447 = vector.broadcast %sub3A_446 : f32 to vector<16xf32>
        %sub3A_448 = arith.subf %sub3A_447, %mul3A_445 : vector<16xf32>
        %mul3A_449 = arith.mulf %mul3A_440, %sub3A_448 : vector<16xf32>
        %mul3A_450 = arith.mulf %get3A_423, %mul3A_449 : vector<16xf32>
        %mul3A_451 = arith.constant 16 : i32
        %mul3A_452 = vector.broadcast %mul3A_451 : i32 to vector<16xi32>
        %mul3A_453 = arith.muli %scan3A_208#12, %mul3A_452 : vector<16xi32>
        %add3A_454 = arith.addi %mul3A_453, %iota3A : vector<16xi32>
        %mul3A_455 = arith.mulf %broadcast_in_dim3A, %mul3A_450 : vector<16xf32>
        tpu.vector_store_idx %arg9[%add3A_454], %mul3A_455 {add = true} : memref<2048xf32, #tpu.memory_space<vmem>>[vector<16xi32>], vector<16xf32>,
        %add3A_456 = arith.constant 1024 : i32
        %add3A_457 = vector.broadcast %add3A_456 : i32 to vector<16xi32>
        %add3A_458 = arith.addi %add3A_454, %add3A_457 : vector<16xi32>
        %mul3A_459 = arith.mulf %convert_element_type3A_153, %mul3A_450 : vector<16xf32>
        tpu.vector_store_idx %arg9[%add3A_458], %mul3A_459 {add = true} : memref<2048xf32, #tpu.memory_space<vmem>>[vector<16xi32>], vector<16xf32>,
        %mul3A_460 = arith.constant 224 : i32
        %mul3A_461 = arith.muli %scan3A_114, %mul3A_460 : i32
        %add3A_462 = arith.constant 96 : i32
        %add3A_463 = arith.addi %mul3A_461, %add3A_462 : i32
        %get3A_464 = arith.index_cast %add3A_463 : i32 to index
        %get3A_465 = tpu.vector_load %arg7[%get3A_464] {strides = array<i32>} : memref<1568xf32, #tpu.memory_space<vmem>>, vector<16xf32>,
        %bitcast3A_466 = vector.bitcast %scan3A_208#6 : vector<16xf32> to vector<16xi32>
        %shift_right_arithmetic3A_467 = arith.constant 1 : i32
        %shift_right_arithmetic3A_468 = vector.broadcast %shift_right_arithmetic3A_467 : i32 to vector<16xi32>
        %shift_right_arithmetic3A_469 = arith.shrsi %bitcast3A_466, %shift_right_arithmetic3A_468 : vector<16xi32>
        %sub3A_470 = arith.constant 1597463007 : i32
        %sub3A_471 = vector.broadcast %sub3A_470 : i32 to vector<16xi32>
        %sub3A_472 = arith.subi %sub3A_471, %shift_right_arithmetic3A_469 : vector<16xi32>
        %bitcast3A_473 = vector.bitcast %sub3A_472 : vector<16xi32> to vector<16xf32>
        %mul3A_474 = arith.constant 5.000000e-01 : f32
        %mul3A_475 = vector.broadcast %mul3A_474 : f32 to vector<16xf32>
        %mul3A_476 = arith.mulf %mul3A_475, %scan3A_208#6 : vector<16xf32>
        %mul3A_477 = arith.mulf %mul3A_476, %bitcast3A_473 : vector<16xf32>
        %mul3A_478 = arith.mulf %mul3A_477, %bitcast3A_473 : vector<16xf32>
        %sub3A_479 = arith.constant 1.500000e+00 : f32
        %sub3A_480 = vector.broadcast %sub3A_479 : f32 to vector<16xf32>
        %sub3A_481 = arith.subf %sub3A_480, %mul3A_478 : vector<16xf32>
        %mul3A_482 = arith.mulf %bitcast3A_473, %sub3A_481 : vector<16xf32>
        %mul3A_483 = arith.constant 5.000000e-01 : f32
        %mul3A_484 = vector.broadcast %mul3A_483 : f32 to vector<16xf32>
        %mul3A_485 = arith.mulf %mul3A_484, %scan3A_208#6 : vector<16xf32>
        %mul3A_486 = arith.mulf %mul3A_485, %mul3A_482 : vector<16xf32>
        %mul3A_487 = arith.mulf %mul3A_486, %mul3A_482 : vector<16xf32>
        %sub3A_488 = arith.constant 1.500000e+00 : f32
        %sub3A_489 = vector.broadcast %sub3A_488 : f32 to vector<16xf32>
        %sub3A_490 = arith.subf %sub3A_489, %mul3A_487 : vector<16xf32>
        %mul3A_491 = arith.mulf %mul3A_482, %sub3A_490 : vector<16xf32>
        %mul3A_492 = arith.mulf %get3A_465, %mul3A_491 : vector<16xf32>
        %mul3A_493 = arith.constant 16 : i32
        %mul3A_494 = vector.broadcast %mul3A_493 : i32 to vector<16xi32>
        %mul3A_495 = arith.muli %scan3A_208#13, %mul3A_494 : vector<16xi32>
        %add3A_496 = arith.addi %mul3A_495, %iota3A : vector<16xi32>
        %mul3A_497 = arith.mulf %broadcast_in_dim3A, %mul3A_492 : vector<16xf32>
        tpu.vector_store_idx %arg9[%add3A_496], %mul3A_497 {add = true} : memref<2048xf32, #tpu.memory_space<vmem>>[vector<16xi32>], vector<16xf32>,
        %add3A_498 = arith.constant 1024 : i32
        %add3A_499 = vector.broadcast %add3A_498 : i32 to vector<16xi32>
        %add3A_500 = arith.addi %add3A_496, %add3A_499 : vector<16xi32>
        %mul3A_501 = arith.mulf %convert_element_type3A_157, %mul3A_492 : vector<16xf32>
        tpu.vector_store_idx %arg9[%add3A_500], %mul3A_501 {add = true} : memref<2048xf32, #tpu.memory_space<vmem>>[vector<16xi32>], vector<16xf32>,
        %add3A_502 = arith.constant 112 : i32
        %add3A_503 = vector.broadcast %add3A_502 : i32 to vector<16xi32>
        %add3A_504 = arith.addi %add3A_503, %iota3A : vector<16xi32>
        %convert_element_type3A_505 = arith.sitofp %add3A_504 : vector<16xi32> to vector<16xf32>
        %add3A_506 = arith.constant 128 : i32
        %add3A_507 = vector.broadcast %add3A_506 : i32 to vector<16xi32>
        %add3A_508 = arith.addi %add3A_507, %iota3A : vector<16xi32>
        %convert_element_type3A_509 = arith.sitofp %add3A_508 : vector<16xi32> to vector<16xf32>
        %add3A_510 = arith.constant 144 : i32
        %add3A_511 = vector.broadcast %add3A_510 : i32 to vector<16xi32>
        %add3A_512 = arith.addi %add3A_511, %iota3A : vector<16xi32>
        %convert_element_type3A_513 = arith.sitofp %add3A_512 : vector<16xi32> to vector<16xf32>
        %add3A_514 = arith.constant 160 : i32
        %add3A_515 = vector.broadcast %add3A_514 : i32 to vector<16xi32>
        %add3A_516 = arith.addi %add3A_515, %iota3A : vector<16xi32>
        %convert_element_type3A_517 = arith.sitofp %add3A_516 : vector<16xi32> to vector<16xf32>
        %add3A_518 = arith.constant 176 : i32
        %add3A_519 = vector.broadcast %add3A_518 : i32 to vector<16xi32>
        %add3A_520 = arith.addi %add3A_519, %iota3A : vector<16xi32>
        %convert_element_type3A_521 = arith.sitofp %add3A_520 : vector<16xi32> to vector<16xf32>
        %add3A_522 = arith.constant 192 : i32
        %add3A_523 = vector.broadcast %add3A_522 : i32 to vector<16xi32>
        %add3A_524 = arith.addi %add3A_523, %iota3A : vector<16xi32>
        %convert_element_type3A_525 = arith.sitofp %add3A_524 : vector<16xi32> to vector<16xf32>
        %add3A_526 = arith.constant 208 : i32
        %add3A_527 = vector.broadcast %add3A_526 : i32 to vector<16xi32>
        %add3A_528 = arith.addi %add3A_527, %iota3A : vector<16xi32>
        %convert_element_type3A_529 = arith.sitofp %add3A_528 : vector<16xi32> to vector<16xf32>
        %broadcast_in_dim3A_530 = arith.constant 0x7F800000 : f32
        %broadcast_in_dim3A_531 = vector.broadcast %broadcast_in_dim3A_530 : f32 to vector<16xf32>
        %broadcast_in_dim3A_532 = arith.constant 0x7F800000 : f32
        %broadcast_in_dim3A_533 = vector.broadcast %broadcast_in_dim3A_532 : f32 to vector<16xf32>
        %broadcast_in_dim3A_534 = arith.constant 0x7F800000 : f32
        %broadcast_in_dim3A_535 = vector.broadcast %broadcast_in_dim3A_534 : f32 to vector<16xf32>
        %broadcast_in_dim3A_536 = arith.constant 0x7F800000 : f32
        %broadcast_in_dim3A_537 = vector.broadcast %broadcast_in_dim3A_536 : f32 to vector<16xf32>
        %broadcast_in_dim3A_538 = arith.constant 0x7F800000 : f32
        %broadcast_in_dim3A_539 = vector.broadcast %broadcast_in_dim3A_538 : f32 to vector<16xf32>
        %broadcast_in_dim3A_540 = arith.constant 0x7F800000 : f32
        %broadcast_in_dim3A_541 = vector.broadcast %broadcast_in_dim3A_540 : f32 to vector<16xf32>
        %broadcast_in_dim3A_542 = arith.constant 0x7F800000 : f32
        %broadcast_in_dim3A_543 = vector.broadcast %broadcast_in_dim3A_542 : f32 to vector<16xf32>
        %broadcast_in_dim3A_544 = arith.constant 0 : i32
        %broadcast_in_dim3A_545 = vector.broadcast %broadcast_in_dim3A_544 : i32 to vector<16xi32>
        %broadcast_in_dim3A_546 = arith.constant 0 : i32
        %broadcast_in_dim3A_547 = vector.broadcast %broadcast_in_dim3A_546 : i32 to vector<16xi32>
        %broadcast_in_dim3A_548 = arith.constant 0 : i32
        %broadcast_in_dim3A_549 = vector.broadcast %broadcast_in_dim3A_548 : i32 to vector<16xi32>
        %broadcast_in_dim3A_550 = arith.constant 0 : i32
        %broadcast_in_dim3A_551 = vector.broadcast %broadcast_in_dim3A_550 : i32 to vector<16xi32>
        %broadcast_in_dim3A_552 = arith.constant 0 : i32
        %broadcast_in_dim3A_553 = vector.broadcast %broadcast_in_dim3A_552 : i32 to vector<16xi32>
        %broadcast_in_dim3A_554 = arith.constant 0 : i32
        %broadcast_in_dim3A_555 = vector.broadcast %broadcast_in_dim3A_554 : i32 to vector<16xi32>
        %broadcast_in_dim3A_556 = arith.constant 0 : i32
        %broadcast_in_dim3A_557 = vector.broadcast %broadcast_in_dim3A_556 : i32 to vector<16xi32>
        %scan3A_558 = arith.constant 0 : i32
        %scan3A_559 = arith.constant 16 : i32
        %scan3A_560 = arith.addi %scan3A_558, %scan3A_559 : i32
        %scan3A_561 = arith.constant 2 : i32
        %scan3A_562:14 = scf.for %scan3A_876 = %scan3A_558 to %scan3A_560 step %scan3A_561 iter_args(%scan3A_877 = %broadcast_in_dim3A_531, %scan3A_878 = %broadcast_in_dim3A_533, %scan3A_879 = %broadcast_in_dim3A_535, %scan3A_880 = %broadcast_in_dim3A_537, %scan3A_881 = %broadcast_in_dim3A_539, %scan3A_882 = %broadcast_in_dim3A_541, %scan3A_883 = %broadcast_in_dim3A_543, %scan3A_884 = %broadcast_in_dim3A_545, %scan3A_885 = %broadcast_in_dim3A_547, %scan3A_886 = %broadcast_in_dim3A_549, %scan3A_887 = %broadcast_in_dim3A_551, %scan3A_888 = %broadcast_in_dim3A_553, %scan3A_889 = %broadcast_in_dim3A_555, %scan3A_890 = %broadcast_in_dim3A_557) -> (vector<16xf32>, vector<16xf32>, vector<16xf32>, vector<16xf32>, vector<16xf32>, vector<16xf32>, vector<16xf32>, vector<16xi32>, vector<16xi32>, vector<16xi32>, vector<16xi32>, vector<16xi32>, vector<16xi32>, vector<16xi32>)  : i32 {
          %broadcast_in_dim3A_891 = vector.broadcast %scan3A_876 : i32 to vector<16xi32>
          %lt3A_892 = arith.constant 0 : i32
          %lt3A_893 = vector.broadcast %lt3A_892 : i32 to vector<16xi32>
          %lt3A_894 = arith.cmpi slt, %broadcast_in_dim3A_891, %lt3A_893 : vector<16xi32>
          %add3A_895 = arith.constant 16 : i32
          %add3A_896 = vector.broadcast %add3A_895 : i32 to vector<16xi32>
          %add3A_897 = arith.addi %broadcast_in_dim3A_891, %add3A_896 : vector<16xi32>
          %select_n3A = arith.select %lt3A_894, %add3A_897, %broadcast_in_dim3A_891 : vector<16xi1>, vector<16xi32>
          %broadcast_in_dim3A_898 = vector.shape_cast %select_n3A : vector<16xi32> to vector<16x1xi32>
          %gather3A_899 = vector.shape_cast %broadcast_in_dim3A_898 : vector<16x1xi32> to vector<16xi32>
          %gather3A_900 = tpu.dynamic_gather %mul3A_120[%gather3A_899] in [0] : vector<16xf32>, vector<16xi32> -> vector<16xf32>
          %broadcast_in_dim3A_901 = vector.broadcast %scan3A_876 : i32 to vector<16xi32>
          %lt3A_902 = arith.constant 0 : i32
          %lt3A_903 = vector.broadcast %lt3A_902 : i32 to vector<16xi32>
          %lt3A_904 = arith.cmpi slt, %broadcast_in_dim3A_901, %lt3A_903 : vector<16xi32>
          %add3A_905 = arith.constant 16 : i32
          %add3A_906 = vector.broadcast %add3A_905 : i32 to vector<16xi32>
          %add3A_907 = arith.addi %broadcast_in_dim3A_901, %add3A_906 : vector<16xi32>
          %select_n3A_908 = arith.select %lt3A_904, %add3A_907, %broadcast_in_dim3A_901 : vector<16xi1>, vector<16xi32>
          %broadcast_in_dim3A_909 = vector.shape_cast %select_n3A_908 : vector<16xi32> to vector<16x1xi32>
          %gather3A_910 = vector.shape_cast %broadcast_in_dim3A_909 : vector<16x1xi32> to vector<16xi32>
          %gather3A_911 = tpu.dynamic_gather %get3A_88[%gather3A_910] in [0] : vector<16xf32>, vector<16xi32> -> vector<16xf32>
          %add3A_912 = arith.constant 0 : i32
          %add3A_913 = arith.addi %scan3A_876, %add3A_912 : i32
          %broadcast_in_dim3A_914 = vector.broadcast %add3A_913 : i32 to vector<16xi32>
          %sub3A_915 = arith.subf %convert_element_type3A_505, %gather3A_911 : vector<16xf32>
          %mul3A_916 = arith.mulf %sub3A_915, %sub3A_915 : vector<16xf32>
          %add3A_917 = arith.addf %mul3A_916, %gather3A_900 : vector<16xf32>
          %max3A = arith.constant 1.000000e+00 : f32
          %max3A_918 = vector.broadcast %max3A : f32 to vector<16xf32>
          %max3A_919 = arith.maximumf %max3A_918, %add3A_917 : vector<16xf32>
          %lt3A_920 = arith.cmpf olt, %max3A_919, %scan3A_877 : vector<16xf32>
          %select_n3A_921 = arith.select %lt3A_920, %max3A_919, %scan3A_877 : vector<16xi1>, vector<16xf32>
          %select_n3A_922 = arith.select %lt3A_920, %broadcast_in_dim3A_914, %scan3A_884 : vector<16xi1>, vector<16xi32>
          %sub3A_923 = arith.subf %convert_element_type3A_509, %gather3A_911 : vector<16xf32>
          %mul3A_924 = arith.mulf %sub3A_923, %sub3A_923 : vector<16xf32>
          %add3A_925 = arith.addf %mul3A_924, %gather3A_900 : vector<16xf32>
          %max3A_926 = arith.constant 1.000000e+00 : f32
          %max3A_927 = vector.broadcast %max3A_926 : f32 to vector<16xf32>
          %max3A_928 = arith.maximumf %max3A_927, %add3A_925 : vector<16xf32>
          %lt3A_929 = arith.cmpf olt, %max3A_928, %scan3A_878 : vector<16xf32>
          %select_n3A_930 = arith.select %lt3A_929, %max3A_928, %scan3A_878 : vector<16xi1>, vector<16xf32>
          %select_n3A_931 = arith.select %lt3A_929, %broadcast_in_dim3A_914, %scan3A_885 : vector<16xi1>, vector<16xi32>
          %sub3A_932 = arith.subf %convert_element_type3A_513, %gather3A_911 : vector<16xf32>
          %mul3A_933 = arith.mulf %sub3A_932, %sub3A_932 : vector<16xf32>
          %add3A_934 = arith.addf %mul3A_933, %gather3A_900 : vector<16xf32>
          %max3A_935 = arith.constant 1.000000e+00 : f32
          %max3A_936 = vector.broadcast %max3A_935 : f32 to vector<16xf32>
          %max3A_937 = arith.maximumf %max3A_936, %add3A_934 : vector<16xf32>
          %lt3A_938 = arith.cmpf olt, %max3A_937, %scan3A_879 : vector<16xf32>
          %select_n3A_939 = arith.select %lt3A_938, %max3A_937, %scan3A_879 : vector<16xi1>, vector<16xf32>
          %select_n3A_940 = arith.select %lt3A_938, %broadcast_in_dim3A_914, %scan3A_886 : vector<16xi1>, vector<16xi32>
          %sub3A_941 = arith.subf %convert_element_type3A_517, %gather3A_911 : vector<16xf32>
          %mul3A_942 = arith.mulf %sub3A_941, %sub3A_941 : vector<16xf32>
          %add3A_943 = arith.addf %mul3A_942, %gather3A_900 : vector<16xf32>
          %max3A_944 = arith.constant 1.000000e+00 : f32
          %max3A_945 = vector.broadcast %max3A_944 : f32 to vector<16xf32>
          %max3A_946 = arith.maximumf %max3A_945, %add3A_943 : vector<16xf32>
          %lt3A_947 = arith.cmpf olt, %max3A_946, %scan3A_880 : vector<16xf32>
          %select_n3A_948 = arith.select %lt3A_947, %max3A_946, %scan3A_880 : vector<16xi1>, vector<16xf32>
          %select_n3A_949 = arith.select %lt3A_947, %broadcast_in_dim3A_914, %scan3A_887 : vector<16xi1>, vector<16xi32>
          %sub3A_950 = arith.subf %convert_element_type3A_521, %gather3A_911 : vector<16xf32>
          %mul3A_951 = arith.mulf %sub3A_950, %sub3A_950 : vector<16xf32>
          %add3A_952 = arith.addf %mul3A_951, %gather3A_900 : vector<16xf32>
          %max3A_953 = arith.constant 1.000000e+00 : f32
          %max3A_954 = vector.broadcast %max3A_953 : f32 to vector<16xf32>
          %max3A_955 = arith.maximumf %max3A_954, %add3A_952 : vector<16xf32>
          %lt3A_956 = arith.cmpf olt, %max3A_955, %scan3A_881 : vector<16xf32>
          %select_n3A_957 = arith.select %lt3A_956, %max3A_955, %scan3A_881 : vector<16xi1>, vector<16xf32>
          %select_n3A_958 = arith.select %lt3A_956, %broadcast_in_dim3A_914, %scan3A_888 : vector<16xi1>, vector<16xi32>
          %sub3A_959 = arith.subf %convert_element_type3A_525, %gather3A_911 : vector<16xf32>
          %mul3A_960 = arith.mulf %sub3A_959, %sub3A_959 : vector<16xf32>
          %add3A_961 = arith.addf %mul3A_960, %gather3A_900 : vector<16xf32>
          %max3A_962 = arith.constant 1.000000e+00 : f32
          %max3A_963 = vector.broadcast %max3A_962 : f32 to vector<16xf32>
          %max3A_964 = arith.maximumf %max3A_963, %add3A_961 : vector<16xf32>
          %lt3A_965 = arith.cmpf olt, %max3A_964, %scan3A_882 : vector<16xf32>
          %select_n3A_966 = arith.select %lt3A_965, %max3A_964, %scan3A_882 : vector<16xi1>, vector<16xf32>
          %select_n3A_967 = arith.select %lt3A_965, %broadcast_in_dim3A_914, %scan3A_889 : vector<16xi1>, vector<16xi32>
          %sub3A_968 = arith.subf %convert_element_type3A_529, %gather3A_911 : vector<16xf32>
          %mul3A_969 = arith.mulf %sub3A_968, %sub3A_968 : vector<16xf32>
          %add3A_970 = arith.addf %mul3A_969, %gather3A_900 : vector<16xf32>
          %max3A_971 = arith.constant 1.000000e+00 : f32
          %max3A_972 = vector.broadcast %max3A_971 : f32 to vector<16xf32>
          %max3A_973 = arith.maximumf %max3A_972, %add3A_970 : vector<16xf32>
          %lt3A_974 = arith.cmpf olt, %max3A_973, %scan3A_883 : vector<16xf32>
          %select_n3A_975 = arith.select %lt3A_974, %max3A_973, %scan3A_883 : vector<16xi1>, vector<16xf32>
          %select_n3A_976 = arith.select %lt3A_974, %broadcast_in_dim3A_914, %scan3A_890 : vector<16xi1>, vector<16xi32>
          %scan3A_977 = arith.constant 1 : i32
          %scan3A_978 = arith.addi %scan3A_876, %scan3A_977 : i32
          %broadcast_in_dim3A_979 = vector.broadcast %scan3A_978 : i32 to vector<16xi32>
          %lt3A_980 = arith.constant 0 : i32
          %lt3A_981 = vector.broadcast %lt3A_980 : i32 to vector<16xi32>
          %lt3A_982 = arith.cmpi slt, %broadcast_in_dim3A_979, %lt3A_981 : vector<16xi32>
          %add3A_983 = arith.constant 16 : i32
          %add3A_984 = vector.broadcast %add3A_983 : i32 to vector<16xi32>
          %add3A_985 = arith.addi %broadcast_in_dim3A_979, %add3A_984 : vector<16xi32>
          %select_n3A_986 = arith.select %lt3A_982, %add3A_985, %broadcast_in_dim3A_979 : vector<16xi1>, vector<16xi32>
          %broadcast_in_dim3A_987 = vector.shape_cast %select_n3A_986 : vector<16xi32> to vector<16x1xi32>
          %gather3A_988 = vector.shape_cast %broadcast_in_dim3A_987 : vector<16x1xi32> to vector<16xi32>
          %gather3A_989 = tpu.dynamic_gather %mul3A_120[%gather3A_988] in [0] : vector<16xf32>, vector<16xi32> -> vector<16xf32>
          %broadcast_in_dim3A_990 = vector.broadcast %scan3A_978 : i32 to vector<16xi32>
          %lt3A_991 = arith.constant 0 : i32
          %lt3A_992 = vector.broadcast %lt3A_991 : i32 to vector<16xi32>
          %lt3A_993 = arith.cmpi slt, %broadcast_in_dim3A_990, %lt3A_992 : vector<16xi32>
          %add3A_994 = arith.constant 16 : i32
          %add3A_995 = vector.broadcast %add3A_994 : i32 to vector<16xi32>
          %add3A_996 = arith.addi %broadcast_in_dim3A_990, %add3A_995 : vector<16xi32>
          %select_n3A_997 = arith.select %lt3A_993, %add3A_996, %broadcast_in_dim3A_990 : vector<16xi1>, vector<16xi32>
          %broadcast_in_dim3A_998 = vector.shape_cast %select_n3A_997 : vector<16xi32> to vector<16x1xi32>
          %gather3A_999 = vector.shape_cast %broadcast_in_dim3A_998 : vector<16x1xi32> to vector<16xi32>
          %gather3A_1000 = tpu.dynamic_gather %get3A_88[%gather3A_999] in [0] : vector<16xf32>, vector<16xi32> -> vector<16xf32>
          %add3A_1001 = arith.constant 0 : i32
          %add3A_1002 = arith.addi %scan3A_978, %add3A_1001 : i32
          %broadcast_in_dim3A_1003 = vector.broadcast %add3A_1002 : i32 to vector<16xi32>
          %sub3A_1004 = arith.subf %convert_element_type3A_505, %gather3A_1000 : vector<16xf32>
          %mul3A_1005 = arith.mulf %sub3A_1004, %sub3A_1004 : vector<16xf32>
          %add3A_1006 = arith.addf %mul3A_1005, %gather3A_989 : vector<16xf32>
          %max3A_1007 = arith.constant 1.000000e+00 : f32
          %max3A_1008 = vector.broadcast %max3A_1007 : f32 to vector<16xf32>
          %max3A_1009 = arith.maximumf %max3A_1008, %add3A_1006 : vector<16xf32>
          %lt3A_1010 = arith.cmpf olt, %max3A_1009, %select_n3A_921 : vector<16xf32>
          %select_n3A_1011 = arith.select %lt3A_1010, %max3A_1009, %select_n3A_921 : vector<16xi1>, vector<16xf32>
          %select_n3A_1012 = arith.select %lt3A_1010, %broadcast_in_dim3A_1003, %select_n3A_922 : vector<16xi1>, vector<16xi32>
          %sub3A_1013 = arith.subf %convert_element_type3A_509, %gather3A_1000 : vector<16xf32>
          %mul3A_1014 = arith.mulf %sub3A_1013, %sub3A_1013 : vector<16xf32>
          %add3A_1015 = arith.addf %mul3A_1014, %gather3A_989 : vector<16xf32>
          %max3A_1016 = arith.constant 1.000000e+00 : f32
          %max3A_1017 = vector.broadcast %max3A_1016 : f32 to vector<16xf32>
          %max3A_1018 = arith.maximumf %max3A_1017, %add3A_1015 : vector<16xf32>
          %lt3A_1019 = arith.cmpf olt, %max3A_1018, %select_n3A_930 : vector<16xf32>
          %select_n3A_1020 = arith.select %lt3A_1019, %max3A_1018, %select_n3A_930 : vector<16xi1>, vector<16xf32>
          %select_n3A_1021 = arith.select %lt3A_1019, %broadcast_in_dim3A_1003, %select_n3A_931 : vector<16xi1>, vector<16xi32>
          %sub3A_1022 = arith.subf %convert_element_type3A_513, %gather3A_1000 : vector<16xf32>
          %mul3A_1023 = arith.mulf %sub3A_1022, %sub3A_1022 : vector<16xf32>
          %add3A_1024 = arith.addf %mul3A_1023, %gather3A_989 : vector<16xf32>
          %max3A_1025 = arith.constant 1.000000e+00 : f32
          %max3A_1026 = vector.broadcast %max3A_1025 : f32 to vector<16xf32>
          %max3A_1027 = arith.maximumf %max3A_1026, %add3A_1024 : vector<16xf32>
          %lt3A_1028 = arith.cmpf olt, %max3A_1027, %select_n3A_939 : vector<16xf32>
          %select_n3A_1029 = arith.select %lt3A_1028, %max3A_1027, %select_n3A_939 : vector<16xi1>, vector<16xf32>
          %select_n3A_1030 = arith.select %lt3A_1028, %broadcast_in_dim3A_1003, %select_n3A_940 : vector<16xi1>, vector<16xi32>
          %sub3A_1031 = arith.subf %convert_element_type3A_517, %gather3A_1000 : vector<16xf32>
          %mul3A_1032 = arith.mulf %sub3A_1031, %sub3A_1031 : vector<16xf32>
          %add3A_1033 = arith.addf %mul3A_1032, %gather3A_989 : vector<16xf32>
          %max3A_1034 = arith.constant 1.000000e+00 : f32
          %max3A_1035 = vector.broadcast %max3A_1034 : f32 to vector<16xf32>
          %max3A_1036 = arith.maximumf %max3A_1035, %add3A_1033 : vector<16xf32>
          %lt3A_1037 = arith.cmpf olt, %max3A_1036, %select_n3A_948 : vector<16xf32>
          %select_n3A_1038 = arith.select %lt3A_1037, %max3A_1036, %select_n3A_948 : vector<16xi1>, vector<16xf32>
          %select_n3A_1039 = arith.select %lt3A_1037, %broadcast_in_dim3A_1003, %select_n3A_949 : vector<16xi1>, vector<16xi32>
          %sub3A_1040 = arith.subf %convert_element_type3A_521, %gather3A_1000 : vector<16xf32>
          %mul3A_1041 = arith.mulf %sub3A_1040, %sub3A_1040 : vector<16xf32>
          %add3A_1042 = arith.addf %mul3A_1041, %gather3A_989 : vector<16xf32>
          %max3A_1043 = arith.constant 1.000000e+00 : f32
          %max3A_1044 = vector.broadcast %max3A_1043 : f32 to vector<16xf32>
          %max3A_1045 = arith.maximumf %max3A_1044, %add3A_1042 : vector<16xf32>
          %lt3A_1046 = arith.cmpf olt, %max3A_1045, %select_n3A_957 : vector<16xf32>
          %select_n3A_1047 = arith.select %lt3A_1046, %max3A_1045, %select_n3A_957 : vector<16xi1>, vector<16xf32>
          %select_n3A_1048 = arith.select %lt3A_1046, %broadcast_in_dim3A_1003, %select_n3A_958 : vector<16xi1>, vector<16xi32>
          %sub3A_1049 = arith.subf %convert_element_type3A_525, %gather3A_1000 : vector<16xf32>
          %mul3A_1050 = arith.mulf %sub3A_1049, %sub3A_1049 : vector<16xf32>
          %add3A_1051 = arith.addf %mul3A_1050, %gather3A_989 : vector<16xf32>
          %max3A_1052 = arith.constant 1.000000e+00 : f32
          %max3A_1053 = vector.broadcast %max3A_1052 : f32 to vector<16xf32>
          %max3A_1054 = arith.maximumf %max3A_1053, %add3A_1051 : vector<16xf32>
          %lt3A_1055 = arith.cmpf olt, %max3A_1054, %select_n3A_966 : vector<16xf32>
          %select_n3A_1056 = arith.select %lt3A_1055, %max3A_1054, %select_n3A_966 : vector<16xi1>, vector<16xf32>
          %select_n3A_1057 = arith.select %lt3A_1055, %broadcast_in_dim3A_1003, %select_n3A_967 : vector<16xi1>, vector<16xi32>
          %sub3A_1058 = arith.subf %convert_element_type3A_529, %gather3A_1000 : vector<16xf32>
          %mul3A_1059 = arith.mulf %sub3A_1058, %sub3A_1058 : vector<16xf32>
          %add3A_1060 = arith.addf %mul3A_1059, %gather3A_989 : vector<16xf32>
          %max3A_1061 = arith.constant 1.000000e+00 : f32
          %max3A_1062 = vector.broadcast %max3A_1061 : f32 to vector<16xf32>
          %max3A_1063 = arith.maximumf %max3A_1062, %add3A_1060 : vector<16xf32>
          %lt3A_1064 = arith.cmpf olt, %max3A_1063, %select_n3A_975 : vector<16xf32>
          %select_n3A_1065 = arith.select %lt3A_1064, %max3A_1063, %select_n3A_975 : vector<16xi1>, vector<16xf32>
          %select_n3A_1066 = arith.select %lt3A_1064, %broadcast_in_dim3A_1003, %select_n3A_976 : vector<16xi1>, vector<16xi32>
          scf.yield %select_n3A_1011, %select_n3A_1020, %select_n3A_1029, %select_n3A_1038, %select_n3A_1047, %select_n3A_1056, %select_n3A_1065, %select_n3A_1012, %select_n3A_1021, %select_n3A_1030, %select_n3A_1039, %select_n3A_1048, %select_n3A_1057, %select_n3A_1066 : vector<16xf32>, vector<16xf32>, vector<16xf32>, vector<16xf32>, vector<16xf32>, vector<16xf32>, vector<16xf32>, vector<16xi32>, vector<16xi32>, vector<16xi32>, vector<16xi32>, vector<16xi32>, vector<16xi32>, vector<16xi32>
        }
        %scan3A_563 = arith.constant 16 : i32
        %scan3A_564 = arith.constant 0 : i32
        %scan3A_565 = arith.constant 16 : i32
        %scan3A_566 = arith.addi %scan3A_564, %scan3A_565 : i32
        %scan3A_567 = arith.constant 2 : i32
        %scan3A_568:14 = scf.for %scan3A_876 = %scan3A_564 to %scan3A_566 step %scan3A_567 iter_args(%scan3A_877 = %scan3A_562#0, %scan3A_878 = %scan3A_562#1, %scan3A_879 = %scan3A_562#2, %scan3A_880 = %scan3A_562#3, %scan3A_881 = %scan3A_562#4, %scan3A_882 = %scan3A_562#5, %scan3A_883 = %scan3A_562#6, %scan3A_884 = %scan3A_562#7, %scan3A_885 = %scan3A_562#8, %scan3A_886 = %scan3A_562#9, %scan3A_887 = %scan3A_562#10, %scan3A_888 = %scan3A_562#11, %scan3A_889 = %scan3A_562#12, %scan3A_890 = %scan3A_562#13) -> (vector<16xf32>, vector<16xf32>, vector<16xf32>, vector<16xf32>, vector<16xf32>, vector<16xf32>, vector<16xf32>, vector<16xi32>, vector<16xi32>, vector<16xi32>, vector<16xi32>, vector<16xi32>, vector<16xi32>, vector<16xi32>)  : i32 {
          %broadcast_in_dim3A_891 = vector.broadcast %scan3A_876 : i32 to vector<16xi32>
          %lt3A_892 = arith.constant 0 : i32
          %lt3A_893 = vector.broadcast %lt3A_892 : i32 to vector<16xi32>
          %lt3A_894 = arith.cmpi slt, %broadcast_in_dim3A_891, %lt3A_893 : vector<16xi32>
          %add3A_895 = arith.constant 16 : i32
          %add3A_896 = vector.broadcast %add3A_895 : i32 to vector<16xi32>
          %add3A_897 = arith.addi %broadcast_in_dim3A_891, %add3A_896 : vector<16xi32>
          %select_n3A = arith.select %lt3A_894, %add3A_897, %broadcast_in_dim3A_891 : vector<16xi1>, vector<16xi32>
          %broadcast_in_dim3A_898 = vector.shape_cast %select_n3A : vector<16xi32> to vector<16x1xi32>
          %gather3A_899 = vector.shape_cast %broadcast_in_dim3A_898 : vector<16x1xi32> to vector<16xi32>
          %gather3A_900 = tpu.dynamic_gather %mul3A_123[%gather3A_899] in [0] : vector<16xf32>, vector<16xi32> -> vector<16xf32>
          %broadcast_in_dim3A_901 = vector.broadcast %scan3A_876 : i32 to vector<16xi32>
          %lt3A_902 = arith.constant 0 : i32
          %lt3A_903 = vector.broadcast %lt3A_902 : i32 to vector<16xi32>
          %lt3A_904 = arith.cmpi slt, %broadcast_in_dim3A_901, %lt3A_903 : vector<16xi32>
          %add3A_905 = arith.constant 16 : i32
          %add3A_906 = vector.broadcast %add3A_905 : i32 to vector<16xi32>
          %add3A_907 = arith.addi %broadcast_in_dim3A_901, %add3A_906 : vector<16xi32>
          %select_n3A_908 = arith.select %lt3A_904, %add3A_907, %broadcast_in_dim3A_901 : vector<16xi1>, vector<16xi32>
          %broadcast_in_dim3A_909 = vector.shape_cast %select_n3A_908 : vector<16xi32> to vector<16x1xi32>
          %gather3A_910 = vector.shape_cast %broadcast_in_dim3A_909 : vector<16x1xi32> to vector<16xi32>
          %gather3A_911 = tpu.dynamic_gather %get3A_90[%gather3A_910] in [0] : vector<16xf32>, vector<16xi32> -> vector<16xf32>
          %add3A_912 = arith.constant 16 : i32
          %add3A_913 = arith.addi %scan3A_876, %add3A_912 : i32
          %broadcast_in_dim3A_914 = vector.broadcast %add3A_913 : i32 to vector<16xi32>
          %sub3A_915 = arith.subf %convert_element_type3A_505, %gather3A_911 : vector<16xf32>
          %mul3A_916 = arith.mulf %sub3A_915, %sub3A_915 : vector<16xf32>
          %add3A_917 = arith.addf %mul3A_916, %gather3A_900 : vector<16xf32>
          %max3A = arith.constant 1.000000e+00 : f32
          %max3A_918 = vector.broadcast %max3A : f32 to vector<16xf32>
          %max3A_919 = arith.maximumf %max3A_918, %add3A_917 : vector<16xf32>
          %lt3A_920 = arith.cmpf olt, %max3A_919, %scan3A_877 : vector<16xf32>
          %select_n3A_921 = arith.select %lt3A_920, %max3A_919, %scan3A_877 : vector<16xi1>, vector<16xf32>
          %select_n3A_922 = arith.select %lt3A_920, %broadcast_in_dim3A_914, %scan3A_884 : vector<16xi1>, vector<16xi32>
          %sub3A_923 = arith.subf %convert_element_type3A_509, %gather3A_911 : vector<16xf32>
          %mul3A_924 = arith.mulf %sub3A_923, %sub3A_923 : vector<16xf32>
          %add3A_925 = arith.addf %mul3A_924, %gather3A_900 : vector<16xf32>
          %max3A_926 = arith.constant 1.000000e+00 : f32
          %max3A_927 = vector.broadcast %max3A_926 : f32 to vector<16xf32>
          %max3A_928 = arith.maximumf %max3A_927, %add3A_925 : vector<16xf32>
          %lt3A_929 = arith.cmpf olt, %max3A_928, %scan3A_878 : vector<16xf32>
          %select_n3A_930 = arith.select %lt3A_929, %max3A_928, %scan3A_878 : vector<16xi1>, vector<16xf32>
          %select_n3A_931 = arith.select %lt3A_929, %broadcast_in_dim3A_914, %scan3A_885 : vector<16xi1>, vector<16xi32>
          %sub3A_932 = arith.subf %convert_element_type3A_513, %gather3A_911 : vector<16xf32>
          %mul3A_933 = arith.mulf %sub3A_932, %sub3A_932 : vector<16xf32>
          %add3A_934 = arith.addf %mul3A_933, %gather3A_900 : vector<16xf32>
          %max3A_935 = arith.constant 1.000000e+00 : f32
          %max3A_936 = vector.broadcast %max3A_935 : f32 to vector<16xf32>
          %max3A_937 = arith.maximumf %max3A_936, %add3A_934 : vector<16xf32>
          %lt3A_938 = arith.cmpf olt, %max3A_937, %scan3A_879 : vector<16xf32>
          %select_n3A_939 = arith.select %lt3A_938, %max3A_937, %scan3A_879 : vector<16xi1>, vector<16xf32>
          %select_n3A_940 = arith.select %lt3A_938, %broadcast_in_dim3A_914, %scan3A_886 : vector<16xi1>, vector<16xi32>
          %sub3A_941 = arith.subf %convert_element_type3A_517, %gather3A_911 : vector<16xf32>
          %mul3A_942 = arith.mulf %sub3A_941, %sub3A_941 : vector<16xf32>
          %add3A_943 = arith.addf %mul3A_942, %gather3A_900 : vector<16xf32>
          %max3A_944 = arith.constant 1.000000e+00 : f32
          %max3A_945 = vector.broadcast %max3A_944 : f32 to vector<16xf32>
          %max3A_946 = arith.maximumf %max3A_945, %add3A_943 : vector<16xf32>
          %lt3A_947 = arith.cmpf olt, %max3A_946, %scan3A_880 : vector<16xf32>
          %select_n3A_948 = arith.select %lt3A_947, %max3A_946, %scan3A_880 : vector<16xi1>, vector<16xf32>
          %select_n3A_949 = arith.select %lt3A_947, %broadcast_in_dim3A_914, %scan3A_887 : vector<16xi1>, vector<16xi32>
          %sub3A_950 = arith.subf %convert_element_type3A_521, %gather3A_911 : vector<16xf32>
          %mul3A_951 = arith.mulf %sub3A_950, %sub3A_950 : vector<16xf32>
          %add3A_952 = arith.addf %mul3A_951, %gather3A_900 : vector<16xf32>
          %max3A_953 = arith.constant 1.000000e+00 : f32
          %max3A_954 = vector.broadcast %max3A_953 : f32 to vector<16xf32>
          %max3A_955 = arith.maximumf %max3A_954, %add3A_952 : vector<16xf32>
          %lt3A_956 = arith.cmpf olt, %max3A_955, %scan3A_881 : vector<16xf32>
          %select_n3A_957 = arith.select %lt3A_956, %max3A_955, %scan3A_881 : vector<16xi1>, vector<16xf32>
          %select_n3A_958 = arith.select %lt3A_956, %broadcast_in_dim3A_914, %scan3A_888 : vector<16xi1>, vector<16xi32>
          %sub3A_959 = arith.subf %convert_element_type3A_525, %gather3A_911 : vector<16xf32>
          %mul3A_960 = arith.mulf %sub3A_959, %sub3A_959 : vector<16xf32>
          %add3A_961 = arith.addf %mul3A_960, %gather3A_900 : vector<16xf32>
          %max3A_962 = arith.constant 1.000000e+00 : f32
          %max3A_963 = vector.broadcast %max3A_962 : f32 to vector<16xf32>
          %max3A_964 = arith.maximumf %max3A_963, %add3A_961 : vector<16xf32>
          %lt3A_965 = arith.cmpf olt, %max3A_964, %scan3A_882 : vector<16xf32>
          %select_n3A_966 = arith.select %lt3A_965, %max3A_964, %scan3A_882 : vector<16xi1>, vector<16xf32>
          %select_n3A_967 = arith.select %lt3A_965, %broadcast_in_dim3A_914, %scan3A_889 : vector<16xi1>, vector<16xi32>
          %sub3A_968 = arith.subf %convert_element_type3A_529, %gather3A_911 : vector<16xf32>
          %mul3A_969 = arith.mulf %sub3A_968, %sub3A_968 : vector<16xf32>
          %add3A_970 = arith.addf %mul3A_969, %gather3A_900 : vector<16xf32>
          %max3A_971 = arith.constant 1.000000e+00 : f32
          %max3A_972 = vector.broadcast %max3A_971 : f32 to vector<16xf32>
          %max3A_973 = arith.maximumf %max3A_972, %add3A_970 : vector<16xf32>
          %lt3A_974 = arith.cmpf olt, %max3A_973, %scan3A_883 : vector<16xf32>
          %select_n3A_975 = arith.select %lt3A_974, %max3A_973, %scan3A_883 : vector<16xi1>, vector<16xf32>
          %select_n3A_976 = arith.select %lt3A_974, %broadcast_in_dim3A_914, %scan3A_890 : vector<16xi1>, vector<16xi32>
          %scan3A_977 = arith.constant 1 : i32
          %scan3A_978 = arith.addi %scan3A_876, %scan3A_977 : i32
          %broadcast_in_dim3A_979 = vector.broadcast %scan3A_978 : i32 to vector<16xi32>
          %lt3A_980 = arith.constant 0 : i32
          %lt3A_981 = vector.broadcast %lt3A_980 : i32 to vector<16xi32>
          %lt3A_982 = arith.cmpi slt, %broadcast_in_dim3A_979, %lt3A_981 : vector<16xi32>
          %add3A_983 = arith.constant 16 : i32
          %add3A_984 = vector.broadcast %add3A_983 : i32 to vector<16xi32>
          %add3A_985 = arith.addi %broadcast_in_dim3A_979, %add3A_984 : vector<16xi32>
          %select_n3A_986 = arith.select %lt3A_982, %add3A_985, %broadcast_in_dim3A_979 : vector<16xi1>, vector<16xi32>
          %broadcast_in_dim3A_987 = vector.shape_cast %select_n3A_986 : vector<16xi32> to vector<16x1xi32>
          %gather3A_988 = vector.shape_cast %broadcast_in_dim3A_987 : vector<16x1xi32> to vector<16xi32>
          %gather3A_989 = tpu.dynamic_gather %mul3A_123[%gather3A_988] in [0] : vector<16xf32>, vector<16xi32> -> vector<16xf32>
          %broadcast_in_dim3A_990 = vector.broadcast %scan3A_978 : i32 to vector<16xi32>
          %lt3A_991 = arith.constant 0 : i32
          %lt3A_992 = vector.broadcast %lt3A_991 : i32 to vector<16xi32>
          %lt3A_993 = arith.cmpi slt, %broadcast_in_dim3A_990, %lt3A_992 : vector<16xi32>
          %add3A_994 = arith.constant 16 : i32
          %add3A_995 = vector.broadcast %add3A_994 : i32 to vector<16xi32>
          %add3A_996 = arith.addi %broadcast_in_dim3A_990, %add3A_995 : vector<16xi32>
          %select_n3A_997 = arith.select %lt3A_993, %add3A_996, %broadcast_in_dim3A_990 : vector<16xi1>, vector<16xi32>
          %broadcast_in_dim3A_998 = vector.shape_cast %select_n3A_997 : vector<16xi32> to vector<16x1xi32>
          %gather3A_999 = vector.shape_cast %broadcast_in_dim3A_998 : vector<16x1xi32> to vector<16xi32>
          %gather3A_1000 = tpu.dynamic_gather %get3A_90[%gather3A_999] in [0] : vector<16xf32>, vector<16xi32> -> vector<16xf32>
          %add3A_1001 = arith.constant 16 : i32
          %add3A_1002 = arith.addi %scan3A_978, %add3A_1001 : i32
          %broadcast_in_dim3A_1003 = vector.broadcast %add3A_1002 : i32 to vector<16xi32>
          %sub3A_1004 = arith.subf %convert_element_type3A_505, %gather3A_1000 : vector<16xf32>
          %mul3A_1005 = arith.mulf %sub3A_1004, %sub3A_1004 : vector<16xf32>
          %add3A_1006 = arith.addf %mul3A_1005, %gather3A_989 : vector<16xf32>
          %max3A_1007 = arith.constant 1.000000e+00 : f32
          %max3A_1008 = vector.broadcast %max3A_1007 : f32 to vector<16xf32>
          %max3A_1009 = arith.maximumf %max3A_1008, %add3A_1006 : vector<16xf32>
          %lt3A_1010 = arith.cmpf olt, %max3A_1009, %select_n3A_921 : vector<16xf32>
          %select_n3A_1011 = arith.select %lt3A_1010, %max3A_1009, %select_n3A_921 : vector<16xi1>, vector<16xf32>
          %select_n3A_1012 = arith.select %lt3A_1010, %broadcast_in_dim3A_1003, %select_n3A_922 : vector<16xi1>, vector<16xi32>
          %sub3A_1013 = arith.subf %convert_element_type3A_509, %gather3A_1000 : vector<16xf32>
          %mul3A_1014 = arith.mulf %sub3A_1013, %sub3A_1013 : vector<16xf32>
          %add3A_1015 = arith.addf %mul3A_1014, %gather3A_989 : vector<16xf32>
          %max3A_1016 = arith.constant 1.000000e+00 : f32
          %max3A_1017 = vector.broadcast %max3A_1016 : f32 to vector<16xf32>
          %max3A_1018 = arith.maximumf %max3A_1017, %add3A_1015 : vector<16xf32>
          %lt3A_1019 = arith.cmpf olt, %max3A_1018, %select_n3A_930 : vector<16xf32>
          %select_n3A_1020 = arith.select %lt3A_1019, %max3A_1018, %select_n3A_930 : vector<16xi1>, vector<16xf32>
          %select_n3A_1021 = arith.select %lt3A_1019, %broadcast_in_dim3A_1003, %select_n3A_931 : vector<16xi1>, vector<16xi32>
          %sub3A_1022 = arith.subf %convert_element_type3A_513, %gather3A_1000 : vector<16xf32>
          %mul3A_1023 = arith.mulf %sub3A_1022, %sub3A_1022 : vector<16xf32>
          %add3A_1024 = arith.addf %mul3A_1023, %gather3A_989 : vector<16xf32>
          %max3A_1025 = arith.constant 1.000000e+00 : f32
          %max3A_1026 = vector.broadcast %max3A_1025 : f32 to vector<16xf32>
          %max3A_1027 = arith.maximumf %max3A_1026, %add3A_1024 : vector<16xf32>
          %lt3A_1028 = arith.cmpf olt, %max3A_1027, %select_n3A_939 : vector<16xf32>
          %select_n3A_1029 = arith.select %lt3A_1028, %max3A_1027, %select_n3A_939 : vector<16xi1>, vector<16xf32>
          %select_n3A_1030 = arith.select %lt3A_1028, %broadcast_in_dim3A_1003, %select_n3A_940 : vector<16xi1>, vector<16xi32>
          %sub3A_1031 = arith.subf %convert_element_type3A_517, %gather3A_1000 : vector<16xf32>
          %mul3A_1032 = arith.mulf %sub3A_1031, %sub3A_1031 : vector<16xf32>
          %add3A_1033 = arith.addf %mul3A_1032, %gather3A_989 : vector<16xf32>
          %max3A_1034 = arith.constant 1.000000e+00 : f32
          %max3A_1035 = vector.broadcast %max3A_1034 : f32 to vector<16xf32>
          %max3A_1036 = arith.maximumf %max3A_1035, %add3A_1033 : vector<16xf32>
          %lt3A_1037 = arith.cmpf olt, %max3A_1036, %select_n3A_948 : vector<16xf32>
          %select_n3A_1038 = arith.select %lt3A_1037, %max3A_1036, %select_n3A_948 : vector<16xi1>, vector<16xf32>
          %select_n3A_1039 = arith.select %lt3A_1037, %broadcast_in_dim3A_1003, %select_n3A_949 : vector<16xi1>, vector<16xi32>
          %sub3A_1040 = arith.subf %convert_element_type3A_521, %gather3A_1000 : vector<16xf32>
          %mul3A_1041 = arith.mulf %sub3A_1040, %sub3A_1040 : vector<16xf32>
          %add3A_1042 = arith.addf %mul3A_1041, %gather3A_989 : vector<16xf32>
          %max3A_1043 = arith.constant 1.000000e+00 : f32
          %max3A_1044 = vector.broadcast %max3A_1043 : f32 to vector<16xf32>
          %max3A_1045 = arith.maximumf %max3A_1044, %add3A_1042 : vector<16xf32>
          %lt3A_1046 = arith.cmpf olt, %max3A_1045, %select_n3A_957 : vector<16xf32>
          %select_n3A_1047 = arith.select %lt3A_1046, %max3A_1045, %select_n3A_957 : vector<16xi1>, vector<16xf32>
          %select_n3A_1048 = arith.select %lt3A_1046, %broadcast_in_dim3A_1003, %select_n3A_958 : vector<16xi1>, vector<16xi32>
          %sub3A_1049 = arith.subf %convert_element_type3A_525, %gather3A_1000 : vector<16xf32>
          %mul3A_1050 = arith.mulf %sub3A_1049, %sub3A_1049 : vector<16xf32>
          %add3A_1051 = arith.addf %mul3A_1050, %gather3A_989 : vector<16xf32>
          %max3A_1052 = arith.constant 1.000000e+00 : f32
          %max3A_1053 = vector.broadcast %max3A_1052 : f32 to vector<16xf32>
          %max3A_1054 = arith.maximumf %max3A_1053, %add3A_1051 : vector<16xf32>
          %lt3A_1055 = arith.cmpf olt, %max3A_1054, %select_n3A_966 : vector<16xf32>
          %select_n3A_1056 = arith.select %lt3A_1055, %max3A_1054, %select_n3A_966 : vector<16xi1>, vector<16xf32>
          %select_n3A_1057 = arith.select %lt3A_1055, %broadcast_in_dim3A_1003, %select_n3A_967 : vector<16xi1>, vector<16xi32>
          %sub3A_1058 = arith.subf %convert_element_type3A_529, %gather3A_1000 : vector<16xf32>
          %mul3A_1059 = arith.mulf %sub3A_1058, %sub3A_1058 : vector<16xf32>
          %add3A_1060 = arith.addf %mul3A_1059, %gather3A_989 : vector<16xf32>
          %max3A_1061 = arith.constant 1.000000e+00 : f32
          %max3A_1062 = vector.broadcast %max3A_1061 : f32 to vector<16xf32>
          %max3A_1063 = arith.maximumf %max3A_1062, %add3A_1060 : vector<16xf32>
          %lt3A_1064 = arith.cmpf olt, %max3A_1063, %select_n3A_975 : vector<16xf32>
          %select_n3A_1065 = arith.select %lt3A_1064, %max3A_1063, %select_n3A_975 : vector<16xi1>, vector<16xf32>
          %select_n3A_1066 = arith.select %lt3A_1064, %broadcast_in_dim3A_1003, %select_n3A_976 : vector<16xi1>, vector<16xi32>
          scf.yield %select_n3A_1011, %select_n3A_1020, %select_n3A_1029, %select_n3A_1038, %select_n3A_1047, %select_n3A_1056, %select_n3A_1065, %select_n3A_1012, %select_n3A_1021, %select_n3A_1030, %select_n3A_1039, %select_n3A_1048, %select_n3A_1057, %select_n3A_1066 : vector<16xf32>, vector<16xf32>, vector<16xf32>, vector<16xf32>, vector<16xf32>, vector<16xf32>, vector<16xf32>, vector<16xi32>, vector<16xi32>, vector<16xi32>, vector<16xi32>, vector<16xi32>, vector<16xi32>, vector<16xi32>
        }
        %scan3A_569 = arith.constant 16 : i32
        %scan3A_570 = arith.constant 0 : i32
        %scan3A_571 = arith.constant 16 : i32
        %scan3A_572 = arith.addi %scan3A_570, %scan3A_571 : i32
        %scan3A_573 = arith.constant 2 : i32
        %scan3A_574:14 = scf.for %scan3A_876 = %scan3A_570 to %scan3A_572 step %scan3A_573 iter_args(%scan3A_877 = %scan3A_568#0, %scan3A_878 = %scan3A_568#1, %scan3A_879 = %scan3A_568#2, %scan3A_880 = %scan3A_568#3, %scan3A_881 = %scan3A_568#4, %scan3A_882 = %scan3A_568#5, %scan3A_883 = %scan3A_568#6, %scan3A_884 = %scan3A_568#7, %scan3A_885 = %scan3A_568#8, %scan3A_886 = %scan3A_568#9, %scan3A_887 = %scan3A_568#10, %scan3A_888 = %scan3A_568#11, %scan3A_889 = %scan3A_568#12, %scan3A_890 = %scan3A_568#13) -> (vector<16xf32>, vector<16xf32>, vector<16xf32>, vector<16xf32>, vector<16xf32>, vector<16xf32>, vector<16xf32>, vector<16xi32>, vector<16xi32>, vector<16xi32>, vector<16xi32>, vector<16xi32>, vector<16xi32>, vector<16xi32>)  : i32 {
          %broadcast_in_dim3A_891 = vector.broadcast %scan3A_876 : i32 to vector<16xi32>
          %lt3A_892 = arith.constant 0 : i32
          %lt3A_893 = vector.broadcast %lt3A_892 : i32 to vector<16xi32>
          %lt3A_894 = arith.cmpi slt, %broadcast_in_dim3A_891, %lt3A_893 : vector<16xi32>
          %add3A_895 = arith.constant 16 : i32
          %add3A_896 = vector.broadcast %add3A_895 : i32 to vector<16xi32>
          %add3A_897 = arith.addi %broadcast_in_dim3A_891, %add3A_896 : vector<16xi32>
          %select_n3A = arith.select %lt3A_894, %add3A_897, %broadcast_in_dim3A_891 : vector<16xi1>, vector<16xi32>
          %broadcast_in_dim3A_898 = vector.shape_cast %select_n3A : vector<16xi32> to vector<16x1xi32>
          %gather3A_899 = vector.shape_cast %broadcast_in_dim3A_898 : vector<16x1xi32> to vector<16xi32>
          %gather3A_900 = tpu.dynamic_gather %mul3A_126[%gather3A_899] in [0] : vector<16xf32>, vector<16xi32> -> vector<16xf32>
          %broadcast_in_dim3A_901 = vector.broadcast %scan3A_876 : i32 to vector<16xi32>
          %lt3A_902 = arith.constant 0 : i32
          %lt3A_903 = vector.broadcast %lt3A_902 : i32 to vector<16xi32>
          %lt3A_904 = arith.cmpi slt, %broadcast_in_dim3A_901, %lt3A_903 : vector<16xi32>
          %add3A_905 = arith.constant 16 : i32
          %add3A_906 = vector.broadcast %add3A_905 : i32 to vector<16xi32>
          %add3A_907 = arith.addi %broadcast_in_dim3A_901, %add3A_906 : vector<16xi32>
          %select_n3A_908 = arith.select %lt3A_904, %add3A_907, %broadcast_in_dim3A_901 : vector<16xi1>, vector<16xi32>
          %broadcast_in_dim3A_909 = vector.shape_cast %select_n3A_908 : vector<16xi32> to vector<16x1xi32>
          %gather3A_910 = vector.shape_cast %broadcast_in_dim3A_909 : vector<16x1xi32> to vector<16xi32>
          %gather3A_911 = tpu.dynamic_gather %get3A_92[%gather3A_910] in [0] : vector<16xf32>, vector<16xi32> -> vector<16xf32>
          %add3A_912 = arith.constant 32 : i32
          %add3A_913 = arith.addi %scan3A_876, %add3A_912 : i32
          %broadcast_in_dim3A_914 = vector.broadcast %add3A_913 : i32 to vector<16xi32>
          %sub3A_915 = arith.subf %convert_element_type3A_505, %gather3A_911 : vector<16xf32>
          %mul3A_916 = arith.mulf %sub3A_915, %sub3A_915 : vector<16xf32>
          %add3A_917 = arith.addf %mul3A_916, %gather3A_900 : vector<16xf32>
          %max3A = arith.constant 1.000000e+00 : f32
          %max3A_918 = vector.broadcast %max3A : f32 to vector<16xf32>
          %max3A_919 = arith.maximumf %max3A_918, %add3A_917 : vector<16xf32>
          %lt3A_920 = arith.cmpf olt, %max3A_919, %scan3A_877 : vector<16xf32>
          %select_n3A_921 = arith.select %lt3A_920, %max3A_919, %scan3A_877 : vector<16xi1>, vector<16xf32>
          %select_n3A_922 = arith.select %lt3A_920, %broadcast_in_dim3A_914, %scan3A_884 : vector<16xi1>, vector<16xi32>
          %sub3A_923 = arith.subf %convert_element_type3A_509, %gather3A_911 : vector<16xf32>
          %mul3A_924 = arith.mulf %sub3A_923, %sub3A_923 : vector<16xf32>
          %add3A_925 = arith.addf %mul3A_924, %gather3A_900 : vector<16xf32>
          %max3A_926 = arith.constant 1.000000e+00 : f32
          %max3A_927 = vector.broadcast %max3A_926 : f32 to vector<16xf32>
          %max3A_928 = arith.maximumf %max3A_927, %add3A_925 : vector<16xf32>
          %lt3A_929 = arith.cmpf olt, %max3A_928, %scan3A_878 : vector<16xf32>
          %select_n3A_930 = arith.select %lt3A_929, %max3A_928, %scan3A_878 : vector<16xi1>, vector<16xf32>
          %select_n3A_931 = arith.select %lt3A_929, %broadcast_in_dim3A_914, %scan3A_885 : vector<16xi1>, vector<16xi32>
          %sub3A_932 = arith.subf %convert_element_type3A_513, %gather3A_911 : vector<16xf32>
          %mul3A_933 = arith.mulf %sub3A_932, %sub3A_932 : vector<16xf32>
          %add3A_934 = arith.addf %mul3A_933, %gather3A_900 : vector<16xf32>
          %max3A_935 = arith.constant 1.000000e+00 : f32
          %max3A_936 = vector.broadcast %max3A_935 : f32 to vector<16xf32>
          %max3A_937 = arith.maximumf %max3A_936, %add3A_934 : vector<16xf32>
          %lt3A_938 = arith.cmpf olt, %max3A_937, %scan3A_879 : vector<16xf32>
          %select_n3A_939 = arith.select %lt3A_938, %max3A_937, %scan3A_879 : vector<16xi1>, vector<16xf32>
          %select_n3A_940 = arith.select %lt3A_938, %broadcast_in_dim3A_914, %scan3A_886 : vector<16xi1>, vector<16xi32>
          %sub3A_941 = arith.subf %convert_element_type3A_517, %gather3A_911 : vector<16xf32>
          %mul3A_942 = arith.mulf %sub3A_941, %sub3A_941 : vector<16xf32>
          %add3A_943 = arith.addf %mul3A_942, %gather3A_900 : vector<16xf32>
          %max3A_944 = arith.constant 1.000000e+00 : f32
          %max3A_945 = vector.broadcast %max3A_944 : f32 to vector<16xf32>
          %max3A_946 = arith.maximumf %max3A_945, %add3A_943 : vector<16xf32>
          %lt3A_947 = arith.cmpf olt, %max3A_946, %scan3A_880 : vector<16xf32>
          %select_n3A_948 = arith.select %lt3A_947, %max3A_946, %scan3A_880 : vector<16xi1>, vector<16xf32>
          %select_n3A_949 = arith.select %lt3A_947, %broadcast_in_dim3A_914, %scan3A_887 : vector<16xi1>, vector<16xi32>
          %sub3A_950 = arith.subf %convert_element_type3A_521, %gather3A_911 : vector<16xf32>
          %mul3A_951 = arith.mulf %sub3A_950, %sub3A_950 : vector<16xf32>
          %add3A_952 = arith.addf %mul3A_951, %gather3A_900 : vector<16xf32>
          %max3A_953 = arith.constant 1.000000e+00 : f32
          %max3A_954 = vector.broadcast %max3A_953 : f32 to vector<16xf32>
          %max3A_955 = arith.maximumf %max3A_954, %add3A_952 : vector<16xf32>
          %lt3A_956 = arith.cmpf olt, %max3A_955, %scan3A_881 : vector<16xf32>
          %select_n3A_957 = arith.select %lt3A_956, %max3A_955, %scan3A_881 : vector<16xi1>, vector<16xf32>
          %select_n3A_958 = arith.select %lt3A_956, %broadcast_in_dim3A_914, %scan3A_888 : vector<16xi1>, vector<16xi32>
          %sub3A_959 = arith.subf %convert_element_type3A_525, %gather3A_911 : vector<16xf32>
          %mul3A_960 = arith.mulf %sub3A_959, %sub3A_959 : vector<16xf32>
          %add3A_961 = arith.addf %mul3A_960, %gather3A_900 : vector<16xf32>
          %max3A_962 = arith.constant 1.000000e+00 : f32
          %max3A_963 = vector.broadcast %max3A_962 : f32 to vector<16xf32>
          %max3A_964 = arith.maximumf %max3A_963, %add3A_961 : vector<16xf32>
          %lt3A_965 = arith.cmpf olt, %max3A_964, %scan3A_882 : vector<16xf32>
          %select_n3A_966 = arith.select %lt3A_965, %max3A_964, %scan3A_882 : vector<16xi1>, vector<16xf32>
          %select_n3A_967 = arith.select %lt3A_965, %broadcast_in_dim3A_914, %scan3A_889 : vector<16xi1>, vector<16xi32>
          %sub3A_968 = arith.subf %convert_element_type3A_529, %gather3A_911 : vector<16xf32>
          %mul3A_969 = arith.mulf %sub3A_968, %sub3A_968 : vector<16xf32>
          %add3A_970 = arith.addf %mul3A_969, %gather3A_900 : vector<16xf32>
          %max3A_971 = arith.constant 1.000000e+00 : f32
          %max3A_972 = vector.broadcast %max3A_971 : f32 to vector<16xf32>
          %max3A_973 = arith.maximumf %max3A_972, %add3A_970 : vector<16xf32>
          %lt3A_974 = arith.cmpf olt, %max3A_973, %scan3A_883 : vector<16xf32>
          %select_n3A_975 = arith.select %lt3A_974, %max3A_973, %scan3A_883 : vector<16xi1>, vector<16xf32>
          %select_n3A_976 = arith.select %lt3A_974, %broadcast_in_dim3A_914, %scan3A_890 : vector<16xi1>, vector<16xi32>
          %scan3A_977 = arith.constant 1 : i32
          %scan3A_978 = arith.addi %scan3A_876, %scan3A_977 : i32
          %broadcast_in_dim3A_979 = vector.broadcast %scan3A_978 : i32 to vector<16xi32>
          %lt3A_980 = arith.constant 0 : i32
          %lt3A_981 = vector.broadcast %lt3A_980 : i32 to vector<16xi32>
          %lt3A_982 = arith.cmpi slt, %broadcast_in_dim3A_979, %lt3A_981 : vector<16xi32>
          %add3A_983 = arith.constant 16 : i32
          %add3A_984 = vector.broadcast %add3A_983 : i32 to vector<16xi32>
          %add3A_985 = arith.addi %broadcast_in_dim3A_979, %add3A_984 : vector<16xi32>
          %select_n3A_986 = arith.select %lt3A_982, %add3A_985, %broadcast_in_dim3A_979 : vector<16xi1>, vector<16xi32>
          %broadcast_in_dim3A_987 = vector.shape_cast %select_n3A_986 : vector<16xi32> to vector<16x1xi32>
          %gather3A_988 = vector.shape_cast %broadcast_in_dim3A_987 : vector<16x1xi32> to vector<16xi32>
          %gather3A_989 = tpu.dynamic_gather %mul3A_126[%gather3A_988] in [0] : vector<16xf32>, vector<16xi32> -> vector<16xf32>
          %broadcast_in_dim3A_990 = vector.broadcast %scan3A_978 : i32 to vector<16xi32>
          %lt3A_991 = arith.constant 0 : i32
          %lt3A_992 = vector.broadcast %lt3A_991 : i32 to vector<16xi32>
          %lt3A_993 = arith.cmpi slt, %broadcast_in_dim3A_990, %lt3A_992 : vector<16xi32>
          %add3A_994 = arith.constant 16 : i32
          %add3A_995 = vector.broadcast %add3A_994 : i32 to vector<16xi32>
          %add3A_996 = arith.addi %broadcast_in_dim3A_990, %add3A_995 : vector<16xi32>
          %select_n3A_997 = arith.select %lt3A_993, %add3A_996, %broadcast_in_dim3A_990 : vector<16xi1>, vector<16xi32>
          %broadcast_in_dim3A_998 = vector.shape_cast %select_n3A_997 : vector<16xi32> to vector<16x1xi32>
          %gather3A_999 = vector.shape_cast %broadcast_in_dim3A_998 : vector<16x1xi32> to vector<16xi32>
          %gather3A_1000 = tpu.dynamic_gather %get3A_92[%gather3A_999] in [0] : vector<16xf32>, vector<16xi32> -> vector<16xf32>
          %add3A_1001 = arith.constant 32 : i32
          %add3A_1002 = arith.addi %scan3A_978, %add3A_1001 : i32
          %broadcast_in_dim3A_1003 = vector.broadcast %add3A_1002 : i32 to vector<16xi32>
          %sub3A_1004 = arith.subf %convert_element_type3A_505, %gather3A_1000 : vector<16xf32>
          %mul3A_1005 = arith.mulf %sub3A_1004, %sub3A_1004 : vector<16xf32>
          %add3A_1006 = arith.addf %mul3A_1005, %gather3A_989 : vector<16xf32>
          %max3A_1007 = arith.constant 1.000000e+00 : f32
          %max3A_1008 = vector.broadcast %max3A_1007 : f32 to vector<16xf32>
          %max3A_1009 = arith.maximumf %max3A_1008, %add3A_1006 : vector<16xf32>
          %lt3A_1010 = arith.cmpf olt, %max3A_1009, %select_n3A_921 : vector<16xf32>
          %select_n3A_1011 = arith.select %lt3A_1010, %max3A_1009, %select_n3A_921 : vector<16xi1>, vector<16xf32>
          %select_n3A_1012 = arith.select %lt3A_1010, %broadcast_in_dim3A_1003, %select_n3A_922 : vector<16xi1>, vector<16xi32>
          %sub3A_1013 = arith.subf %convert_element_type3A_509, %gather3A_1000 : vector<16xf32>
          %mul3A_1014 = arith.mulf %sub3A_1013, %sub3A_1013 : vector<16xf32>
          %add3A_1015 = arith.addf %mul3A_1014, %gather3A_989 : vector<16xf32>
          %max3A_1016 = arith.constant 1.000000e+00 : f32
          %max3A_1017 = vector.broadcast %max3A_1016 : f32 to vector<16xf32>
          %max3A_1018 = arith.maximumf %max3A_1017, %add3A_1015 : vector<16xf32>
          %lt3A_1019 = arith.cmpf olt, %max3A_1018, %select_n3A_930 : vector<16xf32>
          %select_n3A_1020 = arith.select %lt3A_1019, %max3A_1018, %select_n3A_930 : vector<16xi1>, vector<16xf32>
          %select_n3A_1021 = arith.select %lt3A_1019, %broadcast_in_dim3A_1003, %select_n3A_931 : vector<16xi1>, vector<16xi32>
          %sub3A_1022 = arith.subf %convert_element_type3A_513, %gather3A_1000 : vector<16xf32>
          %mul3A_1023 = arith.mulf %sub3A_1022, %sub3A_1022 : vector<16xf32>
          %add3A_1024 = arith.addf %mul3A_1023, %gather3A_989 : vector<16xf32>
          %max3A_1025 = arith.constant 1.000000e+00 : f32
          %max3A_1026 = vector.broadcast %max3A_1025 : f32 to vector<16xf32>
          %max3A_1027 = arith.maximumf %max3A_1026, %add3A_1024 : vector<16xf32>
          %lt3A_1028 = arith.cmpf olt, %max3A_1027, %select_n3A_939 : vector<16xf32>
          %select_n3A_1029 = arith.select %lt3A_1028, %max3A_1027, %select_n3A_939 : vector<16xi1>, vector<16xf32>
          %select_n3A_1030 = arith.select %lt3A_1028, %broadcast_in_dim3A_1003, %select_n3A_940 : vector<16xi1>, vector<16xi32>
          %sub3A_1031 = arith.subf %convert_element_type3A_517, %gather3A_1000 : vector<16xf32>
          %mul3A_1032 = arith.mulf %sub3A_1031, %sub3A_1031 : vector<16xf32>
          %add3A_1033 = arith.addf %mul3A_1032, %gather3A_989 : vector<16xf32>
          %max3A_1034 = arith.constant 1.000000e+00 : f32
          %max3A_1035 = vector.broadcast %max3A_1034 : f32 to vector<16xf32>
          %max3A_1036 = arith.maximumf %max3A_1035, %add3A_1033 : vector<16xf32>
          %lt3A_1037 = arith.cmpf olt, %max3A_1036, %select_n3A_948 : vector<16xf32>
          %select_n3A_1038 = arith.select %lt3A_1037, %max3A_1036, %select_n3A_948 : vector<16xi1>, vector<16xf32>
          %select_n3A_1039 = arith.select %lt3A_1037, %broadcast_in_dim3A_1003, %select_n3A_949 : vector<16xi1>, vector<16xi32>
          %sub3A_1040 = arith.subf %convert_element_type3A_521, %gather3A_1000 : vector<16xf32>
          %mul3A_1041 = arith.mulf %sub3A_1040, %sub3A_1040 : vector<16xf32>
          %add3A_1042 = arith.addf %mul3A_1041, %gather3A_989 : vector<16xf32>
          %max3A_1043 = arith.constant 1.000000e+00 : f32
          %max3A_1044 = vector.broadcast %max3A_1043 : f32 to vector<16xf32>
          %max3A_1045 = arith.maximumf %max3A_1044, %add3A_1042 : vector<16xf32>
          %lt3A_1046 = arith.cmpf olt, %max3A_1045, %select_n3A_957 : vector<16xf32>
          %select_n3A_1047 = arith.select %lt3A_1046, %max3A_1045, %select_n3A_957 : vector<16xi1>, vector<16xf32>
          %select_n3A_1048 = arith.select %lt3A_1046, %broadcast_in_dim3A_1003, %select_n3A_958 : vector<16xi1>, vector<16xi32>
          %sub3A_1049 = arith.subf %convert_element_type3A_525, %gather3A_1000 : vector<16xf32>
          %mul3A_1050 = arith.mulf %sub3A_1049, %sub3A_1049 : vector<16xf32>
          %add3A_1051 = arith.addf %mul3A_1050, %gather3A_989 : vector<16xf32>
          %max3A_1052 = arith.constant 1.000000e+00 : f32
          %max3A_1053 = vector.broadcast %max3A_1052 : f32 to vector<16xf32>
          %max3A_1054 = arith.maximumf %max3A_1053, %add3A_1051 : vector<16xf32>
          %lt3A_1055 = arith.cmpf olt, %max3A_1054, %select_n3A_966 : vector<16xf32>
          %select_n3A_1056 = arith.select %lt3A_1055, %max3A_1054, %select_n3A_966 : vector<16xi1>, vector<16xf32>
          %select_n3A_1057 = arith.select %lt3A_1055, %broadcast_in_dim3A_1003, %select_n3A_967 : vector<16xi1>, vector<16xi32>
          %sub3A_1058 = arith.subf %convert_element_type3A_529, %gather3A_1000 : vector<16xf32>
          %mul3A_1059 = arith.mulf %sub3A_1058, %sub3A_1058 : vector<16xf32>
          %add3A_1060 = arith.addf %mul3A_1059, %gather3A_989 : vector<16xf32>
          %max3A_1061 = arith.constant 1.000000e+00 : f32
          %max3A_1062 = vector.broadcast %max3A_1061 : f32 to vector<16xf32>
          %max3A_1063 = arith.maximumf %max3A_1062, %add3A_1060 : vector<16xf32>
          %lt3A_1064 = arith.cmpf olt, %max3A_1063, %select_n3A_975 : vector<16xf32>
          %select_n3A_1065 = arith.select %lt3A_1064, %max3A_1063, %select_n3A_975 : vector<16xi1>, vector<16xf32>
          %select_n3A_1066 = arith.select %lt3A_1064, %broadcast_in_dim3A_1003, %select_n3A_976 : vector<16xi1>, vector<16xi32>
          scf.yield %select_n3A_1011, %select_n3A_1020, %select_n3A_1029, %select_n3A_1038, %select_n3A_1047, %select_n3A_1056, %select_n3A_1065, %select_n3A_1012, %select_n3A_1021, %select_n3A_1030, %select_n3A_1039, %select_n3A_1048, %select_n3A_1057, %select_n3A_1066 : vector<16xf32>, vector<16xf32>, vector<16xf32>, vector<16xf32>, vector<16xf32>, vector<16xf32>, vector<16xf32>, vector<16xi32>, vector<16xi32>, vector<16xi32>, vector<16xi32>, vector<16xi32>, vector<16xi32>, vector<16xi32>
        }
        %scan3A_575 = arith.constant 16 : i32
        %scan3A_576 = arith.constant 0 : i32
        %scan3A_577 = arith.constant 16 : i32
        %scan3A_578 = arith.addi %scan3A_576, %scan3A_577 : i32
        %scan3A_579 = arith.constant 2 : i32
        %scan3A_580:14 = scf.for %scan3A_876 = %scan3A_576 to %scan3A_578 step %scan3A_579 iter_args(%scan3A_877 = %scan3A_574#0, %scan3A_878 = %scan3A_574#1, %scan3A_879 = %scan3A_574#2, %scan3A_880 = %scan3A_574#3, %scan3A_881 = %scan3A_574#4, %scan3A_882 = %scan3A_574#5, %scan3A_883 = %scan3A_574#6, %scan3A_884 = %scan3A_574#7, %scan3A_885 = %scan3A_574#8, %scan3A_886 = %scan3A_574#9, %scan3A_887 = %scan3A_574#10, %scan3A_888 = %scan3A_574#11, %scan3A_889 = %scan3A_574#12, %scan3A_890 = %scan3A_574#13) -> (vector<16xf32>, vector<16xf32>, vector<16xf32>, vector<16xf32>, vector<16xf32>, vector<16xf32>, vector<16xf32>, vector<16xi32>, vector<16xi32>, vector<16xi32>, vector<16xi32>, vector<16xi32>, vector<16xi32>, vector<16xi32>)  : i32 {
          %broadcast_in_dim3A_891 = vector.broadcast %scan3A_876 : i32 to vector<16xi32>
          %lt3A_892 = arith.constant 0 : i32
          %lt3A_893 = vector.broadcast %lt3A_892 : i32 to vector<16xi32>
          %lt3A_894 = arith.cmpi slt, %broadcast_in_dim3A_891, %lt3A_893 : vector<16xi32>
          %add3A_895 = arith.constant 16 : i32
          %add3A_896 = vector.broadcast %add3A_895 : i32 to vector<16xi32>
          %add3A_897 = arith.addi %broadcast_in_dim3A_891, %add3A_896 : vector<16xi32>
          %select_n3A = arith.select %lt3A_894, %add3A_897, %broadcast_in_dim3A_891 : vector<16xi1>, vector<16xi32>
          %broadcast_in_dim3A_898 = vector.shape_cast %select_n3A : vector<16xi32> to vector<16x1xi32>
          %gather3A_899 = vector.shape_cast %broadcast_in_dim3A_898 : vector<16x1xi32> to vector<16xi32>
          %gather3A_900 = tpu.dynamic_gather %mul3A_129[%gather3A_899] in [0] : vector<16xf32>, vector<16xi32> -> vector<16xf32>
          %broadcast_in_dim3A_901 = vector.broadcast %scan3A_876 : i32 to vector<16xi32>
          %lt3A_902 = arith.constant 0 : i32
          %lt3A_903 = vector.broadcast %lt3A_902 : i32 to vector<16xi32>
          %lt3A_904 = arith.cmpi slt, %broadcast_in_dim3A_901, %lt3A_903 : vector<16xi32>
          %add3A_905 = arith.constant 16 : i32
          %add3A_906 = vector.broadcast %add3A_905 : i32 to vector<16xi32>
          %add3A_907 = arith.addi %broadcast_in_dim3A_901, %add3A_906 : vector<16xi32>
          %select_n3A_908 = arith.select %lt3A_904, %add3A_907, %broadcast_in_dim3A_901 : vector<16xi1>, vector<16xi32>
          %broadcast_in_dim3A_909 = vector.shape_cast %select_n3A_908 : vector<16xi32> to vector<16x1xi32>
          %gather3A_910 = vector.shape_cast %broadcast_in_dim3A_909 : vector<16x1xi32> to vector<16xi32>
          %gather3A_911 = tpu.dynamic_gather %get3A_94[%gather3A_910] in [0] : vector<16xf32>, vector<16xi32> -> vector<16xf32>
          %add3A_912 = arith.constant 48 : i32
          %add3A_913 = arith.addi %scan3A_876, %add3A_912 : i32
          %broadcast_in_dim3A_914 = vector.broadcast %add3A_913 : i32 to vector<16xi32>
          %sub3A_915 = arith.subf %convert_element_type3A_505, %gather3A_911 : vector<16xf32>
          %mul3A_916 = arith.mulf %sub3A_915, %sub3A_915 : vector<16xf32>
          %add3A_917 = arith.addf %mul3A_916, %gather3A_900 : vector<16xf32>
          %max3A = arith.constant 1.000000e+00 : f32
          %max3A_918 = vector.broadcast %max3A : f32 to vector<16xf32>
          %max3A_919 = arith.maximumf %max3A_918, %add3A_917 : vector<16xf32>
          %lt3A_920 = arith.cmpf olt, %max3A_919, %scan3A_877 : vector<16xf32>
          %select_n3A_921 = arith.select %lt3A_920, %max3A_919, %scan3A_877 : vector<16xi1>, vector<16xf32>
          %select_n3A_922 = arith.select %lt3A_920, %broadcast_in_dim3A_914, %scan3A_884 : vector<16xi1>, vector<16xi32>
          %sub3A_923 = arith.subf %convert_element_type3A_509, %gather3A_911 : vector<16xf32>
          %mul3A_924 = arith.mulf %sub3A_923, %sub3A_923 : vector<16xf32>
          %add3A_925 = arith.addf %mul3A_924, %gather3A_900 : vector<16xf32>
          %max3A_926 = arith.constant 1.000000e+00 : f32
          %max3A_927 = vector.broadcast %max3A_926 : f32 to vector<16xf32>
          %max3A_928 = arith.maximumf %max3A_927, %add3A_925 : vector<16xf32>
          %lt3A_929 = arith.cmpf olt, %max3A_928, %scan3A_878 : vector<16xf32>
          %select_n3A_930 = arith.select %lt3A_929, %max3A_928, %scan3A_878 : vector<16xi1>, vector<16xf32>
          %select_n3A_931 = arith.select %lt3A_929, %broadcast_in_dim3A_914, %scan3A_885 : vector<16xi1>, vector<16xi32>
          %sub3A_932 = arith.subf %convert_element_type3A_513, %gather3A_911 : vector<16xf32>
          %mul3A_933 = arith.mulf %sub3A_932, %sub3A_932 : vector<16xf32>
          %add3A_934 = arith.addf %mul3A_933, %gather3A_900 : vector<16xf32>
          %max3A_935 = arith.constant 1.000000e+00 : f32
          %max3A_936 = vector.broadcast %max3A_935 : f32 to vector<16xf32>
          %max3A_937 = arith.maximumf %max3A_936, %add3A_934 : vector<16xf32>
          %lt3A_938 = arith.cmpf olt, %max3A_937, %scan3A_879 : vector<16xf32>
          %select_n3A_939 = arith.select %lt3A_938, %max3A_937, %scan3A_879 : vector<16xi1>, vector<16xf32>
          %select_n3A_940 = arith.select %lt3A_938, %broadcast_in_dim3A_914, %scan3A_886 : vector<16xi1>, vector<16xi32>
          %sub3A_941 = arith.subf %convert_element_type3A_517, %gather3A_911 : vector<16xf32>
          %mul3A_942 = arith.mulf %sub3A_941, %sub3A_941 : vector<16xf32>
          %add3A_943 = arith.addf %mul3A_942, %gather3A_900 : vector<16xf32>
          %max3A_944 = arith.constant 1.000000e+00 : f32
          %max3A_945 = vector.broadcast %max3A_944 : f32 to vector<16xf32>
          %max3A_946 = arith.maximumf %max3A_945, %add3A_943 : vector<16xf32>
          %lt3A_947 = arith.cmpf olt, %max3A_946, %scan3A_880 : vector<16xf32>
          %select_n3A_948 = arith.select %lt3A_947, %max3A_946, %scan3A_880 : vector<16xi1>, vector<16xf32>
          %select_n3A_949 = arith.select %lt3A_947, %broadcast_in_dim3A_914, %scan3A_887 : vector<16xi1>, vector<16xi32>
          %sub3A_950 = arith.subf %convert_element_type3A_521, %gather3A_911 : vector<16xf32>
          %mul3A_951 = arith.mulf %sub3A_950, %sub3A_950 : vector<16xf32>
          %add3A_952 = arith.addf %mul3A_951, %gather3A_900 : vector<16xf32>
          %max3A_953 = arith.constant 1.000000e+00 : f32
          %max3A_954 = vector.broadcast %max3A_953 : f32 to vector<16xf32>
          %max3A_955 = arith.maximumf %max3A_954, %add3A_952 : vector<16xf32>
          %lt3A_956 = arith.cmpf olt, %max3A_955, %scan3A_881 : vector<16xf32>
          %select_n3A_957 = arith.select %lt3A_956, %max3A_955, %scan3A_881 : vector<16xi1>, vector<16xf32>
          %select_n3A_958 = arith.select %lt3A_956, %broadcast_in_dim3A_914, %scan3A_888 : vector<16xi1>, vector<16xi32>
          %sub3A_959 = arith.subf %convert_element_type3A_525, %gather3A_911 : vector<16xf32>
          %mul3A_960 = arith.mulf %sub3A_959, %sub3A_959 : vector<16xf32>
          %add3A_961 = arith.addf %mul3A_960, %gather3A_900 : vector<16xf32>
          %max3A_962 = arith.constant 1.000000e+00 : f32
          %max3A_963 = vector.broadcast %max3A_962 : f32 to vector<16xf32>
          %max3A_964 = arith.maximumf %max3A_963, %add3A_961 : vector<16xf32>
          %lt3A_965 = arith.cmpf olt, %max3A_964, %scan3A_882 : vector<16xf32>
          %select_n3A_966 = arith.select %lt3A_965, %max3A_964, %scan3A_882 : vector<16xi1>, vector<16xf32>
          %select_n3A_967 = arith.select %lt3A_965, %broadcast_in_dim3A_914, %scan3A_889 : vector<16xi1>, vector<16xi32>
          %sub3A_968 = arith.subf %convert_element_type3A_529, %gather3A_911 : vector<16xf32>
          %mul3A_969 = arith.mulf %sub3A_968, %sub3A_968 : vector<16xf32>
          %add3A_970 = arith.addf %mul3A_969, %gather3A_900 : vector<16xf32>
          %max3A_971 = arith.constant 1.000000e+00 : f32
          %max3A_972 = vector.broadcast %max3A_971 : f32 to vector<16xf32>
          %max3A_973 = arith.maximumf %max3A_972, %add3A_970 : vector<16xf32>
          %lt3A_974 = arith.cmpf olt, %max3A_973, %scan3A_883 : vector<16xf32>
          %select_n3A_975 = arith.select %lt3A_974, %max3A_973, %scan3A_883 : vector<16xi1>, vector<16xf32>
          %select_n3A_976 = arith.select %lt3A_974, %broadcast_in_dim3A_914, %scan3A_890 : vector<16xi1>, vector<16xi32>
          %scan3A_977 = arith.constant 1 : i32
          %scan3A_978 = arith.addi %scan3A_876, %scan3A_977 : i32
          %broadcast_in_dim3A_979 = vector.broadcast %scan3A_978 : i32 to vector<16xi32>
          %lt3A_980 = arith.constant 0 : i32
          %lt3A_981 = vector.broadcast %lt3A_980 : i32 to vector<16xi32>
          %lt3A_982 = arith.cmpi slt, %broadcast_in_dim3A_979, %lt3A_981 : vector<16xi32>
          %add3A_983 = arith.constant 16 : i32
          %add3A_984 = vector.broadcast %add3A_983 : i32 to vector<16xi32>
          %add3A_985 = arith.addi %broadcast_in_dim3A_979, %add3A_984 : vector<16xi32>
          %select_n3A_986 = arith.select %lt3A_982, %add3A_985, %broadcast_in_dim3A_979 : vector<16xi1>, vector<16xi32>
          %broadcast_in_dim3A_987 = vector.shape_cast %select_n3A_986 : vector<16xi32> to vector<16x1xi32>
          %gather3A_988 = vector.shape_cast %broadcast_in_dim3A_987 : vector<16x1xi32> to vector<16xi32>
          %gather3A_989 = tpu.dynamic_gather %mul3A_129[%gather3A_988] in [0] : vector<16xf32>, vector<16xi32> -> vector<16xf32>
          %broadcast_in_dim3A_990 = vector.broadcast %scan3A_978 : i32 to vector<16xi32>
          %lt3A_991 = arith.constant 0 : i32
          %lt3A_992 = vector.broadcast %lt3A_991 : i32 to vector<16xi32>
          %lt3A_993 = arith.cmpi slt, %broadcast_in_dim3A_990, %lt3A_992 : vector<16xi32>
          %add3A_994 = arith.constant 16 : i32
          %add3A_995 = vector.broadcast %add3A_994 : i32 to vector<16xi32>
          %add3A_996 = arith.addi %broadcast_in_dim3A_990, %add3A_995 : vector<16xi32>
          %select_n3A_997 = arith.select %lt3A_993, %add3A_996, %broadcast_in_dim3A_990 : vector<16xi1>, vector<16xi32>
          %broadcast_in_dim3A_998 = vector.shape_cast %select_n3A_997 : vector<16xi32> to vector<16x1xi32>
          %gather3A_999 = vector.shape_cast %broadcast_in_dim3A_998 : vector<16x1xi32> to vector<16xi32>
          %gather3A_1000 = tpu.dynamic_gather %get3A_94[%gather3A_999] in [0] : vector<16xf32>, vector<16xi32> -> vector<16xf32>
          %add3A_1001 = arith.constant 48 : i32
          %add3A_1002 = arith.addi %scan3A_978, %add3A_1001 : i32
          %broadcast_in_dim3A_1003 = vector.broadcast %add3A_1002 : i32 to vector<16xi32>
          %sub3A_1004 = arith.subf %convert_element_type3A_505, %gather3A_1000 : vector<16xf32>
          %mul3A_1005 = arith.mulf %sub3A_1004, %sub3A_1004 : vector<16xf32>
          %add3A_1006 = arith.addf %mul3A_1005, %gather3A_989 : vector<16xf32>
          %max3A_1007 = arith.constant 1.000000e+00 : f32
          %max3A_1008 = vector.broadcast %max3A_1007 : f32 to vector<16xf32>
          %max3A_1009 = arith.maximumf %max3A_1008, %add3A_1006 : vector<16xf32>
          %lt3A_1010 = arith.cmpf olt, %max3A_1009, %select_n3A_921 : vector<16xf32>
          %select_n3A_1011 = arith.select %lt3A_1010, %max3A_1009, %select_n3A_921 : vector<16xi1>, vector<16xf32>
          %select_n3A_1012 = arith.select %lt3A_1010, %broadcast_in_dim3A_1003, %select_n3A_922 : vector<16xi1>, vector<16xi32>
          %sub3A_1013 = arith.subf %convert_element_type3A_509, %gather3A_1000 : vector<16xf32>
          %mul3A_1014 = arith.mulf %sub3A_1013, %sub3A_1013 : vector<16xf32>
          %add3A_1015 = arith.addf %mul3A_1014, %gather3A_989 : vector<16xf32>
          %max3A_1016 = arith.constant 1.000000e+00 : f32
          %max3A_1017 = vector.broadcast %max3A_1016 : f32 to vector<16xf32>
          %max3A_1018 = arith.maximumf %max3A_1017, %add3A_1015 : vector<16xf32>
          %lt3A_1019 = arith.cmpf olt, %max3A_1018, %select_n3A_930 : vector<16xf32>
          %select_n3A_1020 = arith.select %lt3A_1019, %max3A_1018, %select_n3A_930 : vector<16xi1>, vector<16xf32>
          %select_n3A_1021 = arith.select %lt3A_1019, %broadcast_in_dim3A_1003, %select_n3A_931 : vector<16xi1>, vector<16xi32>
          %sub3A_1022 = arith.subf %convert_element_type3A_513, %gather3A_1000 : vector<16xf32>
          %mul3A_1023 = arith.mulf %sub3A_1022, %sub3A_1022 : vector<16xf32>
          %add3A_1024 = arith.addf %mul3A_1023, %gather3A_989 : vector<16xf32>
          %max3A_1025 = arith.constant 1.000000e+00 : f32
          %max3A_1026 = vector.broadcast %max3A_1025 : f32 to vector<16xf32>
          %max3A_1027 = arith.maximumf %max3A_1026, %add3A_1024 : vector<16xf32>
          %lt3A_1028 = arith.cmpf olt, %max3A_1027, %select_n3A_939 : vector<16xf32>
          %select_n3A_1029 = arith.select %lt3A_1028, %max3A_1027, %select_n3A_939 : vector<16xi1>, vector<16xf32>
          %select_n3A_1030 = arith.select %lt3A_1028, %broadcast_in_dim3A_1003, %select_n3A_940 : vector<16xi1>, vector<16xi32>
          %sub3A_1031 = arith.subf %convert_element_type3A_517, %gather3A_1000 : vector<16xf32>
          %mul3A_1032 = arith.mulf %sub3A_1031, %sub3A_1031 : vector<16xf32>
          %add3A_1033 = arith.addf %mul3A_1032, %gather3A_989 : vector<16xf32>
          %max3A_1034 = arith.constant 1.000000e+00 : f32
          %max3A_1035 = vector.broadcast %max3A_1034 : f32 to vector<16xf32>
          %max3A_1036 = arith.maximumf %max3A_1035, %add3A_1033 : vector<16xf32>
          %lt3A_1037 = arith.cmpf olt, %max3A_1036, %select_n3A_948 : vector<16xf32>
          %select_n3A_1038 = arith.select %lt3A_1037, %max3A_1036, %select_n3A_948 : vector<16xi1>, vector<16xf32>
          %select_n3A_1039 = arith.select %lt3A_1037, %broadcast_in_dim3A_1003, %select_n3A_949 : vector<16xi1>, vector<16xi32>
          %sub3A_1040 = arith.subf %convert_element_type3A_521, %gather3A_1000 : vector<16xf32>
          %mul3A_1041 = arith.mulf %sub3A_1040, %sub3A_1040 : vector<16xf32>
          %add3A_1042 = arith.addf %mul3A_1041, %gather3A_989 : vector<16xf32>
          %max3A_1043 = arith.constant 1.000000e+00 : f32
          %max3A_1044 = vector.broadcast %max3A_1043 : f32 to vector<16xf32>
          %max3A_1045 = arith.maximumf %max3A_1044, %add3A_1042 : vector<16xf32>
          %lt3A_1046 = arith.cmpf olt, %max3A_1045, %select_n3A_957 : vector<16xf32>
          %select_n3A_1047 = arith.select %lt3A_1046, %max3A_1045, %select_n3A_957 : vector<16xi1>, vector<16xf32>
          %select_n3A_1048 = arith.select %lt3A_1046, %broadcast_in_dim3A_1003, %select_n3A_958 : vector<16xi1>, vector<16xi32>
          %sub3A_1049 = arith.subf %convert_element_type3A_525, %gather3A_1000 : vector<16xf32>
          %mul3A_1050 = arith.mulf %sub3A_1049, %sub3A_1049 : vector<16xf32>
          %add3A_1051 = arith.addf %mul3A_1050, %gather3A_989 : vector<16xf32>
          %max3A_1052 = arith.constant 1.000000e+00 : f32
          %max3A_1053 = vector.broadcast %max3A_1052 : f32 to vector<16xf32>
          %max3A_1054 = arith.maximumf %max3A_1053, %add3A_1051 : vector<16xf32>
          %lt3A_1055 = arith.cmpf olt, %max3A_1054, %select_n3A_966 : vector<16xf32>
          %select_n3A_1056 = arith.select %lt3A_1055, %max3A_1054, %select_n3A_966 : vector<16xi1>, vector<16xf32>
          %select_n3A_1057 = arith.select %lt3A_1055, %broadcast_in_dim3A_1003, %select_n3A_967 : vector<16xi1>, vector<16xi32>
          %sub3A_1058 = arith.subf %convert_element_type3A_529, %gather3A_1000 : vector<16xf32>
          %mul3A_1059 = arith.mulf %sub3A_1058, %sub3A_1058 : vector<16xf32>
          %add3A_1060 = arith.addf %mul3A_1059, %gather3A_989 : vector<16xf32>
          %max3A_1061 = arith.constant 1.000000e+00 : f32
          %max3A_1062 = vector.broadcast %max3A_1061 : f32 to vector<16xf32>
          %max3A_1063 = arith.maximumf %max3A_1062, %add3A_1060 : vector<16xf32>
          %lt3A_1064 = arith.cmpf olt, %max3A_1063, %select_n3A_975 : vector<16xf32>
          %select_n3A_1065 = arith.select %lt3A_1064, %max3A_1063, %select_n3A_975 : vector<16xi1>, vector<16xf32>
          %select_n3A_1066 = arith.select %lt3A_1064, %broadcast_in_dim3A_1003, %select_n3A_976 : vector<16xi1>, vector<16xi32>
          scf.yield %select_n3A_1011, %select_n3A_1020, %select_n3A_1029, %select_n3A_1038, %select_n3A_1047, %select_n3A_1056, %select_n3A_1065, %select_n3A_1012, %select_n3A_1021, %select_n3A_1030, %select_n3A_1039, %select_n3A_1048, %select_n3A_1057, %select_n3A_1066 : vector<16xf32>, vector<16xf32>, vector<16xf32>, vector<16xf32>, vector<16xf32>, vector<16xf32>, vector<16xf32>, vector<16xi32>, vector<16xi32>, vector<16xi32>, vector<16xi32>, vector<16xi32>, vector<16xi32>, vector<16xi32>
        }
        %scan3A_581 = arith.constant 16 : i32
        %mul3A_582 = arith.constant 224 : i32
        %mul3A_583 = arith.muli %scan3A_114, %mul3A_582 : i32
        %add3A_584 = arith.constant 112 : i32
        %add3A_585 = arith.addi %mul3A_583, %add3A_584 : i32
        %get3A_586 = arith.index_cast %add3A_585 : i32 to index
        %get3A_587 = tpu.vector_load %arg7[%get3A_586] {strides = array<i32>} : memref<1568xf32, #tpu.memory_space<vmem>>, vector<16xf32>,
        %bitcast3A_588 = vector.bitcast %scan3A_580#0 : vector<16xf32> to vector<16xi32>
        %shift_right_arithmetic3A_589 = arith.constant 1 : i32
        %shift_right_arithmetic3A_590 = vector.broadcast %shift_right_arithmetic3A_589 : i32 to vector<16xi32>
        %shift_right_arithmetic3A_591 = arith.shrsi %bitcast3A_588, %shift_right_arithmetic3A_590 : vector<16xi32>
        %sub3A_592 = arith.constant 1597463007 : i32
        %sub3A_593 = vector.broadcast %sub3A_592 : i32 to vector<16xi32>
        %sub3A_594 = arith.subi %sub3A_593, %shift_right_arithmetic3A_591 : vector<16xi32>
        %bitcast3A_595 = vector.bitcast %sub3A_594 : vector<16xi32> to vector<16xf32>
        %mul3A_596 = arith.constant 5.000000e-01 : f32
        %mul3A_597 = vector.broadcast %mul3A_596 : f32 to vector<16xf32>
        %mul3A_598 = arith.mulf %mul3A_597, %scan3A_580#0 : vector<16xf32>
        %mul3A_599 = arith.mulf %mul3A_598, %bitcast3A_595 : vector<16xf32>
        %mul3A_600 = arith.mulf %mul3A_599, %bitcast3A_595 : vector<16xf32>
        %sub3A_601 = arith.constant 1.500000e+00 : f32
        %sub3A_602 = vector.broadcast %sub3A_601 : f32 to vector<16xf32>
        %sub3A_603 = arith.subf %sub3A_602, %mul3A_600 : vector<16xf32>
        %mul3A_604 = arith.mulf %bitcast3A_595, %sub3A_603 : vector<16xf32>
        %mul3A_605 = arith.constant 5.000000e-01 : f32
        %mul3A_606 = vector.broadcast %mul3A_605 : f32 to vector<16xf32>
        %mul3A_607 = arith.mulf %mul3A_606, %scan3A_580#0 : vector<16xf32>
        %mul3A_608 = arith.mulf %mul3A_607, %mul3A_604 : vector<16xf32>
        %mul3A_609 = arith.mulf %mul3A_608, %mul3A_604 : vector<16xf32>
        %sub3A_610 = arith.constant 1.500000e+00 : f32
        %sub3A_611 = vector.broadcast %sub3A_610 : f32 to vector<16xf32>
        %sub3A_612 = arith.subf %sub3A_611, %mul3A_609 : vector<16xf32>
        %mul3A_613 = arith.mulf %mul3A_604, %sub3A_612 : vector<16xf32>
        %mul3A_614 = arith.mulf %get3A_587, %mul3A_613 : vector<16xf32>
        %mul3A_615 = arith.constant 16 : i32
        %mul3A_616 = vector.broadcast %mul3A_615 : i32 to vector<16xi32>
        %mul3A_617 = arith.muli %scan3A_580#7, %mul3A_616 : vector<16xi32>
        %add3A_618 = arith.addi %mul3A_617, %iota3A : vector<16xi32>
        %mul3A_619 = arith.mulf %broadcast_in_dim3A, %mul3A_614 : vector<16xf32>
        tpu.vector_store_idx %arg9[%add3A_618], %mul3A_619 {add = true} : memref<2048xf32, #tpu.memory_space<vmem>>[vector<16xi32>], vector<16xf32>,
        %add3A_620 = arith.constant 1024 : i32
        %add3A_621 = vector.broadcast %add3A_620 : i32 to vector<16xi32>
        %add3A_622 = arith.addi %add3A_618, %add3A_621 : vector<16xi32>
        %mul3A_623 = arith.mulf %convert_element_type3A_505, %mul3A_614 : vector<16xf32>
        tpu.vector_store_idx %arg9[%add3A_622], %mul3A_623 {add = true} : memref<2048xf32, #tpu.memory_space<vmem>>[vector<16xi32>], vector<16xf32>,
        %mul3A_624 = arith.constant 224 : i32
        %mul3A_625 = arith.muli %scan3A_114, %mul3A_624 : i32
        %add3A_626 = arith.constant 128 : i32
        %add3A_627 = arith.addi %mul3A_625, %add3A_626 : i32
        %get3A_628 = arith.index_cast %add3A_627 : i32 to index
        %get3A_629 = tpu.vector_load %arg7[%get3A_628] {strides = array<i32>} : memref<1568xf32, #tpu.memory_space<vmem>>, vector<16xf32>,
        %bitcast3A_630 = vector.bitcast %scan3A_580#1 : vector<16xf32> to vector<16xi32>
        %shift_right_arithmetic3A_631 = arith.constant 1 : i32
        %shift_right_arithmetic3A_632 = vector.broadcast %shift_right_arithmetic3A_631 : i32 to vector<16xi32>
        %shift_right_arithmetic3A_633 = arith.shrsi %bitcast3A_630, %shift_right_arithmetic3A_632 : vector<16xi32>
        %sub3A_634 = arith.constant 1597463007 : i32
        %sub3A_635 = vector.broadcast %sub3A_634 : i32 to vector<16xi32>
        %sub3A_636 = arith.subi %sub3A_635, %shift_right_arithmetic3A_633 : vector<16xi32>
        %bitcast3A_637 = vector.bitcast %sub3A_636 : vector<16xi32> to vector<16xf32>
        %mul3A_638 = arith.constant 5.000000e-01 : f32
        %mul3A_639 = vector.broadcast %mul3A_638 : f32 to vector<16xf32>
        %mul3A_640 = arith.mulf %mul3A_639, %scan3A_580#1 : vector<16xf32>
        %mul3A_641 = arith.mulf %mul3A_640, %bitcast3A_637 : vector<16xf32>
        %mul3A_642 = arith.mulf %mul3A_641, %bitcast3A_637 : vector<16xf32>
        %sub3A_643 = arith.constant 1.500000e+00 : f32
        %sub3A_644 = vector.broadcast %sub3A_643 : f32 to vector<16xf32>
        %sub3A_645 = arith.subf %sub3A_644, %mul3A_642 : vector<16xf32>
        %mul3A_646 = arith.mulf %bitcast3A_637, %sub3A_645 : vector<16xf32>
        %mul3A_647 = arith.constant 5.000000e-01 : f32
        %mul3A_648 = vector.broadcast %mul3A_647 : f32 to vector<16xf32>
        %mul3A_649 = arith.mulf %mul3A_648, %scan3A_580#1 : vector<16xf32>
        %mul3A_650 = arith.mulf %mul3A_649, %mul3A_646 : vector<16xf32>
        %mul3A_651 = arith.mulf %mul3A_650, %mul3A_646 : vector<16xf32>
        %sub3A_652 = arith.constant 1.500000e+00 : f32
        %sub3A_653 = vector.broadcast %sub3A_652 : f32 to vector<16xf32>
        %sub3A_654 = arith.subf %sub3A_653, %mul3A_651 : vector<16xf32>
        %mul3A_655 = arith.mulf %mul3A_646, %sub3A_654 : vector<16xf32>
        %mul3A_656 = arith.mulf %get3A_629, %mul3A_655 : vector<16xf32>
        %mul3A_657 = arith.constant 16 : i32
        %mul3A_658 = vector.broadcast %mul3A_657 : i32 to vector<16xi32>
        %mul3A_659 = arith.muli %scan3A_580#8, %mul3A_658 : vector<16xi32>
        %add3A_660 = arith.addi %mul3A_659, %iota3A : vector<16xi32>
        %mul3A_661 = arith.mulf %broadcast_in_dim3A, %mul3A_656 : vector<16xf32>
        tpu.vector_store_idx %arg9[%add3A_660], %mul3A_661 {add = true} : memref<2048xf32, #tpu.memory_space<vmem>>[vector<16xi32>], vector<16xf32>,
        %add3A_662 = arith.constant 1024 : i32
        %add3A_663 = vector.broadcast %add3A_662 : i32 to vector<16xi32>
        %add3A_664 = arith.addi %add3A_660, %add3A_663 : vector<16xi32>
        %mul3A_665 = arith.mulf %convert_element_type3A_509, %mul3A_656 : vector<16xf32>
        tpu.vector_store_idx %arg9[%add3A_664], %mul3A_665 {add = true} : memref<2048xf32, #tpu.memory_space<vmem>>[vector<16xi32>], vector<16xf32>,
        %mul3A_666 = arith.constant 224 : i32
        %mul3A_667 = arith.muli %scan3A_114, %mul3A_666 : i32
        %add3A_668 = arith.constant 144 : i32
        %add3A_669 = arith.addi %mul3A_667, %add3A_668 : i32
        %get3A_670 = arith.index_cast %add3A_669 : i32 to index
        %get3A_671 = tpu.vector_load %arg7[%get3A_670] {strides = array<i32>} : memref<1568xf32, #tpu.memory_space<vmem>>, vector<16xf32>,
        %bitcast3A_672 = vector.bitcast %scan3A_580#2 : vector<16xf32> to vector<16xi32>
        %shift_right_arithmetic3A_673 = arith.constant 1 : i32
        %shift_right_arithmetic3A_674 = vector.broadcast %shift_right_arithmetic3A_673 : i32 to vector<16xi32>
        %shift_right_arithmetic3A_675 = arith.shrsi %bitcast3A_672, %shift_right_arithmetic3A_674 : vector<16xi32>
        %sub3A_676 = arith.constant 1597463007 : i32
        %sub3A_677 = vector.broadcast %sub3A_676 : i32 to vector<16xi32>
        %sub3A_678 = arith.subi %sub3A_677, %shift_right_arithmetic3A_675 : vector<16xi32>
        %bitcast3A_679 = vector.bitcast %sub3A_678 : vector<16xi32> to vector<16xf32>
        %mul3A_680 = arith.constant 5.000000e-01 : f32
        %mul3A_681 = vector.broadcast %mul3A_680 : f32 to vector<16xf32>
        %mul3A_682 = arith.mulf %mul3A_681, %scan3A_580#2 : vector<16xf32>
        %mul3A_683 = arith.mulf %mul3A_682, %bitcast3A_679 : vector<16xf32>
        %mul3A_684 = arith.mulf %mul3A_683, %bitcast3A_679 : vector<16xf32>
        %sub3A_685 = arith.constant 1.500000e+00 : f32
        %sub3A_686 = vector.broadcast %sub3A_685 : f32 to vector<16xf32>
        %sub3A_687 = arith.subf %sub3A_686, %mul3A_684 : vector<16xf32>
        %mul3A_688 = arith.mulf %bitcast3A_679, %sub3A_687 : vector<16xf32>
        %mul3A_689 = arith.constant 5.000000e-01 : f32
        %mul3A_690 = vector.broadcast %mul3A_689 : f32 to vector<16xf32>
        %mul3A_691 = arith.mulf %mul3A_690, %scan3A_580#2 : vector<16xf32>
        %mul3A_692 = arith.mulf %mul3A_691, %mul3A_688 : vector<16xf32>
        %mul3A_693 = arith.mulf %mul3A_692, %mul3A_688 : vector<16xf32>
        %sub3A_694 = arith.constant 1.500000e+00 : f32
        %sub3A_695 = vector.broadcast %sub3A_694 : f32 to vector<16xf32>
        %sub3A_696 = arith.subf %sub3A_695, %mul3A_693 : vector<16xf32>
        %mul3A_697 = arith.mulf %mul3A_688, %sub3A_696 : vector<16xf32>
        %mul3A_698 = arith.mulf %get3A_671, %mul3A_697 : vector<16xf32>
        %mul3A_699 = arith.constant 16 : i32
        %mul3A_700 = vector.broadcast %mul3A_699 : i32 to vector<16xi32>
        %mul3A_701 = arith.muli %scan3A_580#9, %mul3A_700 : vector<16xi32>
        %add3A_702 = arith.addi %mul3A_701, %iota3A : vector<16xi32>
        %mul3A_703 = arith.mulf %broadcast_in_dim3A, %mul3A_698 : vector<16xf32>
        tpu.vector_store_idx %arg9[%add3A_702], %mul3A_703 {add = true} : memref<2048xf32, #tpu.memory_space<vmem>>[vector<16xi32>], vector<16xf32>,
        %add3A_704 = arith.constant 1024 : i32
        %add3A_705 = vector.broadcast %add3A_704 : i32 to vector<16xi32>
        %add3A_706 = arith.addi %add3A_702, %add3A_705 : vector<16xi32>
        %mul3A_707 = arith.mulf %convert_element_type3A_513, %mul3A_698 : vector<16xf32>
        tpu.vector_store_idx %arg9[%add3A_706], %mul3A_707 {add = true} : memref<2048xf32, #tpu.memory_space<vmem>>[vector<16xi32>], vector<16xf32>,
        %mul3A_708 = arith.constant 224 : i32
        %mul3A_709 = arith.muli %scan3A_114, %mul3A_708 : i32
        %add3A_710 = arith.constant 160 : i32
        %add3A_711 = arith.addi %mul3A_709, %add3A_710 : i32
        %get3A_712 = arith.index_cast %add3A_711 : i32 to index
        %get3A_713 = tpu.vector_load %arg7[%get3A_712] {strides = array<i32>} : memref<1568xf32, #tpu.memory_space<vmem>>, vector<16xf32>,
        %bitcast3A_714 = vector.bitcast %scan3A_580#3 : vector<16xf32> to vector<16xi32>
        %shift_right_arithmetic3A_715 = arith.constant 1 : i32
        %shift_right_arithmetic3A_716 = vector.broadcast %shift_right_arithmetic3A_715 : i32 to vector<16xi32>
        %shift_right_arithmetic3A_717 = arith.shrsi %bitcast3A_714, %shift_right_arithmetic3A_716 : vector<16xi32>
        %sub3A_718 = arith.constant 1597463007 : i32
        %sub3A_719 = vector.broadcast %sub3A_718 : i32 to vector<16xi32>
        %sub3A_720 = arith.subi %sub3A_719, %shift_right_arithmetic3A_717 : vector<16xi32>
        %bitcast3A_721 = vector.bitcast %sub3A_720 : vector<16xi32> to vector<16xf32>
        %mul3A_722 = arith.constant 5.000000e-01 : f32
        %mul3A_723 = vector.broadcast %mul3A_722 : f32 to vector<16xf32>
        %mul3A_724 = arith.mulf %mul3A_723, %scan3A_580#3 : vector<16xf32>
        %mul3A_725 = arith.mulf %mul3A_724, %bitcast3A_721 : vector<16xf32>
        %mul3A_726 = arith.mulf %mul3A_725, %bitcast3A_721 : vector<16xf32>
        %sub3A_727 = arith.constant 1.500000e+00 : f32
        %sub3A_728 = vector.broadcast %sub3A_727 : f32 to vector<16xf32>
        %sub3A_729 = arith.subf %sub3A_728, %mul3A_726 : vector<16xf32>
        %mul3A_730 = arith.mulf %bitcast3A_721, %sub3A_729 : vector<16xf32>
        %mul3A_731 = arith.constant 5.000000e-01 : f32
        %mul3A_732 = vector.broadcast %mul3A_731 : f32 to vector<16xf32>
        %mul3A_733 = arith.mulf %mul3A_732, %scan3A_580#3 : vector<16xf32>
        %mul3A_734 = arith.mulf %mul3A_733, %mul3A_730 : vector<16xf32>
        %mul3A_735 = arith.mulf %mul3A_734, %mul3A_730 : vector<16xf32>
        %sub3A_736 = arith.constant 1.500000e+00 : f32
        %sub3A_737 = vector.broadcast %sub3A_736 : f32 to vector<16xf32>
        %sub3A_738 = arith.subf %sub3A_737, %mul3A_735 : vector<16xf32>
        %mul3A_739 = arith.mulf %mul3A_730, %sub3A_738 : vector<16xf32>
        %mul3A_740 = arith.mulf %get3A_713, %mul3A_739 : vector<16xf32>
        %mul3A_741 = arith.constant 16 : i32
        %mul3A_742 = vector.broadcast %mul3A_741 : i32 to vector<16xi32>
        %mul3A_743 = arith.muli %scan3A_580#10, %mul3A_742 : vector<16xi32>
        %add3A_744 = arith.addi %mul3A_743, %iota3A : vector<16xi32>
        %mul3A_745 = arith.mulf %broadcast_in_dim3A, %mul3A_740 : vector<16xf32>
        tpu.vector_store_idx %arg9[%add3A_744], %mul3A_745 {add = true} : memref<2048xf32, #tpu.memory_space<vmem>>[vector<16xi32>], vector<16xf32>,
        %add3A_746 = arith.constant 1024 : i32
        %add3A_747 = vector.broadcast %add3A_746 : i32 to vector<16xi32>
        %add3A_748 = arith.addi %add3A_744, %add3A_747 : vector<16xi32>
        %mul3A_749 = arith.mulf %convert_element_type3A_517, %mul3A_740 : vector<16xf32>
        tpu.vector_store_idx %arg9[%add3A_748], %mul3A_749 {add = true} : memref<2048xf32, #tpu.memory_space<vmem>>[vector<16xi32>], vector<16xf32>,
        %mul3A_750 = arith.constant 224 : i32
        %mul3A_751 = arith.muli %scan3A_114, %mul3A_750 : i32
        %add3A_752 = arith.constant 176 : i32
        %add3A_753 = arith.addi %mul3A_751, %add3A_752 : i32
        %get3A_754 = arith.index_cast %add3A_753 : i32 to index
        %get3A_755 = tpu.vector_load %arg7[%get3A_754] {strides = array<i32>} : memref<1568xf32, #tpu.memory_space<vmem>>, vector<16xf32>,
        %bitcast3A_756 = vector.bitcast %scan3A_580#4 : vector<16xf32> to vector<16xi32>
        %shift_right_arithmetic3A_757 = arith.constant 1 : i32
        %shift_right_arithmetic3A_758 = vector.broadcast %shift_right_arithmetic3A_757 : i32 to vector<16xi32>
        %shift_right_arithmetic3A_759 = arith.shrsi %bitcast3A_756, %shift_right_arithmetic3A_758 : vector<16xi32>
        %sub3A_760 = arith.constant 1597463007 : i32
        %sub3A_761 = vector.broadcast %sub3A_760 : i32 to vector<16xi32>
        %sub3A_762 = arith.subi %sub3A_761, %shift_right_arithmetic3A_759 : vector<16xi32>
        %bitcast3A_763 = vector.bitcast %sub3A_762 : vector<16xi32> to vector<16xf32>
        %mul3A_764 = arith.constant 5.000000e-01 : f32
        %mul3A_765 = vector.broadcast %mul3A_764 : f32 to vector<16xf32>
        %mul3A_766 = arith.mulf %mul3A_765, %scan3A_580#4 : vector<16xf32>
        %mul3A_767 = arith.mulf %mul3A_766, %bitcast3A_763 : vector<16xf32>
        %mul3A_768 = arith.mulf %mul3A_767, %bitcast3A_763 : vector<16xf32>
        %sub3A_769 = arith.constant 1.500000e+00 : f32
        %sub3A_770 = vector.broadcast %sub3A_769 : f32 to vector<16xf32>
        %sub3A_771 = arith.subf %sub3A_770, %mul3A_768 : vector<16xf32>
        %mul3A_772 = arith.mulf %bitcast3A_763, %sub3A_771 : vector<16xf32>
        %mul3A_773 = arith.constant 5.000000e-01 : f32
        %mul3A_774 = vector.broadcast %mul3A_773 : f32 to vector<16xf32>
        %mul3A_775 = arith.mulf %mul3A_774, %scan3A_580#4 : vector<16xf32>
        %mul3A_776 = arith.mulf %mul3A_775, %mul3A_772 : vector<16xf32>
        %mul3A_777 = arith.mulf %mul3A_776, %mul3A_772 : vector<16xf32>
        %sub3A_778 = arith.constant 1.500000e+00 : f32
        %sub3A_779 = vector.broadcast %sub3A_778 : f32 to vector<16xf32>
        %sub3A_780 = arith.subf %sub3A_779, %mul3A_777 : vector<16xf32>
        %mul3A_781 = arith.mulf %mul3A_772, %sub3A_780 : vector<16xf32>
        %mul3A_782 = arith.mulf %get3A_755, %mul3A_781 : vector<16xf32>
        %mul3A_783 = arith.constant 16 : i32
        %mul3A_784 = vector.broadcast %mul3A_783 : i32 to vector<16xi32>
        %mul3A_785 = arith.muli %scan3A_580#11, %mul3A_784 : vector<16xi32>
        %add3A_786 = arith.addi %mul3A_785, %iota3A : vector<16xi32>
        %mul3A_787 = arith.mulf %broadcast_in_dim3A, %mul3A_782 : vector<16xf32>
        tpu.vector_store_idx %arg9[%add3A_786], %mul3A_787 {add = true} : memref<2048xf32, #tpu.memory_space<vmem>>[vector<16xi32>], vector<16xf32>,
        %add3A_788 = arith.constant 1024 : i32
        %add3A_789 = vector.broadcast %add3A_788 : i32 to vector<16xi32>
        %add3A_790 = arith.addi %add3A_786, %add3A_789 : vector<16xi32>
        %mul3A_791 = arith.mulf %convert_element_type3A_521, %mul3A_782 : vector<16xf32>
        tpu.vector_store_idx %arg9[%add3A_790], %mul3A_791 {add = true} : memref<2048xf32, #tpu.memory_space<vmem>>[vector<16xi32>], vector<16xf32>,
        %mul3A_792 = arith.constant 224 : i32
        %mul3A_793 = arith.muli %scan3A_114, %mul3A_792 : i32
        %add3A_794 = arith.constant 192 : i32
        %add3A_795 = arith.addi %mul3A_793, %add3A_794 : i32
        %get3A_796 = arith.index_cast %add3A_795 : i32 to index
        %get3A_797 = tpu.vector_load %arg7[%get3A_796] {strides = array<i32>} : memref<1568xf32, #tpu.memory_space<vmem>>, vector<16xf32>,
        %bitcast3A_798 = vector.bitcast %scan3A_580#5 : vector<16xf32> to vector<16xi32>
        %shift_right_arithmetic3A_799 = arith.constant 1 : i32
        %shift_right_arithmetic3A_800 = vector.broadcast %shift_right_arithmetic3A_799 : i32 to vector<16xi32>
        %shift_right_arithmetic3A_801 = arith.shrsi %bitcast3A_798, %shift_right_arithmetic3A_800 : vector<16xi32>
        %sub3A_802 = arith.constant 1597463007 : i32
        %sub3A_803 = vector.broadcast %sub3A_802 : i32 to vector<16xi32>
        %sub3A_804 = arith.subi %sub3A_803, %shift_right_arithmetic3A_801 : vector<16xi32>
        %bitcast3A_805 = vector.bitcast %sub3A_804 : vector<16xi32> to vector<16xf32>
        %mul3A_806 = arith.constant 5.000000e-01 : f32
        %mul3A_807 = vector.broadcast %mul3A_806 : f32 to vector<16xf32>
        %mul3A_808 = arith.mulf %mul3A_807, %scan3A_580#5 : vector<16xf32>
        %mul3A_809 = arith.mulf %mul3A_808, %bitcast3A_805 : vector<16xf32>
        %mul3A_810 = arith.mulf %mul3A_809, %bitcast3A_805 : vector<16xf32>
        %sub3A_811 = arith.constant 1.500000e+00 : f32
        %sub3A_812 = vector.broadcast %sub3A_811 : f32 to vector<16xf32>
        %sub3A_813 = arith.subf %sub3A_812, %mul3A_810 : vector<16xf32>
        %mul3A_814 = arith.mulf %bitcast3A_805, %sub3A_813 : vector<16xf32>
        %mul3A_815 = arith.constant 5.000000e-01 : f32
        %mul3A_816 = vector.broadcast %mul3A_815 : f32 to vector<16xf32>
        %mul3A_817 = arith.mulf %mul3A_816, %scan3A_580#5 : vector<16xf32>
        %mul3A_818 = arith.mulf %mul3A_817, %mul3A_814 : vector<16xf32>
        %mul3A_819 = arith.mulf %mul3A_818, %mul3A_814 : vector<16xf32>
        %sub3A_820 = arith.constant 1.500000e+00 : f32
        %sub3A_821 = vector.broadcast %sub3A_820 : f32 to vector<16xf32>
        %sub3A_822 = arith.subf %sub3A_821, %mul3A_819 : vector<16xf32>
        %mul3A_823 = arith.mulf %mul3A_814, %sub3A_822 : vector<16xf32>
        %mul3A_824 = arith.mulf %get3A_797, %mul3A_823 : vector<16xf32>
        %mul3A_825 = arith.constant 16 : i32
        %mul3A_826 = vector.broadcast %mul3A_825 : i32 to vector<16xi32>
        %mul3A_827 = arith.muli %scan3A_580#12, %mul3A_826 : vector<16xi32>
        %add3A_828 = arith.addi %mul3A_827, %iota3A : vector<16xi32>
        %mul3A_829 = arith.mulf %broadcast_in_dim3A, %mul3A_824 : vector<16xf32>
        tpu.vector_store_idx %arg9[%add3A_828], %mul3A_829 {add = true} : memref<2048xf32, #tpu.memory_space<vmem>>[vector<16xi32>], vector<16xf32>,
        %add3A_830 = arith.constant 1024 : i32
        %add3A_831 = vector.broadcast %add3A_830 : i32 to vector<16xi32>
        %add3A_832 = arith.addi %add3A_828, %add3A_831 : vector<16xi32>
        %mul3A_833 = arith.mulf %convert_element_type3A_525, %mul3A_824 : vector<16xf32>
        tpu.vector_store_idx %arg9[%add3A_832], %mul3A_833 {add = true} : memref<2048xf32, #tpu.memory_space<vmem>>[vector<16xi32>], vector<16xf32>,
        %mul3A_834 = arith.constant 224 : i32
        %mul3A_835 = arith.muli %scan3A_114, %mul3A_834 : i32
        %add3A_836 = arith.constant 208 : i32
        %add3A_837 = arith.addi %mul3A_835, %add3A_836 : i32
        %get3A_838 = arith.index_cast %add3A_837 : i32 to index
        %get3A_839 = tpu.vector_load %arg7[%get3A_838] {strides = array<i32>} : memref<1568xf32, #tpu.memory_space<vmem>>, vector<16xf32>,
        %bitcast3A_840 = vector.bitcast %scan3A_580#6 : vector<16xf32> to vector<16xi32>
        %shift_right_arithmetic3A_841 = arith.constant 1 : i32
        %shift_right_arithmetic3A_842 = vector.broadcast %shift_right_arithmetic3A_841 : i32 to vector<16xi32>
        %shift_right_arithmetic3A_843 = arith.shrsi %bitcast3A_840, %shift_right_arithmetic3A_842 : vector<16xi32>
        %sub3A_844 = arith.constant 1597463007 : i32
        %sub3A_845 = vector.broadcast %sub3A_844 : i32 to vector<16xi32>
        %sub3A_846 = arith.subi %sub3A_845, %shift_right_arithmetic3A_843 : vector<16xi32>
        %bitcast3A_847 = vector.bitcast %sub3A_846 : vector<16xi32> to vector<16xf32>
        %mul3A_848 = arith.constant 5.000000e-01 : f32
        %mul3A_849 = vector.broadcast %mul3A_848 : f32 to vector<16xf32>
        %mul3A_850 = arith.mulf %mul3A_849, %scan3A_580#6 : vector<16xf32>
        %mul3A_851 = arith.mulf %mul3A_850, %bitcast3A_847 : vector<16xf32>
        %mul3A_852 = arith.mulf %mul3A_851, %bitcast3A_847 : vector<16xf32>
        %sub3A_853 = arith.constant 1.500000e+00 : f32
        %sub3A_854 = vector.broadcast %sub3A_853 : f32 to vector<16xf32>
        %sub3A_855 = arith.subf %sub3A_854, %mul3A_852 : vector<16xf32>
        %mul3A_856 = arith.mulf %bitcast3A_847, %sub3A_855 : vector<16xf32>
        %mul3A_857 = arith.constant 5.000000e-01 : f32
        %mul3A_858 = vector.broadcast %mul3A_857 : f32 to vector<16xf32>
        %mul3A_859 = arith.mulf %mul3A_858, %scan3A_580#6 : vector<16xf32>
        %mul3A_860 = arith.mulf %mul3A_859, %mul3A_856 : vector<16xf32>
        %mul3A_861 = arith.mulf %mul3A_860, %mul3A_856 : vector<16xf32>
        %sub3A_862 = arith.constant 1.500000e+00 : f32
        %sub3A_863 = vector.broadcast %sub3A_862 : f32 to vector<16xf32>
        %sub3A_864 = arith.subf %sub3A_863, %mul3A_861 : vector<16xf32>
        %mul3A_865 = arith.mulf %mul3A_856, %sub3A_864 : vector<16xf32>
        %mul3A_866 = arith.mulf %get3A_839, %mul3A_865 : vector<16xf32>
        %mul3A_867 = arith.constant 16 : i32
        %mul3A_868 = vector.broadcast %mul3A_867 : i32 to vector<16xi32>
        %mul3A_869 = arith.muli %scan3A_580#13, %mul3A_868 : vector<16xi32>
        %add3A_870 = arith.addi %mul3A_869, %iota3A : vector<16xi32>
        %mul3A_871 = arith.mulf %broadcast_in_dim3A, %mul3A_866 : vector<16xf32>
        tpu.vector_store_idx %arg9[%add3A_870], %mul3A_871 {add = true} : memref<2048xf32, #tpu.memory_space<vmem>>[vector<16xi32>], vector<16xf32>,
        %add3A_872 = arith.constant 1024 : i32
        %add3A_873 = vector.broadcast %add3A_872 : i32 to vector<16xi32>
        %add3A_874 = arith.addi %add3A_870, %add3A_873 : vector<16xi32>
        %mul3A_875 = arith.mulf %convert_element_type3A_529, %mul3A_866 : vector<16xf32>
        tpu.vector_store_idx %arg9[%add3A_874], %mul3A_875 {add = true} : memref<2048xf32, #tpu.memory_space<vmem>>[vector<16xi32>], vector<16xf32>,
      }
      %scan3A_100 = arith.constant 7 : i32
      %mul3A_101 = arith.constant 2048 : i32
      %mul3A_102 = arith.muli %arg1, %mul3A_101 : i32
      "tpu.region"() ({
        %run_scoped3A = tpu.sem_alloc : memref<!tpu.dma_semaphore, #tpu.memory_space<semaphore_mem>>
        %dma_start3A = tpu.memref_slice %arg14[%mul3A_102] : memref<32768xf32, #tpu.memory_space<vmem_shared>> -> memref<2048xf32, #tpu.memory_space<vmem_shared>>
        %dma_start3A_114 = tpu.memref_slice %arg14[%mul3A_102] : memref<32768xf32, #tpu.memory_space<vmem_shared>> -> memref<2048xf32, #tpu.memory_space<vmem_shared>>
        tpu.enqueue_dma source(%arg9 : memref<2048xf32, #tpu.memory_space<vmem>>) target(%dma_start3A_114 : memref<2048xf32, #tpu.memory_space<vmem_shared>>) target_semaphore(%run_scoped3A : memref<!tpu.dma_semaphore, #tpu.memory_space<semaphore_mem>>)
        %dma_wait3A = tpu.memref_slice %arg14[%mul3A_102] : memref<32768xf32, #tpu.memory_space<vmem_shared>> -> memref<2048xf32, #tpu.memory_space<vmem_shared>>
        %dma_wait3A_115 = tpu.memref_slice %arg14[%mul3A_102] : memref<32768xf32, #tpu.memory_space<vmem_shared>> -> memref<2048xf32, #tpu.memory_space<vmem_shared>>
        tpu.wait_dma2 semaphore(%run_scoped3A : memref<!tpu.dma_semaphore, #tpu.memory_space<semaphore_mem>>) src(%arg9 : memref<2048xf32, #tpu.memory_space<vmem>>) dst(%dma_wait3A_115 : memref<2048xf32, #tpu.memory_space<vmem_shared>>)
        tpu.yield
      }) : () -> ()
      %barrier3A = arith.constant 0 : index
      tpu.barrier barrier_id(%barrier3A)
      %lt3A = arith.constant 8 : i32
      %lt3A_103 = arith.cmpi slt, %arg1, %lt3A : i32
      %convert_element_type3A_104 = arith.extui %lt3A_103 : i1 to i32
      %cond3A_105 = arith.constant 0 : i32
      %cond3A_106 = arith.cmpi ne, %convert_element_type3A_104, %cond3A_105 : i32
      scf.if %cond3A_106 {
        %mul3A_114 = arith.constant 256 : i32
        %mul3A_115 = arith.muli %arg1, %mul3A_114 : i32
        %add3A_116 = arith.constant 0 : i32
        %add3A_117 = arith.addi %add3A_116, %mul3A_115 : i32
        %dma_start3A = arith.constant 0 : i32
        %dma_start3A_118 = tpu.memref_slice %arg10[%dma_start3A] : memref<4096xf32, #tpu.memory_space<vmem>> -> memref<256xf32, #tpu.memory_space<vmem>>
        %dma_start3A_119 = tpu.memref_slice %arg14[%add3A_117] : memref<32768xf32, #tpu.memory_space<vmem_shared>> -> memref<256xf32, #tpu.memory_space<vmem_shared>>
        %dma_start3A_120 = arith.constant 0 : i32
        %dma_start3A_121 = tpu.memref_slice %arg10[%dma_start3A_120] : memref<4096xf32, #tpu.memory_space<vmem>> -> memref<256xf32, #tpu.memory_space<vmem>>
        %dma_start3A_122 = tpu.memref_slice %arg14[%add3A_117] : memref<32768xf32, #tpu.memory_space<vmem_shared>> -> memref<256xf32, #tpu.memory_space<vmem_shared>>
        tpu.enqueue_dma source(%dma_start3A_122 : memref<256xf32, #tpu.memory_space<vmem_shared>>) target(%dma_start3A_121 : memref<256xf32, #tpu.memory_space<vmem>>) target_semaphore(%arg16 : memref<!tpu.dma_semaphore, #tpu.memory_space<semaphore_mem>>)
        %mul3A_123 = arith.constant 256 : i32
        %mul3A_124 = arith.muli %arg1, %mul3A_123 : i32
        %add3A_125 = arith.constant 2048 : i32
        %add3A_126 = arith.addi %add3A_125, %mul3A_124 : i32
        %dma_start3A_127 = arith.constant 256 : i32
        %dma_start3A_128 = tpu.memref_slice %arg10[%dma_start3A_127] : memref<4096xf32, #tpu.memory_space<vmem>> -> memref<256xf32, #tpu.memory_space<vmem>>
        %dma_start3A_129 = tpu.memref_slice %arg14[%add3A_126] : memref<32768xf32, #tpu.memory_space<vmem_shared>> -> memref<256xf32, #tpu.memory_space<vmem_shared>>
        %dma_start3A_130 = arith.constant 256 : i32
        %dma_start3A_131 = tpu.memref_slice %arg10[%dma_start3A_130] : memref<4096xf32, #tpu.memory_space<vmem>> -> memref<256xf32, #tpu.memory_space<vmem>>
        %dma_start3A_132 = tpu.memref_slice %arg14[%add3A_126] : memref<32768xf32, #tpu.memory_space<vmem_shared>> -> memref<256xf32, #tpu.memory_space<vmem_shared>>
        tpu.enqueue_dma source(%dma_start3A_132 : memref<256xf32, #tpu.memory_space<vmem_shared>>) target(%dma_start3A_131 : memref<256xf32, #tpu.memory_space<vmem>>) target_semaphore(%arg16 : memref<!tpu.dma_semaphore, #tpu.memory_space<semaphore_mem>>)
        %mul3A_133 = arith.constant 256 : i32
        %mul3A_134 = arith.muli %arg1, %mul3A_133 : i32
        %add3A_135 = arith.constant 4096 : i32
        %add3A_136 = arith.addi %add3A_135, %mul3A_134 : i32
        %dma_start3A_137 = arith.constant 512 : i32
        %dma_start3A_138 = tpu.memref_slice %arg10[%dma_start3A_137] : memref<4096xf32, #tpu.memory_space<vmem>> -> memref<256xf32, #tpu.memory_space<vmem>>
        %dma_start3A_139 = tpu.memref_slice %arg14[%add3A_136] : memref<32768xf32, #tpu.memory_space<vmem_shared>> -> memref<256xf32, #tpu.memory_space<vmem_shared>>
        %dma_start3A_140 = arith.constant 512 : i32
        %dma_start3A_141 = tpu.memref_slice %arg10[%dma_start3A_140] : memref<4096xf32, #tpu.memory_space<vmem>> -> memref<256xf32, #tpu.memory_space<vmem>>
        %dma_start3A_142 = tpu.memref_slice %arg14[%add3A_136] : memref<32768xf32, #tpu.memory_space<vmem_shared>> -> memref<256xf32, #tpu.memory_space<vmem_shared>>
        tpu.enqueue_dma source(%dma_start3A_142 : memref<256xf32, #tpu.memory_space<vmem_shared>>) target(%dma_start3A_141 : memref<256xf32, #tpu.memory_space<vmem>>) target_semaphore(%arg16 : memref<!tpu.dma_semaphore, #tpu.memory_space<semaphore_mem>>)
        %mul3A_143 = arith.constant 256 : i32
        %mul3A_144 = arith.muli %arg1, %mul3A_143 : i32
        %add3A_145 = arith.constant 6144 : i32
        %add3A_146 = arith.addi %add3A_145, %mul3A_144 : i32
        %dma_start3A_147 = arith.constant 768 : i32
        %dma_start3A_148 = tpu.memref_slice %arg10[%dma_start3A_147] : memref<4096xf32, #tpu.memory_space<vmem>> -> memref<256xf32, #tpu.memory_space<vmem>>
        %dma_start3A_149 = tpu.memref_slice %arg14[%add3A_146] : memref<32768xf32, #tpu.memory_space<vmem_shared>> -> memref<256xf32, #tpu.memory_space<vmem_shared>>
        %dma_start3A_150 = arith.constant 768 : i32
        %dma_start3A_151 = tpu.memref_slice %arg10[%dma_start3A_150] : memref<4096xf32, #tpu.memory_space<vmem>> -> memref<256xf32, #tpu.memory_space<vmem>>
        %dma_start3A_152 = tpu.memref_slice %arg14[%add3A_146] : memref<32768xf32, #tpu.memory_space<vmem_shared>> -> memref<256xf32, #tpu.memory_space<vmem_shared>>
        tpu.enqueue_dma source(%dma_start3A_152 : memref<256xf32, #tpu.memory_space<vmem_shared>>) target(%dma_start3A_151 : memref<256xf32, #tpu.memory_space<vmem>>) target_semaphore(%arg16 : memref<!tpu.dma_semaphore, #tpu.memory_space<semaphore_mem>>)
        %mul3A_153 = arith.constant 256 : i32
        %mul3A_154 = arith.muli %arg1, %mul3A_153 : i32
        %add3A_155 = arith.constant 8192 : i32
        %add3A_156 = arith.addi %add3A_155, %mul3A_154 : i32
        %dma_start3A_157 = arith.constant 1024 : i32
        %dma_start3A_158 = tpu.memref_slice %arg10[%dma_start3A_157] : memref<4096xf32, #tpu.memory_space<vmem>> -> memref<256xf32, #tpu.memory_space<vmem>>
        %dma_start3A_159 = tpu.memref_slice %arg14[%add3A_156] : memref<32768xf32, #tpu.memory_space<vmem_shared>> -> memref<256xf32, #tpu.memory_space<vmem_shared>>
        %dma_start3A_160 = arith.constant 1024 : i32
        %dma_start3A_161 = tpu.memref_slice %arg10[%dma_start3A_160] : memref<4096xf32, #tpu.memory_space<vmem>> -> memref<256xf32, #tpu.memory_space<vmem>>
        %dma_start3A_162 = tpu.memref_slice %arg14[%add3A_156] : memref<32768xf32, #tpu.memory_space<vmem_shared>> -> memref<256xf32, #tpu.memory_space<vmem_shared>>
        tpu.enqueue_dma source(%dma_start3A_162 : memref<256xf32, #tpu.memory_space<vmem_shared>>) target(%dma_start3A_161 : memref<256xf32, #tpu.memory_space<vmem>>) target_semaphore(%arg16 : memref<!tpu.dma_semaphore, #tpu.memory_space<semaphore_mem>>)
        %mul3A_163 = arith.constant 256 : i32
        %mul3A_164 = arith.muli %arg1, %mul3A_163 : i32
        %add3A_165 = arith.constant 10240 : i32
        %add3A_166 = arith.addi %add3A_165, %mul3A_164 : i32
        %dma_start3A_167 = arith.constant 1280 : i32
        %dma_start3A_168 = tpu.memref_slice %arg10[%dma_start3A_167] : memref<4096xf32, #tpu.memory_space<vmem>> -> memref<256xf32, #tpu.memory_space<vmem>>
        %dma_start3A_169 = tpu.memref_slice %arg14[%add3A_166] : memref<32768xf32, #tpu.memory_space<vmem_shared>> -> memref<256xf32, #tpu.memory_space<vmem_shared>>
        %dma_start3A_170 = arith.constant 1280 : i32
        %dma_start3A_171 = tpu.memref_slice %arg10[%dma_start3A_170] : memref<4096xf32, #tpu.memory_space<vmem>> -> memref<256xf32, #tpu.memory_space<vmem>>
        %dma_start3A_172 = tpu.memref_slice %arg14[%add3A_166] : memref<32768xf32, #tpu.memory_space<vmem_shared>> -> memref<256xf32, #tpu.memory_space<vmem_shared>>
        tpu.enqueue_dma source(%dma_start3A_172 : memref<256xf32, #tpu.memory_space<vmem_shared>>) target(%dma_start3A_171 : memref<256xf32, #tpu.memory_space<vmem>>) target_semaphore(%arg16 : memref<!tpu.dma_semaphore, #tpu.memory_space<semaphore_mem>>)
        %mul3A_173 = arith.constant 256 : i32
        %mul3A_174 = arith.muli %arg1, %mul3A_173 : i32
        %add3A_175 = arith.constant 12288 : i32
        %add3A_176 = arith.addi %add3A_175, %mul3A_174 : i32
        %dma_start3A_177 = arith.constant 1536 : i32
        %dma_start3A_178 = tpu.memref_slice %arg10[%dma_start3A_177] : memref<4096xf32, #tpu.memory_space<vmem>> -> memref<256xf32, #tpu.memory_space<vmem>>
        %dma_start3A_179 = tpu.memref_slice %arg14[%add3A_176] : memref<32768xf32, #tpu.memory_space<vmem_shared>> -> memref<256xf32, #tpu.memory_space<vmem_shared>>
        %dma_start3A_180 = arith.constant 1536 : i32
        %dma_start3A_181 = tpu.memref_slice %arg10[%dma_start3A_180] : memref<4096xf32, #tpu.memory_space<vmem>> -> memref<256xf32, #tpu.memory_space<vmem>>
        %dma_start3A_182 = tpu.memref_slice %arg14[%add3A_176] : memref<32768xf32, #tpu.memory_space<vmem_shared>> -> memref<256xf32, #tpu.memory_space<vmem_shared>>
        tpu.enqueue_dma source(%dma_start3A_182 : memref<256xf32, #tpu.memory_space<vmem_shared>>) target(%dma_start3A_181 : memref<256xf32, #tpu.memory_space<vmem>>) target_semaphore(%arg16 : memref<!tpu.dma_semaphore, #tpu.memory_space<semaphore_mem>>)
        %mul3A_183 = arith.constant 256 : i32
        %mul3A_184 = arith.muli %arg1, %mul3A_183 : i32
        %add3A_185 = arith.constant 14336 : i32
        %add3A_186 = arith.addi %add3A_185, %mul3A_184 : i32
        %dma_start3A_187 = arith.constant 1792 : i32
        %dma_start3A_188 = tpu.memref_slice %arg10[%dma_start3A_187] : memref<4096xf32, #tpu.memory_space<vmem>> -> memref<256xf32, #tpu.memory_space<vmem>>
        %dma_start3A_189 = tpu.memref_slice %arg14[%add3A_186] : memref<32768xf32, #tpu.memory_space<vmem_shared>> -> memref<256xf32, #tpu.memory_space<vmem_shared>>
        %dma_start3A_190 = arith.constant 1792 : i32
        %dma_start3A_191 = tpu.memref_slice %arg10[%dma_start3A_190] : memref<4096xf32, #tpu.memory_space<vmem>> -> memref<256xf32, #tpu.memory_space<vmem>>
        %dma_start3A_192 = tpu.memref_slice %arg14[%add3A_186] : memref<32768xf32, #tpu.memory_space<vmem_shared>> -> memref<256xf32, #tpu.memory_space<vmem_shared>>
        tpu.enqueue_dma source(%dma_start3A_192 : memref<256xf32, #tpu.memory_space<vmem_shared>>) target(%dma_start3A_191 : memref<256xf32, #tpu.memory_space<vmem>>) target_semaphore(%arg16 : memref<!tpu.dma_semaphore, #tpu.memory_space<semaphore_mem>>)
        %mul3A_193 = arith.constant 256 : i32
        %mul3A_194 = arith.muli %arg1, %mul3A_193 : i32
        %add3A_195 = arith.constant 16384 : i32
        %add3A_196 = arith.addi %add3A_195, %mul3A_194 : i32
        %dma_start3A_197 = arith.constant 2048 : i32
        %dma_start3A_198 = tpu.memref_slice %arg10[%dma_start3A_197] : memref<4096xf32, #tpu.memory_space<vmem>> -> memref<256xf32, #tpu.memory_space<vmem>>
        %dma_start3A_199 = tpu.memref_slice %arg14[%add3A_196] : memref<32768xf32, #tpu.memory_space<vmem_shared>> -> memref<256xf32, #tpu.memory_space<vmem_shared>>
        %dma_start3A_200 = arith.constant 2048 : i32
        %dma_start3A_201 = tpu.memref_slice %arg10[%dma_start3A_200] : memref<4096xf32, #tpu.memory_space<vmem>> -> memref<256xf32, #tpu.memory_space<vmem>>
        %dma_start3A_202 = tpu.memref_slice %arg14[%add3A_196] : memref<32768xf32, #tpu.memory_space<vmem_shared>> -> memref<256xf32, #tpu.memory_space<vmem_shared>>
        tpu.enqueue_dma source(%dma_start3A_202 : memref<256xf32, #tpu.memory_space<vmem_shared>>) target(%dma_start3A_201 : memref<256xf32, #tpu.memory_space<vmem>>) target_semaphore(%arg16 : memref<!tpu.dma_semaphore, #tpu.memory_space<semaphore_mem>>)
        %mul3A_203 = arith.constant 256 : i32
        %mul3A_204 = arith.muli %arg1, %mul3A_203 : i32
        %add3A_205 = arith.constant 18432 : i32
        %add3A_206 = arith.addi %add3A_205, %mul3A_204 : i32
        %dma_start3A_207 = arith.constant 2304 : i32
        %dma_start3A_208 = tpu.memref_slice %arg10[%dma_start3A_207] : memref<4096xf32, #tpu.memory_space<vmem>> -> memref<256xf32, #tpu.memory_space<vmem>>
        %dma_start3A_209 = tpu.memref_slice %arg14[%add3A_206] : memref<32768xf32, #tpu.memory_space<vmem_shared>> -> memref<256xf32, #tpu.memory_space<vmem_shared>>
        %dma_start3A_210 = arith.constant 2304 : i32
        %dma_start3A_211 = tpu.memref_slice %arg10[%dma_start3A_210] : memref<4096xf32, #tpu.memory_space<vmem>> -> memref<256xf32, #tpu.memory_space<vmem>>
        %dma_start3A_212 = tpu.memref_slice %arg14[%add3A_206] : memref<32768xf32, #tpu.memory_space<vmem_shared>> -> memref<256xf32, #tpu.memory_space<vmem_shared>>
        tpu.enqueue_dma source(%dma_start3A_212 : memref<256xf32, #tpu.memory_space<vmem_shared>>) target(%dma_start3A_211 : memref<256xf32, #tpu.memory_space<vmem>>) target_semaphore(%arg16 : memref<!tpu.dma_semaphore, #tpu.memory_space<semaphore_mem>>)
        %mul3A_213 = arith.constant 256 : i32
        %mul3A_214 = arith.muli %arg1, %mul3A_213 : i32
        %add3A_215 = arith.constant 20480 : i32
        %add3A_216 = arith.addi %add3A_215, %mul3A_214 : i32
        %dma_start3A_217 = arith.constant 2560 : i32
        %dma_start3A_218 = tpu.memref_slice %arg10[%dma_start3A_217] : memref<4096xf32, #tpu.memory_space<vmem>> -> memref<256xf32, #tpu.memory_space<vmem>>
        %dma_start3A_219 = tpu.memref_slice %arg14[%add3A_216] : memref<32768xf32, #tpu.memory_space<vmem_shared>> -> memref<256xf32, #tpu.memory_space<vmem_shared>>
        %dma_start3A_220 = arith.constant 2560 : i32
        %dma_start3A_221 = tpu.memref_slice %arg10[%dma_start3A_220] : memref<4096xf32, #tpu.memory_space<vmem>> -> memref<256xf32, #tpu.memory_space<vmem>>
        %dma_start3A_222 = tpu.memref_slice %arg14[%add3A_216] : memref<32768xf32, #tpu.memory_space<vmem_shared>> -> memref<256xf32, #tpu.memory_space<vmem_shared>>
        tpu.enqueue_dma source(%dma_start3A_222 : memref<256xf32, #tpu.memory_space<vmem_shared>>) target(%dma_start3A_221 : memref<256xf32, #tpu.memory_space<vmem>>) target_semaphore(%arg16 : memref<!tpu.dma_semaphore, #tpu.memory_space<semaphore_mem>>)
        %mul3A_223 = arith.constant 256 : i32
        %mul3A_224 = arith.muli %arg1, %mul3A_223 : i32
        %add3A_225 = arith.constant 22528 : i32
        %add3A_226 = arith.addi %add3A_225, %mul3A_224 : i32
        %dma_start3A_227 = arith.constant 2816 : i32
        %dma_start3A_228 = tpu.memref_slice %arg10[%dma_start3A_227] : memref<4096xf32, #tpu.memory_space<vmem>> -> memref<256xf32, #tpu.memory_space<vmem>>
        %dma_start3A_229 = tpu.memref_slice %arg14[%add3A_226] : memref<32768xf32, #tpu.memory_space<vmem_shared>> -> memref<256xf32, #tpu.memory_space<vmem_shared>>
        %dma_start3A_230 = arith.constant 2816 : i32
        %dma_start3A_231 = tpu.memref_slice %arg10[%dma_start3A_230] : memref<4096xf32, #tpu.memory_space<vmem>> -> memref<256xf32, #tpu.memory_space<vmem>>
        %dma_start3A_232 = tpu.memref_slice %arg14[%add3A_226] : memref<32768xf32, #tpu.memory_space<vmem_shared>> -> memref<256xf32, #tpu.memory_space<vmem_shared>>
        tpu.enqueue_dma source(%dma_start3A_232 : memref<256xf32, #tpu.memory_space<vmem_shared>>) target(%dma_start3A_231 : memref<256xf32, #tpu.memory_space<vmem>>) target_semaphore(%arg16 : memref<!tpu.dma_semaphore, #tpu.memory_space<semaphore_mem>>)
        %mul3A_233 = arith.constant 256 : i32
        %mul3A_234 = arith.muli %arg1, %mul3A_233 : i32
        %add3A_235 = arith.constant 24576 : i32
        %add3A_236 = arith.addi %add3A_235, %mul3A_234 : i32
        %dma_start3A_237 = arith.constant 3072 : i32
        %dma_start3A_238 = tpu.memref_slice %arg10[%dma_start3A_237] : memref<4096xf32, #tpu.memory_space<vmem>> -> memref<256xf32, #tpu.memory_space<vmem>>
        %dma_start3A_239 = tpu.memref_slice %arg14[%add3A_236] : memref<32768xf32, #tpu.memory_space<vmem_shared>> -> memref<256xf32, #tpu.memory_space<vmem_shared>>
        %dma_start3A_240 = arith.constant 3072 : i32
        %dma_start3A_241 = tpu.memref_slice %arg10[%dma_start3A_240] : memref<4096xf32, #tpu.memory_space<vmem>> -> memref<256xf32, #tpu.memory_space<vmem>>
        %dma_start3A_242 = tpu.memref_slice %arg14[%add3A_236] : memref<32768xf32, #tpu.memory_space<vmem_shared>> -> memref<256xf32, #tpu.memory_space<vmem_shared>>
        tpu.enqueue_dma source(%dma_start3A_242 : memref<256xf32, #tpu.memory_space<vmem_shared>>) target(%dma_start3A_241 : memref<256xf32, #tpu.memory_space<vmem>>) target_semaphore(%arg16 : memref<!tpu.dma_semaphore, #tpu.memory_space<semaphore_mem>>)
        %mul3A_243 = arith.constant 256 : i32
        %mul3A_244 = arith.muli %arg1, %mul3A_243 : i32
        %add3A_245 = arith.constant 26624 : i32
        %add3A_246 = arith.addi %add3A_245, %mul3A_244 : i32
        %dma_start3A_247 = arith.constant 3328 : i32
        %dma_start3A_248 = tpu.memref_slice %arg10[%dma_start3A_247] : memref<4096xf32, #tpu.memory_space<vmem>> -> memref<256xf32, #tpu.memory_space<vmem>>
        %dma_start3A_249 = tpu.memref_slice %arg14[%add3A_246] : memref<32768xf32, #tpu.memory_space<vmem_shared>> -> memref<256xf32, #tpu.memory_space<vmem_shared>>
        %dma_start3A_250 = arith.constant 3328 : i32
        %dma_start3A_251 = tpu.memref_slice %arg10[%dma_start3A_250] : memref<4096xf32, #tpu.memory_space<vmem>> -> memref<256xf32, #tpu.memory_space<vmem>>
        %dma_start3A_252 = tpu.memref_slice %arg14[%add3A_246] : memref<32768xf32, #tpu.memory_space<vmem_shared>> -> memref<256xf32, #tpu.memory_space<vmem_shared>>
        tpu.enqueue_dma source(%dma_start3A_252 : memref<256xf32, #tpu.memory_space<vmem_shared>>) target(%dma_start3A_251 : memref<256xf32, #tpu.memory_space<vmem>>) target_semaphore(%arg16 : memref<!tpu.dma_semaphore, #tpu.memory_space<semaphore_mem>>)
        %mul3A_253 = arith.constant 256 : i32
        %mul3A_254 = arith.muli %arg1, %mul3A_253 : i32
        %add3A_255 = arith.constant 28672 : i32
        %add3A_256 = arith.addi %add3A_255, %mul3A_254 : i32
        %dma_start3A_257 = arith.constant 3584 : i32
        %dma_start3A_258 = tpu.memref_slice %arg10[%dma_start3A_257] : memref<4096xf32, #tpu.memory_space<vmem>> -> memref<256xf32, #tpu.memory_space<vmem>>
        %dma_start3A_259 = tpu.memref_slice %arg14[%add3A_256] : memref<32768xf32, #tpu.memory_space<vmem_shared>> -> memref<256xf32, #tpu.memory_space<vmem_shared>>
        %dma_start3A_260 = arith.constant 3584 : i32
        %dma_start3A_261 = tpu.memref_slice %arg10[%dma_start3A_260] : memref<4096xf32, #tpu.memory_space<vmem>> -> memref<256xf32, #tpu.memory_space<vmem>>
        %dma_start3A_262 = tpu.memref_slice %arg14[%add3A_256] : memref<32768xf32, #tpu.memory_space<vmem_shared>> -> memref<256xf32, #tpu.memory_space<vmem_shared>>
        tpu.enqueue_dma source(%dma_start3A_262 : memref<256xf32, #tpu.memory_space<vmem_shared>>) target(%dma_start3A_261 : memref<256xf32, #tpu.memory_space<vmem>>) target_semaphore(%arg16 : memref<!tpu.dma_semaphore, #tpu.memory_space<semaphore_mem>>)
        %mul3A_263 = arith.constant 256 : i32
        %mul3A_264 = arith.muli %arg1, %mul3A_263 : i32
        %add3A_265 = arith.constant 30720 : i32
        %add3A_266 = arith.addi %add3A_265, %mul3A_264 : i32
        %dma_start3A_267 = arith.constant 3840 : i32
        %dma_start3A_268 = tpu.memref_slice %arg10[%dma_start3A_267] : memref<4096xf32, #tpu.memory_space<vmem>> -> memref<256xf32, #tpu.memory_space<vmem>>
        %dma_start3A_269 = tpu.memref_slice %arg14[%add3A_266] : memref<32768xf32, #tpu.memory_space<vmem_shared>> -> memref<256xf32, #tpu.memory_space<vmem_shared>>
        %dma_start3A_270 = arith.constant 3840 : i32
        %dma_start3A_271 = tpu.memref_slice %arg10[%dma_start3A_270] : memref<4096xf32, #tpu.memory_space<vmem>> -> memref<256xf32, #tpu.memory_space<vmem>>
        %dma_start3A_272 = tpu.memref_slice %arg14[%add3A_266] : memref<32768xf32, #tpu.memory_space<vmem_shared>> -> memref<256xf32, #tpu.memory_space<vmem_shared>>
        tpu.enqueue_dma source(%dma_start3A_272 : memref<256xf32, #tpu.memory_space<vmem_shared>>) target(%dma_start3A_271 : memref<256xf32, #tpu.memory_space<vmem>>) target_semaphore(%arg16 : memref<!tpu.dma_semaphore, #tpu.memory_space<semaphore_mem>>)
        %dma_wait3A = arith.constant 0 : i32
        %dma_wait3A_273 = tpu.memref_slice %arg10[%dma_wait3A] : memref<4096xf32, #tpu.memory_space<vmem>> -> memref<256xf32, #tpu.memory_space<vmem>>
        %dma_wait3A_274 = tpu.memref_slice %arg14[%add3A_117] : memref<32768xf32, #tpu.memory_space<vmem_shared>> -> memref<256xf32, #tpu.memory_space<vmem_shared>>
        %dma_wait3A_275 = arith.constant 0 : i32
        %dma_wait3A_276 = tpu.memref_slice %arg10[%dma_wait3A_275] : memref<4096xf32, #tpu.memory_space<vmem>> -> memref<256xf32, #tpu.memory_space<vmem>>
        %dma_wait3A_277 = tpu.memref_slice %arg14[%add3A_117] : memref<32768xf32, #tpu.memory_space<vmem_shared>> -> memref<256xf32, #tpu.memory_space<vmem_shared>>
        tpu.wait_dma2 semaphore(%arg16 : memref<!tpu.dma_semaphore, #tpu.memory_space<semaphore_mem>>) src(%dma_wait3A_277 : memref<256xf32, #tpu.memory_space<vmem_shared>>) dst(%dma_wait3A_276 : memref<256xf32, #tpu.memory_space<vmem>>)
        %dma_wait3A_278 = arith.constant 256 : i32
        %dma_wait3A_279 = tpu.memref_slice %arg10[%dma_wait3A_278] : memref<4096xf32, #tpu.memory_space<vmem>> -> memref<256xf32, #tpu.memory_space<vmem>>
        %dma_wait3A_280 = tpu.memref_slice %arg14[%add3A_126] : memref<32768xf32, #tpu.memory_space<vmem_shared>> -> memref<256xf32, #tpu.memory_space<vmem_shared>>
        %dma_wait3A_281 = arith.constant 256 : i32
        %dma_wait3A_282 = tpu.memref_slice %arg10[%dma_wait3A_281] : memref<4096xf32, #tpu.memory_space<vmem>> -> memref<256xf32, #tpu.memory_space<vmem>>
        %dma_wait3A_283 = tpu.memref_slice %arg14[%add3A_126] : memref<32768xf32, #tpu.memory_space<vmem_shared>> -> memref<256xf32, #tpu.memory_space<vmem_shared>>
        tpu.wait_dma2 semaphore(%arg16 : memref<!tpu.dma_semaphore, #tpu.memory_space<semaphore_mem>>) src(%dma_wait3A_283 : memref<256xf32, #tpu.memory_space<vmem_shared>>) dst(%dma_wait3A_282 : memref<256xf32, #tpu.memory_space<vmem>>)
        %dma_wait3A_284 = arith.constant 512 : i32
        %dma_wait3A_285 = tpu.memref_slice %arg10[%dma_wait3A_284] : memref<4096xf32, #tpu.memory_space<vmem>> -> memref<256xf32, #tpu.memory_space<vmem>>
        %dma_wait3A_286 = tpu.memref_slice %arg14[%add3A_136] : memref<32768xf32, #tpu.memory_space<vmem_shared>> -> memref<256xf32, #tpu.memory_space<vmem_shared>>
        %dma_wait3A_287 = arith.constant 512 : i32
        %dma_wait3A_288 = tpu.memref_slice %arg10[%dma_wait3A_287] : memref<4096xf32, #tpu.memory_space<vmem>> -> memref<256xf32, #tpu.memory_space<vmem>>
        %dma_wait3A_289 = tpu.memref_slice %arg14[%add3A_136] : memref<32768xf32, #tpu.memory_space<vmem_shared>> -> memref<256xf32, #tpu.memory_space<vmem_shared>>
        tpu.wait_dma2 semaphore(%arg16 : memref<!tpu.dma_semaphore, #tpu.memory_space<semaphore_mem>>) src(%dma_wait3A_289 : memref<256xf32, #tpu.memory_space<vmem_shared>>) dst(%dma_wait3A_288 : memref<256xf32, #tpu.memory_space<vmem>>)
        %dma_wait3A_290 = arith.constant 768 : i32
        %dma_wait3A_291 = tpu.memref_slice %arg10[%dma_wait3A_290] : memref<4096xf32, #tpu.memory_space<vmem>> -> memref<256xf32, #tpu.memory_space<vmem>>
        %dma_wait3A_292 = tpu.memref_slice %arg14[%add3A_146] : memref<32768xf32, #tpu.memory_space<vmem_shared>> -> memref<256xf32, #tpu.memory_space<vmem_shared>>
        %dma_wait3A_293 = arith.constant 768 : i32
        %dma_wait3A_294 = tpu.memref_slice %arg10[%dma_wait3A_293] : memref<4096xf32, #tpu.memory_space<vmem>> -> memref<256xf32, #tpu.memory_space<vmem>>
        %dma_wait3A_295 = tpu.memref_slice %arg14[%add3A_146] : memref<32768xf32, #tpu.memory_space<vmem_shared>> -> memref<256xf32, #tpu.memory_space<vmem_shared>>
        tpu.wait_dma2 semaphore(%arg16 : memref<!tpu.dma_semaphore, #tpu.memory_space<semaphore_mem>>) src(%dma_wait3A_295 : memref<256xf32, #tpu.memory_space<vmem_shared>>) dst(%dma_wait3A_294 : memref<256xf32, #tpu.memory_space<vmem>>)
        %dma_wait3A_296 = arith.constant 1024 : i32
        %dma_wait3A_297 = tpu.memref_slice %arg10[%dma_wait3A_296] : memref<4096xf32, #tpu.memory_space<vmem>> -> memref<256xf32, #tpu.memory_space<vmem>>
        %dma_wait3A_298 = tpu.memref_slice %arg14[%add3A_156] : memref<32768xf32, #tpu.memory_space<vmem_shared>> -> memref<256xf32, #tpu.memory_space<vmem_shared>>
        %dma_wait3A_299 = arith.constant 1024 : i32
        %dma_wait3A_300 = tpu.memref_slice %arg10[%dma_wait3A_299] : memref<4096xf32, #tpu.memory_space<vmem>> -> memref<256xf32, #tpu.memory_space<vmem>>
        %dma_wait3A_301 = tpu.memref_slice %arg14[%add3A_156] : memref<32768xf32, #tpu.memory_space<vmem_shared>> -> memref<256xf32, #tpu.memory_space<vmem_shared>>
        tpu.wait_dma2 semaphore(%arg16 : memref<!tpu.dma_semaphore, #tpu.memory_space<semaphore_mem>>) src(%dma_wait3A_301 : memref<256xf32, #tpu.memory_space<vmem_shared>>) dst(%dma_wait3A_300 : memref<256xf32, #tpu.memory_space<vmem>>)
        %dma_wait3A_302 = arith.constant 1280 : i32
        %dma_wait3A_303 = tpu.memref_slice %arg10[%dma_wait3A_302] : memref<4096xf32, #tpu.memory_space<vmem>> -> memref<256xf32, #tpu.memory_space<vmem>>
        %dma_wait3A_304 = tpu.memref_slice %arg14[%add3A_166] : memref<32768xf32, #tpu.memory_space<vmem_shared>> -> memref<256xf32, #tpu.memory_space<vmem_shared>>
        %dma_wait3A_305 = arith.constant 1280 : i32
        %dma_wait3A_306 = tpu.memref_slice %arg10[%dma_wait3A_305] : memref<4096xf32, #tpu.memory_space<vmem>> -> memref<256xf32, #tpu.memory_space<vmem>>
        %dma_wait3A_307 = tpu.memref_slice %arg14[%add3A_166] : memref<32768xf32, #tpu.memory_space<vmem_shared>> -> memref<256xf32, #tpu.memory_space<vmem_shared>>
        tpu.wait_dma2 semaphore(%arg16 : memref<!tpu.dma_semaphore, #tpu.memory_space<semaphore_mem>>) src(%dma_wait3A_307 : memref<256xf32, #tpu.memory_space<vmem_shared>>) dst(%dma_wait3A_306 : memref<256xf32, #tpu.memory_space<vmem>>)
        %dma_wait3A_308 = arith.constant 1536 : i32
        %dma_wait3A_309 = tpu.memref_slice %arg10[%dma_wait3A_308] : memref<4096xf32, #tpu.memory_space<vmem>> -> memref<256xf32, #tpu.memory_space<vmem>>
        %dma_wait3A_310 = tpu.memref_slice %arg14[%add3A_176] : memref<32768xf32, #tpu.memory_space<vmem_shared>> -> memref<256xf32, #tpu.memory_space<vmem_shared>>
        %dma_wait3A_311 = arith.constant 1536 : i32
        %dma_wait3A_312 = tpu.memref_slice %arg10[%dma_wait3A_311] : memref<4096xf32, #tpu.memory_space<vmem>> -> memref<256xf32, #tpu.memory_space<vmem>>
        %dma_wait3A_313 = tpu.memref_slice %arg14[%add3A_176] : memref<32768xf32, #tpu.memory_space<vmem_shared>> -> memref<256xf32, #tpu.memory_space<vmem_shared>>
        tpu.wait_dma2 semaphore(%arg16 : memref<!tpu.dma_semaphore, #tpu.memory_space<semaphore_mem>>) src(%dma_wait3A_313 : memref<256xf32, #tpu.memory_space<vmem_shared>>) dst(%dma_wait3A_312 : memref<256xf32, #tpu.memory_space<vmem>>)
        %dma_wait3A_314 = arith.constant 1792 : i32
        %dma_wait3A_315 = tpu.memref_slice %arg10[%dma_wait3A_314] : memref<4096xf32, #tpu.memory_space<vmem>> -> memref<256xf32, #tpu.memory_space<vmem>>
        %dma_wait3A_316 = tpu.memref_slice %arg14[%add3A_186] : memref<32768xf32, #tpu.memory_space<vmem_shared>> -> memref<256xf32, #tpu.memory_space<vmem_shared>>
        %dma_wait3A_317 = arith.constant 1792 : i32
        %dma_wait3A_318 = tpu.memref_slice %arg10[%dma_wait3A_317] : memref<4096xf32, #tpu.memory_space<vmem>> -> memref<256xf32, #tpu.memory_space<vmem>>
        %dma_wait3A_319 = tpu.memref_slice %arg14[%add3A_186] : memref<32768xf32, #tpu.memory_space<vmem_shared>> -> memref<256xf32, #tpu.memory_space<vmem_shared>>
        tpu.wait_dma2 semaphore(%arg16 : memref<!tpu.dma_semaphore, #tpu.memory_space<semaphore_mem>>) src(%dma_wait3A_319 : memref<256xf32, #tpu.memory_space<vmem_shared>>) dst(%dma_wait3A_318 : memref<256xf32, #tpu.memory_space<vmem>>)
        %dma_wait3A_320 = arith.constant 2048 : i32
        %dma_wait3A_321 = tpu.memref_slice %arg10[%dma_wait3A_320] : memref<4096xf32, #tpu.memory_space<vmem>> -> memref<256xf32, #tpu.memory_space<vmem>>
        %dma_wait3A_322 = tpu.memref_slice %arg14[%add3A_196] : memref<32768xf32, #tpu.memory_space<vmem_shared>> -> memref<256xf32, #tpu.memory_space<vmem_shared>>
        %dma_wait3A_323 = arith.constant 2048 : i32
        %dma_wait3A_324 = tpu.memref_slice %arg10[%dma_wait3A_323] : memref<4096xf32, #tpu.memory_space<vmem>> -> memref<256xf32, #tpu.memory_space<vmem>>
        %dma_wait3A_325 = tpu.memref_slice %arg14[%add3A_196] : memref<32768xf32, #tpu.memory_space<vmem_shared>> -> memref<256xf32, #tpu.memory_space<vmem_shared>>
        tpu.wait_dma2 semaphore(%arg16 : memref<!tpu.dma_semaphore, #tpu.memory_space<semaphore_mem>>) src(%dma_wait3A_325 : memref<256xf32, #tpu.memory_space<vmem_shared>>) dst(%dma_wait3A_324 : memref<256xf32, #tpu.memory_space<vmem>>)
        %dma_wait3A_326 = arith.constant 2304 : i32
        %dma_wait3A_327 = tpu.memref_slice %arg10[%dma_wait3A_326] : memref<4096xf32, #tpu.memory_space<vmem>> -> memref<256xf32, #tpu.memory_space<vmem>>
        %dma_wait3A_328 = tpu.memref_slice %arg14[%add3A_206] : memref<32768xf32, #tpu.memory_space<vmem_shared>> -> memref<256xf32, #tpu.memory_space<vmem_shared>>
        %dma_wait3A_329 = arith.constant 2304 : i32
        %dma_wait3A_330 = tpu.memref_slice %arg10[%dma_wait3A_329] : memref<4096xf32, #tpu.memory_space<vmem>> -> memref<256xf32, #tpu.memory_space<vmem>>
        %dma_wait3A_331 = tpu.memref_slice %arg14[%add3A_206] : memref<32768xf32, #tpu.memory_space<vmem_shared>> -> memref<256xf32, #tpu.memory_space<vmem_shared>>
        tpu.wait_dma2 semaphore(%arg16 : memref<!tpu.dma_semaphore, #tpu.memory_space<semaphore_mem>>) src(%dma_wait3A_331 : memref<256xf32, #tpu.memory_space<vmem_shared>>) dst(%dma_wait3A_330 : memref<256xf32, #tpu.memory_space<vmem>>)
        %dma_wait3A_332 = arith.constant 2560 : i32
        %dma_wait3A_333 = tpu.memref_slice %arg10[%dma_wait3A_332] : memref<4096xf32, #tpu.memory_space<vmem>> -> memref<256xf32, #tpu.memory_space<vmem>>
        %dma_wait3A_334 = tpu.memref_slice %arg14[%add3A_216] : memref<32768xf32, #tpu.memory_space<vmem_shared>> -> memref<256xf32, #tpu.memory_space<vmem_shared>>
        %dma_wait3A_335 = arith.constant 2560 : i32
        %dma_wait3A_336 = tpu.memref_slice %arg10[%dma_wait3A_335] : memref<4096xf32, #tpu.memory_space<vmem>> -> memref<256xf32, #tpu.memory_space<vmem>>
        %dma_wait3A_337 = tpu.memref_slice %arg14[%add3A_216] : memref<32768xf32, #tpu.memory_space<vmem_shared>> -> memref<256xf32, #tpu.memory_space<vmem_shared>>
        tpu.wait_dma2 semaphore(%arg16 : memref<!tpu.dma_semaphore, #tpu.memory_space<semaphore_mem>>) src(%dma_wait3A_337 : memref<256xf32, #tpu.memory_space<vmem_shared>>) dst(%dma_wait3A_336 : memref<256xf32, #tpu.memory_space<vmem>>)
        %dma_wait3A_338 = arith.constant 2816 : i32
        %dma_wait3A_339 = tpu.memref_slice %arg10[%dma_wait3A_338] : memref<4096xf32, #tpu.memory_space<vmem>> -> memref<256xf32, #tpu.memory_space<vmem>>
        %dma_wait3A_340 = tpu.memref_slice %arg14[%add3A_226] : memref<32768xf32, #tpu.memory_space<vmem_shared>> -> memref<256xf32, #tpu.memory_space<vmem_shared>>
        %dma_wait3A_341 = arith.constant 2816 : i32
        %dma_wait3A_342 = tpu.memref_slice %arg10[%dma_wait3A_341] : memref<4096xf32, #tpu.memory_space<vmem>> -> memref<256xf32, #tpu.memory_space<vmem>>
        %dma_wait3A_343 = tpu.memref_slice %arg14[%add3A_226] : memref<32768xf32, #tpu.memory_space<vmem_shared>> -> memref<256xf32, #tpu.memory_space<vmem_shared>>
        tpu.wait_dma2 semaphore(%arg16 : memref<!tpu.dma_semaphore, #tpu.memory_space<semaphore_mem>>) src(%dma_wait3A_343 : memref<256xf32, #tpu.memory_space<vmem_shared>>) dst(%dma_wait3A_342 : memref<256xf32, #tpu.memory_space<vmem>>)
        %dma_wait3A_344 = arith.constant 3072 : i32
        %dma_wait3A_345 = tpu.memref_slice %arg10[%dma_wait3A_344] : memref<4096xf32, #tpu.memory_space<vmem>> -> memref<256xf32, #tpu.memory_space<vmem>>
        %dma_wait3A_346 = tpu.memref_slice %arg14[%add3A_236] : memref<32768xf32, #tpu.memory_space<vmem_shared>> -> memref<256xf32, #tpu.memory_space<vmem_shared>>
        %dma_wait3A_347 = arith.constant 3072 : i32
        %dma_wait3A_348 = tpu.memref_slice %arg10[%dma_wait3A_347] : memref<4096xf32, #tpu.memory_space<vmem>> -> memref<256xf32, #tpu.memory_space<vmem>>
        %dma_wait3A_349 = tpu.memref_slice %arg14[%add3A_236] : memref<32768xf32, #tpu.memory_space<vmem_shared>> -> memref<256xf32, #tpu.memory_space<vmem_shared>>
        tpu.wait_dma2 semaphore(%arg16 : memref<!tpu.dma_semaphore, #tpu.memory_space<semaphore_mem>>) src(%dma_wait3A_349 : memref<256xf32, #tpu.memory_space<vmem_shared>>) dst(%dma_wait3A_348 : memref<256xf32, #tpu.memory_space<vmem>>)
        %dma_wait3A_350 = arith.constant 3328 : i32
        %dma_wait3A_351 = tpu.memref_slice %arg10[%dma_wait3A_350] : memref<4096xf32, #tpu.memory_space<vmem>> -> memref<256xf32, #tpu.memory_space<vmem>>
        %dma_wait3A_352 = tpu.memref_slice %arg14[%add3A_246] : memref<32768xf32, #tpu.memory_space<vmem_shared>> -> memref<256xf32, #tpu.memory_space<vmem_shared>>
        %dma_wait3A_353 = arith.constant 3328 : i32
        %dma_wait3A_354 = tpu.memref_slice %arg10[%dma_wait3A_353] : memref<4096xf32, #tpu.memory_space<vmem>> -> memref<256xf32, #tpu.memory_space<vmem>>
        %dma_wait3A_355 = tpu.memref_slice %arg14[%add3A_246] : memref<32768xf32, #tpu.memory_space<vmem_shared>> -> memref<256xf32, #tpu.memory_space<vmem_shared>>
        tpu.wait_dma2 semaphore(%arg16 : memref<!tpu.dma_semaphore, #tpu.memory_space<semaphore_mem>>) src(%dma_wait3A_355 : memref<256xf32, #tpu.memory_space<vmem_shared>>) dst(%dma_wait3A_354 : memref<256xf32, #tpu.memory_space<vmem>>)
        %dma_wait3A_356 = arith.constant 3584 : i32
        %dma_wait3A_357 = tpu.memref_slice %arg10[%dma_wait3A_356] : memref<4096xf32, #tpu.memory_space<vmem>> -> memref<256xf32, #tpu.memory_space<vmem>>
        %dma_wait3A_358 = tpu.memref_slice %arg14[%add3A_256] : memref<32768xf32, #tpu.memory_space<vmem_shared>> -> memref<256xf32, #tpu.memory_space<vmem_shared>>
        %dma_wait3A_359 = arith.constant 3584 : i32
        %dma_wait3A_360 = tpu.memref_slice %arg10[%dma_wait3A_359] : memref<4096xf32, #tpu.memory_space<vmem>> -> memref<256xf32, #tpu.memory_space<vmem>>
        %dma_wait3A_361 = tpu.memref_slice %arg14[%add3A_256] : memref<32768xf32, #tpu.memory_space<vmem_shared>> -> memref<256xf32, #tpu.memory_space<vmem_shared>>
        tpu.wait_dma2 semaphore(%arg16 : memref<!tpu.dma_semaphore, #tpu.memory_space<semaphore_mem>>) src(%dma_wait3A_361 : memref<256xf32, #tpu.memory_space<vmem_shared>>) dst(%dma_wait3A_360 : memref<256xf32, #tpu.memory_space<vmem>>)
        %dma_wait3A_362 = arith.constant 3840 : i32
        %dma_wait3A_363 = tpu.memref_slice %arg10[%dma_wait3A_362] : memref<4096xf32, #tpu.memory_space<vmem>> -> memref<256xf32, #tpu.memory_space<vmem>>
        %dma_wait3A_364 = tpu.memref_slice %arg14[%add3A_266] : memref<32768xf32, #tpu.memory_space<vmem_shared>> -> memref<256xf32, #tpu.memory_space<vmem_shared>>
        %dma_wait3A_365 = arith.constant 3840 : i32
        %dma_wait3A_366 = tpu.memref_slice %arg10[%dma_wait3A_365] : memref<4096xf32, #tpu.memory_space<vmem>> -> memref<256xf32, #tpu.memory_space<vmem>>
        %dma_wait3A_367 = tpu.memref_slice %arg14[%add3A_266] : memref<32768xf32, #tpu.memory_space<vmem_shared>> -> memref<256xf32, #tpu.memory_space<vmem_shared>>
        tpu.wait_dma2 semaphore(%arg16 : memref<!tpu.dma_semaphore, #tpu.memory_space<semaphore_mem>>) src(%dma_wait3A_367 : memref<256xf32, #tpu.memory_space<vmem_shared>>) dst(%dma_wait3A_366 : memref<256xf32, #tpu.memory_space<vmem>>)
        %scan3A_368 = arith.constant 0 : i32
        %scan3A_369 = arith.constant 0 : i32
        %scan3A_370 = arith.constant 16 : i32
        %scan3A_371 = arith.addi %scan3A_369, %scan3A_370 : i32
        %scan3A_372 = arith.constant 1 : i32
        scf.for %scan3A_378 = %scan3A_369 to %scan3A_371 step %scan3A_372  : i32 {
          %mul3A_379 = arith.constant 16 : i32
          %mul3A_380 = arith.muli %scan3A_378, %mul3A_379 : i32
          %get3A_381 = arith.index_cast %mul3A_380 : i32 to index
          %get3A_382 = tpu.vector_load %arg10[%get3A_381] {strides = array<i32>} : memref<4096xf32, #tpu.memory_space<vmem>>, vector<16xf32>,
          %mul3A_383 = arith.constant 16 : i32
          %mul3A_384 = arith.muli %scan3A_378, %mul3A_383 : i32
          %add3A_385 = arith.constant 256 : i32
          %add3A_386 = arith.addi %add3A_385, %mul3A_384 : i32
          %get3A_387 = arith.index_cast %add3A_386 : i32 to index
          %get3A_388 = tpu.vector_load %arg10[%get3A_387] {strides = array<i32>} : memref<4096xf32, #tpu.memory_space<vmem>>, vector<16xf32>,
          %add3A_389 = arith.addf %get3A_382, %get3A_388 : vector<16xf32>
          %mul3A_390 = arith.constant 16 : i32
          %mul3A_391 = arith.muli %scan3A_378, %mul3A_390 : i32
          %add3A_392 = arith.constant 512 : i32
          %add3A_393 = arith.addi %add3A_392, %mul3A_391 : i32
          %get3A_394 = arith.index_cast %add3A_393 : i32 to index
          %get3A_395 = tpu.vector_load %arg10[%get3A_394] {strides = array<i32>} : memref<4096xf32, #tpu.memory_space<vmem>>, vector<16xf32>,
          %add3A_396 = arith.addf %add3A_389, %get3A_395 : vector<16xf32>
          %mul3A_397 = arith.constant 16 : i32
          %mul3A_398 = arith.muli %scan3A_378, %mul3A_397 : i32
          %add3A_399 = arith.constant 768 : i32
          %add3A_400 = arith.addi %add3A_399, %mul3A_398 : i32
          %get3A_401 = arith.index_cast %add3A_400 : i32 to index
          %get3A_402 = tpu.vector_load %arg10[%get3A_401] {strides = array<i32>} : memref<4096xf32, #tpu.memory_space<vmem>>, vector<16xf32>,
          %add3A_403 = arith.addf %add3A_396, %get3A_402 : vector<16xf32>
          %mul3A_404 = arith.constant 16 : i32
          %mul3A_405 = arith.muli %scan3A_378, %mul3A_404 : i32
          %add3A_406 = arith.constant 1024 : i32
          %add3A_407 = arith.addi %add3A_406, %mul3A_405 : i32
          %get3A_408 = arith.index_cast %add3A_407 : i32 to index
          %get3A_409 = tpu.vector_load %arg10[%get3A_408] {strides = array<i32>} : memref<4096xf32, #tpu.memory_space<vmem>>, vector<16xf32>,
          %add3A_410 = arith.addf %add3A_403, %get3A_409 : vector<16xf32>
          %mul3A_411 = arith.constant 16 : i32
          %mul3A_412 = arith.muli %scan3A_378, %mul3A_411 : i32
          %add3A_413 = arith.constant 1280 : i32
          %add3A_414 = arith.addi %add3A_413, %mul3A_412 : i32
          %get3A_415 = arith.index_cast %add3A_414 : i32 to index
          %get3A_416 = tpu.vector_load %arg10[%get3A_415] {strides = array<i32>} : memref<4096xf32, #tpu.memory_space<vmem>>, vector<16xf32>,
          %add3A_417 = arith.addf %add3A_410, %get3A_416 : vector<16xf32>
          %mul3A_418 = arith.constant 16 : i32
          %mul3A_419 = arith.muli %scan3A_378, %mul3A_418 : i32
          %add3A_420 = arith.constant 1536 : i32
          %add3A_421 = arith.addi %add3A_420, %mul3A_419 : i32
          %get3A_422 = arith.index_cast %add3A_421 : i32 to index
          %get3A_423 = tpu.vector_load %arg10[%get3A_422] {strides = array<i32>} : memref<4096xf32, #tpu.memory_space<vmem>>, vector<16xf32>,
          %add3A_424 = arith.addf %add3A_417, %get3A_423 : vector<16xf32>
          %mul3A_425 = arith.constant 16 : i32
          %mul3A_426 = arith.muli %scan3A_378, %mul3A_425 : i32
          %add3A_427 = arith.constant 1792 : i32
          %add3A_428 = arith.addi %add3A_427, %mul3A_426 : i32
          %get3A_429 = arith.index_cast %add3A_428 : i32 to index
          %get3A_430 = tpu.vector_load %arg10[%get3A_429] {strides = array<i32>} : memref<4096xf32, #tpu.memory_space<vmem>>, vector<16xf32>,
          %add3A_431 = arith.addf %add3A_424, %get3A_430 : vector<16xf32>
          %mul3A_432 = arith.constant 16 : i32
          %mul3A_433 = arith.muli %scan3A_378, %mul3A_432 : i32
          %add3A_434 = arith.constant 2048 : i32
          %add3A_435 = arith.addi %add3A_434, %mul3A_433 : i32
          %get3A_436 = arith.index_cast %add3A_435 : i32 to index
          %get3A_437 = tpu.vector_load %arg10[%get3A_436] {strides = array<i32>} : memref<4096xf32, #tpu.memory_space<vmem>>, vector<16xf32>,
          %add3A_438 = arith.addf %add3A_431, %get3A_437 : vector<16xf32>
          %mul3A_439 = arith.constant 16 : i32
          %mul3A_440 = arith.muli %scan3A_378, %mul3A_439 : i32
          %add3A_441 = arith.constant 2304 : i32
          %add3A_442 = arith.addi %add3A_441, %mul3A_440 : i32
          %get3A_443 = arith.index_cast %add3A_442 : i32 to index
          %get3A_444 = tpu.vector_load %arg10[%get3A_443] {strides = array<i32>} : memref<4096xf32, #tpu.memory_space<vmem>>, vector<16xf32>,
          %add3A_445 = arith.addf %add3A_438, %get3A_444 : vector<16xf32>
          %mul3A_446 = arith.constant 16 : i32
          %mul3A_447 = arith.muli %scan3A_378, %mul3A_446 : i32
          %add3A_448 = arith.constant 2560 : i32
          %add3A_449 = arith.addi %add3A_448, %mul3A_447 : i32
          %get3A_450 = arith.index_cast %add3A_449 : i32 to index
          %get3A_451 = tpu.vector_load %arg10[%get3A_450] {strides = array<i32>} : memref<4096xf32, #tpu.memory_space<vmem>>, vector<16xf32>,
          %add3A_452 = arith.addf %add3A_445, %get3A_451 : vector<16xf32>
          %mul3A_453 = arith.constant 16 : i32
          %mul3A_454 = arith.muli %scan3A_378, %mul3A_453 : i32
          %add3A_455 = arith.constant 2816 : i32
          %add3A_456 = arith.addi %add3A_455, %mul3A_454 : i32
          %get3A_457 = arith.index_cast %add3A_456 : i32 to index
          %get3A_458 = tpu.vector_load %arg10[%get3A_457] {strides = array<i32>} : memref<4096xf32, #tpu.memory_space<vmem>>, vector<16xf32>,
          %add3A_459 = arith.addf %add3A_452, %get3A_458 : vector<16xf32>
          %mul3A_460 = arith.constant 16 : i32
          %mul3A_461 = arith.muli %scan3A_378, %mul3A_460 : i32
          %add3A_462 = arith.constant 3072 : i32
          %add3A_463 = arith.addi %add3A_462, %mul3A_461 : i32
          %get3A_464 = arith.index_cast %add3A_463 : i32 to index
          %get3A_465 = tpu.vector_load %arg10[%get3A_464] {strides = array<i32>} : memref<4096xf32, #tpu.memory_space<vmem>>, vector<16xf32>,
          %add3A_466 = arith.addf %add3A_459, %get3A_465 : vector<16xf32>
          %mul3A_467 = arith.constant 16 : i32
          %mul3A_468 = arith.muli %scan3A_378, %mul3A_467 : i32
          %add3A_469 = arith.constant 3328 : i32
          %add3A_470 = arith.addi %add3A_469, %mul3A_468 : i32
          %get3A_471 = arith.index_cast %add3A_470 : i32 to index
          %get3A_472 = tpu.vector_load %arg10[%get3A_471] {strides = array<i32>} : memref<4096xf32, #tpu.memory_space<vmem>>, vector<16xf32>,
          %add3A_473 = arith.addf %add3A_466, %get3A_472 : vector<16xf32>
          %mul3A_474 = arith.constant 16 : i32
          %mul3A_475 = arith.muli %scan3A_378, %mul3A_474 : i32
          %add3A_476 = arith.constant 3584 : i32
          %add3A_477 = arith.addi %add3A_476, %mul3A_475 : i32
          %get3A_478 = arith.index_cast %add3A_477 : i32 to index
          %get3A_479 = tpu.vector_load %arg10[%get3A_478] {strides = array<i32>} : memref<4096xf32, #tpu.memory_space<vmem>>, vector<16xf32>,
          %add3A_480 = arith.addf %add3A_473, %get3A_479 : vector<16xf32>
          %mul3A_481 = arith.constant 16 : i32
          %mul3A_482 = arith.muli %scan3A_378, %mul3A_481 : i32
          %add3A_483 = arith.constant 3840 : i32
          %add3A_484 = arith.addi %add3A_483, %mul3A_482 : i32
          %get3A_485 = arith.index_cast %add3A_484 : i32 to index
          %get3A_486 = tpu.vector_load %arg10[%get3A_485] {strides = array<i32>} : memref<4096xf32, #tpu.memory_space<vmem>>, vector<16xf32>,
          %add3A_487 = arith.addf %add3A_480, %get3A_486 : vector<16xf32>
          %xor3A = arith.constant 8 : i32
          %xor3A_488 = vector.broadcast %xor3A : i32 to vector<16xi32>
          %xor3A_489 = arith.xori %iota3A, %xor3A_488 : vector<16xi32>
          %lt3A_490 = arith.constant 0 : i32
          %lt3A_491 = vector.broadcast %lt3A_490 : i32 to vector<16xi32>
          %lt3A_492 = arith.cmpi slt, %xor3A_489, %lt3A_491 : vector<16xi32>
          %add3A_493 = arith.constant 16 : i32
          %add3A_494 = vector.broadcast %add3A_493 : i32 to vector<16xi32>
          %add3A_495 = arith.addi %xor3A_489, %add3A_494 : vector<16xi32>
          %select_n3A = arith.select %lt3A_492, %add3A_495, %xor3A_489 : vector<16xi1>, vector<16xi32>
          %broadcast_in_dim3A = vector.shape_cast %select_n3A : vector<16xi32> to vector<16x1xi32>
          %gather3A_496 = vector.shape_cast %broadcast_in_dim3A : vector<16x1xi32> to vector<16xi32>
          %gather3A_497 = tpu.dynamic_gather %add3A_487[%gather3A_496] in [0] : vector<16xf32>, vector<16xi32> -> vector<16xf32>
          %add3A_498 = arith.addf %add3A_487, %gather3A_497 : vector<16xf32>
          %xor3A_499 = arith.constant 4 : i32
          %xor3A_500 = vector.broadcast %xor3A_499 : i32 to vector<16xi32>
          %xor3A_501 = arith.xori %iota3A, %xor3A_500 : vector<16xi32>
          %lt3A_502 = arith.constant 0 : i32
          %lt3A_503 = vector.broadcast %lt3A_502 : i32 to vector<16xi32>
          %lt3A_504 = arith.cmpi slt, %xor3A_501, %lt3A_503 : vector<16xi32>
          %add3A_505 = arith.constant 16 : i32
          %add3A_506 = vector.broadcast %add3A_505 : i32 to vector<16xi32>
          %add3A_507 = arith.addi %xor3A_501, %add3A_506 : vector<16xi32>
          %select_n3A_508 = arith.select %lt3A_504, %add3A_507, %xor3A_501 : vector<16xi1>, vector<16xi32>
          %broadcast_in_dim3A_509 = vector.shape_cast %select_n3A_508 : vector<16xi32> to vector<16x1xi32>
          %gather3A_510 = vector.shape_cast %broadcast_in_dim3A_509 : vector<16x1xi32> to vector<16xi32>
          %gather3A_511 = tpu.dynamic_gather %add3A_498[%gather3A_510] in [0] : vector<16xf32>, vector<16xi32> -> vector<16xf32>
          %add3A_512 = arith.addf %add3A_498, %gather3A_511 : vector<16xf32>
          %xor3A_513 = arith.constant 2 : i32
          %xor3A_514 = vector.broadcast %xor3A_513 : i32 to vector<16xi32>
          %xor3A_515 = arith.xori %iota3A, %xor3A_514 : vector<16xi32>
          %lt3A_516 = arith.constant 0 : i32
          %lt3A_517 = vector.broadcast %lt3A_516 : i32 to vector<16xi32>
          %lt3A_518 = arith.cmpi slt, %xor3A_515, %lt3A_517 : vector<16xi32>
          %add3A_519 = arith.constant 16 : i32
          %add3A_520 = vector.broadcast %add3A_519 : i32 to vector<16xi32>
          %add3A_521 = arith.addi %xor3A_515, %add3A_520 : vector<16xi32>
          %select_n3A_522 = arith.select %lt3A_518, %add3A_521, %xor3A_515 : vector<16xi1>, vector<16xi32>
          %broadcast_in_dim3A_523 = vector.shape_cast %select_n3A_522 : vector<16xi32> to vector<16x1xi32>
          %gather3A_524 = vector.shape_cast %broadcast_in_dim3A_523 : vector<16x1xi32> to vector<16xi32>
          %gather3A_525 = tpu.dynamic_gather %add3A_512[%gather3A_524] in [0] : vector<16xf32>, vector<16xi32> -> vector<16xf32>
          %add3A_526 = arith.addf %add3A_512, %gather3A_525 : vector<16xf32>
          %xor3A_527 = arith.constant 1 : i32
          %xor3A_528 = vector.broadcast %xor3A_527 : i32 to vector<16xi32>
          %xor3A_529 = arith.xori %iota3A, %xor3A_528 : vector<16xi32>
          %lt3A_530 = arith.constant 0 : i32
          %lt3A_531 = vector.broadcast %lt3A_530 : i32 to vector<16xi32>
          %lt3A_532 = arith.cmpi slt, %xor3A_529, %lt3A_531 : vector<16xi32>
          %add3A_533 = arith.constant 16 : i32
          %add3A_534 = vector.broadcast %add3A_533 : i32 to vector<16xi32>
          %add3A_535 = arith.addi %xor3A_529, %add3A_534 : vector<16xi32>
          %select_n3A_536 = arith.select %lt3A_532, %add3A_535, %xor3A_529 : vector<16xi1>, vector<16xi32>
          %broadcast_in_dim3A_537 = vector.shape_cast %select_n3A_536 : vector<16xi32> to vector<16x1xi32>
          %gather3A_538 = vector.shape_cast %broadcast_in_dim3A_537 : vector<16x1xi32> to vector<16xi32>
          %gather3A_539 = tpu.dynamic_gather %add3A_526[%gather3A_538] in [0] : vector<16xf32>, vector<16xi32> -> vector<16xf32>
          %add3A_540 = arith.addf %add3A_526, %gather3A_539 : vector<16xf32>
          %broadcast_in_dim3A_541 = arith.constant 16 : i32
          %broadcast_in_dim3A_542 = vector.broadcast %broadcast_in_dim3A_541 : i32 to vector<16xi32>
          %mul3A_543 = vector.broadcast %arg1 : i32 to vector<16xi32>
          %mul3A_544 = arith.muli %broadcast_in_dim3A_542, %mul3A_543 : vector<16xi32>
          %add3A_545 = vector.broadcast %scan3A_378 : i32 to vector<16xi32>
          %add3A_546 = arith.addi %mul3A_544, %add3A_545 : vector<16xi32>
          %eq3A_547 = arith.constant 0 : i32
          %eq3A_548 = vector.broadcast %eq3A_547 : i32 to vector<16xi32>
          %eq3A_549 = arith.cmpi eq, %iota3A, %eq3A_548 : vector<16xi32>
          tpu.vector_store_idx %arg11[%add3A_546], %add3A_540 masked %eq3A_549 : memref<128xf32, #tpu.memory_space<vmem>>[vector<16xi32>], vector<16xf32>, vector<16xi1>
        }
        %scan3A_373 = arith.constant 16 : i32
        %mul3A_374 = arith.constant 16 : i32
        %mul3A_375 = arith.muli %arg1, %mul3A_374 : i32
        %mul3A_376 = arith.constant 16 : i32
        %mul3A_377 = arith.muli %arg1, %mul3A_376 : i32
        "tpu.region"() ({
          %run_scoped3A = tpu.sem_alloc : memref<!tpu.dma_semaphore, #tpu.memory_space<semaphore_mem>>
          %dma_start3A_378 = tpu.memref_slice %arg11[%mul3A_375] : memref<128xf32, #tpu.memory_space<vmem>> -> memref<16xf32, #tpu.memory_space<vmem>>
          %dma_start3A_379 = tpu.memref_slice %arg15[%mul3A_377] : memref<128xf32, #tpu.memory_space<vmem_shared>> -> memref<16xf32, #tpu.memory_space<vmem_shared>>
          %dma_start3A_380 = tpu.memref_slice %arg15[%mul3A_377] : memref<128xf32, #tpu.memory_space<vmem_shared>> -> memref<16xf32, #tpu.memory_space<vmem_shared>>
          %dma_start3A_381 = tpu.memref_slice %arg11[%mul3A_375] : memref<128xf32, #tpu.memory_space<vmem>> -> memref<16xf32, #tpu.memory_space<vmem>>
          tpu.enqueue_dma source(%dma_start3A_381 : memref<16xf32, #tpu.memory_space<vmem>>) target(%dma_start3A_380 : memref<16xf32, #tpu.memory_space<vmem_shared>>) target_semaphore(%run_scoped3A : memref<!tpu.dma_semaphore, #tpu.memory_space<semaphore_mem>>)
          %dma_wait3A_382 = tpu.memref_slice %arg11[%mul3A_375] : memref<128xf32, #tpu.memory_space<vmem>> -> memref<16xf32, #tpu.memory_space<vmem>>
          %dma_wait3A_383 = tpu.memref_slice %arg15[%mul3A_377] : memref<128xf32, #tpu.memory_space<vmem_shared>> -> memref<16xf32, #tpu.memory_space<vmem_shared>>
          %dma_wait3A_384 = tpu.memref_slice %arg15[%mul3A_377] : memref<128xf32, #tpu.memory_space<vmem_shared>> -> memref<16xf32, #tpu.memory_space<vmem_shared>>
          %dma_wait3A_385 = tpu.memref_slice %arg11[%mul3A_375] : memref<128xf32, #tpu.memory_space<vmem>> -> memref<16xf32, #tpu.memory_space<vmem>>
          tpu.wait_dma2 semaphore(%run_scoped3A : memref<!tpu.dma_semaphore, #tpu.memory_space<semaphore_mem>>) src(%dma_wait3A_385 : memref<16xf32, #tpu.memory_space<vmem>>) dst(%dma_wait3A_384 : memref<16xf32, #tpu.memory_space<vmem_shared>>)
          tpu.yield
        }) : () -> ()
      } else {
      }
      %barrier3A_107 = arith.constant 0 : index
      tpu.barrier barrier_id(%barrier3A_107)
      %eq3A_108 = arith.constant 0 : i32
      %eq3A_109 = arith.cmpi eq, %arg1, %eq3A_108 : i32
      %convert_element_type3A_110 = arith.extui %eq3A_109 : i1 to i32
      %cond3A_111 = arith.constant 0 : i32
      %cond3A_112 = arith.cmpi ne, %convert_element_type3A_110, %cond3A_111 : i32
      scf.if %cond3A_112 {
        "tpu.region"() ({
          %run_scoped3A = tpu.sem_alloc : memref<!tpu.dma_semaphore, #tpu.memory_space<semaphore_mem>>
          %dma_start3A = arith.constant 0 : i32
          %dma_start3A_207 = tpu.memref_slice %arg5[%arg0, %dma_start3A] : memref<2x128xf32, #tpu.memory_space<hbm>> -> memref<1x128xf32, #tpu.memory_space<hbm>>
          %dma_start3A_208 = tpu.memref_squeeze %dma_start3A_207 : memref<1x128xf32, #tpu.memory_space<hbm>> -> memref<128xf32, #tpu.memory_space<hbm>>
          tpu.enqueue_dma source(%arg15 : memref<128xf32, #tpu.memory_space<vmem_shared>>) target(%dma_start3A_208 : memref<128xf32, #tpu.memory_space<hbm>>) target_semaphore(%run_scoped3A : memref<!tpu.dma_semaphore, #tpu.memory_space<semaphore_mem>>)
          %dma_wait3A = arith.constant 0 : i32
          %dma_wait3A_209 = tpu.memref_slice %arg5[%arg0, %dma_wait3A] : memref<2x128xf32, #tpu.memory_space<hbm>> -> memref<1x128xf32, #tpu.memory_space<hbm>>
          %dma_wait3A_210 = tpu.memref_squeeze %dma_wait3A_209 : memref<1x128xf32, #tpu.memory_space<hbm>> -> memref<128xf32, #tpu.memory_space<hbm>>
          tpu.wait_dma2 semaphore(%run_scoped3A : memref<!tpu.dma_semaphore, #tpu.memory_space<semaphore_mem>>) src(%arg15 : memref<128xf32, #tpu.memory_space<vmem_shared>>) dst(%dma_wait3A_210 : memref<128xf32, #tpu.memory_space<hbm>>)
          tpu.yield
        }) : () -> ()
        %add3A_114 = arith.constant 1 : i32
        %add3A_115 = arith.addi %scan3A_73, %add3A_114 : i32
        %broadcast_in_dim3A = vector.broadcast %add3A_115 : i32 to vector<16xi32>
        %swap3A_116 = arith.constant 0 : index
        %swap3A_117 = tpu.vector_load %arg12[%swap3A_116] {strides = array<i32>} : memref<16xi32, #tpu.memory_space<vmem>>, vector<16xi32>,
        tpu.vector_store %arg12[%swap3A_116], %broadcast_in_dim3A {strides = array<i32>} : memref<16xi32, #tpu.memory_space<vmem>>, vector<16xi32>,
        "tpu.region"() ({
          %run_scoped3A = tpu.sem_alloc : memref<!tpu.dma_semaphore, #tpu.memory_space<semaphore_mem>>
          %dma_start3A = arith.constant 0 : i32
          %dma_start3A_207 = tpu.memref_slice %arg6[%arg0, %dma_start3A] : memref<2x16xi32, #tpu.memory_space<hbm>> -> memref<1x16xi32, #tpu.memory_space<hbm>>
          %dma_start3A_208 = tpu.memref_squeeze %dma_start3A_207 : memref<1x16xi32, #tpu.memory_space<hbm>> -> memref<16xi32, #tpu.memory_space<hbm>>
          %dma_start3A_209 = arith.constant 0 : i32
          %dma_start3A_210 = tpu.memref_slice %arg6[%arg0, %dma_start3A_209] : memref<2x16xi32, #tpu.memory_space<hbm>> -> memref<1x16xi32, #tpu.memory_space<hbm>>
          %dma_start3A_211 = tpu.memref_squeeze %dma_start3A_210 : memref<1x16xi32, #tpu.memory_space<hbm>> -> memref<16xi32, #tpu.memory_space<hbm>>
          tpu.enqueue_dma source(%arg12 : memref<16xi32, #tpu.memory_space<vmem>>) target(%dma_start3A_211 : memref<16xi32, #tpu.memory_space<hbm>>) target_semaphore(%run_scoped3A : memref<!tpu.dma_semaphore, #tpu.memory_space<semaphore_mem>>)
          %dma_wait3A = arith.constant 0 : i32
          %dma_wait3A_212 = tpu.memref_slice %arg6[%arg0, %dma_wait3A] : memref<2x16xi32, #tpu.memory_space<hbm>> -> memref<1x16xi32, #tpu.memory_space<hbm>>
          %dma_wait3A_213 = tpu.memref_squeeze %dma_wait3A_212 : memref<1x16xi32, #tpu.memory_space<hbm>> -> memref<16xi32, #tpu.memory_space<hbm>>
          %dma_wait3A_214 = arith.constant 0 : i32
          %dma_wait3A_215 = tpu.memref_slice %arg6[%arg0, %dma_wait3A_214] : memref<2x16xi32, #tpu.memory_space<hbm>> -> memref<1x16xi32, #tpu.memory_space<hbm>>
          %dma_wait3A_216 = tpu.memref_squeeze %dma_wait3A_215 : memref<1x16xi32, #tpu.memory_space<hbm>> -> memref<16xi32, #tpu.memory_space<hbm>>
          tpu.wait_dma2 semaphore(%run_scoped3A : memref<!tpu.dma_semaphore, #tpu.memory_space<semaphore_mem>>) src(%arg12 : memref<16xi32, #tpu.memory_space<vmem>>) dst(%dma_wait3A_216 : memref<16xi32, #tpu.memory_space<hbm>>)
          tpu.yield
        }) : () -> ()
        %while3A = arith.constant -1 : i32
        %while3A_118 = scf.while (%while3A_207 = %while3A) : (i32) -> i32 {
          %add3A_208 = arith.constant 1 : i32
          %add3A_209 = arith.addi %scan3A_73, %add3A_208 : i32
          %lt3A_210 = arith.cmpi slt, %while3A_207, %add3A_209 : i32
          scf.condition(%lt3A_210) %while3A_207 : i32
        } do {
        ^bb0(%while3A_207: i32):
          %sub3A = arith.constant 1 : i32
          %sub3A_208 = arith.subi %sub3A, %arg0 : i32
          "tpu.region"() ({
            %run_scoped3A = tpu.sem_alloc : memref<!tpu.dma_semaphore, #tpu.memory_space<semaphore_mem>>
            %dma_start3A = arith.constant 0 : i32
            %dma_start3A_211 = tpu.memref_slice %arg6[%sub3A_208, %dma_start3A] : memref<2x16xi32, #tpu.memory_space<hbm>> -> memref<1x16xi32, #tpu.memory_space<hbm>>
            %dma_start3A_212 = tpu.memref_squeeze %dma_start3A_211 : memref<1x16xi32, #tpu.memory_space<hbm>> -> memref<16xi32, #tpu.memory_space<hbm>>
            %dma_start3A_213 = arith.constant 0 : i32
            %dma_start3A_214 = tpu.memref_slice %arg6[%sub3A_208, %dma_start3A_213] : memref<2x16xi32, #tpu.memory_space<hbm>> -> memref<1x16xi32, #tpu.memory_space<hbm>>
            %dma_start3A_215 = tpu.memref_squeeze %dma_start3A_214 : memref<1x16xi32, #tpu.memory_space<hbm>> -> memref<16xi32, #tpu.memory_space<hbm>>
            tpu.enqueue_dma source(%dma_start3A_215 : memref<16xi32, #tpu.memory_space<hbm>>) target(%arg12 : memref<16xi32, #tpu.memory_space<vmem>>) target_semaphore(%run_scoped3A : memref<!tpu.dma_semaphore, #tpu.memory_space<semaphore_mem>>)
            %dma_wait3A = arith.constant 0 : i32
            %dma_wait3A_216 = tpu.memref_slice %arg6[%sub3A_208, %dma_wait3A] : memref<2x16xi32, #tpu.memory_space<hbm>> -> memref<1x16xi32, #tpu.memory_space<hbm>>
            %dma_wait3A_217 = tpu.memref_squeeze %dma_wait3A_216 : memref<1x16xi32, #tpu.memory_space<hbm>> -> memref<16xi32, #tpu.memory_space<hbm>>
            %dma_wait3A_218 = arith.constant 0 : i32
            %dma_wait3A_219 = tpu.memref_slice %arg6[%sub3A_208, %dma_wait3A_218] : memref<2x16xi32, #tpu.memory_space<hbm>> -> memref<1x16xi32, #tpu.memory_space<hbm>>
            %dma_wait3A_220 = tpu.memref_squeeze %dma_wait3A_219 : memref<1x16xi32, #tpu.memory_space<hbm>> -> memref<16xi32, #tpu.memory_space<hbm>>
            tpu.wait_dma2 semaphore(%run_scoped3A : memref<!tpu.dma_semaphore, #tpu.memory_space<semaphore_mem>>) src(%dma_wait3A_220 : memref<16xi32, #tpu.memory_space<hbm>>) dst(%arg12 : memref<16xi32, #tpu.memory_space<vmem>>)
            tpu.yield
          }) : () -> ()
          %get3A_209 = arith.constant 0 : index
          %get3A_210 = tpu.vector_load %arg12[%get3A_209] {strides = array<i32>} : memref<16xi32, #tpu.memory_space<vmem>>, vector<16xi32>,
          %slice3A = vector.extract_strided_slice %get3A_210 {offsets = [0], sizes = [1], strides = [1]} : vector<16xi32> to vector<1xi32>
          %squeeze3A = vector.extract %slice3A[0] : i32 from vector<1xi32>
          scf.yield %squeeze3A : i32
        }
        "tpu.region"() ({
          %run_scoped3A = tpu.sem_alloc : memref<!tpu.dma_semaphore, #tpu.memory_space<semaphore_mem>>
          tpu.enqueue_dma source(%arg5 : memref<2x128xf32, #tpu.memory_space<hbm>>) target(%arg13 : memref<2x128xf32, #tpu.memory_space<vmem>>) target_semaphore(%run_scoped3A : memref<!tpu.dma_semaphore, #tpu.memory_space<semaphore_mem>>)
          tpu.wait_dma2 semaphore(%run_scoped3A : memref<!tpu.dma_semaphore, #tpu.memory_space<semaphore_mem>>) src(%arg5 : memref<2x128xf32, #tpu.memory_space<hbm>>) dst(%arg13 : memref<2x128xf32, #tpu.memory_space<vmem>>)
          tpu.yield
        }) : () -> ()
        %get3A_119 = arith.constant 0 : i32
        %get3A_120 = arith.index_cast %get3A_119 : i32 to index
        %get3A_121 = arith.constant 0 : index
        %get3A_122 = tpu.vector_load %arg13[%get3A_120, %get3A_121] {strides = array<i32>} : memref<2x128xf32, #tpu.memory_space<vmem>>, vector<16xf32>,
        %get3A_123 = arith.constant 1 : i32
        %get3A_124 = arith.index_cast %get3A_123 : i32 to index
        %get3A_125 = arith.constant 0 : index
        %get3A_126 = tpu.vector_load %arg13[%get3A_124, %get3A_125] {strides = array<i32>} : memref<2x128xf32, #tpu.memory_space<vmem>>, vector<16xf32>,
        %add3A_127 = arith.addf %get3A_122, %get3A_126 : vector<16xf32>
        %swap3A_128 = arith.constant 0 : index
        %swap3A_129 = tpu.vector_load %arg11[%swap3A_128] {strides = array<i32>} : memref<128xf32, #tpu.memory_space<vmem>>, vector<16xf32>,
        tpu.vector_store %arg11[%swap3A_128], %add3A_127 {strides = array<i32>} : memref<128xf32, #tpu.memory_space<vmem>>, vector<16xf32>,
        %get3A_130 = arith.constant 0 : i32
        %get3A_131 = arith.index_cast %get3A_130 : i32 to index
        %get3A_132 = arith.constant 16 : index
        %get3A_133 = tpu.vector_load %arg13[%get3A_131, %get3A_132] {strides = array<i32>} : memref<2x128xf32, #tpu.memory_space<vmem>>, vector<16xf32>,
        %get3A_134 = arith.constant 1 : i32
        %get3A_135 = arith.index_cast %get3A_134 : i32 to index
        %get3A_136 = arith.constant 16 : index
        %get3A_137 = tpu.vector_load %arg13[%get3A_135, %get3A_136] {strides = array<i32>} : memref<2x128xf32, #tpu.memory_space<vmem>>, vector<16xf32>,
        %add3A_138 = arith.addf %get3A_133, %get3A_137 : vector<16xf32>
        %swap3A_139 = arith.constant 16 : index
        %swap3A_140 = tpu.vector_load %arg11[%swap3A_139] {strides = array<i32>} : memref<128xf32, #tpu.memory_space<vmem>>, vector<16xf32>,
        tpu.vector_store %arg11[%swap3A_139], %add3A_138 {strides = array<i32>} : memref<128xf32, #tpu.memory_space<vmem>>, vector<16xf32>,
        %get3A_141 = arith.constant 0 : i32
        %get3A_142 = arith.index_cast %get3A_141 : i32 to index
        %get3A_143 = arith.constant 32 : index
        %get3A_144 = tpu.vector_load %arg13[%get3A_142, %get3A_143] {strides = array<i32>} : memref<2x128xf32, #tpu.memory_space<vmem>>, vector<16xf32>,
        %get3A_145 = arith.constant 1 : i32
        %get3A_146 = arith.index_cast %get3A_145 : i32 to index
        %get3A_147 = arith.constant 32 : index
        %get3A_148 = tpu.vector_load %arg13[%get3A_146, %get3A_147] {strides = array<i32>} : memref<2x128xf32, #tpu.memory_space<vmem>>, vector<16xf32>,
        %add3A_149 = arith.addf %get3A_144, %get3A_148 : vector<16xf32>
        %swap3A_150 = arith.constant 32 : index
        %swap3A_151 = tpu.vector_load %arg11[%swap3A_150] {strides = array<i32>} : memref<128xf32, #tpu.memory_space<vmem>>, vector<16xf32>,
        tpu.vector_store %arg11[%swap3A_150], %add3A_149 {strides = array<i32>} : memref<128xf32, #tpu.memory_space<vmem>>, vector<16xf32>,
        %get3A_152 = arith.constant 0 : i32
        %get3A_153 = arith.index_cast %get3A_152 : i32 to index
        %get3A_154 = arith.constant 48 : index
        %get3A_155 = tpu.vector_load %arg13[%get3A_153, %get3A_154] {strides = array<i32>} : memref<2x128xf32, #tpu.memory_space<vmem>>, vector<16xf32>,
        %get3A_156 = arith.constant 1 : i32
        %get3A_157 = arith.index_cast %get3A_156 : i32 to index
        %get3A_158 = arith.constant 48 : index
        %get3A_159 = tpu.vector_load %arg13[%get3A_157, %get3A_158] {strides = array<i32>} : memref<2x128xf32, #tpu.memory_space<vmem>>, vector<16xf32>,
        %add3A_160 = arith.addf %get3A_155, %get3A_159 : vector<16xf32>
        %swap3A_161 = arith.constant 48 : index
        %swap3A_162 = tpu.vector_load %arg11[%swap3A_161] {strides = array<i32>} : memref<128xf32, #tpu.memory_space<vmem>>, vector<16xf32>,
        tpu.vector_store %arg11[%swap3A_161], %add3A_160 {strides = array<i32>} : memref<128xf32, #tpu.memory_space<vmem>>, vector<16xf32>,
        %get3A_163 = arith.constant 0 : i32
        %get3A_164 = arith.index_cast %get3A_163 : i32 to index
        %get3A_165 = arith.constant 64 : index
        %get3A_166 = tpu.vector_load %arg13[%get3A_164, %get3A_165] {strides = array<i32>} : memref<2x128xf32, #tpu.memory_space<vmem>>, vector<16xf32>,
        %get3A_167 = arith.constant 1 : i32
        %get3A_168 = arith.index_cast %get3A_167 : i32 to index
        %get3A_169 = arith.constant 64 : index
        %get3A_170 = tpu.vector_load %arg13[%get3A_168, %get3A_169] {strides = array<i32>} : memref<2x128xf32, #tpu.memory_space<vmem>>, vector<16xf32>,
        %add3A_171 = arith.addf %get3A_166, %get3A_170 : vector<16xf32>
        %swap3A_172 = arith.constant 64 : index
        %swap3A_173 = tpu.vector_load %arg11[%swap3A_172] {strides = array<i32>} : memref<128xf32, #tpu.memory_space<vmem>>, vector<16xf32>,
        tpu.vector_store %arg11[%swap3A_172], %add3A_171 {strides = array<i32>} : memref<128xf32, #tpu.memory_space<vmem>>, vector<16xf32>,
        %get3A_174 = arith.constant 0 : i32
        %get3A_175 = arith.index_cast %get3A_174 : i32 to index
        %get3A_176 = arith.constant 80 : index
        %get3A_177 = tpu.vector_load %arg13[%get3A_175, %get3A_176] {strides = array<i32>} : memref<2x128xf32, #tpu.memory_space<vmem>>, vector<16xf32>,
        %get3A_178 = arith.constant 1 : i32
        %get3A_179 = arith.index_cast %get3A_178 : i32 to index
        %get3A_180 = arith.constant 80 : index
        %get3A_181 = tpu.vector_load %arg13[%get3A_179, %get3A_180] {strides = array<i32>} : memref<2x128xf32, #tpu.memory_space<vmem>>, vector<16xf32>,
        %add3A_182 = arith.addf %get3A_177, %get3A_181 : vector<16xf32>
        %swap3A_183 = arith.constant 80 : index
        %swap3A_184 = tpu.vector_load %arg11[%swap3A_183] {strides = array<i32>} : memref<128xf32, #tpu.memory_space<vmem>>, vector<16xf32>,
        tpu.vector_store %arg11[%swap3A_183], %add3A_182 {strides = array<i32>} : memref<128xf32, #tpu.memory_space<vmem>>, vector<16xf32>,
        %get3A_185 = arith.constant 0 : i32
        %get3A_186 = arith.index_cast %get3A_185 : i32 to index
        %get3A_187 = arith.constant 96 : index
        %get3A_188 = tpu.vector_load %arg13[%get3A_186, %get3A_187] {strides = array<i32>} : memref<2x128xf32, #tpu.memory_space<vmem>>, vector<16xf32>,
        %get3A_189 = arith.constant 1 : i32
        %get3A_190 = arith.index_cast %get3A_189 : i32 to index
        %get3A_191 = arith.constant 96 : index
        %get3A_192 = tpu.vector_load %arg13[%get3A_190, %get3A_191] {strides = array<i32>} : memref<2x128xf32, #tpu.memory_space<vmem>>, vector<16xf32>,
        %add3A_193 = arith.addf %get3A_188, %get3A_192 : vector<16xf32>
        %swap3A_194 = arith.constant 96 : index
        %swap3A_195 = tpu.vector_load %arg11[%swap3A_194] {strides = array<i32>} : memref<128xf32, #tpu.memory_space<vmem>>, vector<16xf32>,
        tpu.vector_store %arg11[%swap3A_194], %add3A_193 {strides = array<i32>} : memref<128xf32, #tpu.memory_space<vmem>>, vector<16xf32>,
        %get3A_196 = arith.constant 0 : i32
        %get3A_197 = arith.index_cast %get3A_196 : i32 to index
        %get3A_198 = arith.constant 112 : index
        %get3A_199 = tpu.vector_load %arg13[%get3A_197, %get3A_198] {strides = array<i32>} : memref<2x128xf32, #tpu.memory_space<vmem>>, vector<16xf32>,
        %get3A_200 = arith.constant 1 : i32
        %get3A_201 = arith.index_cast %get3A_200 : i32 to index
        %get3A_202 = arith.constant 112 : index
        %get3A_203 = tpu.vector_load %arg13[%get3A_201, %get3A_202] {strides = array<i32>} : memref<2x128xf32, #tpu.memory_space<vmem>>, vector<16xf32>,
        %add3A_204 = arith.addf %get3A_199, %get3A_203 : vector<16xf32>
        %swap3A_205 = arith.constant 112 : index
        %swap3A_206 = tpu.vector_load %arg11[%swap3A_205] {strides = array<i32>} : memref<128xf32, #tpu.memory_space<vmem>>, vector<16xf32>,
        tpu.vector_store %arg11[%swap3A_205], %add3A_204 {strides = array<i32>} : memref<128xf32, #tpu.memory_space<vmem>>, vector<16xf32>,
        "tpu.region"() ({
          %run_scoped3A = tpu.sem_alloc : memref<!tpu.dma_semaphore, #tpu.memory_space<semaphore_mem>>
          tpu.enqueue_dma source(%arg11 : memref<128xf32, #tpu.memory_space<vmem>>) target(%arg15 : memref<128xf32, #tpu.memory_space<vmem_shared>>) target_semaphore(%run_scoped3A : memref<!tpu.dma_semaphore, #tpu.memory_space<semaphore_mem>>)
          tpu.wait_dma2 semaphore(%run_scoped3A : memref<!tpu.dma_semaphore, #tpu.memory_space<semaphore_mem>>) src(%arg11 : memref<128xf32, #tpu.memory_space<vmem>>) dst(%arg15 : memref<128xf32, #tpu.memory_space<vmem_shared>>)
          tpu.yield
        }) : () -> ()
      } else {
      }
      %barrier3A_113 = arith.constant 0 : index
      tpu.barrier barrier_id(%barrier3A_113)
      "tpu.region"() ({
        %run_scoped3A = tpu.sem_alloc : memref<!tpu.dma_semaphore, #tpu.memory_space<semaphore_mem>>
        tpu.enqueue_dma source(%arg15 : memref<128xf32, #tpu.memory_space<vmem_shared>>) target(%arg8 : memref<128xf32, #tpu.memory_space<vmem>>) target_semaphore(%run_scoped3A : memref<!tpu.dma_semaphore, #tpu.memory_space<semaphore_mem>>)
        tpu.wait_dma2 semaphore(%run_scoped3A : memref<!tpu.dma_semaphore, #tpu.memory_space<semaphore_mem>>) src(%arg15 : memref<128xf32, #tpu.memory_space<vmem_shared>>) dst(%arg8 : memref<128xf32, #tpu.memory_space<vmem>>)
        tpu.yield
      }) : () -> ()
    }
    %scan3A_67 = arith.constant 5 : i32
    %eq3A_68 = arith.constant 0 : i32
    %eq3A_69 = arith.cmpi eq, %add3A, %eq3A_68 : i32
    %convert_element_type3A_70 = arith.extui %eq3A_69 : i1 to i32
    %cond3A_71 = arith.constant 0 : i32
    %cond3A_72 = arith.cmpi ne, %convert_element_type3A_70, %cond3A_71 : i32
    scf.if %cond3A_72 {
      %add3A_73 = arith.constant 0 : i32
      %add3A_74 = vector.broadcast %add3A_73 : i32 to vector<16xi32>
      %add3A_75 = arith.addi %iota3A, %add3A_74 : vector<16xi32>
      %mul3A_76 = arith.constant 2 : i32
      %mul3A_77 = vector.broadcast %mul3A_76 : i32 to vector<16xi32>
      %mul3A_78 = arith.muli %add3A_75, %mul3A_77 : vector<16xi32>
      %get3A = arith.constant 0 : index
      %get3A_79 = tpu.vector_load %arg8[%get3A] {strides = array<i32>} : memref<128xf32, #tpu.memory_space<vmem>>, vector<16xf32>,
      tpu.vector_store_idx %arg11[%mul3A_78], %get3A_79 : memref<128xf32, #tpu.memory_space<vmem>>[vector<16xi32>], vector<16xf32>,
      %add3A_80 = arith.constant 1 : i32
      %add3A_81 = vector.broadcast %add3A_80 : i32 to vector<16xi32>
      %add3A_82 = arith.addi %mul3A_78, %add3A_81 : vector<16xi32>
      %get3A_83 = arith.constant 64 : index
      %get3A_84 = tpu.vector_load %arg8[%get3A_83] {strides = array<i32>} : memref<128xf32, #tpu.memory_space<vmem>>, vector<16xf32>,
      tpu.vector_store_idx %arg11[%add3A_82], %get3A_84 : memref<128xf32, #tpu.memory_space<vmem>>[vector<16xi32>], vector<16xf32>,
      %add3A_85 = arith.constant 16 : i32
      %add3A_86 = vector.broadcast %add3A_85 : i32 to vector<16xi32>
      %add3A_87 = arith.addi %iota3A, %add3A_86 : vector<16xi32>
      %mul3A_88 = arith.constant 2 : i32
      %mul3A_89 = vector.broadcast %mul3A_88 : i32 to vector<16xi32>
      %mul3A_90 = arith.muli %add3A_87, %mul3A_89 : vector<16xi32>
      %get3A_91 = arith.constant 16 : index
      %get3A_92 = tpu.vector_load %arg8[%get3A_91] {strides = array<i32>} : memref<128xf32, #tpu.memory_space<vmem>>, vector<16xf32>,
      tpu.vector_store_idx %arg11[%mul3A_90], %get3A_92 : memref<128xf32, #tpu.memory_space<vmem>>[vector<16xi32>], vector<16xf32>,
      %add3A_93 = arith.constant 1 : i32
      %add3A_94 = vector.broadcast %add3A_93 : i32 to vector<16xi32>
      %add3A_95 = arith.addi %mul3A_90, %add3A_94 : vector<16xi32>
      %get3A_96 = arith.constant 80 : index
      %get3A_97 = tpu.vector_load %arg8[%get3A_96] {strides = array<i32>} : memref<128xf32, #tpu.memory_space<vmem>>, vector<16xf32>,
      tpu.vector_store_idx %arg11[%add3A_95], %get3A_97 : memref<128xf32, #tpu.memory_space<vmem>>[vector<16xi32>], vector<16xf32>,
      %add3A_98 = arith.constant 32 : i32
      %add3A_99 = vector.broadcast %add3A_98 : i32 to vector<16xi32>
      %add3A_100 = arith.addi %iota3A, %add3A_99 : vector<16xi32>
      %mul3A_101 = arith.constant 2 : i32
      %mul3A_102 = vector.broadcast %mul3A_101 : i32 to vector<16xi32>
      %mul3A_103 = arith.muli %add3A_100, %mul3A_102 : vector<16xi32>
      %get3A_104 = arith.constant 32 : index
      %get3A_105 = tpu.vector_load %arg8[%get3A_104] {strides = array<i32>} : memref<128xf32, #tpu.memory_space<vmem>>, vector<16xf32>,
      tpu.vector_store_idx %arg11[%mul3A_103], %get3A_105 : memref<128xf32, #tpu.memory_space<vmem>>[vector<16xi32>], vector<16xf32>,
      %add3A_106 = arith.constant 1 : i32
      %add3A_107 = vector.broadcast %add3A_106 : i32 to vector<16xi32>
      %add3A_108 = arith.addi %mul3A_103, %add3A_107 : vector<16xi32>
      %get3A_109 = arith.constant 96 : index
      %get3A_110 = tpu.vector_load %arg8[%get3A_109] {strides = array<i32>} : memref<128xf32, #tpu.memory_space<vmem>>, vector<16xf32>,
      tpu.vector_store_idx %arg11[%add3A_108], %get3A_110 : memref<128xf32, #tpu.memory_space<vmem>>[vector<16xi32>], vector<16xf32>,
      %add3A_111 = arith.constant 48 : i32
      %add3A_112 = vector.broadcast %add3A_111 : i32 to vector<16xi32>
      %add3A_113 = arith.addi %iota3A, %add3A_112 : vector<16xi32>
      %mul3A_114 = arith.constant 2 : i32
      %mul3A_115 = vector.broadcast %mul3A_114 : i32 to vector<16xi32>
      %mul3A_116 = arith.muli %add3A_113, %mul3A_115 : vector<16xi32>
      %get3A_117 = arith.constant 48 : index
      %get3A_118 = tpu.vector_load %arg8[%get3A_117] {strides = array<i32>} : memref<128xf32, #tpu.memory_space<vmem>>, vector<16xf32>,
      tpu.vector_store_idx %arg11[%mul3A_116], %get3A_118 : memref<128xf32, #tpu.memory_space<vmem>>[vector<16xi32>], vector<16xf32>,
      %add3A_119 = arith.constant 1 : i32
      %add3A_120 = vector.broadcast %add3A_119 : i32 to vector<16xi32>
      %add3A_121 = arith.addi %mul3A_116, %add3A_120 : vector<16xi32>
      %get3A_122 = arith.constant 112 : index
      %get3A_123 = tpu.vector_load %arg8[%get3A_122] {strides = array<i32>} : memref<128xf32, #tpu.memory_space<vmem>>, vector<16xf32>,
      tpu.vector_store_idx %arg11[%add3A_121], %get3A_123 : memref<128xf32, #tpu.memory_space<vmem>>[vector<16xi32>], vector<16xf32>,
      "tpu.region"() ({
        %run_scoped3A = tpu.sem_alloc : memref<!tpu.dma_semaphore, #tpu.memory_space<semaphore_mem>>
        tpu.enqueue_dma source(%arg11 : memref<128xf32, #tpu.memory_space<vmem>>) target(%arg4 : memref<128xf32, #tpu.memory_space<hbm>>) target_semaphore(%run_scoped3A : memref<!tpu.dma_semaphore, #tpu.memory_space<semaphore_mem>>)
        tpu.wait_dma2 semaphore(%run_scoped3A : memref<!tpu.dma_semaphore, #tpu.memory_space<semaphore_mem>>) src(%arg11 : memref<128xf32, #tpu.memory_space<vmem>>) dst(%arg4 : memref<128xf32, #tpu.memory_space<hbm>>)
        tpu.yield
      }) : () -> ()
    } else {
    }
    return
  }
}

</mosaic_0001>

<sc_bundles>
// kernel: _run.3.cloned.1.call-start
scs
__scs_entry_jumppad:
0x0: {  	(pc) =	sbr.rel $0x88, $3  }
0x1: {  	(tag) =	ssettag $0x0;
	lr =	simm.s32 $0x1  }
0x2: {  	[smem:$0x3F9F] =	sst lr;
	_ =	strace $0xD0000000  }
0x3: {  	_ = 	snop  }
0x4: {  	_ = 	snop  }
0x5: {  	_ = 	snop  }
0x6: {  	_ = 	snop  }
0x7: {  	_ = 	snop  }
__scs_overlays_trampoline_lowered:
0x8: {  	[smem:$0x3FAE] =	sst s0  }
0x9: {  	[smem:$0x3FAF] =	sst s1  }
0xa: {  	[smem:$0x3FB0] =	sst s2  }
0xb: {  	[smem:$0x3FB1] =	sst s3  }
0xc: {  	[smem:$0x3FB2] =	sst s4  }
0xd: {  	[smem:$0x3FB3] =	sst s5  }
0xe: {  	[smem:$0x3FB4] =	sst s6  }
0xf: {  	[smem:$0x3FB5] =	sst s7  }
0x10: {  	[smem:$0x3FB6] =	sst s8  }
0x11: {  	[smem:$0x3FB7] =	sst s9;
	s0 =	simm.s32 @!p0 $0x0  }
0x12: {  	s1 =	sld [smem:$0x3F9D];
	s0 =	simm.s32 @p0 $0x1  }
0x13: {  	[smem:$0x3FB8] =	sst s0;
	s0 =	simm.s32 @!p1 $0x0  }
0x14: {  	s2 =	sld [smem:$0x3F9C];
	s0 =	simm.s32 @p1 $0x1  }
0x15: {  	[smem:$0x3FB9] =	sst s0;
	s0 =	simm.s32 @!p2 $0x0  }
0x16: {  	s3 =	sld [smem:$0x3FDB];
	s0 =	simm.s32 @p2 $0x1  }
0x17: {  	s4 =	simm.s32 $0x1BF5;
	[smem:$0x3FBB] =	sst s0  }
0x18: {  	s0 =	sld [smem:$0x3F9E];
	_ =	swait.ge [sflag:s4], $0x0  }
0x19: {  	s7 =	sld [smem:$0x3F9F]  }
0x1a: {  	s8 =	sadd.s32 $0xFFFFE003, lr  }
0x1b: {  	s9 =	sadd.s32 $0xFFFFFEF7, lr;
	s5 =	simm.s32 $0xFFFFFFFF;
	p2 =	slt.u32 s8, $0xFFFFF086  }
0x1c: {  	p1 =	slt.u32 s9, $0xF7A;
	s5 =	simm.s32 @!p2 $0x0  }
0x1d: {  	s5 =	simm.s32 @p1 $0x1;
	p0 =	seq.s32 s7, s2  }
0x1e: {  	s7 =	smul.u32 @!p0 $0xF7A, s2;
	p2 =	seq.s32 @!p0 s5, $0x0  }
0x1f: {  	s9 =	smul.u32 $0xF7A, s1;
	s8 =	simm.s32 @!p0 $0x1BF5;
	p2 =	por !p2, p0  }
0x20: {  	[sflag:s8] =	ssyncset.s32 @!p0 $0xFFFFF086;
	s6 =	sadd.s32 @!p0 s3, s7;
	s7 =	simm.s32 @!p0 $0x108  }
0x21: {  	s3 =	sadd.s32 s3, s9;
	s6 =	sadd.s32 @!p0 $0x88, s6;
	s7 =	simm.s32 @p2 $0x1082  }
0x22: {  	[simem:s7], [sflag:s8] =	dma.local @!p0 [hbm:s6], $0xF7A  }
0x23: {  	s9 =	sor.u32 $0xD0000000, s2;
	s6 =	simm.s32 $0x108;
	_ =	swait.ge @!p0 [sflag:s8], $0x0  }
0x24: {  	s3 =	sadd.s32 $0x88, s3;
	s6 =	simm.s32 @!p1 $0x1082;
	[sflag:s4] =	ssyncset.s32 $0xFFFFF086  }
0x25: {  	[simem:s6], [sflag:s4] =	dma.local [hbm:s3], $0xF7A  }
0x26: {  	[smem:$0x3F9F] =	sst s1;
	(tag) =	ssettag s2;
	_ =	strace s9  }
0x27: {  	s1 =	sld [smem:$0x3FAF]  }
0x28: {  	s2 =	sld [smem:$0x3FB0]  }
0x29: {  	s4 =	sld [smem:$0x3FB2]  }
0x2a: {  	p0 =	seq.s32 s5, $0x0;
	s5 =	sld [smem:$0x3FB3]  }
0x2b: {  	s6 =	sld [smem:$0x3FB4]  }
0x2c: {  	s7 =	sld [smem:$0x3FB5]  }
0x2d: {  	s3 =	simm.s32 $0x108;
	s8 =	sld [smem:$0x3FB6]  }
0x2e: {  	s3 =	simm.s32 @!p0 $0x1082;
	s9 =	sld [smem:$0x3FB7]  }
0x2f: {  	lr =	sadd.s32 s0, s3;
	s0 =	sld [smem:$0x3FAE]  }
0x30: {  	s3 =	sld [smem:$0x3FB1]  }
0x31: {  	[smem:$0x3FBA] =	sst s10  }
0x32: {  	s10 =	sld [smem:$0x3FB8];
	_ =	sdelay $0x3  }
0x33: {  	p0 =	seq.s32 s10, $0x1;
	s10 =	sld [smem:$0x3FBA];
	_ =	sdelay $0x3  }
0x34: {  	[smem:$0x3FBA] =	sst s10  }
0x35: {  	s10 =	sld [smem:$0x3FB9];
	_ =	sdelay $0x3  }
0x36: {  	p1 =	seq.s32 s10, $0x1;
	s10 =	sld [smem:$0x3FBA];
	_ =	sdelay $0x3  }
0x37: {  	[smem:$0x3FBA] =	sst s10  }
0x38: {  	s10 =	sld [smem:$0x3FBB]  }
0x39: {  	_ = 	snop;
	(pc) =	sbr.ind lr, $3  }
0x3a: {  	_ = 	snop  }
0x3b: {  	_ = 	snop  }
0x3c: {  	p2 =	seq.s32 s10, $0x1;
	s10 =	sld [smem:$0x3FBA]  }
0x3d: {  	_ =	shalt  }
0x3e: {  	_ =	shalt  }
0x3f: {  	_ =	shalt  }
0x40: {  	_ =	shalt  }
0x41: {  	_ =	shalt  }
0x42: {  	_ =	shalt  }
0x43: {  	_ =	shalt  }
0x44: {  	_ =	shalt  }
0x45: {  	_ =	shalt  }
0x46: {  	_ =	shalt  }
0x47: {  	_ =	shalt  }
0x48: {  	_ =	shalt  }
0x49: {  	_ =	shalt  }
0x4a: {  	_ =	shalt  }
0x4b: {  	_ =	shalt  }
0x4c: {  	_ =	shalt  }
0x4d: {  	_ =	shalt  }
0x4e: {  	_ =	shalt  }
0x4f: {  	_ =	shalt  }
0x50: {  	_ =	shalt  }
0x51: {  	_ =	shalt  }
0x52: {  	_ =	shalt  }
0x53: {  	_ =	shalt  }
0x54: {  	_ =	shalt  }
0x55: {  	_ =	shalt  }
0x56: {  	_ =	shalt  }
0x57: {  	_ =	shalt  }
0x58: {  	_ =	shalt  }
0x59: {  	_ =	shalt  }
0x5a: {  	_ =	shalt  }
0x5b: {  	_ =	shalt  }
0x5c: {  	_ =	shalt  }
0x5d: {  	_ =	shalt  }
0x5e: {  	_ =	shalt  }
0x5f: {  	_ =	shalt  }
0x60: {  	_ =	shalt  }
0x61: {  	_ =	shalt  }
0x62: {  	_ =	shalt  }
0x63: {  	_ =	shalt  }
0x64: {  	_ =	shalt  }
0x65: {  	_ =	shalt  }
0x66: {  	_ =	shalt  }
0x67: {  	_ =	shalt  }
0x68: {  	_ =	shalt  }
0x69: {  	_ =	shalt  }
0x6a: {  	_ =	shalt  }
0x6b: {  	_ =	shalt  }
0x6c: {  	_ =	shalt  }
0x6d: {  	_ =	shalt  }
0x6e: {  	_ =	shalt  }
0x6f: {  	_ =	shalt  }
0x70: {  	_ =	shalt  }
0x71: {  	_ =	shalt  }
0x72: {  	_ =	shalt  }
0x73: {  	_ =	shalt  }
0x74: {  	_ =	shalt  }
0x75: {  	_ =	shalt  }
0x76: {  	_ =	shalt  }
0x77: {  	_ =	shalt  }
0x78: {  	_ =	shalt  }
0x79: {  	_ =	shalt  }
0x7a: {  	_ =	shalt  }
0x7b: {  	_ =	shalt  }
0x7c: {  	_ =	shalt  }
0x7d: {  	_ =	shalt  }
0x7e: {  	_ =	shalt  }
0x7f: {  	_ =	shalt  }
0x80: {  	_ =	shalt  }
0x81: {  	_ =	shalt  }
0x82: {  	_ =	shalt  }
0x83: {  	_ =	shalt  }
0x84: {  	_ =	shalt  }
0x85: {  	_ =	shalt  }
0x86: {  	_ =	shalt  }
0x87: {  	_ =	shalt  }
.Lfunc_end0:
.L_simem_size_0:
called_computation_lowered:
.L_overlay_start_0:
0x88: {  	s2 =	sld [smem:$0x3FD9]  }
0x89: {  	s3 =	sld [smem:$0x3FFE];
	_ =	sdelay $0x1  }
0x8a: {  	s1 =	srdreg.scid  }
0x8b: {  	s0 =	sand.u32 $0x1, s1  }
0x8c: {  	s17 =	sshll.u32 s0, $0xA;
	s2 =	sadd.s32 s3, s2  }
0x8d: {  	s2 =	sadd.s32 s2, s17  }
0x8e: {  	[smem:$0x3FC6] =	sst s2  }
0x8f: {  	_ = 	snop  }
0x90: {  	s2 =	sld [smem:$0x3FC9]  }
0x91: {  	s18 =	sld [smem:$0x3FC8]  }
0x92: {  	s4 =	sld [smem:$0x3FD0];
	(tm) =	ssettm $0x1  }
0x93: {  	s5 =	sld [smem:$0x3FFB];
	_ =	sdelay $0x3  }
0x94: {  	_ =	strace s5  }
0x95: {  	s5 =	sld [smem:$0x3FFC];
	_ =	sdelay $0x3  }
0x96: {  	_ =	strace s5  }
0x97: {  	s5 =	sld [smem:$0x3FFD];
	_ =	sdelay $0x3  }
0x98: {  	_ =	strace s5  }
0x99: {  	_ =	strace $0x8FFFFFFF  }
0x9a: {  	s19 =	sld [smem:$0x3FDB];
	_ =	sdelay $0x1  }
0x9b: {  	s6 =	simm.s32 $_scs_section_size  }
0x9c: {  	s7 =	simm.s32 $_size__tile_overlayer_lowered;
	s8 =	simm.s32 $_tile_overlayer_lowered  }
0x9d: {  	s22 =	simm.s32 $0x1BFF;
	s21 =	sshll.u32 s8, $0x1;
	s5 =	sadd.s32 s6, s19  }
0x9e: {  	s9 =	simm.s32 $0x0;
	s20 =	sshll.u32 s7, $0x1;
	s7 =	sadd.s32 s21, s5  }
0x9f: {  	[timem:s9], [sflag:s22] =	dma.local [hbm:s7], s20  }
0xa0: {  	_ =	swait.ge [sflag:s22], s20  }
0xa1: {  	s6 =	ssub.s32 $0x0, s20;
	[sflag:s22] =	ssyncset.done $0x0  }
0xa2: {  	[sflag:s22] =	ssyncadd.s32 s6;
	_ =	sdelay $0x1  }
0xa3: {  	s23 =	simm.s32 $0x1B8B  }
0xa4: {  	_ =	swait.ge [sflag:s23], $0x1  }
0xa5: {  	[sflag:s23] =	ssyncset.done $0x0  }
0xa6: {  	s25 =	simm.s32 $0x1B8E;
	s24 =	sld [smem:$0x3FFE];
	[sflag:s23] =	ssyncadd.s32 $0xFFFFFFFF  }
0xa7: {  	s26 =	simm.s32 $execute0_lowered;
	[smem:$0x3FD2] =	sst s25  }
0xa8: {  	s7 =	sshll.u32 s26, $0x1;
	_ =	strace $0x80000046;
	[dreg:$0x1] =	wrdreg $0xFFFFFFFF  }
0xa9: {  	s28 =	simm.s32 $_size_execute0_lowered;
	s5 =	sadd.s32 s5, s7;
	[dreg:$0x0] =	wrdreg $0x0  }
0xaa: {  	s7 =	sshll.u32 s28, $0x1;
	[dreg:$0x2] =	wrdreg s5  }
0xab: {  	[dreg:$0x3] =	wrdreg s7  }
0xac: {  	[dreg:$0x4] =	wrdreg $0xC0  }
0xad: {  	_ =	task [dreg:s9], $0x5FFFF  }
0xae: {  	[dreg:$0x1] =	wrdreg $0xFFFFFFFF  }
0xaf: {  	[dreg:$0x0] =	wrdreg $0x60  }
0xb0: {  	[dreg:$0x2] =	wrdreg s2  }
0xb1: {  	[dreg:$0x3] =	wrdreg s18  }
0xb2: {  	[dreg:$0x4] =	wrdreg s4  }
0xb3: {  	[dreg:$0x5] =	wrdreg s24  }
0xb4: {  	[dreg:$0x6] =	wrdreg $0x21000  }
0xb5: {  	[dreg:$0x7] =	wrdreg $0x29000  }
0xb6: {  	[dreg:$0x8] =	wrdreg $0x9  }
0xb7: {  	_ =	task.clear_ibuf [dreg:s9], $0x9FFFF;
	_ =	strace $0x90000046  }
0xb8: {  	s29 =	simm.s32 $0x9;
	_ =	strace $0x80000048  }
0xb9: {  	_ =	swait.ge [sflag:s29], $0x1  }
0xba: {  	[sflag:s29] =	ssyncadd.s32 $0xFFFFFFFF  }
0xbb: {  	_ =	strace $0x90000048  }
0xbc: {  	_ =	sfence  }
0xbd: {  	s30 =	sld [smem:$0x0];
	_ =	sdelay $0x2  }
0xbe: {  	s31 =	sshll.u32 s1, $0xD;
	s1 =	sshrl.u32 s1, $0x2  }
0xbf: {  	s3 =	sand.u32 $0x4000, s31;
	s1 =	sadd.s32 s1, s30  }
0xc0: {  	s0 =	sor.u32 s3, s0;
	s1 =	sshll.u32 s1, $0x11  }
0xc1: {  	s0 =	sor.u32 s1, s0  }
0xc2: {  	s0 =	sadd.s32 $0x8F2B, s0  }
0xc3: {  	[sflag:s0] =	ssyncadd.remote.s32 $0x1  }
0xc4: {  	_ =	sfence.sel $0xFFFF  }
0xc5: {  	[dreg:$0x0] =	wrdreg $0xFFFFFFFF;
	(pc) =	sbr.abs _section_cstart, $3  }
0xc6: {  	[dreg:$0x1] =	wrdreg $0xFFFFFFFF  }
0xc7: {  	_ =	task.clear_ibuf [dreg:s9], $0x2FFFF;
	_ =	strace $0x9FFFFFFF  }
0xc8: {  	(tm) =	ssettm $0x7FFFFFFF  }
0xc9: {  	_ =	shalt  }
tec
execute0_lowered:
.L_overlay_start_1:
0x0: {  	(tag) =	ssettag $0x1  }
0x1: {  	v0 =	vlaneseq.u32;
	v2 =	vimm.f32 $1.500000000e+01  }
0x2: {  	vm14 =	vcmask $0x300;
	vm13 =	vcmask $0x704;
	vm12 =	vcmask $0xB08  }
0x3: {  	vm11 =	vcmask $0xF0C;
	vm10 =	vcmask $0x1310;
	vm9 =	vcmask $0x1714  }
0x4: {  	vm8 =	vcmask $0x1B18;
	vm7 =	vcmask $0x1F1C;
	vm6 =	vcmask $0x2320  }
0x5: {  	vm5 =	vcmask $0x2724;
	vm4 =	vcmask $0x2B28;
	vm3 =	vcmask $0x2F2C  }
0x6: {  	vm2 =	vcmask $0x3330;
	v9 =	vimm.f32 $0.0e+00;
	vm0 =	vcmask $0x3734  }
0x7: {  	v4 =	vimm.f32 $4.700000000e+01;
	vm1 =	vcmask $0x3B38;
	v1 =	vmul.u32 $0x2, v0  }
0x8: {  	v48 =	vimm.f32 $6.300000000e+01;
	v49 =	vimm.f32 $7.900000000e+01;
	v2 =	vsel vm14, $0x0, v2  }
0x9: {  	v50 =	vimm.f32 $9.500000000e+01;
	v2 =	vsel vm13, $0x3F800000, v2;
	v3 =	vor.u32 $0x1, v1  }
0xa: {  	v51 =	vimm.f32 $1.110000000e+02;
	v2 =	vsel vm12, $0x40000000, v2;
	[tilespmem:$0x1FF80] =	vst v3;
	v3 =	vor.u32 $0x20, v1  }
0xb: {  	v52 =	vimm.f32 $1.270000000e+02;
	v2 =	vsel vm11, $0x40400000, v2;
	[tilespmem:$0x1FF90] =	vst v3;
	v3 =	vor.u32 $0x21, v1  }
0xc: {  	v53 =	vimm.f32 $1.430000000e+02;
	v2 =	vsel vm10, $0x40800000, v2;
	[tilespmem:$0x1FFA0] =	vst v3;
	v3 =	vor.u32 $0x40, v1  }
0xd: {  	v54 =	vimm.f32 $1.590000000e+02;
	v2 =	vsel vm9, $0x40A00000, v2;
	[tilespmem:$0x1FFB0] =	vst v3;
	v3 =	vor.u32 $0x41, v1  }
0xe: {  	v55 =	vimm.f32 $1.750000000e+02;
	v2 =	vsel vm8, $0x40C00000, v2;
	[tilespmem:$0x1FFC0] =	vst v3;
	v3 =	vor.u32 $0x60, v1  }
0xf: {  	v56 =	vimm.f32 $1.910000000e+02;
	v2 =	vsel vm7, $0x40E00000, v2;
	[tilespmem:$0x1FFD0] =	vst v3;
	v3 =	vimm.f32 $3.100000000e+01  }
0x10: {  	v57 =	vimm.f32 $2.070000000e+02;
	v2 =	vsel vm6, $0x41000000, v2;
	v3 =	vsel vm14, $0x41800000, v3  }
0x11: {  	v58 =	vimm.f32 $2.230000000e+02;
	v2 =	vsel vm5, $0x41100000, v2;
	v3 =	vsel vm13, $0x41880000, v3  }
0x12: {  	v5 =	vimm.s32 $0xFEDCBA98;
	v2 =	vsel vm4, $0x41200000, v2;
	v3 =	vsel vm12, $0x41900000, v3  }
0x13: {  	v6 =	vimm.s32 $0x76543210;
	v2 =	vsel vm3, $0x41300000, v2;
	v3 =	vsel vm11, $0x41980000, v3  }
0x14: {  	v4 =	vsel vm14, $0x42000000, v4;
	v2 =	vsel vm2, $0x41400000, v2;
	v3 =	vsel vm10, $0x41A00000, v3  }
0x15: {  	v4 =	vsel vm13, $0x42040000, v4;
	v2 =	vsel vm0, $0x41500000, v2;
	v3 =	vsel vm9, $0x41A80000, v3  }
0x16: {  	v10 =	vsel vm1, $0x41600000, v2;
	v2 =	vsel vm8, $0x41B00000, v3;
	v3 =	vsel vm12, $0x42080000, v4  }
0x17: {  	v7 =	vimm.s32 $0xBA98FEDC;
	v2 =	vsel vm7, $0x41B80000, v2;
	v3 =	vsel vm11, $0x420C0000, v3  }
0x18: {  	v4 =	vsel vm14, $0x42400000, v48;
	v2 =	vsel vm6, $0x41C00000, v2;
	v3 =	vsel vm10, $0x42100000, v3  }
0x19: {  	v4 =	vsel vm13, $0x42440000, v4;
	v2 =	vsel vm5, $0x41C80000, v2;
	v3 =	vsel vm9, $0x42140000, v3  }
0x1a: {  	v4 =	vsel vm12, $0x42480000, v4;
	v2 =	vsel vm4, $0x41D00000, v2;
	v3 =	vsel vm8, $0x42180000, v3  }
0x1b: {  	v4 =	vsel vm11, $0x424C0000, v4;
	v2 =	vsel vm3, $0x41D80000, v2;
	v3 =	vsel vm7, $0x421C0000, v3  }
0x1c: {  	v4 =	vsel vm10, $0x42500000, v4;
	v2 =	vsel vm2, $0x41E00000, v2;
	v3 =	vsel vm6, $0x42200000, v3  }
0x1d: {  	v4 =	vsel vm9, $0x42540000, v4;
	v2 =	vsel vm0, $0x41E80000, v2;
	v3 =	vsel vm5, $0x42240000, v3  }
0x1e: {  	v11 =	vsel vm1, $0x41F00000, v2;
	v2 =	vsel vm4, $0x42280000, v3;
	v3 =	vsel vm8, $0x42580000, v4  }
0x1f: {  	v60 =	vimm.s32 $0x32107654;
	v2 =	vsel vm3, $0x422C0000, v2;
	v3 =	vsel vm7, $0x425C0000, v3  }
0x20: {  	v4 =	vsel vm14, $0x42800000, v49;
	v2 =	vsel vm2, $0x42300000, v2;
	v3 =	vsel vm6, $0x42600000, v3  }
0x21: {  	v4 =	vsel vm13, $0x42820000, v4;
	v2 =	vsel vm0, $0x42340000, v2;
	v3 =	vsel vm5, $0x42640000, v3  }
0x22: {  	v12 =	vsel vm1, $0x42380000, v2;
	v2 =	vsel vm4, $0x42680000, v3;
	v3 =	vsel vm12, $0x42840000, v4  }
0x23: {  	v61 =	vimm.s32 $0xDCFE98BA;
	v2 =	vsel vm3, $0x426C0000, v2;
	v3 =	vsel vm11, $0x42860000, v3  }
0x24: {  	v4 =	vsel vm14, $0x42A00000, v50;
	v2 =	vsel vm2, $0x42700000, v2;
	v3 =	vsel vm10, $0x42880000, v3  }
0x25: {  	v4 =	vsel vm13, $0x42A20000, v4;
	v2 =	vsel vm0, $0x42740000, v2;
	v3 =	vsel vm9, $0x428A0000, v3  }
0x26: {  	v13 =	vsel vm1, $0x42780000, v2;
	v2 =	vsel vm8, $0x428C0000, v3;
	v3 =	vsel vm12, $0x42A40000, v4  }
0x27: {  	v8 =	vimm.s32 $0x54761032;
	v2 =	vsel vm7, $0x428E0000, v2;
	v3 =	vsel vm11, $0x42A60000, v3  }
0x28: {  	v4 =	vsel vm14, $0x42C00000, v51;
	v2 =	vsel vm6, $0x42900000, v2;
	v3 =	vsel vm10, $0x42A80000, v3  }
0x29: {  	v4 =	vsel vm13, $0x42C20000, v4;
	v2 =	vsel vm5, $0x42920000, v2;
	v3 =	vsel vm9, $0x42AA0000, v3  }
0x2a: {  	v4 =	vsel vm12, $0x42C40000, v4;
	v2 =	vsel vm4, $0x42940000, v2;
	v3 =	vsel vm8, $0x42AC0000, v3  }
0x2b: {  	v4 =	vsel vm11, $0x42C60000, v4;
	v2 =	vsel vm3, $0x42960000, v2;
	v3 =	vsel vm7, $0x42AE0000, v3  }
0x2c: {  	v4 =	vsel vm10, $0x42C80000, v4;
	v2 =	vsel vm2, $0x42980000, v2;
	v3 =	vsel vm6, $0x42B00000, v3  }
0x2d: {  	v4 =	vsel vm9, $0x42CA0000, v4;
	v2 =	vsel vm0, $0x429A0000, v2;
	v3 =	vsel vm5, $0x42B20000, v3  }
0x2e: {  	v14 =	vsel vm1, $0x429C0000, v2;
	v2 =	vsel vm4, $0x42B40000, v3;
	v3 =	vsel vm8, $0x42CC0000, v4  }
0x2f: {  	v62 =	vimm.s32 $0xEFCDAB89;
	v2 =	vsel vm3, $0x42B60000, v2;
	v3 =	vsel vm7, $0x42CE0000, v3  }
0x30: {  	v4 =	vsel vm14, $0x42E00000, v52;
	v2 =	vsel vm2, $0x42B80000, v2;
	v3 =	vsel vm6, $0x42D00000, v3  }
0x31: {  	v4 =	vsel vm13, $0x42E20000, v4;
	v2 =	vsel vm0, $0x42BA0000, v2;
	v3 =	vsel vm5, $0x42D20000, v3  }
0x32: {  	v15 =	vsel vm1, $0x42BC0000, v2;
	v2 =	vsel vm4, $0x42D40000, v3;
	v3 =	vsel vm12, $0x42E40000, v4  }
0x33: {  	v5 =	vunpack.c.l.s4.s8 v5;
	v2 =	vsel vm3, $0x42D60000, v2;
	v3 =	vsel vm11, $0x42E60000, v3  }
0x34: {  	v4 =	vsel vm14, $0x43000000, v53;
	v2 =	vsel vm2, $0x42D80000, v2;
	v3 =	vsel vm10, $0x42E80000, v3  }
0x35: {  	v4 =	vsel vm13, $0x43010000, v4;
	v2 =	vsel vm0, $0x42DA0000, v2;
	v3 =	vsel vm9, $0x42EA0000, v3  }
0x36: {  	v16 =	vsel vm1, $0x42DC0000, v2;
	v2 =	vsel vm8, $0x42EC0000, v3;
	v3 =	vsel vm12, $0x43020000, v4  }
0x37: {  	v6 =	vunpack.c.l.s4.s8 v6;
	v2 =	vsel vm7, $0x42EE0000, v2;
	v3 =	vsel vm11, $0x43030000, v3  }
0x38: {  	v4 =	vsel vm14, $0x43100000, v54;
	v2 =	vsel vm6, $0x42F00000, v2;
	v3 =	vsel vm10, $0x43040000, v3  }
0x39: {  	v4 =	vsel vm13, $0x43110000, v4;
	v2 =	vsel vm5, $0x42F20000, v2;
	v3 =	vsel vm9, $0x43050000, v3  }
0x3a: {  	v4 =	vsel vm12, $0x43120000, v4;
	v2 =	vsel vm4, $0x42F40000, v2;
	v3 =	vsel vm8, $0x43060000, v3  }
0x3b: {  	v4 =	vsel vm11, $0x43130000, v4;
	v2 =	vsel vm3, $0x42F60000, v2;
	v3 =	vsel vm7, $0x43070000, v3  }
0x3c: {  	v4 =	vsel vm10, $0x43140000, v4;
	v2 =	vsel vm2, $0x42F80000, v2;
	v3 =	vsel vm6, $0x43080000, v3  }
0x3d: {  	v4 =	vsel vm9, $0x43150000, v4;
	v2 =	vsel vm0, $0x42FA0000, v2;
	v3 =	vsel vm5, $0x43090000, v3  }
0x3e: {  	v17 =	vsel vm1, $0x42FC0000, v2;
	v2 =	vsel vm4, $0x430A0000, v3;
	v3 =	vsel vm8, $0x43160000, v4  }
0x3f: {  	v59 =	vunpack.c.l.s4.s8 v7;
	v2 =	vsel vm3, $0x430B0000, v2;
	v3 =	vsel vm7, $0x43170000, v3  }
0x40: {  	v4 =	vsel vm14, $0x43200000, v55;
	v2 =	vsel vm2, $0x430C0000, v2;
	v3 =	vsel vm6, $0x43180000, v3  }
0x41: {  	v4 =	vsel vm13, $0x43210000, v4;
	v2 =	vsel vm0, $0x430D0000, v2;
	v3 =	vsel vm5, $0x43190000, v3  }
0x42: {  	v18 =	vsel vm1, $0x430E0000, v2;
	v2 =	vsel vm4, $0x431A0000, v3;
	v3 =	vsel vm12, $0x43220000, v4  }
0x43: {  	v7 =	vunpack.c.l.s4.s8 v61;
	v2 =	vsel vm3, $0x431B0000, v2;
	v3 =	vsel vm11, $0x43230000, v3  }
0x44: {  	s2 =	rddreg [dreg:$0x1];
	v5 =	vunpack.c.0.s8.s32 v5;
	v2 =	vsel vm2, $0x431C0000, v2;
	v3 =	vsel vm10, $0x43240000, v3  }
0x45: {  	s5 =	rddreg [dreg:$0x3];
	v4 =	vsel vm14, $0x43300000, v56;
	v2 =	vsel vm0, $0x431D0000, v2;
	v3 =	vsel vm9, $0x43250000, v3  }
0x46: {  	s6 =	rddreg [dreg:$0x4];
	v4 =	vsel vm13, $0x43310000, v4;
	v19 =	vsel vm1, $0x431E0000, v2;
	v2 =	vsel vm8, $0x43260000, v3  }
0x47: {  	s3 =	rddreg [dreg:$0x5];
	s4 =	simm.s32 $0x0;
	s0 =	srdreg.scid;
	v6 =	vunpack.c.0.s8.s32 v6;
	v3 =	vsel vm12, $0x43320000, v4;
	v2 =	vsel vm7, $0x43270000, v2  }
0x48: {  	s26 =	stileid.u32;
	[smem:$0x7FF] =	sst s4;
	s7 =	sand.u32 $0x1, s0;
	[tilespmem:$0x1FFE0] =	vst v1;
	v1 =	vor.u32 $0x61, v1;
	v3 =	vsel vm11, $0x43330000, v3;
	v2 =	vsel vm6, $0x43280000, v2  }
0x49: {  	s12 =	sadd.s32 $0x800, s5;
	s5 =	sadd.s32 $0xA00, s5;
	s13 =	sshll.u32 s26, $0x8;
	v4 =	vsel vm14, $0x43400000, v57;
	v3 =	vsel vm10, $0x43340000, v3;
	v2 =	vsel vm5, $0x43290000, v2  }
0x4a: {  	s14 =	sshll.u32 s26, $0xB;
	p0 =	sne.s32 s26, $0x0;
	s1 =	sshll.u32 s7, $0x4;
	v4 =	vsel vm13, $0x43410000, v4;
	v3 =	vsel vm9, $0x43350000, v3;
	v2 =	vsel vm4, $0x432A0000, v2  }
0x4b: {  	p2 =	slt.u32 s26, $0x8;
	s7 =	ssub.s32 $0x2, s7;
	s11 =	sor.u32 s26, s1;
	v4 =	vsel vm12, $0x43420000, v4;
	v3 =	vsel vm8, $0x43360000, v3;
	v2 =	vsel vm3, $0x432B0000, v2  }
0x4c: {  	s0 =	simm.s32 $0x2;
	s8 =	sshrl.u32 s7, $0x1;
	s9 =	smul.u32 $0xC4, s11;
	v4 =	vsel vm11, $0x43430000, v4;
	v3 =	vsel vm7, $0x43370000, v3;
	v2 =	vsel vm2, $0x432C0000, v2  }
0x4d: {  	s10 =	sadd.s32 s5, s1;
	s7 =	ssub.s32 s7, s8;
	s8 =	sadd.s32 s13, s6;
	[tilespmem:$0x1FFF0] =	vst v1;
	v4 =	vsel vm10, $0x43440000, v4;
	v3 =	vsel vm6, $0x43380000, v3;
	v2 =	vsel vm0, $0x432D0000, v2  }
0x4e: {  	s2 =	sadd.s32 s2, s9;
	_ =	strace $0x80000047;
	[dreg:$0x8] =	wrdreg s10;
	v4 =	vsel vm9, $0x43450000, v4;
	v3 =	vsel vm5, $0x43390000, v3;
	v20 =	vsel vm1, $0x432E0000, v2  }
0x4f: {  	s24 =	sxor.u32 $0x10, s1;
	s15 =	sadd.s32 $0x800, s8;
	[dreg:$0x9] =	wrdreg s2;
	v2 =	vsel vm4, $0x433A0000, v3;
	v3 =	vsel vm8, $0x43460000, v4;
	v4 =	vsel vm14, $0x43500000, v58  }
0x50: {  	v8 =	vunpack.c.l.s4.s8 v8;
	s25 =	sadd.s32 s12, s1;
	s16 =	sadd.s32 $0x1000, s8;
	v5 =	vand.u32 $0xF, v5;
	[dreg:$0xa] =	wrdreg s15;
	v4 =	vsel vm13, $0x43510000, v4  }
0x51: {  	s1 =	simm.s32 $0x1F00;
	s17 =	sadd.s32 $0x1800, s8;
	v21 =	vcombine.low v5, v6;
	v6 =	vunpack.c.l.s4.s8 v60;
	[dreg:$0xb] =	wrdreg s16;
	v4 =	vsel vm12, $0x43520000, v4  }
0x52: {  	v7 =	vunpack.c.0.s8.s32 v7;
	v8 =	vunpack.c.0.s8.s32 v8;
	p1 =	sne.s32 s11, $0x0;
	s18 =	sadd.s32 $0x2000, s8;
	[dreg:$0xc] =	wrdreg s17;
	v4 =	vsel vm11, $0x43530000, v4  }
0x53: {  	s13 =	simm.s32 $0x0;
	s19 =	sadd.s32 $0x2800, s8;
	v5 =	vunpack.c.0.s8.s32 v59;
	v6 =	vunpack.c.0.s8.s32 v6;
	[dreg:$0xd] =	wrdreg s18;
	v4 =	vsel vm10, $0x43540000, v4  }
0x54: {  	v63 =	vimm.s32 $0x67452301;
	s20 =	sadd.s32 $0x3000, s8;
	s21 =	sadd.s32 $0x3800, s8;
	v23 =	vcombine.low v8, v7;
	[dreg:$0xe] =	wrdreg s19;
	v4 =	vsel vm9, $0x43550000, v4  }
0x55: {  	s22 =	sadd.s32 $0x4000, s8;
	s23 =	sadd.s32 $0x4800, s8;
	[dreg:$0xf] =	wrdreg s20;
	v22 =	vcombine.low v6, v5;
	v5 =	vunpack.c.l.s4.s8 v62;
	v4 =	vsel vm8, $0x43560000, v4  }
0x56: {  	s28 =	sadd.s32 $0x6800, s8;
	s29 =	sadd.s32 $0x7000, s8;
	[dreg:$0x10] =	wrdreg s21;
	v6 =	vunpack.c.l.s4.s8 v63;
	v3 =	vsel vm7, $0x43470000, v3;
	v4 =	vsel vm7, $0x43570000, v4  }
0x57: {  	s30 =	sadd.s32 $0x7800, s8;
	s9 =	smul.u32 $0x7, s11;
	[dreg:$0x11] =	wrdreg s22;
	v5 =	vunpack.c.0.s8.s32 v5;
	v3 =	vsel vm6, $0x43480000, v3;
	v4 =	vsel vm6, $0x43580000, v4  }
0x58: {  	s10 =	sadd.s32 s14, s6;
	[dreg:$0x12] =	wrdreg s23;
	s20 =	sadd.s32 s5, s24;
	v6 =	vunpack.c.0.s8.s32 v6;
	v3 =	vsel vm5, $0x43490000, v3;
	v4 =	vsel vm5, $0x43590000, v4  }
.Ltmp0:
0x59: {  	s21 =	sadd.s32 $0x5000, s8;
	[dreg:$0x7] =	wrdreg s12;
	v2 =	vsel vm3, $0x433B0000, v2;
	v3 =	vsel vm4, $0x434A0000, v3;
	v4 =	vsel vm4, $0x435A0000, v4;
	(pc) =	sbr.rel .LBB2_1-.Ltmp0, $4  }
0x5a: {  	s22 =	sadd.s32 $0x5800, s8;
	s23 =	sshll.u32 s26, $0x4;
	[dreg:$0x13] =	wrdreg s25;
	v2 =	vsel vm2, $0x433C0000, v2;
	v3 =	vsel vm3, $0x434B0000, v3;
	v4 =	vsel vm3, $0x435B0000, v4  }
0x5b: {  	s26 =	smax.u32 s7, $0x1;
	s7 =	simm.s32 $0x700;
	s6 =	simm.s32 $0x1;
	v2 =	vsel vm0, $0x433D0000, v2;
	v3 =	vsel vm2, $0x434C0000, v3;
	v4 =	vsel vm2, $0x435C0000, v4  }
0x5c: {  	s25 =	simm.s32 $0x1F80;
	s5 =	simm.s32 $0x680;
	[dreg:$0x14] =	wrdreg s26;
	v24 =	vsel vm1, $0x433E0000, v2;
	v2 =	vsel vm0, $0x434D0000, v3;
	v3 =	vsel vm0, $0x435D0000, v4  }
0x5d: {  	s26 =	sadd.s32 $0x6000, s8;
	s31 =	sadd.s32 s23, s3;
	s2 =	sor.u32 $0x1F00, s23;
	v27 =	vcombine.low v6, v5;
	v25 =	vsel vm1, $0x434E0000, v2;
	v26 =	vsel vm1, $0x435E0000, v3  }
.LBB2_31:
0x5e: {  	v1 =	vlaneseq.u32 @!p1  }
0x5f: {  	v1 =	vmul.u32 @!p1 $0x2, v1  }
0x60: {  	v2 =	vld @!p1 [tilespmem:$0x680];
	_ =	sdelay $0x3  }
0x61: {  	s11 =	simm.s32 @!p1 $0x1F00  }
0x62: {  	[tilespmem:v1+s11+$0x0] =	vst.idx.msk @!p1 $0xffff, v2  }
0x63: {  	v3 =	vor.u32 @!p1 $0x1, v1;
	v2 =	vld @!p1 [tilespmem:$0x6C0];
	_ =	sdelay $0x4  }
0x64: {  	[tilespmem:v3+s11+$0x0] =	vst.idx.msk @!p1 $0xffff, v2  }
0x65: {  	v3 =	vor.u32 @!p1 $0x20, v1;
	v2 =	vld @!p1 [tilespmem:$0x690];
	_ =	sdelay $0x4  }
0x66: {  	[tilespmem:v3+s11+$0x0] =	vst.idx.msk @!p1 $0xffff, v2  }
0x67: {  	v3 =	vor.u32 @!p1 $0x21, v1;
	v2 =	vld @!p1 [tilespmem:$0x6D0];
	_ =	sdelay $0x4  }
0x68: {  	[tilespmem:v3+s11+$0x0] =	vst.idx.msk @!p1 $0xffff, v2  }
0x69: {  	v3 =	vor.u32 @!p1 $0x40, v1;
	v2 =	vld @!p1 [tilespmem:$0x6A0];
	_ =	sdelay $0x4  }
0x6a: {  	[tilespmem:v3+s11+$0x0] =	vst.idx.msk @!p1 $0xffff, v2  }
0x6b: {  	v3 =	vor.u32 @!p1 $0x41, v1;
	v2 =	vld @!p1 [tilespmem:$0x6E0];
	_ =	sdelay $0x4  }
0x6c: {  	[tilespmem:v3+s11+$0x0] =	vst.idx.msk @!p1 $0xffff, v2  }
0x6d: {  	v3 =	vor.u32 @!p1 $0x60, v1;
	v2 =	vld @!p1 [tilespmem:$0x6B0];
	_ =	sdelay $0x4  }
0x6e: {  	[tilespmem:v3+s11+$0x0] =	vst.idx.msk @!p1 $0xffff, v2  }
0x6f: {  	v1 =	vor.u32 @!p1 $0x61, v1;
	v2 =	vld @!p1 [tilespmem:$0x6F0];
	_ =	sdelay $0x4  }
0x70: {  	s12 =	simm.s32 @!p1 $0x0;
	s13 =	rddreg [dreg:$0x2];
	[tilespmem:v1+s11+$0x0] =	vst.idx.msk @!p1 $0xffff, v2  }
0x71: {  	[hbm4b:s13+s12] =	stream.linear.scatter @!p1 [tilespmem:s11], [sflag:$0x2], $0x80, $0x38;
	[tilespmem:$0x2908] =	vst v63  }
0x72: {  	s11 =	simm.s32 @!p1 $0x2  }
0x73: {  	_ =	swait.ge @!p1 [sflag:s11], $0x80  }
0x74: {  	s19 =	rddreg [dreg:$0x15]  }
0x75: {  	s24 =	rddreg [dreg:$0x14];
	s13 =	sadd.s32 $0x1, s19  }
0x76: {  	p3 =	sne.s32 s13, s24  }
.Ltmp1:
0x77: {  	_ = 	snop;
	(pc) =	sbr.rel @!p3 .LBB2_32-.Ltmp1, $3  }
0x78: {  	_ =	sdelay $0x1  }
0x79: {  	[sflag:s11] =	ssyncset.done @!p1 $0x0  }
0x7a: {  	[sflag:s11] =	ssyncadd.s32 @!p1 $0xFFFFFF80  }
.LBB2_1:
0x7b: {  	[dreg:$0x15] =	wrdreg s13;
	v2 =	vimm.s32 @!p0 $0x0  }
0x7c: {  	s11 =	simm.s32 @!p0 $0x0;
	s12 =	simm.s32 @!p0 $0x1F80;
	s13 =	rddreg [dreg:$0x8];
	[tilespmem:$0x1F80] =	vst @!p0 v2  }
0x7d: {  	[hbm4b:s13+s11] =	stream.linear.scatter @!p0 [tilespmem:s12], [sflag:$0x2], $0x80, $0x38;
	[tilespmem:$0x2908] =	vst v63  }
0x7e: {  	s11 =	simm.s32 @!p0 $0x2  }
0x7f: {  	_ =	swait.ge @!p0 [sflag:s11], $0x80  }
0x80: {  	[sflag:s11] =	ssyncset.done @!p0 $0x0  }
0x81: {  	s19 =	rddreg [dreg:$0x9];
	[sflag:s11] =	ssyncadd.s32 @!p0 $0xFFFFFF80  }
0x82: {  	[tilespmem:s4], [sflag:$0x2] =	stream.linear.gather [hbm4b:s19+s4], $0x620, $0x38;
	[tilespmem:$0x2908] =	vst v63  }
0x83: {  	_ =	swait.ge [sflag:s0], $0x620  }
0x84: {  	[sflag:s0] =	ssyncset.done $0x0  }
0x85: {  	[sflag:s0] =	ssyncadd.s32 $0xFFFFF9E0  }
0x86: {  	s24 =	rddreg [dreg:$0x0]  }
0x87: {  	[tilespmem:s1], [sflag:$0x2] =	stream.linear.gather [hbm4b:s24+s4], $0x80, $0x38;
	[tilespmem:$0x2908] =	vst v63  }
0x88: {  	_ =	swait.ge [sflag:s0], $0x80  }
0x89: {  	v1 =	vld [tilespmem:$0x1FFE0];
	_ =	sdelay $0x5  }
0x8a: {  	[sflag:s0] =	ssyncset.done $0x0  }
0x8b: {  	[sflag:s0] =	ssyncadd.s32 $0xFFFFFF80  }
0x8c: {  	v2 =	vld.idx.msk [tilespmem:v1+s1+$0x0], $0xffff  }
0x8d: {  	v1 =	vld [tilespmem:$0x1FF80];
	_ =	sdelay $0x6  }
0x8e: {  	[tilespmem:$0x680] =	vst v2  }
0x8f: {  	v2 =	vld.idx.msk [tilespmem:v1+s1+$0x0], $0xffff  }
0x90: {  	v1 =	vld [tilespmem:$0x1FF90];
	_ =	sdelay $0x6  }
0x91: {  	[tilespmem:$0x6C0] =	vst v2  }
0x92: {  	v2 =	vld.idx.msk [tilespmem:v1+s1+$0x0], $0xffff  }
0x93: {  	v1 =	vld [tilespmem:$0x1FFA0];
	_ =	sdelay $0x6  }
0x94: {  	[tilespmem:$0x690] =	vst v2  }
0x95: {  	v2 =	vld.idx.msk [tilespmem:v1+s1+$0x0], $0xffff  }
0x96: {  	v1 =	vld [tilespmem:$0x1FFB0];
	_ =	sdelay $0x6  }
0x97: {  	[tilespmem:$0x6D0] =	vst v2  }
0x98: {  	v2 =	vld.idx.msk [tilespmem:v1+s1+$0x0], $0xffff  }
0x99: {  	v1 =	vld [tilespmem:$0x1FFC0];
	_ =	sdelay $0x6  }
0x9a: {  	[tilespmem:$0x6A0] =	vst v2  }
0x9b: {  	v2 =	vld.idx.msk [tilespmem:v1+s1+$0x0], $0xffff  }
0x9c: {  	v1 =	vld [tilespmem:$0x1FFD0];
	_ =	sdelay $0x6  }
0x9d: {  	[tilespmem:$0x6E0] =	vst v2  }
0x9e: {  	v2 =	vld.idx.msk [tilespmem:v1+s1+$0x0], $0xffff  }
0x9f: {  	v1 =	vld [tilespmem:$0x1FFF0];
	_ =	sdelay $0x6  }
0xa0: {  	[tilespmem:$0x6B0] =	vst v2  }
0xa1: {  	v2 =	vld.idx.msk [tilespmem:v1+s1+$0x0], $0xffff  }
.Ltmp2:
0xa2: {  	_ = 	snop;
	(pc) =	sbr.rel .LBB2_2-.Ltmp2, $2  }
0xa3: {  	_ =	sdelay $0x2  }
0xa4: {  	s24 =	simm.s32 $0x0;
	[tilespmem:$0x6F0] =	vst v2  }
.LBB2_23:
0xa5: {  	[bflag:$0x0] =	sbarrier.arrive $0xFFFF  }
.LBB2_30:
0xa6: {  	s24 =	sadd.s32 $0x1, s24  }
0xa7: {  	p3 =	sne.s32 s24, $0x5  }
.Ltmp3:
0xa8: {  	[bflag:$0x0] =	sbarrier.arrive $0xFFFF;
	(pc) =	sbr.rel @!p3 .LBB2_31-.Ltmp3, $4  }
0xa9: {  	[tilespmem:s5], [sflag:$0x2] =	stream.linear.gather [spmem:s3], $0x80, $0x38;
	[tilespmem:$0x2908] =	vst v63  }
0xaa: {  	_ =	swait.ge [sflag:s0], $0x80  }
0xab: {  	[sflag:s0] =	ssyncset.done $0x0  }
0xac: {  	[sflag:s0] =	ssyncadd.s32 $0xFFFFFF80  }
.LBB2_2:
0xad: {  	s11 =	simm.s32 $0x40;
	s12 =	simm.s32 $0x0  }
.LBB2_3:
0xae: {  	p3 =	sne.s32 s11, $0x1FC0;
	[tilespmem:s12+$0x700] =	vst v9;
	s12 =	smov.u32 s11;
	s11 =	sadd.s32 $0x40, s11  }
.Ltmp4:
0xaf: {  	(pc) =	sbr.rel @p3 .LBB2_3-.Ltmp4, $2  }
0xb0: {  	_ =	sdelay $0x2  }
0xb1: {  	s12 =	sshra.s32 s12, $0x2  }
0xb2: {  	[tilespmem:s12+$0x700] =	vst v9  }
0xb3: {  	v1 =	vld [tilespmem:$0x680];
	_ =	sdelay $0x4  }
0xb4: {  	[tilespmem:$0x1FF50] =	vst v1;
	v1 =	vld [tilespmem:$0x690];
	_ =	sdelay $0x4  }
0xb5: {  	[tilespmem:$0x1FF60] =	vst v1;
	v1 =	vld [tilespmem:$0x6A0]  }
0xb6: {  	v32 =	vld [tilespmem:$0x6C0]  }
0xb7: {  	v33 =	vld [tilespmem:$0x6D0]  }
0xb8: {  	v34 =	vld [tilespmem:$0x6E0]  }
0xb9: {  	v35 =	vld [tilespmem:$0x6F0]  }
0xba: {  	s11 =	simm.s32 $0x0;
	s12 =	simm.s32 $0x0;
	v31 =	vld [tilespmem:$0x6B0];
	[tilespmem:$0x1FF70] =	vst v1  }
.LBB2_5:
0xbb: {  	v1 =	vld [tilespmem:$0x1FF50];
	_ =	sdelay $0x1  }
0xbc: {  	s14 =	sadd.s32 s9, s12;
	s13 =	simm.s32 $0x1;
	v39 =	vimm.f32 $+Inf;
	v41 =	vimm.s32 $0x0  }
0xbd: {  	v44 =	vmov s11;
	v52 =	vimm.f32 $+Inf;
	s14 =	scvt.s32.f32 s14;
	v2 =	vmov s13  }
0xbe: {  	v54 =	vimm.f32 $+Inf;
	v55 =	vimm.s32 $0x0;
	v3 =	vperm.xlane v32, v2  }
0xbf: {  	v53 =	vimm.f32 $+Inf;
	v48 =	vimm.f32 $+Inf;
	v4 =	vsub.f32 s14, v1  }
0xc0: {  	v49 =	vimm.s32 $0x0;
	v47 =	vimm.s32 $0x0;
	v5 =	vsub.f32 v15, v3  }
0xc1: {  	v6 =	vsub.f32 v13, v3;
	v7 =	vsub.f32 v10, v3;
	v37 =	vmul.f32 v4, v4  }
0xc2: {  	v8 =	vsub.f32 v11, v3;
	v5 =	vmul.f32 v5, v5;
	v4 =	vsub.f32 v14, v3  }
0xc3: {  	v38 =	vsub.f32 v16, v3;
	v6 =	vmul.f32 v6, v6;
	v2 =	vperm.xlane v37, v2  }
0xc4: {  	v7 =	vmul.f32 v7, v7;
	v3 =	vsub.f32 v12, v3;
	v4 =	vmul.f32 v4, v4  }
0xc5: {  	v8 =	vmul.f32 v8, v8;
	v38 =	vmul.f32 v38, v38;
	v6 =	vadd.f32 v6, v2  }
0xc6: {  	v3 =	vmul.f32 v3, v3;
	v4 =	vadd.f32 v4, v2;
	v7 =	vadd.f32 v7, v2  }
0xc7: {  	v36 =	vmov s14;
	v8 =	vadd.f32 v8, v2;
	v5 =	vadd.f32 v5, v2  }
0xc8: {  	v40 =	vadd.f32 v38, v2;
	v2 =	vadd.f32 v3, v2;
	v3 =	vperm.xlane v32, v44  }
0xc9: {  	v58 =	vperm.xlane v37, v44;
	v38 =	vmax.f32 v4, $1.000000000e+00;
	v42 =	vmax.f32 v5, $1.000000000e+00  }
0xca: {  	v50 =	vmax.f32 v7, $1.000000000e+00;
	v51 =	vmax.f32 v2, $1.000000000e+00;
	v2 =	vsub.f32 v10, v3  }
0xcb: {  	v43 =	vmax.f32 v8, $1.000000000e+00;
	v4 =	vsub.f32 v16, v3;
	v5 =	vsub.f32 v12, v3  }
0xcc: {  	v56 =	vmax.f32 v6, $1.000000000e+00;
	v6 =	vsub.f32 v15, v3;
	v2 =	vmul.f32 v2, v2  }
0xcd: {  	v7 =	vsub.f32 v13, v3;
	v8 =	vmul.f32 v4, v4;
	v4 =	vmul.f32 v5, v5  }
0xce: {  	v5 =	vsub.f32 v14, v3;
	v6 =	vmul.f32 v6, v6;
	v3 =	vsub.f32 v11, v3  }
0xcf: {  	v40 =	vmax.f32 v40, $1.000000000e+00;
	v7 =	vmul.f32 v7, v7;
	v44 =	vadd.f32 v2, v58  }
0xd0: {  	v45 =	vadd.f32 v4, v58;
	v2 =	vadd.f32 v6, v58;
	v62 =	vmul.f32 v3, v3  }
0xd1: {  	v4 =	vmul.f32 v5, v5;
	v46 =	vadd.f32 v7, v58;
	v63 =	vadd.f32 v8, v58  }
0xd2: {  	v5 =	vmax.f32 v44, $1.000000000e+00;
	v6 =	vmax.f32 v45, $1.000000000e+00;
	v7 =	vadd.f32 v62, v58  }
0xd3: {  	v8 =	vmax.f32 v46, $1.000000000e+00;
	v46 =	vimm.f32 $+Inf;
	v44 =	vimm.s32 $0x0  }
0xd4: {  	v45 =	vimm.s32 $0x0;
	vm0 =	vlt.f32 v5, v39;
	vm1 =	vlt.f32 v6, v39  }
0xd5: {  	s15 =	simm.s32 $0x2;
	s14 =	simm.s32 $0x0;
	v3 =	vsel vm0, v5, v39;
	v57 =	vsel vm0, s11, v41;
	v5 =	vmax.f32 v63, $1.000000000e+00  }
.LBB2_6:
0xd6: {  	s16 =	sadd.s32 $0x1, s15  }
0xd7: {  	p3 =	slt.u32 s15, $0xE;
	v41 =	vsel vm1, s14, v41;
	vm2 =	vlt.f32 v8, v39;
	vm0 =	vlt.f32 v5, v52;
	s17 =	smov.u32 s15;
	s15 =	sadd.s32 $0x2, s15  }
0xd8: {  	v7 =	vmax.f32 v7, $1.000000000e+00;
	v6 =	vsel vm1, v6, v54;
	v59 =	vmov s16  }
0xd9: {  	v8 =	vsel vm2, v8, v39;
	v55 =	vsel vm2, s14, v55;
	v60 =	vperm.xlane v32, v59  }
0xda: {  	v4 =	vadd.f32 v4, v58;
	vm1 =	vlt.f32 v7, v46;
	vm2 =	vlt.f32 v56, v8  }
0xdb: {  	v39 =	vsel vm2, v56, v8;
	v54 =	vsub.f32 v14, v60;
	v58 =	vsub.f32 v15, v60  }
0xdc: {  	v44 =	vsel vm1, s14, v44;
	v8 =	vsub.f32 v12, v60;
	v56 =	vsub.f32 v16, v60  }
0xdd: {  	v2 =	vmax.f32 v2, $1.000000000e+00;
	v7 =	vsel vm1, v7, v46;
	v58 =	vmul.f32 v58, v58  }
0xde: {  	v5 =	vsel vm0, v5, v52;
	vm1 =	vlt.f32 v43, v7;
	v56 =	vmul.f32 v56, v56  }
0xdf: {  	vm3 =	vlt.f32 v50, v3;
	vm4 =	vlt.f32 v51, v6;
	v44 =	vsel vm1, s13, v44  }
0xe0: {  	v3 =	vsel vm3, v50, v3;
	v61 =	vmul.f32 v54, v54;
	v54 =	vsel vm4, v51, v6  }
0xe1: {  	v4 =	vmax.f32 v4, $1.000000000e+00;
	v41 =	vsel vm4, s13, v41;
	v46 =	vsel vm1, v43, v7  }
0xe2: {  	v55 =	vsel vm2, s13, v55;
	vm1 =	vlt.f32 v2, v48;
	vm4 =	vlt.f32 v4, v53  }
0xe3: {  	v57 =	vsel vm3, s13, v57;
	vm2 =	vlt.f32 v40, v5;
	v4 =	vsel vm4, v4, v53  }
0xe4: {  	v52 =	vsel vm2, v40, v5;
	v6 =	vsel vm0, s14, v49;
	vm0 =	vlt.f32 v38, v4  }
0xe5: {  	v5 =	vsub.f32 v13, v60;
	v2 =	vsel vm1, v2, v48;
	v7 =	vsel vm4, s14, v47  }
0xe6: {  	v40 =	vsub.f32 v10, v60;
	v43 =	vsub.f32 v11, v60;
	v47 =	vsel vm0, s13, v7  }
0xe7: {  	v5 =	vmul.f32 v5, v5;
	v49 =	vsel vm2, s13, v6;
	v7 =	vperm.xlane v37, v59  }
0xe8: {  	v6 =	vmul.f32 v40, v40;
	v40 =	vmul.f32 v43, v43;
	vm2 =	vlt.f32 v42, v2  }
0xe9: {  	v48 =	vsel vm2, v42, v2;
	v5 =	vadd.f32 v5, v7;
	v43 =	vadd.f32 v61, v7  }
0xea: {  	v2 =	vadd.f32 v6, v7;
	v6 =	vadd.f32 v40, v7;
	v40 =	vsel vm1, s14, v45;
	s14 =	smov.u32 s17  }
0xeb: {  	v8 =	vmul.f32 v8, v8;
	v53 =	vsel vm0, v38, v4;
	v50 =	vadd.f32 v56, v7  }
0xec: {  	v4 =	vadd.f32 v58, v7;
	v45 =	vsel vm2, s13, v40;
	s13 =	smov.u32 s16  }
0xed: {  	v7 =	vadd.f32 v8, v7;
	v58 =	vmov s14;
	v38 =	vmax.f32 v43, $1.000000000e+00  }
0xee: {  	v8 =	vperm.xlane v32, v58;
	v42 =	vmax.f32 v4, $1.000000000e+00;
	v40 =	vmax.f32 v50, $1.000000000e+00  }
0xef: {  	v50 =	vmax.f32 v2, $1.000000000e+00;
	v43 =	vmax.f32 v6, $1.000000000e+00;
	v51 =	vmax.f32 v7, $1.000000000e+00  }
0xf0: {  	v56 =	vmax.f32 v5, $1.000000000e+00;
	v2 =	vsub.f32 v10, v8;
	v4 =	vsub.f32 v16, v8  }
0xf1: {  	v58 =	vperm.xlane v37, v58;
	v5 =	vsub.f32 v12, v8;
	v6 =	vsub.f32 v15, v8  }
0xf2: {  	v7 =	vsub.f32 v13, v8;
	v2 =	vmul.f32 v2, v2;
	v59 =	vmul.f32 v4, v4  }
0xf3: {  	v4 =	vmul.f32 v5, v5;
	v5 =	vsub.f32 v14, v8;
	v6 =	vmul.f32 v6, v6  }
0xf4: {  	v8 =	vsub.f32 v11, v8;
	v7 =	vmul.f32 v7, v7;
	v60 =	vadd.f32 v2, v58  }
.Ltmp5:
0xf5: {  	v61 =	vadd.f32 v4, v58;
	v4 =	vmul.f32 v5, v5;
	v2 =	vadd.f32 v6, v58;
	(pc) =	sbr.rel @p3 .LBB2_6-.Ltmp5, $4  }
0xf6: {  	v8 =	vmul.f32 v8, v8;
	v5 =	vmax.f32 v60, $1.000000000e+00;
	v60 =	vadd.f32 v7, v58  }
0xf7: {  	v59 =	vadd.f32 v59, v58;
	v6 =	vmax.f32 v61, $1.000000000e+00;
	vm0 =	vlt.f32 v5, v3  }
0xf8: {  	v7 =	vadd.f32 v8, v58;
	vm1 =	vlt.f32 v6, v54;
	v3 =	vsel vm0, v5, v3  }
0xf9: {  	v57 =	vsel vm0, s14, v57;
	v8 =	vmax.f32 v60, $1.000000000e+00;
	v5 =	vmax.f32 v59, $1.000000000e+00  }
0xfa: {  	v59 =	vsel vm1, s14, v41  }
0xfb: {  	vm0 =	vlt.f32 v8, v39;
	vm2 =	vlt.f32 v5, v52;
	v7 =	vmax.f32 v7, $1.000000000e+00  }
0xfc: {  	v6 =	vsel vm1, v6, v54;
	v4 =	vadd.f32 v4, v58;
	v2 =	vmax.f32 v2, $1.000000000e+00  }
0xfd: {  	vm3 =	vlt.f32 v50, v3;
	v8 =	vsel vm0, v8, v39;
	v63 =	vsel vm0, s14, v55  }
0xfe: {  	vm0 =	vlt.f32 v7, v46;
	v5 =	vsel vm2, v5, v52;
	vm4 =	vlt.f32 v51, v6  }
0xff: {  	vm15 =	vlt.f32 v2, v48;
	vm1 =	vlt.f32 v56, v8;
	v7 =	vsel vm0, v7, v46  }
0x100: {  	v1 =	vld [tilespmem:$0x1FF60];
	v41 =	vsel vm4, v51, v6;
	v6 =	vsel vm2, s14, v49;
	v39 =	vsel vm1, v56, v8  }
0x101: {  	v8 =	vsel vm0, s14, v44;
	vm0 =	vlt.f32 v43, v7;
	v46 =	vsel vm1, s13, v63  }
0x102: {  	v55 =	vsel vm0, s13, v8;
	v8 =	vsel vm3, v50, v3;
	v3 =	vmax.f32 v4, $1.000000000e+00  }
0x103: {  	vm1 =	vlt.f32 v40, v5;
	v44 =	vsel vm0, v43, v7;
	vm0 =	vlt.f32 v3, v53  }
0x104: {  	v2 =	vsel vm15, v2, v48;
	v49 =	vsel vm1, v40, v5;
	v3 =	vsel vm0, v3, v53  }
0x105: {  	s15 =	simm.s32 $0x1;
	v7 =	vsub.f32 v36, v1;
	v5 =	vsel vm0, s14, v47;
	vm2 =	vlt.f32 v38, v3  }
0x106: {  	vm0 =	vlt.f32 v42, v2;
	v50 =	vsel vm2, s13, v5;
	v5 =	vmov s15  }
0x107: {  	v40 =	vsel vm1, s13, v6;
	v47 =	vsel vm0, v42, v2;
	v6 =	vperm.xlane v33, v5  }
0x108: {  	v2 =	vsel vm15, s14, v45;
	v45 =	vsel vm2, v38, v3;
	v38 =	vmul.f32 v7, v7  }
0x109: {  	v43 =	vsel vm4, s13, v59;
	v4 =	vsel vm3, s13, v57;
	v58 =	vsub.f32 v13, v6  }
0x10a: {  	v5 =	vperm.xlane v38, v5;
	v3 =	vsub.f32 v10, v6;
	v59 =	vsub.f32 v15, v6  }
0x10b: {  	v7 =	vsub.f32 v12, v6;
	v60 =	vsub.f32 v16, v6;
	v42 =	vmul.f32 v58, v58  }
0x10c: {  	v61 =	vsub.f32 v11, v6;
	v3 =	vmul.f32 v3, v3;
	v48 =	vmul.f32 v59, v59  }
0x10d: {  	v6 =	vsub.f32 v14, v6;
	v51 =	vmul.f32 v60, v60;
	v7 =	vmul.f32 v7, v7  }
0x10e: {  	v52 =	vmul.f32 v61, v61;
	v3 =	vadd.f32 v3, v5;
	v62 =	vadd.f32 v48, v5  }
0x10f: {  	v6 =	vmul.f32 v6, v6;
	v7 =	vadd.f32 v7, v5;
	v42 =	vadd.f32 v42, v5  }
0x110: {  	v48 =	vsel vm0, s13, v2;
	s13 =	simm.s32 $0x0;
	v2 =	vadd.f32 v52, v5;
	v63 =	vadd.f32 v51, v5  }
0x111: {  	v5 =	vadd.f32 v6, v5;
	v6 =	vmov s13;
	v52 =	vmax.f32 v42, $1.000000000e+00  }
0x112: {  	v58 =	vperm.xlane v33, v6;
	v51 =	vmax.f32 v2, $1.000000000e+00;
	v42 =	vmax.f32 v63, $1.000000000e+00  }
0x113: {  	v53 =	vmax.f32 v3, $1.000000000e+00;
	v56 =	vmax.f32 v7, $1.000000000e+00;
	v54 =	vmax.f32 v5, $1.000000000e+00  }
0x114: {  	v57 =	vmax.f32 v62, $1.000000000e+00;
	v2 =	vsub.f32 v10, v58;
	v3 =	vsub.f32 v16, v58  }
0x115: {  	v7 =	vperm.xlane v38, v6;
	v5 =	vsub.f32 v11, v58;
	v6 =	vsub.f32 v15, v58  }
0x116: {  	v59 =	vsub.f32 v12, v58;
	v60 =	vsub.f32 v13, v58;
	v2 =	vmul.f32 v2, v2  }
0x117: {  	v58 =	vsub.f32 v14, v58;
	v5 =	vmul.f32 v5, v5;
	v61 =	vmul.f32 v3, v3  }
0x118: {  	v3 =	vmul.f32 v59, v59;
	v62 =	vmul.f32 v60, v60;
	v2 =	vadd.f32 v2, v7  }
0x119: {  	v58 =	vmul.f32 v58, v58;
	v60 =	vmul.f32 v6, v6;
	v5 =	vadd.f32 v5, v7  }
0x11a: {  	v3 =	vadd.f32 v3, v7;
	v61 =	vadd.f32 v61, v7;
	v2 =	vmax.f32 v2, $1.000000000e+00  }
0x11b: {  	v6 =	vadd.f32 v58, v7;
	v59 =	vmax.f32 v5, $1.000000000e+00;
	vm0 =	vlt.f32 v2, v8  }
0x11c: {  	s15 =	simm.s32 $0x10;
	v5 =	vadd.f32 v60, v7;
	v60 =	vmax.f32 v61, $1.000000000e+00;
	v58 =	vsel vm0, v2, v8  }
0x11d: {  	s14 =	simm.s32 $0x2;
	v4 =	vsel vm0, s15, v4;
	vm0 =	vlt.f32 v59, v44;
	v2 =	vadd.f32 v62, v7  }
.LBB2_8:
0x11e: {  	s16 =	sadd.s32 $0x1, s14  }
0x11f: {  	p3 =	slt.u32 s14, $0xE;
	v7 =	vsel vm0, s15, v55;
	v6 =	vmax.f32 v6, $1.000000000e+00;
	vm1 =	vlt.f32 v53, v58;
	s17 =	smov.u32 s14;
	s14 =	sadd.s32 $0x2, s14  }
0x120: {  	v3 =	vmax.f32 v3, $1.000000000e+00;
	v5 =	vmax.f32 v5, $1.000000000e+00;
	v8 =	vmov s16  }
0x121: {  	vm2 =	vlt.f32 v3, v41;
	vm3 =	vlt.f32 v5, v47;
	s16 =	sadd.s32 $0x11, s13;
	s13 =	smov.u32 s17;
	v55 =	vperm.xlane v33, v8  }
0x122: {  	v3 =	vsel vm2, v3, v41;
	v5 =	vsel vm3, v5, v47;
	v4 =	vsel vm1, s16, v4  }
0x123: {  	v47 =	vsel vm3, s15, v48;
	v61 =	vsub.f32 v10, v55;
	v41 =	vsub.f32 v13, v55  }
0x124: {  	vm3 =	vlt.f32 v57, v5;
	v62 =	vsub.f32 v12, v55;
	v63 =	vsub.f32 v16, v55  }
0x125: {  	vm4 =	vlt.f32 v56, v3;
	v48 =	vsel vm3, s16, v47;
	v1 =	vmul.f32 v41, v41  }
0x126: {  	v43 =	vsel vm2, s15, v43;
	v63 =	vmul.f32 v63, v63;
	v41 =	vsel vm4, v56, v3  }
0x127: {  	vm2 =	vlt.f32 v6, v45;
	v47 =	vsel vm3, v57, v5;
	v3 =	vsub.f32 v11, v55  }
0x128: {  	v2 =	vmax.f32 v2, $1.000000000e+00;
	vm3 =	vlt.f32 v60, v49;
	v43 =	vsel vm4, s16, v43  }
0x129: {  	v5 =	vsel vm2, s15, v50;
	vm4 =	vlt.f32 v2, v39;
	v3 =	vmul.f32 v3, v3  }
0x12a: {  	v44 =	vsel vm0, v59, v44;
	v6 =	vsel vm2, v6, v45;
	v49 =	vsel vm3, v60, v49  }
0x12b: {  	vm0 =	vlt.f32 v54, v6;
	v2 =	vsel vm4, v2, v39;
	v46 =	vsel vm4, s15, v46  }
0x12c: {  	v58 =	vsel vm1, v53, v58;
	v45 =	vsel vm0, v54, v6;
	vm1 =	vlt.f32 v52, v2  }
0x12d: {  	vm2 =	vlt.f32 v51, v44;
	v6 =	vsub.f32 v15, v55;
	v39 =	vsel vm1, v52, v2  }
0x12e: {  	v50 =	vsub.f32 v14, v55;
	v44 =	vsel vm2, v51, v44;
	v2 =	vmul.f32 v61, v61  }
0x12f: {  	v8 =	vperm.xlane v38, v8;
	v40 =	vsel vm3, s15, v40;
	v6 =	vmul.f32 v6, v6  }
0x130: {  	v51 =	vmul.f32 v62, v62;
	v50 =	vmul.f32 v50, v50;
	vm3 =	vlt.f32 v42, v49  }
0x131: {  	v40 =	vsel vm3, s16, v40;
	v6 =	vadd.f32 v6, v8;
	v2 =	vadd.f32 v2, v8  }
0x132: {  	v55 =	vsel vm2, s16, v7;
	v54 =	vadd.f32 v51, v8;
	v57 =	vadd.f32 v50, v8  }
0x133: {  	v1 =	vadd.f32 v1, v8;
	v46 =	vsel vm1, s16, v46;
	v3 =	vadd.f32 v3, v8  }
0x134: {  	v49 =	vsel vm3, v42, v49;
	v7 =	vadd.f32 v63, v8;
	v50 =	vsel vm0, s16, v5  }
0x135: {  	v5 =	vmov s13;
	v52 =	vmax.f32 v1, $1.000000000e+00  }
0x136: {  	v1 =	vperm.xlane v33, v5;
	v42 =	vmax.f32 v7, $1.000000000e+00;
	v51 =	vmax.f32 v3, $1.000000000e+00  }
0x137: {  	v56 =	vmax.f32 v54, $1.000000000e+00;
	v54 =	vmax.f32 v57, $1.000000000e+00;
	v53 =	vmax.f32 v2, $1.000000000e+00  }
0x138: {  	v57 =	vmax.f32 v6, $1.000000000e+00;
	v3 =	vsub.f32 v16, v1;
	v2 =	vsub.f32 v10, v1  }
0x139: {  	v7 =	vperm.xlane v38, v5;
	v5 =	vsub.f32 v11, v1;
	v6 =	vsub.f32 v15, v1  }
0x13a: {  	v8 =	vsub.f32 v12, v1;
	v59 =	vsub.f32 v13, v1;
	v2 =	vmul.f32 v2, v2  }
0x13b: {  	v1 =	vsub.f32 v14, v1;
	v5 =	vmul.f32 v5, v5;
	v60 =	vmul.f32 v3, v3  }
0x13c: {  	v3 =	vmul.f32 v8, v8;
	v8 =	vmul.f32 v59, v59;
	v2 =	vadd.f32 v2, v7  }
.Ltmp6:
0x13d: {  	v61 =	vmul.f32 v6, v6;
	v1 =	vmul.f32 v1, v1;
	v5 =	vadd.f32 v5, v7;
	(pc) =	sbr.rel @p3 .LBB2_8-.Ltmp6, $4  }
0x13e: {  	v3 =	vadd.f32 v3, v7;
	v60 =	vadd.f32 v60, v7;
	v2 =	vmax.f32 v2, $1.000000000e+00  }
0x13f: {  	v6 =	vadd.f32 v1, v7;
	v59 =	vmax.f32 v5, $1.000000000e+00;
	vm0 =	vlt.f32 v2, v58  }
0x140: {  	s15 =	sadd.s32 $0x10, s13;
	v5 =	vadd.f32 v61, v7;
	v60 =	vmax.f32 v60, $1.000000000e+00;
	v58 =	vsel vm0, v2, v58  }
0x141: {  	v4 =	vsel vm0, s15, v4;
	vm0 =	vlt.f32 v59, v44;
	v2 =	vadd.f32 v8, v7  }
0x142: {  	v1 =	vsel vm0, s15, v55;
	v6 =	vmax.f32 v6, $1.000000000e+00  }
0x143: {  	v3 =	vmax.f32 v3, $1.000000000e+00;
	v5 =	vmax.f32 v5, $1.000000000e+00;
	vm1 =	vlt.f32 v53, v58;
	s13 =	sadd.s32 $0x11, s13  }
0x144: {  	vm2 =	vlt.f32 v3, v41;
	vm3 =	vlt.f32 v5, v47;
	v4 =	vsel vm1, s13, v4  }
0x145: {  	v2 =	vmax.f32 v2, $1.000000000e+00;
	v3 =	vsel vm2, v3, v41;
	v5 =	vsel vm3, v5, v47  }
0x146: {  	v7 =	vsel vm3, s15, v48;
	vm15 =	vlt.f32 v2, v39;
	vm3 =	vlt.f32 v57, v5  }
0x147: {  	vm4 =	vlt.f32 v56, v3;
	v2 =	vsel vm15, v2, v39;
	v8 =	vsel vm15, s15, v46  }
0x148: {  	v41 =	vsel vm3, s13, v7;
	v7 =	vsel vm2, s15, v43;
	v47 =	vsel vm4, v56, v3  }
0x149: {  	vm2 =	vlt.f32 v6, v45;
	v48 =	vsel vm3, v57, v5;
	v5 =	vsel vm0, v59, v44  }
0x14a: {  	v3 =	vsel vm2, s15, v50;
	v6 =	vsel vm2, v6, v45;
	vm2 =	vlt.f32 v51, v5  }
0x14b: {  	vm3 =	vlt.f32 v60, v49;
	v43 =	vsel vm4, s13, v7;
	v44 =	vsel vm2, s13, v1;
	v1 =	vld [tilespmem:$0x1FF70]  }
0x14c: {  	v7 =	vsel vm3, v60, v49;
	v60 =	vsel vm1, v53, v58;
	vm1 =	vlt.f32 v52, v2  }
0x14d: {  	s14 =	simm.s32 $0x1;
	vm0 =	vlt.f32 v54, v6;
	v46 =	vsel vm1, v52, v2;
	v2 =	vsel vm3, s15, v40  }
0x14e: {  	vm3 =	vlt.f32 v42, v7;
	v45 =	vsel vm0, v54, v6;
	v6 =	vmov s14  }
0x14f: {  	v40 =	vsel vm3, s13, v2;
	v2 =	vperm.xlane v34, v6  }
0x150: {  	v50 =	vsel vm2, v51, v5;
	v1 =	vsub.f32 v36, v1  }
0x151: {  	v51 =	vsel vm1, s13, v8;
	v53 =	vsel vm0, s13, v3;
	v5 =	vsub.f32 v13, v2  }
0x152: {  	v3 =	vsub.f32 v10, v2;
	v8 =	vsub.f32 v15, v2;
	v39 =	vmul.f32 v1, v1  }
0x153: {  	v59 =	vsub.f32 v16, v2;
	v5 =	vmul.f32 v5, v5;
	v1 =	vsub.f32 v12, v2  }
0x154: {  	v61 =	vsub.f32 v11, v2;
	v3 =	vmul.f32 v3, v3;
	v6 =	vperm.xlane v39, v6  }
0x155: {  	v8 =	vmul.f32 v8, v8;
	v2 =	vsub.f32 v14, v2;
	v1 =	vmul.f32 v1, v1  }
0x156: {  	v49 =	vmul.f32 v59, v59;
	v52 =	vmul.f32 v61, v61;
	v3 =	vadd.f32 v3, v6  }
0x157: {  	v2 =	vmul.f32 v2, v2;
	v8 =	vadd.f32 v8, v6;
	v1 =	vadd.f32 v1, v6  }
0x158: {  	v56 =	vsel vm3, v42, v7;
	s13 =	simm.s32 $0x0;
	v5 =	vadd.f32 v5, v6;
	v7 =	vadd.f32 v52, v6  }
0x159: {  	v62 =	vadd.f32 v49, v6;
	v2 =	vadd.f32 v2, v6;
	v6 =	vmov s13  }
0x15a: {  	v55 =	vmax.f32 v5, $1.000000000e+00;
	v5 =	vperm.xlane v34, v6  }
0x15b: {  	v54 =	vmax.f32 v7, $1.000000000e+00;
	v57 =	vmax.f32 v3, $1.000000000e+00  }
0x15c: {  	v52 =	vmax.f32 v1, $1.000000000e+00;
	v58 =	vmax.f32 v2, $1.000000000e+00;
	v1 =	vsub.f32 v10, v5  }
0x15d: {  	v59 =	vmax.f32 v8, $1.000000000e+00;
	v2 =	vsub.f32 v16, v5;
	v3 =	vsub.f32 v11, v5  }
0x15e: {  	v7 =	vperm.xlane v39, v6;
	v6 =	vsub.f32 v15, v5;
	v8 =	vsub.f32 v12, v5  }
0x15f: {  	v63 =	vsub.f32 v13, v5;
	v5 =	vsub.f32 v14, v5;
	v1 =	vmul.f32 v1, v1  }
0x160: {  	v49 =	vmax.f32 v62, $1.000000000e+00;
	v3 =	vmul.f32 v3, v3;
	v8 =	vmul.f32 v8, v8  }
0x161: {  	v2 =	vmul.f32 v2, v2;
	v5 =	vmul.f32 v5, v5;
	v1 =	vadd.f32 v1, v7  }
0x162: {  	v62 =	vmul.f32 v6, v6;
	v61 =	vadd.f32 v3, v7;
	v3 =	vadd.f32 v8, v7  }
0x163: {  	v42 =	vmul.f32 v63, v63;
	v2 =	vadd.f32 v2, v7;
	v6 =	vadd.f32 v5, v7  }
0x164: {  	v5 =	vadd.f32 v62, v7;
	v1 =	vmax.f32 v1, $1.000000000e+00;
	v61 =	vmax.f32 v61, $1.000000000e+00  }
0x165: {  	s15 =	simm.s32 $0x20;
	v62 =	vmax.f32 v2, $1.000000000e+00;
	v2 =	vadd.f32 v42, v7;
	vm0 =	vlt.f32 v1, v60  }
0x166: {  	s14 =	simm.s32 $0x2;
	v60 =	vsel vm0, v1, v60;
	v4 =	vsel vm0, s15, v4;
	vm0 =	vlt.f32 v61, v50  }
.LBB2_10:
0x167: {  	s16 =	sadd.s32 $0x1, s14  }
0x168: {  	p3 =	slt.u32 s14, $0xE;
	v1 =	vsel vm0, s15, v44;
	v6 =	vmax.f32 v6, $1.000000000e+00;
	vm1 =	vlt.f32 v57, v60;
	s17 =	smov.u32 s14;
	s14 =	sadd.s32 $0x2, s14  }
0x169: {  	v3 =	vmax.f32 v3, $1.000000000e+00;
	v5 =	vmax.f32 v5, $1.000000000e+00;
	v7 =	vmov s16  }
0x16a: {  	vm2 =	vlt.f32 v3, v47;
	vm3 =	vlt.f32 v5, v48;
	s16 =	sadd.s32 $0x21, s13;
	s13 =	smov.u32 s17;
	v8 =	vperm.xlane v34, v7  }
0x16b: {  	v3 =	vsel vm2, v3, v47;
	v5 =	vsel vm3, v5, v48;
	v4 =	vsel vm1, s16, v4  }
0x16c: {  	v41 =	vsel vm3, s15, v41;
	v42 =	vsub.f32 v10, v8;
	v44 =	vsub.f32 v13, v8  }
0x16d: {  	vm3 =	vlt.f32 v59, v5;
	v63 =	vsub.f32 v12, v8;
	v47 =	vsub.f32 v16, v8  }
0x16e: {  	vm4 =	vlt.f32 v52, v3;
	v41 =	vsel vm3, s16, v41;
	v28 =	vmul.f32 v44, v44  }
0x16f: {  	v43 =	vsel vm2, s15, v43;
	v29 =	vmul.f32 v47, v47;
	v47 =	vsel vm4, v52, v3  }
0x170: {  	vm2 =	vlt.f32 v6, v45;
	v48 =	vsel vm3, v59, v5;
	v3 =	vsub.f32 v11, v8  }
0x171: {  	v2 =	vmax.f32 v2, $1.000000000e+00;
	vm3 =	vlt.f32 v62, v56;
	v43 =	vsel vm4, s16, v43  }
0x172: {  	v5 =	vsel vm2, s15, v53;
	vm4 =	vlt.f32 v2, v46;
	v3 =	vmul.f32 v3, v3  }
0x173: {  	v6 =	vsel vm2, v6, v45;
	v44 =	vsel vm0, v61, v50;
	v52 =	vsel vm3, v62, v56  }
0x174: {  	vm0 =	vlt.f32 v58, v6;
	v2 =	vsel vm4, v2, v46;
	v51 =	vsel vm4, s15, v51  }
0x175: {  	v60 =	vsel vm1, v57, v60;
	v45 =	vsel vm0, v58, v6;
	vm1 =	vlt.f32 v55, v2  }
0x176: {  	v6 =	vsub.f32 v15, v8;
	vm2 =	vlt.f32 v54, v44;
	v46 =	vsel vm1, v55, v2  }
0x177: {  	v8 =	vsub.f32 v14, v8;
	v50 =	vsel vm2, v54, v44;
	v2 =	vmul.f32 v42, v42  }
0x178: {  	v7 =	vperm.xlane v39, v7;
	v40 =	vsel vm3, s15, v40;
	v6 =	vmul.f32 v6, v6  }
0x179: {  	vm3 =	vlt.f32 v49, v52;
	v42 =	vmul.f32 v63, v63;
	v8 =	vmul.f32 v8, v8  }
0x17a: {  	v40 =	vsel vm3, s16, v40;
	v2 =	vadd.f32 v2, v7;
	v6 =	vadd.f32 v6, v7  }
0x17b: {  	v44 =	vsel vm2, s16, v1;
	v42 =	vadd.f32 v42, v7;
	v8 =	vadd.f32 v8, v7  }
0x17c: {  	v51 =	vsel vm1, s16, v51;
	v1 =	vadd.f32 v3, v7;
	v3 =	vadd.f32 v28, v7  }
0x17d: {  	v53 =	vsel vm0, s16, v5;
	v56 =	vsel vm3, v49, v52;
	v7 =	vadd.f32 v29, v7  }
0x17e: {  	v5 =	vmov s13;
	v55 =	vmax.f32 v3, $1.000000000e+00  }
0x17f: {  	v3 =	vperm.xlane v34, v5;
	v54 =	vmax.f32 v1, $1.000000000e+00;
	v49 =	vmax.f32 v7, $1.000000000e+00  }
0x180: {  	v57 =	vmax.f32 v2, $1.000000000e+00;
	v52 =	vmax.f32 v42, $1.000000000e+00;
	v58 =	vmax.f32 v8, $1.000000000e+00  }
0x181: {  	v59 =	vmax.f32 v6, $1.000000000e+00;
	v1 =	vsub.f32 v10, v3;
	v2 =	vsub.f32 v16, v3  }
0x182: {  	v7 =	vperm.xlane v39, v5;
	v5 =	vsub.f32 v11, v3;
	v6 =	vsub.f32 v15, v3  }
0x183: {  	v8 =	vsub.f32 v12, v3;
	v28 =	vsub.f32 v13, v3;
	v1 =	vmul.f32 v1, v1  }
0x184: {  	v3 =	vsub.f32 v14, v3;
	v5 =	vmul.f32 v5, v5;
	v2 =	vmul.f32 v2, v2  }
0x185: {  	v8 =	vmul.f32 v8, v8;
	v28 =	vmul.f32 v28, v28;
	v1 =	vadd.f32 v1, v7  }
.Ltmp7:
0x186: {  	v29 =	vmul.f32 v3, v3;
	v42 =	vmul.f32 v6, v6;
	v5 =	vadd.f32 v5, v7;
	(pc) =	sbr.rel @p3 .LBB2_10-.Ltmp7, $4  }
0x187: {  	v3 =	vadd.f32 v8, v7;
	v2 =	vadd.f32 v2, v7;
	v1 =	vmax.f32 v1, $1.000000000e+00  }
0x188: {  	v6 =	vadd.f32 v29, v7;
	v61 =	vmax.f32 v5, $1.000000000e+00;
	vm0 =	vlt.f32 v1, v60  }
0x189: {  	s15 =	sadd.s32 $0x20, s13;
	v5 =	vadd.f32 v42, v7;
	v62 =	vmax.f32 v2, $1.000000000e+00;
	v60 =	vsel vm0, v1, v60  }
0x18a: {  	v2 =	vadd.f32 v28, v7;
	v4 =	vsel vm0, s15, v4;
	vm0 =	vlt.f32 v61, v50  }
0x18b: {  	v1 =	vsel vm0, s15, v44;
	v6 =	vmax.f32 v6, $1.000000000e+00  }
0x18c: {  	v3 =	vmax.f32 v3, $1.000000000e+00;
	v5 =	vmax.f32 v5, $1.000000000e+00;
	vm1 =	vlt.f32 v57, v60;
	s13 =	sadd.s32 $0x21, s13  }
0x18d: {  	vm2 =	vlt.f32 v3, v47;
	vm3 =	vlt.f32 v5, v48;
	v7 =	vsel vm1, s13, v4  }
0x18e: {  	v2 =	vmax.f32 v2, $1.000000000e+00;
	v28 =	vsel vm1, v57, v60;
	v3 =	vsel vm2, v3, v47  }
0x18f: {  	v5 =	vsel vm3, v5, v48;
	v4 =	vsel vm3, s15, v41;
	vm15 =	vlt.f32 v2, v46  }
0x190: {  	vm3 =	vlt.f32 v59, v5;
	vm4 =	vlt.f32 v52, v3;
	v2 =	vsel vm15, v2, v46  }
0x191: {  	v8 =	vsel vm15, s15, v51;
	v42 =	vsel vm3, s13, v4;
	v4 =	vsel vm2, s15, v43  }
0x192: {  	v52 =	vsel vm4, v52, v3;
	vm2 =	vlt.f32 v6, v45;
	v44 =	vsel vm3, v59, v5  }
0x193: {  	vm3 =	vlt.f32 v62, v56;
	vm1 =	vlt.f32 v55, v2;
	v47 =	vsel vm4, s13, v4  }
0x194: {  	v3 =	vsel vm2, s15, v53;
	v4 =	vsel vm0, v61, v50;
	v5 =	vsel vm2, v6, v45  }
0x195: {  	v6 =	vsel vm3, v62, v56;
	v51 =	vsel vm1, v55, v2;
	v2 =	vsel vm3, s15, v40  }
0x196: {  	s14 =	simm.s32 $0x1;
	vm0 =	vlt.f32 v58, v5;
	vm2 =	vlt.f32 v54, v4;
	vm3 =	vlt.f32 v49, v6  }
0x197: {  	v46 =	vsel vm0, v58, v5;
	v5 =	vmov s14;
	v43 =	vsel vm3, s13, v2  }
0x198: {  	v57 =	vsel vm2, s13, v1;
	v1 =	vsub.f32 v36, v31;
	v2 =	vperm.xlane v35, v5  }
0x199: {  	v50 =	vsel vm1, s13, v8  }
0x19a: {  	v48 =	vsel vm0, s13, v3;
	v40 =	vmul.f32 v1, v1;
	v3 =	vsub.f32 v10, v2  }
0x19b: {  	v41 =	vsel vm2, v54, v4;
	v4 =	vsub.f32 v13, v2;
	v1 =	vsub.f32 v12, v2  }
0x19c: {  	v8 =	vsub.f32 v15, v2;
	v29 =	vsub.f32 v16, v2;
	v5 =	vperm.xlane v40, v5  }
0x19d: {  	v62 =	vsub.f32 v11, v2;
	v4 =	vmul.f32 v4, v4;
	v3 =	vmul.f32 v3, v3  }
0x19e: {  	v2 =	vsub.f32 v14, v2;
	v8 =	vmul.f32 v8, v8;
	v1 =	vmul.f32 v1, v1  }
0x19f: {  	v29 =	vmul.f32 v29, v29;
	v45 =	vmul.f32 v62, v62;
	v3 =	vadd.f32 v3, v5  }
0x1a0: {  	v2 =	vmul.f32 v2, v2;
	v8 =	vadd.f32 v8, v5;
	v1 =	vadd.f32 v1, v5  }
0x1a1: {  	v49 =	vsel vm3, v49, v6;
	s14 =	simm.s32 $0x0;
	v4 =	vadd.f32 v4, v5;
	v6 =	vadd.f32 v45, v5  }
0x1a2: {  	v29 =	vadd.f32 v29, v5;
	v2 =	vadd.f32 v2, v5;
	v5 =	vmov s14  }
0x1a3: {  	v55 =	vmax.f32 v4, $1.000000000e+00;
	v4 =	vperm.xlane v35, v5;
	v58 =	vmax.f32 v6, $1.000000000e+00  }
0x1a4: {  	v45 =	vmax.f32 v29, $1.000000000e+00;
	v60 =	vmax.f32 v3, $1.000000000e+00;
	v59 =	vmax.f32 v1, $1.000000000e+00  }
0x1a5: {  	v54 =	vmax.f32 v2, $1.000000000e+00;
	v1 =	vsub.f32 v10, v4;
	v2 =	vsub.f32 v16, v4  }
0x1a6: {  	v6 =	vperm.xlane v40, v5;
	v3 =	vsub.f32 v11, v4;
	v5 =	vsub.f32 v15, v4  }
0x1a7: {  	v53 =	vmax.f32 v8, $1.000000000e+00;
	v8 =	vsub.f32 v12, v4;
	v29 =	vsub.f32 v13, v4  }
0x1a8: {  	v4 =	vsub.f32 v14, v4;
	v1 =	vmul.f32 v1, v1;
	v3 =	vmul.f32 v3, v3  }
0x1a9: {  	v2 =	vmul.f32 v2, v2;
	v8 =	vmul.f32 v8, v8  }
0x1aa: {  	v29 =	vmul.f32 v29, v29;
	v63 =	vmul.f32 v4, v4;
	v1 =	vadd.f32 v1, v6  }
0x1ab: {  	v5 =	vmul.f32 v5, v5;
	v3 =	vadd.f32 v3, v6;
	v4 =	vadd.f32 v8, v6  }
0x1ac: {  	v8 =	vadd.f32 v2, v6;
	v62 =	vadd.f32 v63, v6  }
0x1ad: {  	v61 =	vadd.f32 v5, v6;
	v63 =	vadd.f32 v29, v6;
	v1 =	vmax.f32 v1, $1.000000000e+00  }
0x1ae: {  	s15 =	simm.s32 $0x30;
	v2 =	vmax.f32 v3, $1.000000000e+00;
	v56 =	vmax.f32 v8, $1.000000000e+00;
	vm0 =	vlt.f32 v1, v28  }
0x1af: {  	s13 =	simm.s32 $0x2;
	v3 =	vsel vm0, v1, v28;
	v5 =	vsel vm0, s15, v7;
	vm0 =	vlt.f32 v2, v41  }
.LBB2_12:
0x1b0: {  	s16 =	sadd.s32 $0x1, s13  }
0x1b1: {  	p3 =	slt.u32 s13, $0xE;
	v1 =	vsel vm0, s15, v57;
	v6 =	vmax.f32 v62, $1.000000000e+00;
	vm1 =	vlt.f32 v60, v3;
	s17 =	smov.u32 s13;
	s13 =	sadd.s32 $0x2, s13  }
0x1b2: {  	v4 =	vmax.f32 v4, $1.000000000e+00;
	v8 =	vmax.f32 v61, $1.000000000e+00;
	v7 =	vmov s16  }
0x1b3: {  	vm2 =	vlt.f32 v4, v52;
	vm3 =	vlt.f32 v8, v44;
	s16 =	sadd.s32 $0x31, s14;
	s14 =	smov.u32 s17;
	v28 =	vperm.xlane v35, v7  }
0x1b4: {  	v4 =	vsel vm2, v4, v52;
	v8 =	vsel vm3, v8, v44;
	v5 =	vsel vm1, s16, v5  }
0x1b5: {  	v42 =	vsel vm3, s15, v42;
	v29 =	vsub.f32 v10, v28;
	v44 =	vsub.f32 v13, v28  }
0x1b6: {  	vm3 =	vlt.f32 v53, v8;
	v57 =	vsub.f32 v12, v28;
	v52 =	vsub.f32 v16, v28  }
0x1b7: {  	vm4 =	vlt.f32 v59, v4;
	v42 =	vsel vm3, s16, v42;
	v61 =	vmul.f32 v44, v44  }
0x1b8: {  	v47 =	vsel vm2, s15, v47;
	v62 =	vmul.f32 v52, v52;
	v52 =	vsel vm4, v59, v4  }
0x1b9: {  	vm2 =	vlt.f32 v6, v46;
	v4 =	vsub.f32 v11, v28;
	v44 =	vsel vm3, v53, v8  }
0x1ba: {  	v47 =	vsel vm4, s16, v47;
	v8 =	vmax.f32 v63, $1.000000000e+00;
	vm3 =	vlt.f32 v56, v49  }
0x1bb: {  	v48 =	vsel vm2, s15, v48;
	vm4 =	vlt.f32 v8, v51;
	v4 =	vmul.f32 v4, v4  }
0x1bc: {  	v2 =	vsel vm0, v2, v41;
	v6 =	vsel vm2, v6, v46;
	v49 =	vsel vm3, v56, v49  }
0x1bd: {  	vm0 =	vlt.f32 v54, v6;
	v8 =	vsel vm4, v8, v51;
	v50 =	vsel vm4, s15, v50  }
0x1be: {  	v3 =	vsel vm1, v60, v3;
	v46 =	vsel vm0, v54, v6;
	vm1 =	vlt.f32 v55, v8  }
0x1bf: {  	vm2 =	vlt.f32 v58, v2;
	v6 =	vsub.f32 v15, v28;
	v51 =	vsel vm1, v55, v8  }
0x1c0: {  	v41 =	vsel vm2, v58, v2;
	v28 =	vsub.f32 v14, v28;
	v8 =	vmul.f32 v29, v29  }
0x1c1: {  	v2 =	vperm.xlane v40, v7;
	v6 =	vmul.f32 v6, v6;
	v7 =	vsel vm3, s15, v43  }
0x1c2: {  	v28 =	vmul.f32 v28, v28;
	vm3 =	vlt.f32 v45, v49;
	v29 =	vmul.f32 v57, v57  }
0x1c3: {  	v6 =	vadd.f32 v6, v2;
	v43 =	vsel vm3, s16, v7;
	v8 =	vadd.f32 v8, v2  }
0x1c4: {  	v28 =	vadd.f32 v28, v2;
	v57 =	vsel vm2, s16, v1;
	v7 =	vadd.f32 v29, v2  }
0x1c5: {  	v1 =	vadd.f32 v4, v2;
	v4 =	vadd.f32 v61, v2;
	v50 =	vsel vm1, s16, v50  }
0x1c6: {  	v48 =	vsel vm0, s16, v48;
	v49 =	vsel vm3, v45, v49;
	v2 =	vadd.f32 v62, v2  }
0x1c7: {  	v29 =	vmov s14;
	v55 =	vmax.f32 v4, $1.000000000e+00  }
0x1c8: {  	v58 =	vmax.f32 v1, $1.000000000e+00;
	v4 =	vperm.xlane v35, v29;
	v45 =	vmax.f32 v2, $1.000000000e+00  }
0x1c9: {  	v54 =	vmax.f32 v28, $1.000000000e+00;
	v60 =	vmax.f32 v8, $1.000000000e+00;
	v59 =	vmax.f32 v7, $1.000000000e+00  }
0x1ca: {  	v53 =	vmax.f32 v6, $1.000000000e+00;
	v1 =	vsub.f32 v10, v4;
	v2 =	vsub.f32 v16, v4  }
0x1cb: {  	v6 =	vperm.xlane v40, v29;
	v7 =	vsub.f32 v11, v4;
	v8 =	vsub.f32 v15, v4  }
0x1cc: {  	v28 =	vsub.f32 v12, v4;
	v29 =	vsub.f32 v13, v4;
	v1 =	vmul.f32 v1, v1  }
0x1cd: {  	v4 =	vsub.f32 v14, v4;
	v7 =	vmul.f32 v7, v7;
	v2 =	vmul.f32 v2, v2  }
0x1ce: {  	v28 =	vmul.f32 v28, v28;
	v29 =	vmul.f32 v29, v29;
	v1 =	vadd.f32 v1, v6  }
.Ltmp8:
0x1cf: {  	v56 =	vmul.f32 v4, v4;
	v8 =	vmul.f32 v8, v8;
	v7 =	vadd.f32 v7, v6;
	(pc) =	sbr.rel @p3 .LBB2_12-.Ltmp8, $4  }
0x1d0: {  	v4 =	vadd.f32 v28, v6;
	v28 =	vadd.f32 v2, v6;
	v1 =	vmax.f32 v1, $1.000000000e+00  }
0x1d1: {  	v62 =	vadd.f32 v56, v6;
	v2 =	vmax.f32 v7, $1.000000000e+00;
	vm0 =	vlt.f32 v1, v3  }
0x1d2: {  	s15 =	sadd.s32 $0x30, s14;
	v61 =	vadd.f32 v8, v6;
	v56 =	vmax.f32 v28, $1.000000000e+00;
	v3 =	vsel vm0, v1, v3  }
0x1d3: {  	v63 =	vadd.f32 v29, v6;
	v5 =	vsel vm0, s15, v5;
	vm0 =	vlt.f32 v2, v41  }
0x1d4: {  	vm2 =	vlt.f32 v60, v3  }
0x1d5: {  	v1 =	vsel vm2, v60, v3  }
0x1d6: {  	v3 =	vshra.s32 v1, $0x1;
	v1 =	vmul.f32 $5.000000000e-01, v1  }
0x1d7: {  	v3 =	vsub.s32 $0x5F3759DF, v3  }
0x1d8: {  	v6 =	vmul.f32 v3, v1;
	_ =	sdelay $0x1  }
0x1d9: {  	v6 =	vmul.f32 v3, v6;
	_ =	sdelay $0x1  }
0x1da: {  	v6 =	vsub.f32 $1.500000000e+00, v6;
	_ =	sdelay $0x1  }
0x1db: {  	v2 =	vsel vm0, v2, v41;
	v3 =	vmul.f32 v3, v6  }
0x1dc: {  	vm1 =	vlt.f32 v58, v2  }
0x1dd: {  	v2 =	vsel vm1, v58, v2;
	v1 =	vmul.f32 v3, v1  }
0x1de: {  	s13 =	smul.u32 $0xE0, s12;
	v6 =	vshra.s32 v2, $0x1;
	v2 =	vmul.f32 $5.000000000e-01, v2  }
0x1df: {  	v6 =	vsub.s32 $0x5F3759DF, v6;
	v1 =	vmul.f32 v1, v3  }
0x1e0: {  	v7 =	vld [tilespmem:s13+$0x0];
	v8 =	vmul.f32 v6, v2  }
0x1e1: {  	s16 =	sadd.s32 $0x31, s14;
	v1 =	vsub.f32 $1.500000000e+00, v1  }
0x1e2: {  	v5 =	vsel vm2, s16, v5;
	v8 =	vmul.f32 v6, v8  }
0x1e3: {  	v4 =	vmax.f32 v4, $1.000000000e+00;
	v1 =	vmul.f32 v1, v3;
	v3 =	vshll.u32 v5, $0x4  }
0x1e4: {  	v41 =	vor.u32 $0x400, v0;
	v8 =	vsub.f32 $1.500000000e+00, v8;
	v5 =	vor.u32 v0, v3  }
0x1e5: {  	vm2 =	vlt.f32 v4, v52;
	v3 =	vadd.s32 v41, v3;
	v1 =	vmul.f32 v7, v1  }
0x1e6: {  	v4 =	vsel vm2, v4, v52;
	v6 =	vmul.f32 v6, v8  }
0x1e7: {  	vm3 =	vlt.f32 v59, v4;
	v7 =	vmul.f32 v1, v36  }
0x1e8: {  	v4 =	vsel vm3, v59, v4;
	v2 =	vmul.f32 v6, v2;
	v1 =	vmul.f32 v10, v1  }
0x1e9: {  	[tilespmem:v5+s7+$0x0] =	vst.idx.add.f32.msk $0xffff, v7;
	v5 =	vshra.s32 v4, $0x1;
	v4 =	vmul.f32 $5.000000000e-01, v4  }
0x1ea: {  	[tilespmem:v3+s7+$0x0] =	vst.idx.add.f32.msk $0xffff, v1;
	v1 =	vmul.f32 v2, v6;
	v2 =	vsub.s32 $0x5F3759DF, v5  }
0x1eb: {  	v3 =	vld [tilespmem:s13+$0x10];
	v5 =	vmul.f32 v2, v4  }
0x1ec: {  	v7 =	vsel vm0, s15, v57;
	v1 =	vsub.f32 $1.500000000e+00, v1  }
0x1ed: {  	v7 =	vsel vm1, s16, v7;
	v5 =	vmul.f32 v2, v5  }
0x1ee: {  	v1 =	vmul.f32 v1, v6;
	v6 =	vshll.u32 v7, $0x4  }
0x1ef: {  	v7 =	vmax.f32 v63, $1.000000000e+00;
	v8 =	vor.u32 v0, v6;
	v5 =	vsub.f32 $1.500000000e+00, v5  }
0x1f0: {  	vm1 =	vlt.f32 v7, v51;
	v1 =	vmul.f32 v3, v1;
	v3 =	vadd.s32 v41, v6  }
0x1f1: {  	v6 =	vsel vm1, v7, v51;
	v2 =	vmul.f32 v2, v5  }
0x1f2: {  	vm4 =	vlt.f32 v55, v6;
	v5 =	vmul.f32 v1, v36  }
0x1f3: {  	v6 =	vsel vm4, v55, v6;
	v1 =	vmul.f32 v11, v1;
	v4 =	vmul.f32 v2, v4  }
0x1f4: {  	[tilespmem:v8+s7+$0x0] =	vst.idx.add.f32.msk $0xffff, v5;
	v5 =	vshra.s32 v6, $0x1;
	v6 =	vmul.f32 $5.000000000e-01, v6  }
0x1f5: {  	[tilespmem:v3+s7+$0x0] =	vst.idx.add.f32.msk $0xffff, v1;
	v1 =	vmul.f32 v4, v2;
	v3 =	vsub.s32 $0x5F3759DF, v5  }
0x1f6: {  	v4 =	vld [tilespmem:s13+$0x20];
	v5 =	vmul.f32 v3, v6  }
0x1f7: {  	v7 =	vsel vm2, s15, v47;
	v1 =	vsub.f32 $1.500000000e+00, v1  }
0x1f8: {  	v7 =	vsel vm3, s16, v7;
	v5 =	vmul.f32 v3, v5  }
0x1f9: {  	v1 =	vmul.f32 v1, v2;
	v2 =	vshll.u32 v7, $0x4  }
0x1fa: {  	v7 =	vmax.f32 v62, $1.000000000e+00;
	v8 =	vor.u32 v0, v2;
	v5 =	vsub.f32 $1.500000000e+00, v5  }
0x1fb: {  	vm0 =	vlt.f32 v7, v46;
	v2 =	vadd.s32 v41, v2;
	v1 =	vmul.f32 v4, v1  }
0x1fc: {  	v4 =	vsel vm0, v7, v46;
	v3 =	vmul.f32 v3, v5  }
0x1fd: {  	vm2 =	vlt.f32 v54, v4;
	v5 =	vmul.f32 v1, v36  }
0x1fe: {  	v4 =	vsel vm2, v54, v4;
	v1 =	vmul.f32 v12, v1;
	v6 =	vmul.f32 v3, v6  }
0x1ff: {  	[tilespmem:v8+s7+$0x0] =	vst.idx.add.f32.msk $0xffff, v5;
	v5 =	vshra.s32 v4, $0x1;
	v4 =	vmul.f32 $5.000000000e-01, v4  }
0x200: {  	[tilespmem:v2+s7+$0x0] =	vst.idx.add.f32.msk $0xffff, v1;
	v1 =	vmul.f32 v6, v3;
	v2 =	vsub.s32 $0x5F3759DF, v5  }
0x201: {  	v5 =	vld [tilespmem:s13+$0x30];
	v6 =	vmul.f32 v2, v4  }
0x202: {  	v7 =	vsel vm1, s15, v50;
	v1 =	vsub.f32 $1.500000000e+00, v1  }
0x203: {  	v7 =	vsel vm4, s16, v7;
	v6 =	vmul.f32 v2, v6  }
0x204: {  	v1 =	vmul.f32 v1, v3;
	v3 =	vshll.u32 v7, $0x4  }
0x205: {  	v7 =	vmax.f32 v61, $1.000000000e+00;
	v8 =	vor.u32 v0, v3;
	v6 =	vsub.f32 $1.500000000e+00, v6  }
0x206: {  	vm1 =	vlt.f32 v7, v44;
	v3 =	vadd.s32 v41, v3;
	v1 =	vmul.f32 v5, v1  }
0x207: {  	v5 =	vsel vm1, v7, v44;
	v2 =	vmul.f32 v2, v6  }
0x208: {  	vm3 =	vlt.f32 v53, v5;
	v6 =	vmul.f32 v1, v36  }
0x209: {  	v5 =	vsel vm3, v53, v5;
	v1 =	vmul.f32 v13, v1;
	v4 =	vmul.f32 v2, v4  }
0x20a: {  	[tilespmem:v8+s7+$0x0] =	vst.idx.add.f32.msk $0xffff, v6;
	v6 =	vshra.s32 v5, $0x1;
	v5 =	vmul.f32 $5.000000000e-01, v5  }
0x20b: {  	[tilespmem:v3+s7+$0x0] =	vst.idx.add.f32.msk $0xffff, v1;
	v1 =	vmul.f32 v4, v2;
	v3 =	vsub.s32 $0x5F3759DF, v6  }
0x20c: {  	v4 =	vld [tilespmem:s13+$0x40];
	v6 =	vmul.f32 v3, v5  }
0x20d: {  	v7 =	vsel vm0, s15, v48;
	v1 =	vsub.f32 $1.500000000e+00, v1  }
0x20e: {  	v7 =	vsel vm2, s16, v7;
	v6 =	vmul.f32 v3, v6  }
0x20f: {  	v1 =	vmul.f32 v1, v2;
	v2 =	vshll.u32 v7, $0x4  }
0x210: {  	v7 =	vor.u32 v0, v2;
	v6 =	vsub.f32 $1.500000000e+00, v6  }
0x211: {  	vm0 =	vlt.f32 v56, v49;
	v2 =	vadd.s32 v41, v2;
	v1 =	vmul.f32 v4, v1  }
0x212: {  	v4 =	vsel vm0, v56, v49;
	v3 =	vmul.f32 v3, v6  }
0x213: {  	vm2 =	vlt.f32 v45, v4;
	v6 =	vmul.f32 v1, v36  }
0x214: {  	v4 =	vsel vm2, v45, v4;
	v1 =	vmul.f32 v14, v1;
	v5 =	vmul.f32 v3, v5  }
0x215: {  	[tilespmem:v7+s7+$0x0] =	vst.idx.add.f32.msk $0xffff, v6;
	v6 =	vshra.s32 v4, $0x1;
	v4 =	vmul.f32 $5.000000000e-01, v4  }
0x216: {  	[tilespmem:v2+s7+$0x0] =	vst.idx.add.f32.msk $0xffff, v1;
	v1 =	vmul.f32 v5, v3;
	v2 =	vsub.s32 $0x5F3759DF, v6  }
0x217: {  	v5 =	vld [tilespmem:s13+$0x50];
	v6 =	vmul.f32 v2, v4  }
0x218: {  	v7 =	vsel vm1, s15, v42;
	v1 =	vsub.f32 $1.500000000e+00, v1  }
0x219: {  	v7 =	vsel vm3, s16, v7;
	v6 =	vmul.f32 v2, v6  }
0x21a: {  	v1 =	vmul.f32 v1, v3;
	v3 =	vshll.u32 v7, $0x4  }
0x21b: {  	v7 =	vor.u32 v0, v3;
	v6 =	vsub.f32 $1.500000000e+00, v6  }
0x21c: {  	v3 =	vadd.s32 v41, v3;
	v1 =	vmul.f32 v5, v1  }
0x21d: {  	v2 =	vmul.f32 v2, v6  }
0x21e: {  	v5 =	vmul.f32 v1, v36  }
0x21f: {  	v1 =	vmul.f32 v15, v1;
	v4 =	vmul.f32 v2, v4  }
0x220: {  	[tilespmem:v7+s7+$0x0] =	vst.idx.add.f32.msk $0xffff, v5  }
0x221: {  	[tilespmem:v3+s7+$0x0] =	vst.idx.add.f32.msk $0xffff, v1;
	v1 =	vmul.f32 v4, v2  }
0x222: {  	v3 =	vld [tilespmem:s13+$0x60]  }
0x223: {  	v60 =	vimm.s32 $0x0;
	v52 =	vimm.s32 $0x0;
	v1 =	vsub.f32 $1.500000000e+00, v1  }
0x224: {  	s14 =	simm.s32 $0x1;
	v51 =	vimm.s32 $0x0;
	v46 =	vimm.s32 $0x0;
	v54 =	vimm.f32 $+Inf  }
0x225: {  	v42 =	vmov s14;
	v1 =	vmul.f32 v1, v2;
	v2 =	vsel vm0, s15, v43  }
0x226: {  	v53 =	vimm.f32 $+Inf;
	v56 =	vperm.xlane v37, v42;
	s15 =	simm.s32 $0x0;
	v2 =	vsel vm2, s16, v2  }
0x227: {  	v50 =	vmov s15;
	v1 =	vmul.f32 v3, v1;
	v3 =	vperm.xlane v32, v42  }
0x228: {  	v43 =	vimm.f32 $+Inf;
	v2 =	vshll.u32 v2, $0x4;
	v63 =	vperm.xlane v37, v50  }
0x229: {  	v29 =	vor.u32 v0, v2;
	v48 =	vadd.s32 v41, v2;
	v2 =	vsub.f32 v25, v3  }
0x22a: {  	v28 =	vmul.f32 v1, v36;
	v4 =	vsub.f32 v24, v3;
	v5 =	vsub.f32 v20, v3  }
0x22b: {  	v6 =	vsub.f32 v17, v3;
	v7 =	vsub.f32 v18, v3;
	v2 =	vmul.f32 v2, v2  }
0x22c: {  	v8 =	vsub.f32 v26, v3;
	v4 =	vmul.f32 v4, v4;
	v5 =	vmul.f32 v5, v5  }
0x22d: {  	v3 =	vsub.f32 v19, v3;
	v6 =	vmul.f32 v6, v6;
	v7 =	vmul.f32 v7, v7  }
0x22e: {  	v8 =	vmul.f32 v8, v8;
	v5 =	vadd.f32 v5, v56;
	v4 =	vadd.f32 v4, v56  }
0x22f: {  	v3 =	vmul.f32 v3, v3;
	v6 =	vadd.f32 v6, v56;
	v7 =	vadd.f32 v7, v56  }
0x230: {  	v1 =	vmul.f32 v16, v1;
	v8 =	vadd.f32 v8, v56;
	v2 =	vadd.f32 v2, v56  }
0x231: {  	v3 =	vadd.f32 v3, v56;
	[tilespmem:v29+s7+$0x0] =	vst.idx.add.f32.msk $0xffff, v28;
	v44 =	vmax.f32 v4, $1.000000000e+00;
	v4 =	vperm.xlane v32, v50  }
0x232: {  	[tilespmem:v48+s7+$0x0] =	vst.idx.add.f32.msk $0xffff, v1;
	v48 =	vimm.s32 $0x0;
	v47 =	vmax.f32 v2, $1.000000000e+00;
	v45 =	vmax.f32 v8, $1.000000000e+00  }
0x233: {  	v55 =	vmax.f32 v6, $1.000000000e+00;
	v56 =	vmax.f32 v3, $1.000000000e+00;
	v2 =	vsub.f32 v17, v4  }
0x234: {  	v61 =	vmax.f32 v5, $1.000000000e+00;
	v3 =	vsub.f32 v26, v4;
	v5 =	vsub.f32 v19, v4  }
0x235: {  	v49 =	vmax.f32 v7, $1.000000000e+00;
	v6 =	vsub.f32 v25, v4;
	v7 =	vsub.f32 v20, v4  }
0x236: {  	v57 =	vsub.f32 v18, v4;
	v2 =	vmul.f32 v2, v2;
	v3 =	vmul.f32 v3, v3  }
0x237: {  	v8 =	vsub.f32 v24, v4;
	v5 =	vmul.f32 v5, v5;
	v6 =	vmul.f32 v6, v6  }
0x238: {  	v7 =	vmul.f32 v7, v7;
	v58 =	vmul.f32 v57, v57;
	v50 =	vadd.f32 v2, v63  }
0x239: {  	v4 =	vmul.f32 v8, v8;
	v5 =	vadd.f32 v5, v63;
	v2 =	vadd.f32 v6, v63  }
0x23a: {  	v57 =	vimm.f32 $+Inf;
	v59 =	vadd.f32 v7, v63;
	v7 =	vadd.f32 v58, v63  }
0x23b: {  	v58 =	vimm.f32 $+Inf;
	v8 =	vmax.f32 v50, $1.000000000e+00;
	v6 =	vmax.f32 v5, $1.000000000e+00  }
0x23c: {  	v5 =	vadd.f32 v3, v63;
	v50 =	vimm.s32 $0x0;
	vm0 =	vlt.f32 v8, v43  }
0x23d: {  	vm1 =	vlt.f32 v6, v43;
	v3 =	vsel vm0, v8, v43;
	v62 =	vsel vm0, s15, v46  }
0x23e: {  	s17 =	simm.s32 $0x2;
	s16 =	simm.s32 $0x0;
	v8 =	vmax.f32 v59, $1.000000000e+00;
	v5 =	vmax.f32 v5, $1.000000000e+00;
	v59 =	vimm.f32 $+Inf  }
.LBB2_14:
0x23f: {  	s18 =	sadd.s32 $0x1, s17  }
0x240: {  	p3 =	slt.u32 s17, $0xE;
	v1 =	vsel vm1, s16, v46;
	vm2 =	vlt.f32 v8, v43;
	vm0 =	vlt.f32 v5, v57;
	s19 =	smov.u32 s17;
	s17 =	sadd.s32 $0x2, s17  }
0x241: {  	v7 =	vmax.f32 v7, $1.000000000e+00;
	v6 =	vsel vm1, v6, v58;
	v28 =	vmov s18  }
0x242: {  	v8 =	vsel vm2, v8, v43;
	v60 =	vsel vm2, s16, v60;
	v29 =	vperm.xlane v32, v28  }
0x243: {  	v4 =	vadd.f32 v4, v63;
	vm1 =	vlt.f32 v7, v54;
	vm2 =	vlt.f32 v61, v8  }
0x244: {  	v43 =	vsel vm2, v61, v8;
	v46 =	vsub.f32 v24, v29;
	v58 =	vsub.f32 v25, v29  }
0x245: {  	v50 =	vsel vm1, s16, v50;
	v8 =	vsub.f32 v19, v29;
	v61 =	vsub.f32 v26, v29  }
0x246: {  	v2 =	vmax.f32 v2, $1.000000000e+00;
	v7 =	vsel vm1, v7, v54;
	v63 =	vmul.f32 v58, v58  }
0x247: {  	v5 =	vsel vm0, v5, v57;
	vm1 =	vlt.f32 v49, v7;
	v61 =	vmul.f32 v61, v61  }
0x248: {  	vm3 =	vlt.f32 v55, v3;
	vm4 =	vlt.f32 v56, v6;
	v50 =	vsel vm1, s14, v50  }
0x249: {  	v3 =	vsel vm3, v55, v3;
	v30 =	vmul.f32 v46, v46;
	v58 =	vsel vm4, v56, v6  }
0x24a: {  	v4 =	vmax.f32 v4, $1.000000000e+00;
	v54 =	vsel vm1, v49, v7;
	v46 =	vsel vm4, s14, v1  }
0x24b: {  	v60 =	vsel vm2, s14, v60;
	vm1 =	vlt.f32 v2, v53;
	vm4 =	vlt.f32 v4, v59  }
0x24c: {  	v62 =	vsel vm3, s14, v62;
	vm2 =	vlt.f32 v45, v5;
	v1 =	vsel vm4, v4, v59  }
0x24d: {  	v57 =	vsel vm2, v45, v5;
	v4 =	vsel vm0, s16, v48;
	vm0 =	vlt.f32 v44, v1  }
0x24e: {  	v5 =	vsub.f32 v20, v29;
	v2 =	vsel vm1, v2, v53;
	v6 =	vsel vm4, s16, v52  }
0x24f: {  	v7 =	vsub.f32 v17, v29;
	v29 =	vsub.f32 v18, v29;
	v52 =	vsel vm0, s14, v6  }
0x250: {  	v5 =	vmul.f32 v5, v5;
	v48 =	vsel vm2, s14, v4;
	v6 =	vperm.xlane v37, v28  }
0x251: {  	v4 =	vmul.f32 v7, v7;
	v7 =	vmul.f32 v29, v29;
	vm2 =	vlt.f32 v47, v2  }
0x252: {  	v53 =	vsel vm2, v47, v2;
	v5 =	vadd.f32 v5, v6;
	v28 =	vadd.f32 v30, v6  }
0x253: {  	v2 =	vadd.f32 v4, v6;
	v4 =	vadd.f32 v7, v6;
	v7 =	vsel vm1, s16, v51;
	s16 =	smov.u32 s19  }
0x254: {  	v8 =	vmul.f32 v8, v8;
	v59 =	vsel vm0, v44, v1;
	v29 =	vadd.f32 v61, v6  }
0x255: {  	v1 =	vadd.f32 v63, v6;
	v51 =	vsel vm2, s14, v7;
	s14 =	smov.u32 s18  }
0x256: {  	v6 =	vadd.f32 v8, v6;
	v7 =	vmov s16;
	v44 =	vmax.f32 v28, $1.000000000e+00  }
0x257: {  	v8 =	vperm.xlane v32, v7;
	v47 =	vmax.f32 v1, $1.000000000e+00;
	v45 =	vmax.f32 v29, $1.000000000e+00  }
0x258: {  	v55 =	vmax.f32 v2, $1.000000000e+00;
	v49 =	vmax.f32 v4, $1.000000000e+00;
	v56 =	vmax.f32 v6, $1.000000000e+00  }
0x259: {  	v61 =	vmax.f32 v5, $1.000000000e+00;
	v1 =	vsub.f32 v17, v8;
	v2 =	vsub.f32 v26, v8  }
0x25a: {  	v63 =	vperm.xlane v37, v7;
	v4 =	vsub.f32 v19, v8;
	v5 =	vsub.f32 v25, v8  }
0x25b: {  	v6 =	vsub.f32 v20, v8;
	v1 =	vmul.f32 v1, v1;
	v7 =	vmul.f32 v2, v2  }
0x25c: {  	v2 =	vmul.f32 v4, v4;
	v4 =	vsub.f32 v24, v8;
	v5 =	vmul.f32 v5, v5  }
0x25d: {  	v8 =	vsub.f32 v18, v8;
	v6 =	vmul.f32 v6, v6;
	v1 =	vadd.f32 v1, v63  }
.Ltmp9:
0x25e: {  	v28 =	vadd.f32 v2, v63;
	v4 =	vmul.f32 v4, v4;
	v2 =	vadd.f32 v5, v63;
	(pc) =	sbr.rel @p3 .LBB2_14-.Ltmp9, $4  }
0x25f: {  	v5 =	vmul.f32 v8, v8;
	v8 =	vadd.f32 v6, v63;
	v1 =	vmax.f32 v1, $1.000000000e+00  }
0x260: {  	v6 =	vmax.f32 v28, $1.000000000e+00;
	v28 =	vadd.f32 v7, v63;
	vm0 =	vlt.f32 v1, v3  }
0x261: {  	v7 =	vadd.f32 v5, v63;
	vm1 =	vlt.f32 v6, v58;
	v3 =	vsel vm0, v1, v3  }
0x262: {  	v8 =	vmax.f32 v8, $1.000000000e+00;
	v62 =	vsel vm0, s16, v62;
	v5 =	vmax.f32 v28, $1.000000000e+00  }
0x263: {  	v1 =	vsel vm1, s16, v46  }
0x264: {  	vm0 =	vlt.f32 v8, v43;
	vm2 =	vlt.f32 v5, v57;
	v7 =	vmax.f32 v7, $1.000000000e+00  }
0x265: {  	v6 =	vsel vm1, v6, v58;
	v4 =	vadd.f32 v4, v63;
	v2 =	vmax.f32 v2, $1.000000000e+00  }
0x266: {  	vm3 =	vlt.f32 v55, v3;
	v30 =	vperm.xlane v38, v42;
	v8 =	vsel vm0, v8, v43  }
0x267: {  	v28 =	vsel vm0, s16, v60;
	vm0 =	vlt.f32 v7, v54;
	v5 =	vsel vm2, v5, v57  }
0x268: {  	vm4 =	vlt.f32 v56, v6;
	v3 =	vsel vm3, v55, v3;
	vm15 =	vlt.f32 v2, v53  }
0x269: {  	vm1 =	vlt.f32 v61, v8;
	v7 =	vsel vm0, v7, v54;
	v46 =	vsel vm4, v56, v6  }
0x26a: {  	v4 =	vmax.f32 v4, $1.000000000e+00;
	v43 =	vsel vm4, s14, v1;
	v2 =	vsel vm15, v2, v53  }
0x26b: {  	v6 =	vperm.xlane v33, v42;
	v37 =	vsel vm1, v61, v8;
	v8 =	vsel vm0, s16, v50  }
0x26c: {  	vm0 =	vlt.f32 v49, v7;
	v50 =	vsel vm1, s14, v28;
	vm1 =	vlt.f32 v45, v5  }
0x26d: {  	v58 =	vsel vm0, s14, v8;
	v49 =	vsel vm0, v49, v7;
	vm0 =	vlt.f32 v4, v59  }
0x26e: {  	v8 =	vsel vm3, s14, v62;
	v7 =	vsub.f32 v25, v6;
	v28 =	vsub.f32 v19, v6  }
0x26f: {  	v29 =	vsub.f32 v18, v6;
	v1 =	vsel vm0, v4, v59;
	v4 =	vsel vm2, s16, v48  }
0x270: {  	v48 =	vsel vm1, v45, v5;
	v5 =	vsel vm0, s16, v52;
	vm0 =	vlt.f32 v47, v2  }
0x271: {  	vm2 =	vlt.f32 v44, v1;
	v52 =	vsel vm1, s14, v4;
	v47 =	vsel vm0, v47, v2  }
0x272: {  	v2 =	vsel vm15, s16, v51;
	v4 =	vsub.f32 v17, v6;
	v7 =	vmul.f32 v7, v7  }
0x273: {  	v28 =	vmul.f32 v28, v28;
	v29 =	vmul.f32 v29, v29;
	v45 =	vsel vm2, s14, v5  }
0x274: {  	v5 =	vsub.f32 v24, v6;
	v54 =	vsel vm2, v44, v1;
	v1 =	vsub.f32 v26, v6  }
0x275: {  	v6 =	vsub.f32 v20, v6;
	v42 =	vsel vm0, s14, v2;
	v4 =	vmul.f32 v4, v4  }
0x276: {  	v7 =	vadd.f32 v7, v30;
	v28 =	vadd.f32 v28, v30;
	v5 =	vmul.f32 v5, v5  }
0x277: {  	v2 =	vadd.f32 v29, v30;
	v29 =	vmov s15;
	v1 =	vmul.f32 v1, v1  }
0x278: {  	v6 =	vmul.f32 v6, v6;
	v4 =	vadd.f32 v4, v30;
	v5 =	vadd.f32 v5, v30  }
0x279: {  	v51 =	vmax.f32 v2, $1.000000000e+00;
	v44 =	vmax.f32 v28, $1.000000000e+00;
	v59 =	vmax.f32 v7, $1.000000000e+00  }
0x27a: {  	v1 =	vadd.f32 v1, v30;
	v55 =	vmax.f32 v5, $1.000000000e+00;
	v5 =	vperm.xlane v33, v29  }
0x27b: {  	v28 =	vperm.xlane v38, v29;
	v6 =	vadd.f32 v6, v30;
	v56 =	vmax.f32 v4, $1.000000000e+00  }
0x27c: {  	v57 =	vmax.f32 v1, $1.000000000e+00;
	v1 =	vsub.f32 v17, v5;
	v2 =	vsub.f32 v26, v5  }
0x27d: {  	v53 =	vmax.f32 v6, $1.000000000e+00;
	v4 =	vsub.f32 v18, v5;
	v6 =	vsub.f32 v25, v5  }
0x27e: {  	v7 =	vsub.f32 v19, v5;
	v29 =	vsub.f32 v20, v5;
	v1 =	vmul.f32 v1, v1  }
0x27f: {  	v5 =	vsub.f32 v24, v5;
	v4 =	vmul.f32 v4, v4;
	v2 =	vmul.f32 v2, v2  }
0x280: {  	v7 =	vmul.f32 v7, v7;
	v29 =	vmul.f32 v29, v29;
	v1 =	vadd.f32 v1, v28  }
0x281: {  	v5 =	vmul.f32 v5, v5;
	v6 =	vmul.f32 v6, v6;
	v30 =	vadd.f32 v4, v28  }
0x282: {  	v4 =	vadd.f32 v7, v28;
	v2 =	vadd.f32 v2, v28;
	v1 =	vmax.f32 v1, $1.000000000e+00  }
0x283: {  	v7 =	vadd.f32 v5, v28;
	v6 =	vadd.f32 v6, v28;
	vm0 =	vlt.f32 v1, v3  }
0x284: {  	s17 =	simm.s32 $0x10;
	v61 =	vmax.f32 v30, $1.000000000e+00;
	v2 =	vmax.f32 v2, $1.000000000e+00;
	v60 =	vsel vm0, v1, v3  }
0x285: {  	s16 =	simm.s32 $0x2;
	v5 =	vsel vm0, s17, v8;
	vm0 =	vlt.f32 v61, v49;
	v3 =	vadd.f32 v29, v28  }
.LBB2_16:
0x286: {  	s14 =	sadd.s32 $0x1, s16  }
0x287: {  	p3 =	slt.u32 s16, $0xE;
	v1 =	vsel vm0, s17, v58;
	v7 =	vmax.f32 v7, $1.000000000e+00;
	vm1 =	vlt.f32 v56, v60;
	s18 =	smov.u32 s16;
	s16 =	sadd.s32 $0x2, s16  }
0x288: {  	v4 =	vmax.f32 v4, $1.000000000e+00;
	v6 =	vmax.f32 v6, $1.000000000e+00;
	v8 =	vmov s14  }
0x289: {  	vm2 =	vlt.f32 v4, v46;
	vm3 =	vlt.f32 v6, v47;
	s14 =	sadd.s32 $0x11, s15;
	s15 =	smov.u32 s18;
	v28 =	vperm.xlane v33, v8  }
0x28a: {  	v4 =	vsel vm2, v4, v46;
	v6 =	vsel vm3, v6, v47;
	v5 =	vsel vm1, s14, v5  }
0x28b: {  	v42 =	vsel vm3, s17, v42;
	v29 =	vsub.f32 v17, v28;
	v30 =	vsub.f32 v20, v28  }
0x28c: {  	vm3 =	vlt.f32 v59, v6;
	v46 =	vsub.f32 v24, v28;
	v47 =	vsub.f32 v26, v28  }
0x28d: {  	vm4 =	vlt.f32 v2, v48;
	vm5 =	vlt.f32 v44, v4;
	v30 =	vmul.f32 v30, v30  }
0x28e: {  	v58 =	vmul.f32 v46, v46;
	v62 =	vmul.f32 v47, v47;
	v46 =	vsel vm5, v44, v4  }
0x28f: {  	vm6 =	vlt.f32 v7, v54;
	v2 =	vsel vm4, v2, v48;
	v42 =	vsel vm3, s14, v42  }
0x290: {  	v3 =	vmax.f32 v3, $1.000000000e+00;
	v4 =	vsel vm2, s17, v43;
	v44 =	vsel vm4, s17, v52  }
0x291: {  	vm2 =	vlt.f32 v3, v37;
	vm4 =	vlt.f32 v57, v2;
	v43 =	vsel vm5, s14, v4  }
0x292: {  	v7 =	vsel vm6, v7, v54;
	v47 =	vsel vm3, v59, v6;
	v4 =	vsel vm0, v61, v49  }
0x293: {  	v6 =	vsel vm2, s17, v50;
	vm0 =	vlt.f32 v55, v7;
	v48 =	vsel vm4, v57, v2  }
0x294: {  	v60 =	vsel vm1, v56, v60;
	v45 =	vsel vm6, s17, v45;
	v2 =	vsub.f32 v19, v28  }
0x295: {  	v49 =	vsub.f32 v25, v28;
	v3 =	vsel vm2, v3, v37;
	v52 =	vsel vm4, s14, v44  }
0x296: {  	v29 =	vmul.f32 v29, v29;
	v28 =	vsub.f32 v18, v28;
	v45 =	vsel vm0, s14, v45  }
0x297: {  	v8 =	vperm.xlane v38, v8;
	vm1 =	vlt.f32 v51, v4;
	v37 =	vmul.f32 v49, v49  }
0x298: {  	v54 =	vsel vm0, v55, v7;
	v28 =	vmul.f32 v28, v28;
	v2 =	vmul.f32 v2, v2  }
0x299: {  	v7 =	vadd.f32 v29, v8;
	vm0 =	vlt.f32 v53, v3;
	v29 =	vadd.f32 v37, v8  }
0x29a: {  	v44 =	vadd.f32 v58, v8;
	v58 =	vsel vm1, s14, v1;
	v2 =	vadd.f32 v2, v8  }
0x29b: {  	v49 =	vsel vm1, v51, v4;
	v1 =	vadd.f32 v28, v8;
	v37 =	vsel vm0, v53, v3  }
0x29c: {  	v4 =	vadd.f32 v62, v8;
	v50 =	vsel vm0, s14, v6;
	v3 =	vadd.f32 v30, v8  }
0x29d: {  	v6 =	vmov s15;
	v55 =	vmax.f32 v44, $1.000000000e+00  }
0x29e: {  	v8 =	vperm.xlane v33, v6;
	v57 =	vmax.f32 v4, $1.000000000e+00;
	v51 =	vmax.f32 v1, $1.000000000e+00  }
0x29f: {  	v56 =	vmax.f32 v7, $1.000000000e+00;
	v44 =	vmax.f32 v2, $1.000000000e+00;
	v53 =	vmax.f32 v3, $1.000000000e+00  }
0x2a0: {  	v1 =	vsub.f32 v17, v8;
	v2 =	vsub.f32 v26, v8;
	v59 =	vmax.f32 v29, $1.000000000e+00  }
0x2a1: {  	v3 =	vperm.xlane v38, v6;
	v4 =	vsub.f32 v18, v8;
	v6 =	vsub.f32 v25, v8  }
0x2a2: {  	v7 =	vsub.f32 v19, v8;
	v28 =	vsub.f32 v20, v8;
	v1 =	vmul.f32 v1, v1  }
0x2a3: {  	v8 =	vsub.f32 v24, v8;
	v4 =	vmul.f32 v4, v4;
	v2 =	vmul.f32 v2, v2  }
0x2a4: {  	v7 =	vmul.f32 v7, v7;
	v28 =	vmul.f32 v28, v28;
	v1 =	vadd.f32 v1, v3  }
.Ltmp10:
0x2a5: {  	v8 =	vmul.f32 v8, v8;
	v6 =	vmul.f32 v6, v6;
	v29 =	vadd.f32 v4, v3;
	(pc) =	sbr.rel @p3 .LBB2_16-.Ltmp10, $4  }
0x2a6: {  	v4 =	vadd.f32 v7, v3;
	v2 =	vadd.f32 v2, v3;
	v1 =	vmax.f32 v1, $1.000000000e+00  }
0x2a7: {  	v7 =	vadd.f32 v8, v3;
	v61 =	vmax.f32 v29, $1.000000000e+00;
	vm0 =	vlt.f32 v1, v60  }
0x2a8: {  	s17 =	sadd.s32 $0x10, s15;
	v6 =	vadd.f32 v6, v3;
	v2 =	vmax.f32 v2, $1.000000000e+00;
	v60 =	vsel vm0, v1, v60  }
0x2a9: {  	s14 =	simm.s32 $0x0;
	v3 =	vadd.f32 v28, v3;
	v5 =	vsel vm0, s17, v5;
	vm0 =	vlt.f32 v61, v49  }
0x2aa: {  	v1 =	vsel vm0, s17, v58;
	v4 =	vmax.f32 v4, $1.000000000e+00;
	v7 =	vmax.f32 v7, $1.000000000e+00  }
0x2ab: {  	v6 =	vmax.f32 v6, $1.000000000e+00;
	vm2 =	vlt.f32 v56, v60;
	s15 =	sadd.s32 $0x11, s15;
	vm4 =	vlt.f32 v2, v48  }
0x2ac: {  	vm1 =	vlt.f32 v4, v46;
	vm3 =	vlt.f32 v6, v47;
	v8 =	vsel vm2, s15, v5  }
0x2ad: {  	vm6 =	vlt.f32 v7, v54;
	v2 =	vsel vm4, v2, v48;
	v3 =	vmax.f32 v3, $1.000000000e+00  }
0x2ae: {  	v28 =	vsel vm2, v56, v60;
	v4 =	vsel vm1, v4, v46;
	v6 =	vsel vm3, v6, v47  }
0x2af: {  	s16 =	simm.s32 $0x1;
	v5 =	vsel vm3, s17, v42;
	vm15 =	vlt.f32 v57, v2;
	v7 =	vsel vm6, v7, v54  }
0x2b0: {  	v42 =	vmov s16;
	vm3 =	vlt.f32 v59, v6;
	vm5 =	vlt.f32 v44, v4  }
0x2b1: {  	v30 =	vperm.xlane v39, v42;
	v47 =	vsel vm5, v44, v4;
	v44 =	vsel vm3, s15, v5  }
0x2b2: {  	v4 =	vsel vm1, s17, v43;
	v5 =	vsel vm4, s17, v52;
	vm1 =	vlt.f32 v3, v37  }
0x2b3: {  	v52 =	vsel vm15, v57, v2;
	v2 =	vsel vm6, s17, v45;
	v43 =	vsel vm5, s15, v4  }
0x2b4: {  	v4 =	vsel vm0, v61, v49;
	v49 =	vsel vm3, v59, v6;
	v6 =	vsel vm1, s17, v50  }
0x2b5: {  	vm0 =	vlt.f32 v55, v7;
	v3 =	vsel vm1, v3, v37;
	v38 =	vsel vm15, s15, v5  }
0x2b6: {  	v54 =	vsel vm0, s15, v2;
	vm1 =	vlt.f32 v51, v4;
	v2 =	vperm.xlane v34, v42  }
0x2b7: {  	v45 =	vsel vm0, v55, v7;
	vm0 =	vlt.f32 v53, v3;
	v37 =	vsel vm1, s15, v1  }
0x2b8: {  	v50 =	vsel vm1, v51, v4;
	v48 =	vsel vm0, v53, v3;
	v4 =	vsub.f32 v20, v2  }
0x2b9: {  	v55 =	vsel vm0, s15, v6;
	v1 =	vsub.f32 v17, v2;
	v5 =	vsub.f32 v25, v2  }
0x2ba: {  	v3 =	vsub.f32 v19, v2;
	v7 =	vsub.f32 v26, v2;
	v4 =	vmul.f32 v4, v4  }
0x2bb: {  	v29 =	vsub.f32 v18, v2;
	v1 =	vmul.f32 v1, v1;
	v5 =	vmul.f32 v5, v5  }
0x2bc: {  	v2 =	vsub.f32 v24, v2;
	v7 =	vmul.f32 v7, v7;
	v3 =	vmul.f32 v3, v3  }
0x2bd: {  	v29 =	vmul.f32 v29, v29;
	v1 =	vadd.f32 v1, v30;
	v5 =	vadd.f32 v5, v30  }
0x2be: {  	v2 =	vmul.f32 v2, v2;
	v3 =	vadd.f32 v3, v30;
	v4 =	vadd.f32 v4, v30  }
0x2bf: {  	v6 =	vadd.f32 v29, v30;
	v7 =	vadd.f32 v7, v30;
	v29 =	vmov s14  }
0x2c0: {  	v2 =	vadd.f32 v2, v30;
	v53 =	vmax.f32 v4, $1.000000000e+00;
	v4 =	vperm.xlane v34, v29  }
0x2c1: {  	v51 =	vmax.f32 v6, $1.000000000e+00;
	v46 =	vmax.f32 v7, $1.000000000e+00;
	v56 =	vmax.f32 v1, $1.000000000e+00  }
0x2c2: {  	v58 =	vmax.f32 v3, $1.000000000e+00;
	v57 =	vmax.f32 v2, $1.000000000e+00;
	v1 =	vsub.f32 v17, v4  }
0x2c3: {  	v59 =	vmax.f32 v5, $1.000000000e+00;
	v2 =	vsub.f32 v26, v4;
	v3 =	vsub.f32 v18, v4  }
0x2c4: {  	v7 =	vperm.xlane v39, v29;
	v5 =	vsub.f32 v25, v4;
	v6 =	vsub.f32 v19, v4  }
0x2c5: {  	v29 =	vsub.f32 v20, v4;
	v4 =	vsub.f32 v24, v4;
	v1 =	vmul.f32 v1, v1  }
0x2c6: {  	v3 =	vmul.f32 v3, v3;
	v6 =	vmul.f32 v6, v6  }
0x2c7: {  	v2 =	vmul.f32 v2, v2;
	v4 =	vmul.f32 v4, v4;
	v1 =	vadd.f32 v1, v7  }
0x2c8: {  	v5 =	vmul.f32 v5, v5;
	v30 =	vadd.f32 v3, v7;
	v3 =	vadd.f32 v6, v7  }
0x2c9: {  	v29 =	vmul.f32 v29, v29;
	v2 =	vadd.f32 v2, v7;
	v6 =	vadd.f32 v4, v7  }
0x2ca: {  	v5 =	vadd.f32 v5, v7;
	v1 =	vmax.f32 v1, $1.000000000e+00;
	v61 =	vmax.f32 v30, $1.000000000e+00  }
0x2cb: {  	s17 =	simm.s32 $0x20;
	v62 =	vmax.f32 v2, $1.000000000e+00;
	v2 =	vadd.f32 v29, v7;
	vm0 =	vlt.f32 v1, v28  }
0x2cc: {  	s16 =	simm.s32 $0x2;
	s15 =	simm.s32 $0x0;
	v60 =	vsel vm0, v1, v28;
	v4 =	vsel vm0, s17, v8;
	vm0 =	vlt.f32 v61, v50  }
.LBB2_18:
0x2cd: {  	s18 =	sadd.s32 $0x1, s16  }
0x2ce: {  	p3 =	slt.u32 s16, $0xE;
	v1 =	vsel vm0, s17, v37;
	v6 =	vmax.f32 v6, $1.000000000e+00;
	vm1 =	vlt.f32 v56, v60;
	s19 =	smov.u32 s16;
	s16 =	sadd.s32 $0x2, s16  }
0x2cf: {  	v3 =	vmax.f32 v3, $1.000000000e+00;
	v5 =	vmax.f32 v5, $1.000000000e+00;
	v7 =	vmov s18  }
0x2d0: {  	vm2 =	vlt.f32 v3, v47;
	vm3 =	vlt.f32 v5, v49;
	s18 =	sadd.s32 $0x21, s15;
	s15 =	smov.u32 s19;
	v8 =	vperm.xlane v34, v7  }
0x2d1: {  	v3 =	vsel vm2, v3, v47;
	v5 =	vsel vm3, v5, v49;
	v4 =	vsel vm1, s18, v4  }
0x2d2: {  	v30 =	vsel vm3, s17, v44;
	v28 =	vsub.f32 v17, v8;
	v29 =	vsub.f32 v20, v8  }
0x2d3: {  	vm3 =	vlt.f32 v59, v5;
	v37 =	vsub.f32 v19, v8;
	v47 =	vsub.f32 v26, v8  }
0x2d4: {  	vm4 =	vlt.f32 v58, v3;
	v44 =	vsel vm3, s18, v30;
	v29 =	vmul.f32 v29, v29  }
0x2d5: {  	v43 =	vsel vm2, s17, v43;
	v30 =	vmul.f32 v47, v47;
	v47 =	vsel vm4, v58, v3  }
0x2d6: {  	vm2 =	vlt.f32 v6, v45;
	v49 =	vsel vm3, v59, v5;
	v3 =	vsub.f32 v18, v8  }
0x2d7: {  	v2 =	vmax.f32 v2, $1.000000000e+00;
	vm3 =	vlt.f32 v62, v52;
	v43 =	vsel vm4, s18, v43  }
0x2d8: {  	v5 =	vsel vm2, s17, v54;
	vm4 =	vlt.f32 v2, v48;
	v3 =	vmul.f32 v3, v3  }
0x2d9: {  	v50 =	vsel vm0, v61, v50;
	v6 =	vsel vm2, v6, v45;
	v52 =	vsel vm3, v62, v52  }
0x2da: {  	vm0 =	vlt.f32 v57, v6;
	v2 =	vsel vm4, v2, v48;
	v54 =	vsel vm4, s17, v55  }
0x2db: {  	v60 =	vsel vm1, v56, v60;
	v45 =	vsel vm0, v57, v6;
	vm1 =	vlt.f32 v53, v2  }
0x2dc: {  	vm2 =	vlt.f32 v51, v50;
	v6 =	vsub.f32 v25, v8;
	v48 =	vsel vm1, v53, v2  }
0x2dd: {  	v50 =	vsel vm2, v51, v50;
	v8 =	vsub.f32 v24, v8;
	v2 =	vmul.f32 v28, v28  }
0x2de: {  	v7 =	vperm.xlane v39, v7;
	v6 =	vmul.f32 v6, v6;
	v28 =	vsel vm3, s17, v38  }
0x2df: {  	v37 =	vmul.f32 v37, v37;
	v8 =	vmul.f32 v8, v8;
	vm3 =	vlt.f32 v46, v52  }
0x2e0: {  	v6 =	vadd.f32 v6, v7;
	v38 =	vsel vm3, s18, v28;
	v2 =	vadd.f32 v2, v7  }
0x2e1: {  	v28 =	vadd.f32 v37, v7;
	v8 =	vadd.f32 v8, v7;
	v37 =	vsel vm2, s18, v1  }
0x2e2: {  	v55 =	vsel vm1, s18, v54;
	v1 =	vadd.f32 v3, v7;
	v3 =	vadd.f32 v29, v7  }
0x2e3: {  	v54 =	vsel vm0, s18, v5;
	v52 =	vsel vm3, v46, v52;
	v7 =	vadd.f32 v30, v7  }
0x2e4: {  	v5 =	vmov s15;
	v53 =	vmax.f32 v3, $1.000000000e+00  }
0x2e5: {  	v3 =	vperm.xlane v34, v5;
	v51 =	vmax.f32 v1, $1.000000000e+00;
	v46 =	vmax.f32 v7, $1.000000000e+00  }
0x2e6: {  	v58 =	vmax.f32 v28, $1.000000000e+00;
	v57 =	vmax.f32 v8, $1.000000000e+00;
	v56 =	vmax.f32 v2, $1.000000000e+00  }
0x2e7: {  	v59 =	vmax.f32 v6, $1.000000000e+00;
	v1 =	vsub.f32 v17, v3;
	v2 =	vsub.f32 v26, v3  }
0x2e8: {  	v7 =	vperm.xlane v39, v5;
	v5 =	vsub.f32 v18, v3;
	v6 =	vsub.f32 v25, v3  }
0x2e9: {  	v8 =	vsub.f32 v19, v3;
	v28 =	vsub.f32 v20, v3;
	v1 =	vmul.f32 v1, v1  }
0x2ea: {  	v3 =	vsub.f32 v24, v3;
	v5 =	vmul.f32 v5, v5;
	v2 =	vmul.f32 v2, v2  }
0x2eb: {  	v8 =	vmul.f32 v8, v8;
	v28 =	vmul.f32 v28, v28;
	v1 =	vadd.f32 v1, v7  }
.Ltmp11:
0x2ec: {  	v29 =	vmul.f32 v3, v3;
	v30 =	vmul.f32 v6, v6;
	v5 =	vadd.f32 v5, v7;
	(pc) =	sbr.rel @p3 .LBB2_18-.Ltmp11, $4  }
0x2ed: {  	v3 =	vadd.f32 v8, v7;
	v2 =	vadd.f32 v2, v7;
	v1 =	vmax.f32 v1, $1.000000000e+00  }
0x2ee: {  	v6 =	vadd.f32 v29, v7;
	v61 =	vmax.f32 v5, $1.000000000e+00;
	vm0 =	vlt.f32 v1, v60  }
0x2ef: {  	s17 =	sadd.s32 $0x20, s15;
	v5 =	vadd.f32 v30, v7;
	v62 =	vmax.f32 v2, $1.000000000e+00;
	v60 =	vsel vm0, v1, v60  }
0x2f0: {  	v2 =	vadd.f32 v28, v7;
	v4 =	vsel vm0, s17, v4;
	vm0 =	vlt.f32 v61, v50  }
0x2f1: {  	v1 =	vsel vm0, s17, v37;
	v6 =	vmax.f32 v6, $1.000000000e+00;
	v3 =	vmax.f32 v3, $1.000000000e+00  }
0x2f2: {  	v5 =	vmax.f32 v5, $1.000000000e+00;
	vm1 =	vlt.f32 v56, v60;
	s15 =	sadd.s32 $0x21, s15;
	v30 =	vperm.xlane v40, v42  }
0x2f3: {  	vm2 =	vlt.f32 v3, v47;
	vm3 =	vlt.f32 v5, v49;
	v7 =	vsel vm1, s15, v4  }
0x2f4: {  	v2 =	vmax.f32 v2, $1.000000000e+00;
	v28 =	vsel vm1, v56, v60;
	v3 =	vsel vm2, v3, v47  }
0x2f5: {  	v5 =	vsel vm3, v5, v49;
	v4 =	vsel vm3, s17, v44;
	vm15 =	vlt.f32 v2, v48  }
0x2f6: {  	vm3 =	vlt.f32 v59, v5;
	vm4 =	vlt.f32 v58, v3;
	v2 =	vsel vm15, v2, v48  }
0x2f7: {  	v8 =	vsel vm15, s17, v55;
	v37 =	vsel vm3, s15, v4;
	v4 =	vsel vm2, s17, v43  }
0x2f8: {  	v49 =	vsel vm4, v58, v3;
	vm2 =	vlt.f32 v6, v45;
	v39 =	vsel vm3, v59, v5  }
0x2f9: {  	vm3 =	vlt.f32 v62, v52;
	vm1 =	vlt.f32 v53, v2;
	v44 =	vsel vm4, s15, v4  }
0x2fa: {  	v3 =	vsel vm2, s17, v54;
	v4 =	vsel vm0, v61, v50;
	v5 =	vsel vm2, v6, v45  }
0x2fb: {  	v6 =	vsel vm3, v62, v52;
	v48 =	vsel vm1, v53, v2;
	vm0 =	vlt.f32 v57, v5  }
0x2fc: {  	v2 =	vsel vm3, s17, v38;
	v43 =	vsel vm0, v57, v5;
	v5 =	vperm.xlane v35, v42  }
0x2fd: {  	v47 =	vsel vm1, s15, v8;
	vm2 =	vlt.f32 v51, v4;
	vm3 =	vlt.f32 v46, v6  }
0x2fe: {  	v38 =	vsel vm3, s15, v2;
	v55 =	vsel vm2, s15, v1;
	v1 =	vsub.f32 v17, v5  }
0x2ff: {  	v45 =	vsel vm0, s15, v3;
	v2 =	vsub.f32 v20, v5;
	v3 =	vsub.f32 v19, v5  }
0x300: {  	v53 =	vsel vm2, v51, v4;
	v4 =	vsub.f32 v25, v5;
	v8 =	vsub.f32 v26, v5  }
0x301: {  	v29 =	vsub.f32 v18, v5;
	v2 =	vmul.f32 v2, v2;
	v1 =	vmul.f32 v1, v1  }
0x302: {  	v5 =	vsub.f32 v24, v5;
	v4 =	vmul.f32 v4, v4;
	v3 =	vmul.f32 v3, v3  }
0x303: {  	v8 =	vmul.f32 v8, v8;
	v29 =	vmul.f32 v29, v29;
	v1 =	vadd.f32 v1, v30  }
0x304: {  	v5 =	vmul.f32 v5, v5;
	v4 =	vadd.f32 v4, v30;
	v3 =	vadd.f32 v3, v30  }
0x305: {  	v46 =	vsel vm3, v46, v6;
	v2 =	vadd.f32 v2, v30;
	v6 =	vadd.f32 v29, v30  }
0x306: {  	v8 =	vadd.f32 v8, v30;
	v5 =	vadd.f32 v5, v30;
	v29 =	vmov s14  }
0x307: {  	v52 =	vmax.f32 v2, $1.000000000e+00;
	v2 =	vperm.xlane v35, v29;
	v56 =	vmax.f32 v6, $1.000000000e+00  }
0x308: {  	v42 =	vmax.f32 v8, $1.000000000e+00;
	v58 =	vmax.f32 v1, $1.000000000e+00;
	v57 =	vmax.f32 v3, $1.000000000e+00  }
0x309: {  	v51 =	vmax.f32 v5, $1.000000000e+00;
	v1 =	vsub.f32 v17, v2;
	v3 =	vsub.f32 v26, v2  }
0x30a: {  	v50 =	vmax.f32 v4, $1.000000000e+00;
	v4 =	vsub.f32 v18, v2;
	v5 =	vsub.f32 v25, v2  }
0x30b: {  	v6 =	vperm.xlane v40, v29;
	v8 =	vsub.f32 v19, v2;
	v29 =	vsub.f32 v20, v2  }
0x30c: {  	v2 =	vsub.f32 v24, v2;
	v1 =	vmul.f32 v1, v1;
	v4 =	vmul.f32 v4, v4  }
0x30d: {  	v3 =	vmul.f32 v3, v3;
	v8 =	vmul.f32 v8, v8  }
0x30e: {  	v29 =	vmul.f32 v29, v29;
	v63 =	vmul.f32 v2, v2;
	v1 =	vadd.f32 v1, v6  }
0x30f: {  	v5 =	vmul.f32 v5, v5;
	v30 =	vadd.f32 v4, v6;
	v4 =	vadd.f32 v8, v6  }
0x310: {  	v8 =	vadd.f32 v3, v6;
	v60 =	vadd.f32 v63, v6  }
0x311: {  	v59 =	vadd.f32 v5, v6;
	v61 =	vadd.f32 v29, v6;
	v1 =	vmax.f32 v1, $1.000000000e+00  }
0x312: {  	s15 =	simm.s32 $0x30;
	v2 =	vmax.f32 v30, $1.000000000e+00;
	v54 =	vmax.f32 v8, $1.000000000e+00;
	vm0 =	vlt.f32 v1, v28  }
0x313: {  	s16 =	simm.s32 $0x2;
	v3 =	vsel vm0, v1, v28;
	v5 =	vsel vm0, s15, v7;
	vm0 =	vlt.f32 v2, v53  }
.LBB2_20:
0x314: {  	s17 =	sadd.s32 $0x1, s16  }
0x315: {  	p3 =	slt.u32 s16, $0xE;
	v1 =	vsel vm0, s15, v55;
	v6 =	vmax.f32 v60, $1.000000000e+00;
	vm1 =	vlt.f32 v58, v3;
	s18 =	smov.u32 s16;
	s16 =	sadd.s32 $0x2, s16  }
0x316: {  	v4 =	vmax.f32 v4, $1.000000000e+00;
	v8 =	vmax.f32 v59, $1.000000000e+00;
	v7 =	vmov s17  }
0x317: {  	vm2 =	vlt.f32 v4, v49;
	vm3 =	vlt.f32 v8, v39;
	s17 =	sadd.s32 $0x31, s14;
	s14 =	smov.u32 s18;
	v28 =	vperm.xlane v35, v7  }
0x318: {  	v4 =	vsel vm2, v4, v49;
	v8 =	vsel vm3, v8, v39;
	v5 =	vsel vm1, s17, v5  }
0x319: {  	v37 =	vsel vm3, s15, v37;
	v29 =	vsub.f32 v17, v28;
	v30 =	vsub.f32 v20, v28  }
0x31a: {  	vm3 =	vlt.f32 v50, v8;
	v55 =	vsub.f32 v19, v28;
	v39 =	vsub.f32 v26, v28  }
0x31b: {  	vm4 =	vlt.f32 v57, v4;
	v37 =	vsel vm3, s17, v37;
	v30 =	vmul.f32 v30, v30  }
0x31c: {  	v44 =	vsel vm2, s15, v44;
	v49 =	vsel vm4, v57, v4;
	v59 =	vmul.f32 v39, v39  }
0x31d: {  	vm2 =	vlt.f32 v6, v43;
	v4 =	vsub.f32 v18, v28;
	v39 =	vsel vm3, v50, v8  }
0x31e: {  	v44 =	vsel vm4, s17, v44;
	v8 =	vmax.f32 v61, $1.000000000e+00;
	vm3 =	vlt.f32 v54, v46  }
0x31f: {  	v45 =	vsel vm2, s15, v45;
	v4 =	vmul.f32 v4, v4;
	vm4 =	vlt.f32 v8, v48  }
0x320: {  	v2 =	vsel vm0, v2, v53;
	v6 =	vsel vm2, v6, v43;
	v46 =	vsel vm3, v54, v46  }
0x321: {  	vm0 =	vlt.f32 v51, v6;
	v8 =	vsel vm4, v8, v48;
	v47 =	vsel vm4, s15, v47  }
0x322: {  	v3 =	vsel vm1, v58, v3;
	v43 =	vsel vm0, v51, v6;
	vm1 =	vlt.f32 v52, v8  }
0x323: {  	vm2 =	vlt.f32 v56, v2;
	v6 =	vsub.f32 v25, v28;
	v48 =	vsel vm1, v52, v8  }
0x324: {  	v53 =	vsel vm2, v56, v2;
	v28 =	vsub.f32 v24, v28;
	v8 =	vmul.f32 v29, v29  }
0x325: {  	v2 =	vperm.xlane v40, v7;
	v6 =	vmul.f32 v6, v6;
	v7 =	vsel vm3, s15, v38  }
0x326: {  	v28 =	vmul.f32 v28, v28;
	vm3 =	vlt.f32 v42, v46;
	v29 =	vmul.f32 v55, v55  }
0x327: {  	v6 =	vadd.f32 v6, v2;
	v38 =	vsel vm3, s17, v7;
	v8 =	vadd.f32 v8, v2  }
0x328: {  	v28 =	vadd.f32 v28, v2;
	v55 =	vsel vm2, s17, v1;
	v7 =	vadd.f32 v29, v2  }
0x329: {  	v1 =	vadd.f32 v4, v2;
	v4 =	vadd.f32 v30, v2;
	v47 =	vsel vm1, s17, v47  }
0x32a: {  	v45 =	vsel vm0, s17, v45;
	v46 =	vsel vm3, v42, v46;
	v2 =	vadd.f32 v59, v2  }
0x32b: {  	v29 =	vmov s14;
	v52 =	vmax.f32 v4, $1.000000000e+00  }
0x32c: {  	v56 =	vmax.f32 v1, $1.000000000e+00;
	v4 =	vperm.xlane v35, v29;
	v42 =	vmax.f32 v2, $1.000000000e+00  }
0x32d: {  	v51 =	vmax.f32 v28, $1.000000000e+00;
	v58 =	vmax.f32 v8, $1.000000000e+00;
	v57 =	vmax.f32 v7, $1.000000000e+00  }
0x32e: {  	v50 =	vmax.f32 v6, $1.000000000e+00;
	v1 =	vsub.f32 v17, v4;
	v2 =	vsub.f32 v26, v4  }
0x32f: {  	v6 =	vperm.xlane v40, v29;
	v7 =	vsub.f32 v18, v4;
	v8 =	vsub.f32 v25, v4  }
0x330: {  	v28 =	vsub.f32 v19, v4;
	v29 =	vsub.f32 v20, v4;
	v1 =	vmul.f32 v1, v1  }
0x331: {  	v4 =	vsub.f32 v24, v4;
	v7 =	vmul.f32 v7, v7;
	v2 =	vmul.f32 v2, v2  }
0x332: {  	v28 =	vmul.f32 v28, v28;
	v29 =	vmul.f32 v29, v29;
	v1 =	vadd.f32 v1, v6  }
.Ltmp12:
0x333: {  	v30 =	vmul.f32 v4, v4;
	v8 =	vmul.f32 v8, v8;
	v7 =	vadd.f32 v7, v6;
	(pc) =	sbr.rel @p3 .LBB2_20-.Ltmp12, $4  }
0x334: {  	v4 =	vadd.f32 v28, v6;
	v28 =	vadd.f32 v2, v6;
	v1 =	vmax.f32 v1, $1.000000000e+00  }
0x335: {  	v60 =	vadd.f32 v30, v6;
	v2 =	vmax.f32 v7, $1.000000000e+00;
	vm0 =	vlt.f32 v1, v3  }
0x336: {  	s15 =	sadd.s32 $0x30, s14;
	v59 =	vadd.f32 v8, v6;
	v54 =	vmax.f32 v28, $1.000000000e+00;
	v3 =	vsel vm0, v1, v3  }
0x337: {  	v61 =	vadd.f32 v29, v6;
	v5 =	vsel vm0, s15, v5;
	vm0 =	vlt.f32 v2, v53  }
0x338: {  	vm1 =	vlt.f32 v58, v3  }
0x339: {  	v1 =	vsel vm1, v58, v3  }
0x33a: {  	v3 =	vshra.s32 v1, $0x1;
	v1 =	vmul.f32 $5.000000000e-01, v1  }
0x33b: {  	v3 =	vsub.s32 $0x5F3759DF, v3  }
0x33c: {  	v6 =	vmul.f32 v3, v1;
	_ =	sdelay $0x1  }
0x33d: {  	v6 =	vmul.f32 v3, v6;
	_ =	sdelay $0x1  }
0x33e: {  	v6 =	vsub.f32 $1.500000000e+00, v6;
	_ =	sdelay $0x1  }
0x33f: {  	v2 =	vsel vm0, v2, v53;
	v3 =	vmul.f32 v3, v6  }
0x340: {  	vm2 =	vlt.f32 v56, v2  }
0x341: {  	v2 =	vsel vm2, v56, v2;
	v1 =	vmul.f32 v3, v1  }
0x342: {  	v62 =	vshra.s32 v2, $0x1;
	v2 =	vmul.f32 $5.000000000e-01, v2  }
0x343: {  	v6 =	vsub.s32 $0x5F3759DF, v62;
	v1 =	vmul.f32 v1, v3  }
0x344: {  	v7 =	vld [tilespmem:s13+$0x70];
	v8 =	vmul.f32 v6, v2  }
0x345: {  	s14 =	sadd.s32 $0x31, s14;
	v1 =	vsub.f32 $1.500000000e+00, v1  }
0x346: {  	v5 =	vsel vm1, s14, v5;
	v8 =	vmul.f32 v6, v8  }
0x347: {  	v1 =	vmul.f32 v1, v3;
	v3 =	vshll.u32 v5, $0x4  }
0x348: {  	v4 =	vmax.f32 v4, $1.000000000e+00;
	v8 =	vsub.f32 $1.500000000e+00, v8;
	v5 =	vor.u32 v0, v3  }
0x349: {  	vm8 =	vlt.f32 v4, v49;
	v3 =	vadd.s32 v41, v3;
	v1 =	vmul.f32 v7, v1  }
0x34a: {  	v4 =	vsel vm8, v4, v49;
	v6 =	vmul.f32 v6, v8  }
0x34b: {  	vm3 =	vlt.f32 v57, v4;
	v7 =	vmul.f32 v1, v36  }
0x34c: {  	v4 =	vsel vm3, v57, v4;
	v2 =	vmul.f32 v6, v2;
	v1 =	vmul.f32 v17, v1  }
0x34d: {  	v63 =	vshra.s32 v4, $0x1;
	v4 =	vmul.f32 $5.000000000e-01, v4;
	[tilespmem:v5+s7+$0x0] =	vst.idx.add.f32.msk $0xffff, v7  }
0x34e: {  	s16 =	sand.u32 $0x7E0, s13;
	[tilespmem:v3+s7+$0x0] =	vst.idx.add.f32.msk $0xffff, v1;
	v1 =	vmul.f32 v2, v6;
	v2 =	vsub.s32 $0x5F3759DF, v63  }
0x34f: {  	v3 =	vld [tilespmem:s16+$0x80];
	v5 =	vmul.f32 v2, v4  }
0x350: {  	v40 =	vsel vm0, s15, v55;
	v1 =	vsub.f32 $1.500000000e+00, v1  }
0x351: {  	v7 =	vsel vm2, s14, v40;
	v5 =	vmul.f32 v2, v5  }
0x352: {  	v49 =	vshll.u32 v7, $0x4;
	v1 =	vmul.f32 v1, v6  }
0x353: {  	v53 =	vmax.f32 v61, $1.000000000e+00;
	v8 =	vor.u32 v0, v49;
	v5 =	vsub.f32 $1.500000000e+00, v5  }
0x354: {  	vm9 =	vlt.f32 v53, v48;
	v1 =	vmul.f32 v3, v1;
	v3 =	vadd.s32 v41, v49  }
0x355: {  	v55 =	vsel vm9, v53, v48;
	v2 =	vmul.f32 v2, v5  }
0x356: {  	vm4 =	vlt.f32 v52, v55;
	v56 =	vmul.f32 v1, v36  }
0x357: {  	v6 =	vsel vm4, v52, v55;
	v1 =	vmul.f32 v18, v1;
	v4 =	vmul.f32 v2, v4  }
0x358: {  	v57 =	vshra.s32 v6, $0x1;
	v6 =	vmul.f32 $5.000000000e-01, v6;
	[tilespmem:v8+s7+$0x0] =	vst.idx.add.f32.msk $0xffff, v56  }
0x359: {  	[tilespmem:v3+s7+$0x0] =	vst.idx.add.f32.msk $0xffff, v1;
	v1 =	vmul.f32 v4, v2;
	v3 =	vsub.s32 $0x5F3759DF, v57  }
0x35a: {  	v58 =	vld [tilespmem:s13+$0x90];
	v5 =	vmul.f32 v3, v6  }
0x35b: {  	v61 =	vsel vm8, s15, v44;
	v1 =	vsub.f32 $1.500000000e+00, v1  }
0x35c: {  	v7 =	vsel vm3, s14, v61;
	v5 =	vmul.f32 v3, v5  }
0x35d: {  	v1 =	vmul.f32 v1, v2;
	v2 =	vshll.u32 v7, $0x4  }
0x35e: {  	v62 =	vmax.f32 v60, $1.000000000e+00;
	v8 =	vor.u32 v0, v2;
	v5 =	vsub.f32 $1.500000000e+00, v5  }
0x35f: {  	vm10 =	vlt.f32 v62, v43;
	v2 =	vadd.s32 v41, v2;
	v1 =	vmul.f32 v58, v1  }
0x360: {  	v63 =	vsel vm10, v62, v43;
	v3 =	vmul.f32 v3, v5  }
0x361: {  	vm11 =	vlt.f32 v51, v63;
	v40 =	vmul.f32 v1, v36  }
0x362: {  	v4 =	vsel vm11, v51, v63;
	v1 =	vmul.f32 v19, v1;
	v6 =	vmul.f32 v3, v6  }
0x363: {  	v43 =	vshra.s32 v4, $0x1;
	v4 =	vmul.f32 $5.000000000e-01, v4;
	[tilespmem:v8+s7+$0x0] =	vst.idx.add.f32.msk $0xffff, v40  }
0x364: {  	[tilespmem:v2+s7+$0x0] =	vst.idx.add.f32.msk $0xffff, v1;
	v1 =	vmul.f32 v6, v3;
	v2 =	vsub.s32 $0x5F3759DF, v43  }
0x365: {  	v44 =	vld [tilespmem:s13+$0xA0];
	v48 =	vmul.f32 v2, v4  }
0x366: {  	v49 =	vsel vm9, s15, v47;
	v1 =	vsub.f32 $1.500000000e+00, v1  }
0x367: {  	v7 =	vsel vm4, s14, v49;
	v6 =	vmul.f32 v2, v48  }
0x368: {  	v1 =	vmul.f32 v1, v3;
	v3 =	vshll.u32 v7, $0x4  }
0x369: {  	v51 =	vmax.f32 v59, $1.000000000e+00;
	v8 =	vor.u32 v0, v3;
	v6 =	vsub.f32 $1.500000000e+00, v6  }
0x36a: {  	vm12 =	vlt.f32 v51, v39;
	v3 =	vadd.s32 v41, v3;
	v1 =	vmul.f32 v44, v1  }
0x36b: {  	v52 =	vsel vm12, v51, v39;
	v2 =	vmul.f32 v2, v6  }
0x36c: {  	vm13 =	vlt.f32 v50, v52;
	v53 =	vmul.f32 v1, v36  }
0x36d: {  	v5 =	vsel vm13, v50, v52;
	v1 =	vmul.f32 v20, v1;
	v4 =	vmul.f32 v2, v4  }
0x36e: {  	v55 =	vshra.s32 v5, $0x1;
	v5 =	vmul.f32 $5.000000000e-01, v5;
	[tilespmem:v8+s7+$0x0] =	vst.idx.add.f32.msk $0xffff, v53  }
0x36f: {  	[tilespmem:v3+s7+$0x0] =	vst.idx.add.f32.msk $0xffff, v1;
	v1 =	vmul.f32 v4, v2;
	v3 =	vsub.s32 $0x5F3759DF, v55  }
0x370: {  	v56 =	vld [tilespmem:s13+$0xB0];
	v6 =	vmul.f32 v3, v5  }
0x371: {  	v57 =	vsel vm10, s15, v45;
	v1 =	vsub.f32 $1.500000000e+00, v1  }
0x372: {  	v7 =	vsel vm11, s14, v57;
	v6 =	vmul.f32 v3, v6  }
0x373: {  	v1 =	vmul.f32 v1, v2;
	v2 =	vshll.u32 v7, $0x4  }
0x374: {  	v7 =	vor.u32 v0, v2;
	v6 =	vsub.f32 $1.500000000e+00, v6  }
0x375: {  	vm14 =	vlt.f32 v54, v46;
	v2 =	vadd.s32 v41, v2;
	v1 =	vmul.f32 v56, v1  }
0x376: {  	v58 =	vsel vm14, v54, v46;
	v3 =	vmul.f32 v3, v6  }
0x377: {  	vm15 =	vlt.f32 v42, v58;
	v59 =	vmul.f32 v1, v36  }
0x378: {  	v4 =	vsel vm15, v42, v58;
	v1 =	vmul.f32 v24, v1;
	v5 =	vmul.f32 v3, v5  }
0x379: {  	v60 =	vshra.s32 v4, $0x1;
	v4 =	vmul.f32 $5.000000000e-01, v4;
	[tilespmem:v7+s7+$0x0] =	vst.idx.add.f32.msk $0xffff, v59  }
0x37a: {  	[tilespmem:v2+s7+$0x0] =	vst.idx.add.f32.msk $0xffff, v1;
	v1 =	vmul.f32 v5, v3;
	v2 =	vsub.s32 $0x5F3759DF, v60  }
0x37b: {  	v61 =	vld [tilespmem:s13+$0xC0];
	v6 =	vmul.f32 v2, v4  }
0x37c: {  	v62 =	vsel vm12, s15, v37;
	v1 =	vsub.f32 $1.500000000e+00, v1  }
0x37d: {  	v7 =	vsel vm13, s14, v62;
	v6 =	vmul.f32 v2, v6  }
0x37e: {  	v1 =	vmul.f32 v1, v3;
	v3 =	vshll.u32 v7, $0x4  }
0x37f: {  	v7 =	vor.u32 v0, v3;
	v6 =	vsub.f32 $1.500000000e+00, v6  }
0x380: {  	v3 =	vadd.s32 v41, v3;
	v1 =	vmul.f32 v61, v1  }
0x381: {  	v2 =	vmul.f32 v2, v6  }
0x382: {  	v5 =	vmul.f32 v1, v36  }
0x383: {  	v1 =	vmul.f32 v25, v1;
	v4 =	vmul.f32 v2, v4  }
0x384: {  	[tilespmem:v7+s7+$0x0] =	vst.idx.add.f32.msk $0xffff, v5  }
0x385: {  	[tilespmem:v3+s7+$0x0] =	vst.idx.add.f32.msk $0xffff, v1;
	v1 =	vmul.f32 v4, v2  }
0x386: {  	v3 =	vld [tilespmem:s13+$0xD0]  }
0x387: {  	v63 =	vsel vm14, s15, v38;
	v1 =	vsub.f32 $1.500000000e+00, v1  }
0x388: {  	v4 =	vsel vm15, s14, v63  }
0x389: {  	v1 =	vmul.f32 v1, v2;
	v2 =	vshll.u32 v4, $0x4  }
0x38a: {  	s12 =	sadd.s32 $0x1, s12;
	v4 =	vor.u32 v0, v2  }
0x38b: {  	p3 =	sne.s32 s12, $0x7;
	v2 =	vadd.s32 v41, v2;
	v1 =	vmul.f32 v3, v1  }
.Ltmp13:
0x38c: {  	_ = 	snop;
	(pc) =	sbr.rel @p3 .LBB2_5-.Ltmp13, $4  }
0x38d: {  	v3 =	vmul.f32 v1, v36  }
0x38e: {  	v1 =	vmul.f32 v26, v1  }
0x38f: {  	[tilespmem:v4+s7+$0x0] =	vst.idx.add.f32.msk $0xffff, v3  }
0x390: {  	[tilespmem:v2+s7+$0x0] =	vst.idx.add.f32.msk $0xffff, v1  }
0x391: {  	[spmem:s10] =	stream.linear.scatter [tilespmem:s7], [sflag:$0x2], $0x800, $0x38;
	[tilespmem:$0x2908] =	vst v63  }
.Ltmp14:
0x392: {  	_ =	swait.ge [sflag:s0], $0x800;
	(pc) =	sbr.rel @!p2 .LBB2_23-.Ltmp14, $3  }
0x393: {  	[sflag:s0] =	ssyncset.done $0x0  }
0x394: {  	[sflag:s0] =	ssyncadd.s32 $0xFFFFF800  }
0x395: {  	[bflag:$0x0] =	sbarrier.arrive $0xFFFF;
	_ =	sdelay $0x1  }
0x396: {  	s11 =	simm.s32 $0xF00  }
0x397: {  	[tilespmem:s11], [sflag:$0x1] =	stream.linear.gather [spmem:s8], $0x100, $0x38;
	[tilespmem:$0x2908] =	vst v63  }
0x398: {  	s12 =	rddreg [dreg:$0xa];
	s13 =	simm.s32 $0x1000  }
0x399: {  	[tilespmem:s13], [sflag:$0x1] =	stream.linear.gather [spmem:s12], $0x100, $0x38;
	[tilespmem:$0x2908] =	vst v63  }
0x39a: {  	s16 =	rddreg [dreg:$0xb];
	s17 =	simm.s32 $0x1100  }
0x39b: {  	[tilespmem:s17], [sflag:$0x1] =	stream.linear.gather [spmem:s16], $0x100, $0x38;
	[tilespmem:$0x2908] =	vst v63  }
0x39c: {  	s18 =	rddreg [dreg:$0xc];
	s19 =	simm.s32 $0x1200  }
0x39d: {  	[tilespmem:s19], [sflag:$0x1] =	stream.linear.gather [spmem:s18], $0x100, $0x38;
	[tilespmem:$0x2908] =	vst v63  }
0x39e: {  	s14 =	rddreg [dreg:$0xd];
	s15 =	simm.s32 $0x1300  }
0x39f: {  	[tilespmem:s15], [sflag:$0x1] =	stream.linear.gather [spmem:s14], $0x100, $0x38;
	[tilespmem:$0x2908] =	vst v63  }
0x3a0: {  	s16 =	rddreg [dreg:$0xe];
	s17 =	simm.s32 $0x1400  }
0x3a1: {  	[tilespmem:s17], [sflag:$0x1] =	stream.linear.gather [spmem:s16], $0x100, $0x38;
	[tilespmem:$0x2908] =	vst v63  }
0x3a2: {  	s18 =	rddreg [dreg:$0xf];
	s19 =	simm.s32 $0x1500  }
0x3a3: {  	[tilespmem:s19], [sflag:$0x1] =	stream.linear.gather [spmem:s18], $0x100, $0x38;
	[tilespmem:$0x2908] =	vst v63  }
0x3a4: {  	s14 =	rddreg [dreg:$0x10];
	s15 =	simm.s32 $0x1600  }
0x3a5: {  	[tilespmem:s15], [sflag:$0x1] =	stream.linear.gather [spmem:s14], $0x100, $0x38;
	[tilespmem:$0x2908] =	vst v63  }
0x3a6: {  	s16 =	rddreg [dreg:$0x11];
	s17 =	simm.s32 $0x1700  }
0x3a7: {  	[tilespmem:s17], [sflag:$0x1] =	stream.linear.gather [spmem:s16], $0x100, $0x38;
	[tilespmem:$0x2908] =	vst v63  }
0x3a8: {  	s18 =	rddreg [dreg:$0x12];
	s19 =	simm.s32 $0x1800  }
0x3a9: {  	[tilespmem:s19], [sflag:$0x1] =	stream.linear.gather [spmem:s18], $0x100, $0x38;
	[tilespmem:$0x2908] =	vst v63  }
0x3aa: {  	s14 =	simm.s32 $0x1900  }
0x3ab: {  	[tilespmem:s14], [sflag:$0x1] =	stream.linear.gather [spmem:s21], $0x100, $0x38;
	[tilespmem:$0x2908] =	vst v63  }
0x3ac: {  	s15 =	simm.s32 $0x1A00  }
0x3ad: {  	[tilespmem:s15], [sflag:$0x1] =	stream.linear.gather [spmem:s22], $0x100, $0x38;
	[tilespmem:$0x2908] =	vst v63  }
0x3ae: {  	s16 =	simm.s32 $0x1B00  }
0x3af: {  	[tilespmem:s16], [sflag:$0x1] =	stream.linear.gather [spmem:s26], $0x100, $0x38;
	[tilespmem:$0x2908] =	vst v63  }
0x3b0: {  	s17 =	simm.s32 $0x1C00  }
0x3b1: {  	[tilespmem:s17], [sflag:$0x1] =	stream.linear.gather [spmem:s28], $0x100, $0x38;
	[tilespmem:$0x2908] =	vst v63  }
0x3b2: {  	s18 =	simm.s32 $0x1D00  }
0x3b3: {  	[tilespmem:s18], [sflag:$0x1] =	stream.linear.gather [spmem:s29], $0x100, $0x38;
	[tilespmem:$0x2908] =	vst v63  }
0x3b4: {  	s19 =	simm.s32 $0x1E00  }
0x3b5: {  	[tilespmem:s19], [sflag:$0x1] =	stream.linear.gather [spmem:s30], $0x100, $0x38;
	[tilespmem:$0x2908] =	vst v63  }
0x3b6: {  	_ =	swait.ge [sflag:s6], $0x100  }
0x3b7: {  	[sflag:s6] =	ssyncset.done $0x0  }
0x3b8: {  	[sflag:s6] =	ssyncadd.s32 $0xFFFFFF00  }
0x3b9: {  	_ =	swait.ge [sflag:s6], $0x100  }
0x3ba: {  	[sflag:s6] =	ssyncset.done $0x0  }
0x3bb: {  	[sflag:s6] =	ssyncadd.s32 $0xFFFFFF00  }
0x3bc: {  	_ =	swait.ge [sflag:s6], $0x100  }
0x3bd: {  	[sflag:s6] =	ssyncset.done $0x0  }
0x3be: {  	[sflag:s6] =	ssyncadd.s32 $0xFFFFFF00  }
0x3bf: {  	_ =	swait.ge [sflag:s6], $0x100  }
0x3c0: {  	[sflag:s6] =	ssyncset.done $0x0  }
0x3c1: {  	[sflag:s6] =	ssyncadd.s32 $0xFFFFFF00  }
0x3c2: {  	_ =	swait.ge [sflag:s6], $0x100  }
0x3c3: {  	[sflag:s6] =	ssyncset.done $0x0  }
0x3c4: {  	[sflag:s6] =	ssyncadd.s32 $0xFFFFFF00  }
0x3c5: {  	_ =	swait.ge [sflag:s6], $0x100  }
0x3c6: {  	[sflag:s6] =	ssyncset.done $0x0  }
0x3c7: {  	[sflag:s6] =	ssyncadd.s32 $0xFFFFFF00  }
0x3c8: {  	_ =	swait.ge [sflag:s6], $0x100  }
0x3c9: {  	[sflag:s6] =	ssyncset.done $0x0  }
0x3ca: {  	[sflag:s6] =	ssyncadd.s32 $0xFFFFFF00  }
0x3cb: {  	_ =	swait.ge [sflag:s6], $0x100  }
0x3cc: {  	[sflag:s6] =	ssyncset.done $0x0  }
0x3cd: {  	[sflag:s6] =	ssyncadd.s32 $0xFFFFFF00  }
0x3ce: {  	_ =	swait.ge [sflag:s6], $0x100  }
0x3cf: {  	[sflag:s6] =	ssyncset.done $0x0  }
0x3d0: {  	[sflag:s6] =	ssyncadd.s32 $0xFFFFFF00  }
0x3d1: {  	_ =	swait.ge [sflag:s6], $0x100  }
0x3d2: {  	[sflag:s6] =	ssyncset.done $0x0  }
0x3d3: {  	[sflag:s6] =	ssyncadd.s32 $0xFFFFFF00  }
0x3d4: {  	_ =	swait.ge [sflag:s6], $0x100  }
0x3d5: {  	[sflag:s6] =	ssyncset.done $0x0  }
0x3d6: {  	[sflag:s6] =	ssyncadd.s32 $0xFFFFFF00  }
0x3d7: {  	_ =	swait.ge [sflag:s6], $0x100  }
0x3d8: {  	[sflag:s6] =	ssyncset.done $0x0  }
0x3d9: {  	[sflag:s6] =	ssyncadd.s32 $0xFFFFFF00  }
0x3da: {  	_ =	swait.ge [sflag:s6], $0x100  }
0x3db: {  	[sflag:s6] =	ssyncset.done $0x0  }
0x3dc: {  	[sflag:s6] =	ssyncadd.s32 $0xFFFFFF00  }
0x3dd: {  	_ =	swait.ge [sflag:s6], $0x100  }
0x3de: {  	[sflag:s6] =	ssyncset.done $0x0  }
0x3df: {  	[sflag:s6] =	ssyncadd.s32 $0xFFFFFF00  }
0x3e0: {  	_ =	swait.ge [sflag:s6], $0x100  }
0x3e1: {  	[sflag:s6] =	ssyncset.done $0x0  }
0x3e2: {  	[sflag:s6] =	ssyncadd.s32 $0xFFFFFF00  }
0x3e3: {  	_ =	swait.ge [sflag:s6], $0x100  }
0x3e4: {  	s12 =	simm.s32 $0x0;
	[sflag:s6] =	ssyncset.done $0x0  }
0x3e5: {  	s15 =	sand.u32 $0xF0, s12;
	[sflag:s6] =	ssyncadd.s32 $0xFFFFFF00  }
0x3e6: {  	s13 =	simm.s32 $0x1;
	s14 =	simm.s32 $0x0;
	v2 =	vld [tilespmem:s15+$0x1000]  }
.LBB2_25:
0x3e7: {  	p3 =	sne.s32 s13, $0xF;
	v1 =	vld [tilespmem:s11+$0x0];
	_ =	sdelay $0x1  }
0x3e8: {  	v3 =	vld [tilespmem:s15+$0x1100];
	_ =	sdelay $0x1  }
0x3e9: {  	v4 =	vld [tilespmem:s15+$0x1200]  }
0x3ea: {  	v1 =	vadd.f32 v2, v1  }
0x3eb: {  	v2 =	vld [tilespmem:s15+$0x1300]  }
0x3ec: {  	v1 =	vadd.f32 v3, v1  }
0x3ed: {  	v3 =	vld [tilespmem:s15+$0x1400]  }
0x3ee: {  	v1 =	vadd.f32 v4, v1  }
0x3ef: {  	v4 =	vld [tilespmem:s15+$0x1500]  }
0x3f0: {  	v1 =	vadd.f32 v2, v1  }
0x3f1: {  	v2 =	vld [tilespmem:s15+$0x1600]  }
0x3f2: {  	v1 =	vadd.f32 v3, v1  }
0x3f3: {  	v3 =	vld [tilespmem:s15+$0x1700]  }
0x3f4: {  	v1 =	vadd.f32 v4, v1  }
0x3f5: {  	v4 =	vld [tilespmem:s15+$0x1800]  }
0x3f6: {  	v1 =	vadd.f32 v2, v1  }
0x3f7: {  	v2 =	vld [tilespmem:s15+$0x1900]  }
0x3f8: {  	v1 =	vadd.f32 v3, v1  }
0x3f9: {  	v3 =	vld [tilespmem:s15+$0x1A00]  }
0x3fa: {  	v1 =	vadd.f32 v4, v1  }
0x3fb: {  	v4 =	vld [tilespmem:s15+$0x1B00]  }
0x3fc: {  	v1 =	vadd.f32 v2, v1  }
0x3fd: {  	v2 =	vld [tilespmem:s15+$0x1C00]  }
0x3fe: {  	v1 =	vadd.f32 v3, v1  }
0x3ff: {  	v3 =	vld [tilespmem:s15+$0x1D00]  }
0x400: {  	v1 =	vadd.f32 v4, v1  }
0x401: {  	v4 =	vld [tilespmem:s15+$0x1E00]  }
0x402: {  	v1 =	vadd.f32 v2, v1;
	_ =	sdelay $0x1  }
0x403: {  	v1 =	vadd.f32 v3, v1;
	_ =	sdelay $0x1  }
0x404: {  	v1 =	vadd.f32 v4, v1;
	_ =	sdelay $0x1  }
0x405: {  	v2 =	vperm.xlane v1, v21;
	_ =	sdelay $0x1  }
0x406: {  	v1 =	vadd.f32 v2, v1;
	_ =	sdelay $0x1  }
0x407: {  	v2 =	vperm.xlane v1, v22;
	_ =	sdelay $0x1  }
0x408: {  	v1 =	vadd.f32 v2, v1;
	_ =	sdelay $0x1  }
0x409: {  	v2 =	vperm.xlane v1, v23;
	_ =	sdelay $0x1  }
0x40a: {  	s15 =	sadd.s32 s23, s12;
	s12 =	smov.u32 s13;
	v1 =	vadd.f32 v2, v1  }
0x40b: {  	v2 =	vmov s15  }
0x40c: {  	v3 =	vperm.xlane v1, v27  }
.Ltmp15:
0x40d: {  	(pc) =	sbr.rel @p3 .LBB2_25-.Ltmp15, $4  }
0x40e: {  	v1 =	vadd.f32 v3, v1  }
0x40f: {  	s14 =	sadd.s32 $0x10, s14  }
0x410: {  	s15 =	sand.u32 $0xF0, s14;
	[tilespmem:v2+s1+$0x0] =	vst.idx.msk $0x1, v1  }
0x411: {  	s11 =	sadd.s32 $0x10, s11;
	s13 =	sadd.s32 $0x1, s13;
	v2 =	vld [tilespmem:s15+$0x1000]  }
0x412: {  	v1 =	vld [tilespmem:s11+$0x0];
	_ =	sdelay $0x1  }
0x413: {  	v3 =	vld [tilespmem:s15+$0x1100];
	_ =	sdelay $0x1  }
0x414: {  	v4 =	vld [tilespmem:s15+$0x1200]  }
0x415: {  	v1 =	vadd.f32 v2, v1  }
0x416: {  	v2 =	vld [tilespmem:s15+$0x1300]  }
0x417: {  	v1 =	vadd.f32 v3, v1  }
0x418: {  	v3 =	vld [tilespmem:s15+$0x1400]  }
0x419: {  	v1 =	vadd.f32 v4, v1  }
0x41a: {  	v60 =	vld [tilespmem:s15+$0x1500]  }
0x41b: {  	v1 =	vadd.f32 v2, v1  }
0x41c: {  	v2 =	vld [tilespmem:s15+$0x1600]  }
0x41d: {  	v1 =	vadd.f32 v3, v1  }
0x41e: {  	v3 =	vld [tilespmem:s15+$0x1700]  }
0x41f: {  	v1 =	vadd.f32 v60, v1  }
0x420: {  	v61 =	vld [tilespmem:s15+$0x1800]  }
0x421: {  	v1 =	vadd.f32 v2, v1  }
0x422: {  	v2 =	vld [tilespmem:s15+$0x1900]  }
0x423: {  	v1 =	vadd.f32 v3, v1  }
0x424: {  	v3 =	vld [tilespmem:s15+$0x1A00]  }
0x425: {  	v1 =	vadd.f32 v61, v1  }
0x426: {  	v62 =	vld [tilespmem:s15+$0x1B00]  }
0x427: {  	v1 =	vadd.f32 v2, v1  }
0x428: {  	v2 =	vld [tilespmem:s15+$0x1C00]  }
0x429: {  	v1 =	vadd.f32 v3, v1  }
0x42a: {  	v3 =	vld [tilespmem:s15+$0x1D00]  }
0x42b: {  	v1 =	vadd.f32 v62, v1  }
0x42c: {  	v63 =	vld [tilespmem:s15+$0x1E00]  }
0x42d: {  	v1 =	vadd.f32 v2, v1;
	_ =	sdelay $0x1  }
0x42e: {  	v1 =	vadd.f32 v3, v1;
	_ =	sdelay $0x1  }
0x42f: {  	v1 =	vadd.f32 v63, v1;
	_ =	sdelay $0x1  }
0x430: {  	v2 =	vperm.xlane v1, v21;
	_ =	sdelay $0x1  }
0x431: {  	v1 =	vadd.f32 v2, v1;
	_ =	sdelay $0x1  }
0x432: {  	v2 =	vperm.xlane v1, v22;
	_ =	sdelay $0x1  }
0x433: {  	v1 =	vadd.f32 v2, v1;
	_ =	sdelay $0x1  }
0x434: {  	v2 =	vperm.xlane v1, v23;
	_ =	sdelay $0x1  }
0x435: {  	s19 =	sadd.s32 s23, s12;
	v1 =	vadd.f32 v2, v1  }
0x436: {  	v2 =	vmov s19  }
0x437: {  	v3 =	vperm.xlane v1, v27;
	_ =	sdelay $0x1  }
0x438: {  	v1 =	vadd.f32 v3, v1;
	_ =	sdelay $0x1  }
0x439: {  	[tilespmem:v2+s1+$0x0] =	vst.idx.msk $0x1, v1  }
0x43a: {  	[spmem:s31] =	stream.linear.scatter [tilespmem:s2], [sflag:$0x2], $0x10, $0x38;
	[tilespmem:$0x2908] =	vst v63  }
.Ltmp16:
0x43b: {  	_ =	swait.ge [sflag:s0], $0x10;
	(pc) =	sbr.rel @p0 .LBB2_30-.Ltmp16, $3  }
0x43c: {  	[sflag:s0] =	ssyncset.done $0x0  }
0x43d: {  	[sflag:s0] =	ssyncadd.s32 $0xFFFFFFF0  }
0x43e: {  	[bflag:$0x0] =	sbarrier.arrive $0xFFFF;
	_ =	sdelay $0x1  }
0x43f: {  	s11 =	sshrl.u32 s3, $0x3;
	s12 =	rddreg [dreg:$0x13];
	s13 =	simm.s32 $0x1C02  }
0x440: {  	[hbm:s12], [sflag:s13] =	dma.local [spmem:s11], $0x10  }
0x441: {  	_ =	swait.ge [sflag:s0], $0x10  }
0x442: {  	s18 =	sadd.s32 $0x1, s24;
	[sflag:s0] =	ssyncset.done $0x0  }
0x443: {  	v1 =	vmov s18;
	[sflag:s0] =	ssyncadd.s32 $0xFFFFFFF0  }
0x444: {  	s19 =	rddreg [dreg:$0x8];
	[tilespmem:$0x1F80] =	vst v1  }
0x445: {  	[hbm4b:s19+s4] =	stream.linear.scatter [tilespmem:s25], [sflag:$0x2], $0x80, $0x38;
	[tilespmem:$0x2908] =	vst v63  }
0x446: {  	_ =	swait.ge [sflag:s0], $0x80  }
0x447: {  	[sflag:s0] =	ssyncset.done $0x0  }
0x448: {  	[sflag:s0] =	ssyncadd.s32 $0xFFFFFF80  }
.LBB2_28:
0x449: {  	[tilespmem:s25], [sflag:$0x2] =	stream.linear.gather [hbm4b:s20+s4], $0x80, $0x38;
	[tilespmem:$0x2908] =	vst v63  }
0x44a: {  	_ =	swait.ge [sflag:s0], $0x80  }
0x44b: {  	[sflag:s0] =	ssyncset.done $0x0  }
0x44c: {  	[sflag:s0] =	ssyncadd.s32 $0xFFFFFF80  }
0x44d: {  	v1 =	vld [tilespmem:$0x1F80];
	_ =	sdelay $0x4  }
0x44e: {  	(v2sf) =	vpush v1, $0x0;
	_ =	sdelay $0xe  }
0x44f: {  	s11 =	spop (v2sf)  }
0x450: {  	p3 =	sle.s32 s11, s24  }
.Ltmp17:
0x451: {  	_ = 	snop;
	(pc) =	sbr.rel @p3 .LBB2_28-.Ltmp17, $1  }
0x452: {  	_ =	sdelay $0x3  }
0x453: {  	s11 =	rddreg [dreg:$0x7];
	s12 =	simm.s32 $0x2000  }
0x454: {  	[tilespmem:s12], [sflag:$0x2] =	stream.linear.gather [hbm4b:s11+s4], $0x100, $0x38;
	[tilespmem:$0x2908] =	vst v63  }
0x455: {  	_ =	swait.ge [sflag:s0], $0x100  }
0x456: {  	[sflag:s0] =	ssyncset.done $0x0  }
0x457: {  	[sflag:s0] =	ssyncadd.s32 $0xFFFFFF00  }
0x458: {  	v1 =	vld [tilespmem:$0x2000]  }
0x459: {  	v2 =	vld [tilespmem:$0x2080]  }
0x45a: {  	v3 =	vld [tilespmem:$0x2010]  }
0x45b: {  	v4 =	vld [tilespmem:$0x2090]  }
0x45c: {  	v5 =	vld [tilespmem:$0x2020]  }
0x45d: {  	v6 =	vld [tilespmem:$0x20A0]  }
0x45e: {  	v7 =	vld [tilespmem:$0x2030]  }
0x45f: {  	v8 =	vld [tilespmem:$0x20B0]  }
0x460: {  	v28 =	vld [tilespmem:$0x2040]  }
0x461: {  	v29 =	vld [tilespmem:$0x20C0]  }
0x462: {  	v30 =	vld [tilespmem:$0x2050]  }
0x463: {  	v31 =	vld [tilespmem:$0x20D0]  }
0x464: {  	v32 =	vld [tilespmem:$0x2060]  }
0x465: {  	v62 =	vld [tilespmem:$0x2070];
	v1 =	vadd.f32 v2, v1  }
0x466: {  	v2 =	vld [tilespmem:$0x20E0];
	v3 =	vadd.f32 v4, v3  }
0x467: {  	v63 =	vld [tilespmem:$0x20F0];
	[tilespmem:$0x1F00] =	vst v1;
	v1 =	vadd.f32 v6, v5  }
0x468: {  	[tilespmem:$0x1F10] =	vst v3;
	v3 =	vadd.f32 v8, v7  }
0x469: {  	[tilespmem:$0x1F20] =	vst v1;
	v1 =	vadd.f32 v29, v28  }
0x46a: {  	[tilespmem:$0x1F30] =	vst v3;
	v3 =	vadd.f32 v31, v30  }
0x46b: {  	[tilespmem:$0x1F40] =	vst v1;
	v1 =	vadd.f32 v2, v32  }
0x46c: {  	[tilespmem:$0x1F50] =	vst v3;
	v2 =	vadd.f32 v63, v62  }
0x46d: {  	[tilespmem:$0x1F60] =	vst v1  }
.Ltmp18:
0x46e: {  	[tilespmem:$0x1F70] =	vst v2;
	(pc) =	sbr.rel .LBB2_30-.Ltmp18, $4  }
0x46f: {  	[spmem:s3] =	stream.linear.scatter [tilespmem:s1], [sflag:$0x2], $0x80, $0x38;
	[tilespmem:$0x2908] =	vst v63  }
0x470: {  	_ =	swait.ge [sflag:s0], $0x80  }
0x471: {  	[sflag:s0] =	ssyncset.done $0x0  }
0x472: {  	[sflag:s0] =	ssyncadd.s32 $0xFFFFFF80  }
.LBB2_32:
0x473: {  	_ =	sfence.sel $0x180000  }
0x474: {  	[bflag:$0x0] =	sbarrier.arrive $0xFFFF  }
0x475: {  	_ =	strace $0x90000047  }
0x476: {  	[bflag:$0x2] =	sbarrier.arrive $0xFFFF  }
0x477: {  	s0 =	rddreg [dreg:$0x6]  }
0x478: {  	s0 =	sadd.s32 @!p0 $0x100000, s0  }
0x479: {  	[sflag:s0] =	ssyncadd.tile.s32 @!p0 $0x1;
	_ =	shalt  }
.Lfunc_end2:
_tile_overlayer_lowered:
.L_overlay_start_2:
0x47a: {  	(tag) =	ssettag $0x2  }
0x47b: {  	s0 =	rddreg [dreg:$0x0];
	s2 =	stileid.u32  }
0x47c: {  	s1 =	rddreg [dreg:$0x1];
	p0 =	sne.s32 s2, $0x0  }
0x47d: {  	s3 =	rddreg [dreg:$0x2];
	[bflag:$0x3] =	sbarrier.arrive $0xFFFF;
	s2 =	simm.s32 @!p0 $0x1C02  }
0x47e: {  	[timem:s3], [sflag:s2] =	dma.local @!p0 [hbm:s0], s1  }
0x47f: {  	s0 =	simm.s32 @!p0 $0x2  }
0x480: {  	_ =	swait.ge @!p0 [sflag:s0], s1  }
0x481: {  	s1 =	ssub.s32 @!p0 $0x0, s1;
	[sflag:s0] =	ssyncset.done @!p0 $0x0  }
0x482: {  	[sflag:s0] =	ssyncadd.s32 @!p0 s1  }
0x483: {  	[bflag:$0x3] =	sbarrier.arrive $0xFFFF  }
0x484: {  	_ =	shalt  }

</sc_bundles>
